<compile_context>
chip_gen: v7x
topology: tpu7x:2x2x1
jax: 0.10.2.dev20260603
libtpu: 0.0.44.dev20260713+nightly
codegen_flags: <defaults>
</compile_context>

<pallas_src>
import functools

import jax
import jax.numpy as jnp
from jax import lax
from jax.experimental import pallas as pl
from jax.experimental.pallas import tpu as pltpu
from jax.experimental.pallas import tpu_sc as plsc

_EPS = 1e-5
_CHUNK = 640
_GRP = 16

_GDN = lax.GatherDimensionNumbers(
    offset_dims=(), collapsed_slice_dims=(0,), start_index_map=(0,))


def _lane_splat(vec, rsplat):
    return lax.gather(vec, rsplat[:, None], _GDN, (1,),
                      mode=lax.GatherScatterMode.PROMISE_IN_BOUNDS)


@functools.lru_cache(maxsize=None)
def _make_fused(vocab: int, num_rows: int, d_model: int, seq_len: int, chunk: int):
    info = plsc.get_sparse_core_info()
    nc, ns = info.num_cores, info.num_subcores
    nw = nc * ns
    rpw = num_rows // nw
    n_chunks = rpw // chunk
    n_groups = chunk // _GRP
    nv = d_model // 16
    assert num_rows % nw == 0 and rpw % chunk == 0 and chunk % _GRP == 0

    mesh = plsc.VectorSubcoreMesh(core_axis_name="c", subcore_axis_name="s")

    @functools.partial(
        pl.kernel,
        mesh=mesh,
        compiler_params=pltpu.CompilerParams(
            use_tc_tiling_on_sc=False, needs_layout_passes=False),
        out_type=jax.ShapeDtypeStruct((num_rows, d_model), jnp.float32),
        scratch_types=[
            pltpu.VMEM((rpw,), jnp.int32),
            pltpu.VMEM((chunk, d_model), jnp.float32),
            pltpu.VMEM((chunk, d_model), jnp.float32),
            pltpu.VMEM((seq_len, d_model), jnp.float32),
            pltpu.VMEM((d_model,), jnp.float32),
            pltpu.VMEM((d_model,), jnp.float32),
            pltpu.VMEM((_GRP * 17,), jnp.float32),
            pltpu.VMEM((_GRP * 17,), jnp.float32),
            pltpu.SemaphoreType.DMA,
            pltpu.SemaphoreType.DMA,
        ],
    )
    def fused_k(idx_hbm, table_hbm, pos_hbm, gamma_hbm, beta_hbm, out_hbm,
                idx_v, rows_v0, rows_v1, pos_v, g_v, b_v, s_v, q_v, sem0, sem1):
        wid = lax.axis_index("s") * nc + lax.axis_index("c")
        base = wid * rpw
        pltpu.sync_copy(idx_hbm.at[pl.ds(base, rpw)], idx_v)
        pltpu.sync_copy(pos_hbm, pos_v)
        pltpu.sync_copy(gamma_hbm, g_v)
        pltpu.sync_copy(beta_hbm, b_v)
        lanes = jnp.arange(16, dtype=jnp.int32)
        lanes17 = lanes * 17
        gk = [g_v[pl.ds(16 * k, 16)] for k in range(nv)]
        bk = [b_v[pl.ds(16 * k, 16)] for k in range(nv)]
        bufs = ((rows_v0, sem0), (rows_v1, sem1))

        def fire(g, buf, sem):
            pltpu.async_copy(
                table_hbm.at[idx_v.at[pl.ds(g * chunk, chunk)]], buf, sem)

        def drain(buf, sem):
            pltpu.make_async_copy(
                table_hbm.at[idx_v.at[pl.ds(0, chunk)]], buf, sem).wait()

        def process(g, rows_v):
            off = base + g * chunk
            p_chunk = lax.rem(off, seq_len)

            def group_body(t, c2):
                j0 = t * _GRP
                pg = lax.rem(p_chunk + j0, seq_len)
                for r in range(_GRP):
                    j = j0 + r
                    p = pg + r
                    p = lax.select(p >= seq_len, p - seq_len, p)
                    h = [rows_v[j, pl.ds(16 * k, 16)] + pos_v[p, pl.ds(16 * k, 16)]
                         for k in range(nv)]
                    for k in range(nv):
                        rows_v[j, pl.ds(16 * k, 16)] = h[k]
                    s = (h[0] + h[1]) + (h[2] + h[3])
                    q = (h[0] * h[0] + h[1] * h[1]) + (h[2] * h[2] + h[3] * h[3])
                    plsc.store_scatter(s_v, [lanes + (17 * r)], s)
                    plsc.store_scatter(q_v, [lanes + (17 * r)], q)
                ssum = plsc.load_gather(s_v, [lanes17])
                qsum = plsc.load_gather(q_v, [lanes17])
                for l in range(1, 16):
                    ssum = ssum + plsc.load_gather(s_v, [lanes17 + l])
                    qsum = qsum + plsc.load_gather(q_v, [lanes17 + l])
                inv_d = jnp.float32(1.0 / d_model)
                mean = ssum * inv_d
                var = qsum * inv_d - mean * mean + jnp.float32(_EPS)
                i32 = lax.bitcast_convert_type(var, jnp.int32)
                y = lax.bitcast_convert_type(
                    jnp.int32(0x5F3759DF) - lax.shift_right_arithmetic(i32, 1),
                    jnp.float32)
                for _ in range(3):
                    y = y * (jnp.float32(1.5) - jnp.float32(0.5) * var * y * y)
                for r in range(_GRP):
                    j = j0 + r
                    rsplat = jnp.full((16,), r, dtype=jnp.int32)
                    m = _lane_splat(mean, rsplat)
                    sd = _lane_splat(y, rsplat)
                    for k in range(nv):
                        hk = rows_v[j, pl.ds(16 * k, 16)]
                        rows_v[j, pl.ds(16 * k, 16)] = (hk - m) * sd * gk[k] + bk[k]
                return c2

            lax.fori_loop(0, n_groups, group_body, 0)
            pltpu.sync_copy(rows_v, out_hbm.at[pl.ds(off, chunk)])

        fire(0, *bufs[0])

        def pair_body(gp, carry):
            g0 = gp * 2
            drain(*bufs[0])
            fire(g0 + 1, *bufs[1])
            process(g0, bufs[0][0])
            drain(*bufs[1])

            @pl.when(g0 + 2 < n_chunks)
            def _():
                fire(g0 + 2, *bufs[0])

            process(g0 + 1, bufs[1][0])
            return carry

        lax.fori_loop(0, n_chunks // 2, pair_body, 0)

    return fused_k


def kernel(x, tok_table, pos_table, gamma, beta):
    bt, s = x.shape
    vocab, dm = tok_table.shape
    num_rows = bt * s
    idx = x.reshape(num_rows).astype(jnp.int32)
    fused = _make_fused(vocab, num_rows, dm, s, _CHUNK)
    out = fused(idx, tok_table, pos_table, gamma, beta)
    return out.reshape(bt, s, dm)

# --- scband reference (transcript-rebuilt; emitter-appended) ---
"""Pipeline reference for scband-embedding-4166118277648 (READ-ONLY COPY).

The authoritative reference and input builder live on the scoring server;
editing this copy changes nothing except your own understanding.
"""

import jax, jax.numpy as jnp
import numpy as np

VOCAB = 1000000
D_MODEL = 64
MAXLEN = 200
BATCH = 4096
EPS = 1e-5


def setup_inputs(seed: int = 0) -> dict:
    key = jax.random.key(seed)
    k1, k2, k3 = jax.random.split(key, 3)
    x = jax.random.randint(k1, (BATCH, MAXLEN), 0, VOCAB, dtype=jnp.int64) if jax.config.jax_enable_x64 else jax.random.randint(k1, (BATCH, MAXLEN), 0, VOCAB, dtype=jnp.int32)
    tok_table = jax.random.normal(k2, (VOCAB, D_MODEL), dtype=jnp.float32)
    pos_table = jax.random.normal(k3, (MAXLEN, D_MODEL), dtype=jnp.float32)
    gamma = jnp.ones((D_MODEL,), dtype=jnp.float32)
    beta = jnp.zeros((D_MODEL,), dtype=jnp.float32)
    return {"x": x, "tok_table": tok_table, "pos_table": pos_table, "gamma": gamma, "beta": beta}


def _layer_norm(h, gamma, beta):
    mean = jnp.mean(h, axis=-1, keepdims=True)
    var = jnp.mean(jnp.square(h - mean), axis=-1, keepdims=True)
    return (h - mean) / jnp.sqrt(var + EPS) * gamma + beta


def reference(x, tok_table, pos_table, gamma, beta):
    seq_len = x.shape[1]
    pos = jnp.arange(seq_len, dtype=x.dtype)
    pos = jnp.broadcast_to(pos[None, :], x.shape)
    pos_embeddings = jnp.take(pos_table, pos, axis=0)
    tok_embeddings = jnp.take(tok_table, x, axis=0)
    embedding = tok_embeddings + pos_embeddings
    return _layer_norm(embedding, gamma, beta)

if __name__ == "__main__":
    import jax
    _d = setup_inputs()
    print(jax.jit(kernel)(*tuple(_d.values())))

</pallas_src>

<mosaic_0001>
#map = affine_map<(d0, d1) -> (0)>
#map1 = affine_map<(d0, d1) -> (0, 0)>
module attributes {stable_mosaic.version = 14 : i64} {
  func.func @fused_k(%arg0: i32, %arg1: i32, %arg2: memref<819200xi32, #tpu.memory_space<hbm>>, %arg3: memref<1000000x64xf32, #tpu.memory_space<hbm>>, %arg4: memref<200x64xf32, #tpu.memory_space<hbm>>, %arg5: memref<64xf32, #tpu.memory_space<hbm>>, %arg6: memref<64xf32, #tpu.memory_space<hbm>>, %arg7: memref<819200x64xf32, #tpu.memory_space<hbm>>, %arg8: memref<25600xi32, #tpu.memory_space<vmem>>, %arg9: memref<640x64xf32, #tpu.memory_space<vmem>>, %arg10: memref<640x64xf32, #tpu.memory_space<vmem>>, %arg11: memref<200x64xf32, #tpu.memory_space<vmem>>, %arg12: memref<64xf32, #tpu.memory_space<vmem>>, %arg13: memref<64xf32, #tpu.memory_space<vmem>>, %arg14: memref<272xf32, #tpu.memory_space<vmem>>, %arg15: memref<272xf32, #tpu.memory_space<vmem>>, %arg16: memref<!tpu.dma_semaphore, #tpu.memory_space<semaphore_mem>>, %arg17: memref<!tpu.dma_semaphore, #tpu.memory_space<semaphore_mem>>) attributes {dimension_semantics = [#tpu.dimension_semantics<core_parallel>, #tpu.dimension_semantics<subcore_parallel>], iteration_bounds = array<i64: 2, 16>, scalar_prefetch = 0 : i64, scratch_operands = 10 : i64, tpu.core_type = #tpu.core_type<sc_vector_subcore>, window_params = [{transform_indices = #map}, {transform_indices = #map1}, {transform_indices = #map1}, {transform_indices = #map}, {transform_indices = #map}, {transform_indices = #map1}]} {
    %mul3A = arith.constant 2 : i32
    %mul3A_0 = arith.muli %arg1, %mul3A : i32
    %add3A = arith.addi %mul3A_0, %arg0 : i32
    %mul3A_1 = arith.constant 25600 : i32
    %mul3A_2 = arith.muli %add3A, %mul3A_1 : i32
    "tpu.region"() ({
      %run_scoped3A = tpu.sem_alloc : memref<!tpu.dma_semaphore, #tpu.memory_space<semaphore_mem>>
      %dma_start3A_30 = tpu.memref_slice %arg2[%mul3A_2] : memref<819200xi32, #tpu.memory_space<hbm>> -> memref<25600xi32, #tpu.memory_space<hbm>>
      %dma_start3A_31 = tpu.memref_slice %arg2[%mul3A_2] : memref<819200xi32, #tpu.memory_space<hbm>> -> memref<25600xi32, #tpu.memory_space<hbm>>
      tpu.enqueue_dma source(%dma_start3A_31 : memref<25600xi32, #tpu.memory_space<hbm>>) target(%arg8 : memref<25600xi32, #tpu.memory_space<vmem>>) target_semaphore(%run_scoped3A : memref<!tpu.dma_semaphore, #tpu.memory_space<semaphore_mem>>)
      %dma_wait3A = tpu.memref_slice %arg2[%mul3A_2] : memref<819200xi32, #tpu.memory_space<hbm>> -> memref<25600xi32, #tpu.memory_space<hbm>>
      %dma_wait3A_32 = tpu.memref_slice %arg2[%mul3A_2] : memref<819200xi32, #tpu.memory_space<hbm>> -> memref<25600xi32, #tpu.memory_space<hbm>>
      tpu.wait_dma2 semaphore(%run_scoped3A : memref<!tpu.dma_semaphore, #tpu.memory_space<semaphore_mem>>) src(%dma_wait3A_32 : memref<25600xi32, #tpu.memory_space<hbm>>) dst(%arg8 : memref<25600xi32, #tpu.memory_space<vmem>>)
      tpu.yield
    }) : () -> ()
    "tpu.region"() ({
      %run_scoped3A = tpu.sem_alloc : memref<!tpu.dma_semaphore, #tpu.memory_space<semaphore_mem>>
      tpu.enqueue_dma source(%arg4 : memref<200x64xf32, #tpu.memory_space<hbm>>) target(%arg11 : memref<200x64xf32, #tpu.memory_space<vmem>>) target_semaphore(%run_scoped3A : memref<!tpu.dma_semaphore, #tpu.memory_space<semaphore_mem>>)
      tpu.wait_dma2 semaphore(%run_scoped3A : memref<!tpu.dma_semaphore, #tpu.memory_space<semaphore_mem>>) src(%arg4 : memref<200x64xf32, #tpu.memory_space<hbm>>) dst(%arg11 : memref<200x64xf32, #tpu.memory_space<vmem>>)
      tpu.yield
    }) : () -> ()
    "tpu.region"() ({
      %run_scoped3A = tpu.sem_alloc : memref<!tpu.dma_semaphore, #tpu.memory_space<semaphore_mem>>
      tpu.enqueue_dma source(%arg5 : memref<64xf32, #tpu.memory_space<hbm>>) target(%arg12 : memref<64xf32, #tpu.memory_space<vmem>>) target_semaphore(%run_scoped3A : memref<!tpu.dma_semaphore, #tpu.memory_space<semaphore_mem>>)
      tpu.wait_dma2 semaphore(%run_scoped3A : memref<!tpu.dma_semaphore, #tpu.memory_space<semaphore_mem>>) src(%arg5 : memref<64xf32, #tpu.memory_space<hbm>>) dst(%arg12 : memref<64xf32, #tpu.memory_space<vmem>>)
      tpu.yield
    }) : () -> ()
    "tpu.region"() ({
      %run_scoped3A = tpu.sem_alloc : memref<!tpu.dma_semaphore, #tpu.memory_space<semaphore_mem>>
      tpu.enqueue_dma source(%arg6 : memref<64xf32, #tpu.memory_space<hbm>>) target(%arg13 : memref<64xf32, #tpu.memory_space<vmem>>) target_semaphore(%run_scoped3A : memref<!tpu.dma_semaphore, #tpu.memory_space<semaphore_mem>>)
      tpu.wait_dma2 semaphore(%run_scoped3A : memref<!tpu.dma_semaphore, #tpu.memory_space<semaphore_mem>>) src(%arg6 : memref<64xf32, #tpu.memory_space<hbm>>) dst(%arg13 : memref<64xf32, #tpu.memory_space<vmem>>)
      tpu.yield
    }) : () -> ()
    %iota3A = tpu.iota {dimensions = array<i32: 0>} : vector<16xi32>
    %mul3A_3 = arith.constant 17 : i32
    %mul3A_4 = vector.broadcast %mul3A_3 : i32 to vector<16xi32>
    %mul3A_5 = arith.muli %iota3A, %mul3A_4 : vector<16xi32>
    %get3A = arith.constant 0 : index
    %get3A_6 = tpu.vector_load %arg12[%get3A] {strides = array<i32>} : memref<64xf32, #tpu.memory_space<vmem>>, vector<16xf32>,
    %get3A_7 = arith.constant 16 : index
    %get3A_8 = tpu.vector_load %arg12[%get3A_7] {strides = array<i32>} : memref<64xf32, #tpu.memory_space<vmem>>, vector<16xf32>,
    %get3A_9 = arith.constant 32 : index
    %get3A_10 = tpu.vector_load %arg12[%get3A_9] {strides = array<i32>} : memref<64xf32, #tpu.memory_space<vmem>>, vector<16xf32>,
    %get3A_11 = arith.constant 48 : index
    %get3A_12 = tpu.vector_load %arg12[%get3A_11] {strides = array<i32>} : memref<64xf32, #tpu.memory_space<vmem>>, vector<16xf32>,
    %get3A_13 = arith.constant 0 : index
    %get3A_14 = tpu.vector_load %arg13[%get3A_13] {strides = array<i32>} : memref<64xf32, #tpu.memory_space<vmem>>, vector<16xf32>,
    %get3A_15 = arith.constant 16 : index
    %get3A_16 = tpu.vector_load %arg13[%get3A_15] {strides = array<i32>} : memref<64xf32, #tpu.memory_space<vmem>>, vector<16xf32>,
    %get3A_17 = arith.constant 32 : index
    %get3A_18 = tpu.vector_load %arg13[%get3A_17] {strides = array<i32>} : memref<64xf32, #tpu.memory_space<vmem>>, vector<16xf32>,
    %get3A_19 = arith.constant 48 : index
    %get3A_20 = tpu.vector_load %arg13[%get3A_19] {strides = array<i32>} : memref<64xf32, #tpu.memory_space<vmem>>, vector<16xf32>,
    %dma_start3A = arith.constant 0 : i32
    %dma_start3A_21 = tpu.memref_slice %arg8[%dma_start3A] : memref<25600xi32, #tpu.memory_space<vmem>> -> memref<640xi32, #tpu.memory_space<vmem>>
    %dma_start3A_22 = arith.constant 0 : i32
    %dma_start3A_23 = arith.constant 0 : i32
    %dma_start3A_24 = tpu.memref_slice %arg3[%dma_start3A_22, %dma_start3A_23] : memref<1000000x64xf32, #tpu.memory_space<hbm>> -> memref<1000000x64xf32, #tpu.memory_space<hbm>>
    tpu.enqueue_indirect_dma source(%dma_start3A_24 : memref<1000000x64xf32, #tpu.memory_space<hbm>>) target(%arg9 : memref<640x64xf32, #tpu.memory_space<vmem>>) offsets(%dma_start3A_21 : memref<640xi32, #tpu.memory_space<vmem>>) semaphore(%arg16 : memref<!tpu.dma_semaphore, #tpu.memory_space<semaphore_mem>>)
    %scan3A = arith.constant 0 : i32
    %scan3A_25 = arith.constant 0 : i32
    %scan3A_26 = arith.constant 20 : i32
    %scan3A_27 = arith.addi %scan3A_25, %scan3A_26 : i32
    %scan3A_28 = arith.constant 1 : i32
    scf.for %scan3A_30 = %scan3A_25 to %scan3A_27 step %scan3A_28  : i32 {
      %mul3A_31 = arith.constant 2 : i32
      %mul3A_32 = arith.muli %scan3A_30, %mul3A_31 : i32
      %dma_wait3A = arith.constant 0 : i32
      %dma_wait3A_33 = tpu.memref_slice %arg8[%dma_wait3A] : memref<25600xi32, #tpu.memory_space<vmem>> -> memref<640xi32, #tpu.memory_space<vmem>>
      %dma_wait3A_34 = arith.constant 0 : i32
      %dma_wait3A_35 = arith.constant 0 : i32
      %dma_wait3A_36 = tpu.memref_slice %arg3[%dma_wait3A_34, %dma_wait3A_35] : memref<1000000x64xf32, #tpu.memory_space<hbm>> -> memref<1000000x64xf32, #tpu.memory_space<hbm>>
      tpu.wait_indirect_dma semaphore(%arg16 : memref<!tpu.dma_semaphore, #tpu.memory_space<semaphore_mem>>) src(%dma_wait3A_36 : memref<1000000x64xf32, #tpu.memory_space<hbm>>) dst(%arg9 : memref<640x64xf32, #tpu.memory_space<vmem>>)
      %add3A_37 = arith.constant 1 : i32
      %add3A_38 = arith.addi %mul3A_32, %add3A_37 : i32
      %mul3A_39 = arith.constant 640 : i32
      %mul3A_40 = arith.muli %add3A_38, %mul3A_39 : i32
      %dma_start3A_41 = tpu.memref_slice %arg8[%mul3A_40] : memref<25600xi32, #tpu.memory_space<vmem>> -> memref<640xi32, #tpu.memory_space<vmem>>
      %dma_start3A_42 = arith.constant 0 : i32
      %dma_start3A_43 = arith.constant 0 : i32
      %dma_start3A_44 = tpu.memref_slice %arg3[%dma_start3A_42, %dma_start3A_43] : memref<1000000x64xf32, #tpu.memory_space<hbm>> -> memref<1000000x64xf32, #tpu.memory_space<hbm>>
      tpu.enqueue_indirect_dma source(%dma_start3A_44 : memref<1000000x64xf32, #tpu.memory_space<hbm>>) target(%arg10 : memref<640x64xf32, #tpu.memory_space<vmem>>) offsets(%dma_start3A_41 : memref<640xi32, #tpu.memory_space<vmem>>) semaphore(%arg17 : memref<!tpu.dma_semaphore, #tpu.memory_space<semaphore_mem>>)
      %mul3A_45 = arith.constant 640 : i32
      %mul3A_46 = arith.muli %mul3A_32, %mul3A_45 : i32
      %add3A_47 = arith.addi %mul3A_2, %mul3A_46 : i32
      %rem3A = arith.constant 200 : i32
      %rem3A_48 = arith.remsi %add3A_47, %rem3A : i32
      %scan3A_49 = arith.constant 0 : i32
      %scan3A_50 = arith.constant 0 : i32
      %scan3A_51 = arith.constant 40 : i32
      %scan3A_52 = arith.addi %scan3A_50, %scan3A_51 : i32
      %scan3A_53 = arith.constant 1 : i32
      scf.for %scan3A_77 = %scan3A_50 to %scan3A_52 step %scan3A_53  : i32 {
        %mul3A_78 = arith.constant 16 : i32
        %mul3A_79 = arith.muli %scan3A_77, %mul3A_78 : i32
        %add3A_80 = arith.addi %rem3A_48, %mul3A_79 : i32
        %rem3A_81 = arith.constant 200 : i32
        %rem3A_82 = arith.remsi %add3A_80, %rem3A_81 : i32
        %add3A_83 = arith.constant 0 : i32
        %add3A_84 = arith.addi %mul3A_79, %add3A_83 : i32
        %add3A_85 = arith.constant 0 : i32
        %add3A_86 = arith.addi %rem3A_82, %add3A_85 : i32
        %ge3A = arith.constant 200 : i32
        %ge3A_87 = arith.cmpi sge, %add3A_86, %ge3A : i32
        %sub3A = arith.constant 200 : i32
        %sub3A_88 = arith.subi %add3A_86, %sub3A : i32
        %select_n3A = arith.select %ge3A_87, %sub3A_88, %add3A_86 : i32
        %get3A_89 = arith.index_cast %add3A_84 : i32 to index
        %get3A_90 = arith.constant 0 : index
        %get3A_91 = tpu.vector_load %arg9[%get3A_89, %get3A_90] {strides = array<i32>} : memref<640x64xf32, #tpu.memory_space<vmem>>, vector<16xf32>,
        %get3A_92 = arith.index_cast %select_n3A : i32 to index
        %get3A_93 = arith.constant 0 : index
        %get3A_94 = tpu.vector_load %arg11[%get3A_92, %get3A_93] {strides = array<i32>} : memref<200x64xf32, #tpu.memory_space<vmem>>, vector<16xf32>,
        %add3A_95 = arith.addf %get3A_91, %get3A_94 : vector<16xf32>
        %get3A_96 = arith.index_cast %add3A_84 : i32 to index
        %get3A_97 = arith.constant 16 : index
        %get3A_98 = tpu.vector_load %arg9[%get3A_96, %get3A_97] {strides = array<i32>} : memref<640x64xf32, #tpu.memory_space<vmem>>, vector<16xf32>,
        %get3A_99 = arith.index_cast %select_n3A : i32 to index
        %get3A_100 = arith.constant 16 : index
        %get3A_101 = tpu.vector_load %arg11[%get3A_99, %get3A_100] {strides = array<i32>} : memref<200x64xf32, #tpu.memory_space<vmem>>, vector<16xf32>,
        %add3A_102 = arith.addf %get3A_98, %get3A_101 : vector<16xf32>
        %get3A_103 = arith.index_cast %add3A_84 : i32 to index
        %get3A_104 = arith.constant 32 : index
        %get3A_105 = tpu.vector_load %arg9[%get3A_103, %get3A_104] {strides = array<i32>} : memref<640x64xf32, #tpu.memory_space<vmem>>, vector<16xf32>,
        %get3A_106 = arith.index_cast %select_n3A : i32 to index
        %get3A_107 = arith.constant 32 : index
        %get3A_108 = tpu.vector_load %arg11[%get3A_106, %get3A_107] {strides = array<i32>} : memref<200x64xf32, #tpu.memory_space<vmem>>, vector<16xf32>,
        %add3A_109 = arith.addf %get3A_105, %get3A_108 : vector<16xf32>
        %get3A_110 = arith.index_cast %add3A_84 : i32 to index
        %get3A_111 = arith.constant 48 : index
        %get3A_112 = tpu.vector_load %arg9[%get3A_110, %get3A_111] {strides = array<i32>} : memref<640x64xf32, #tpu.memory_space<vmem>>, vector<16xf32>,
        %get3A_113 = arith.index_cast %select_n3A : i32 to index
        %get3A_114 = arith.constant 48 : index
        %get3A_115 = tpu.vector_load %arg11[%get3A_113, %get3A_114] {strides = array<i32>} : memref<200x64xf32, #tpu.memory_space<vmem>>, vector<16xf32>,
        %add3A_116 = arith.addf %get3A_112, %get3A_115 : vector<16xf32>
        %swap3A = arith.index_cast %add3A_84 : i32 to index
        %swap3A_117 = arith.constant 0 : index
        %swap3A_118 = tpu.vector_load %arg9[%swap3A, %swap3A_117] {strides = array<i32>} : memref<640x64xf32, #tpu.memory_space<vmem>>, vector<16xf32>,
        tpu.vector_store %arg9[%swap3A, %swap3A_117], %add3A_95 {strides = array<i32>} : memref<640x64xf32, #tpu.memory_space<vmem>>, vector<16xf32>,
        %swap3A_119 = arith.index_cast %add3A_84 : i32 to index
        %swap3A_120 = arith.constant 16 : index
        %swap3A_121 = tpu.vector_load %arg9[%swap3A_119, %swap3A_120] {strides = array<i32>} : memref<640x64xf32, #tpu.memory_space<vmem>>, vector<16xf32>,
        tpu.vector_store %arg9[%swap3A_119, %swap3A_120], %add3A_102 {strides = array<i32>} : memref<640x64xf32, #tpu.memory_space<vmem>>, vector<16xf32>,
        %swap3A_122 = arith.index_cast %add3A_84 : i32 to index
        %swap3A_123 = arith.constant 32 : index
        %swap3A_124 = tpu.vector_load %arg9[%swap3A_122, %swap3A_123] {strides = array<i32>} : memref<640x64xf32, #tpu.memory_space<vmem>>, vector<16xf32>,
        tpu.vector_store %arg9[%swap3A_122, %swap3A_123], %add3A_109 {strides = array<i32>} : memref<640x64xf32, #tpu.memory_space<vmem>>, vector<16xf32>,
        %swap3A_125 = arith.index_cast %add3A_84 : i32 to index
        %swap3A_126 = arith.constant 48 : index
        %swap3A_127 = tpu.vector_load %arg9[%swap3A_125, %swap3A_126] {strides = array<i32>} : memref<640x64xf32, #tpu.memory_space<vmem>>, vector<16xf32>,
        tpu.vector_store %arg9[%swap3A_125, %swap3A_126], %add3A_116 {strides = array<i32>} : memref<640x64xf32, #tpu.memory_space<vmem>>, vector<16xf32>,
        %add3A_128 = arith.addf %add3A_95, %add3A_102 : vector<16xf32>
        %add3A_129 = arith.addf %add3A_109, %add3A_116 : vector<16xf32>
        %add3A_130 = arith.addf %add3A_128, %add3A_129 : vector<16xf32>
        %mul3A_131 = arith.mulf %add3A_95, %add3A_95 : vector<16xf32>
        %mul3A_132 = arith.mulf %add3A_102, %add3A_102 : vector<16xf32>
        %add3A_133 = arith.addf %mul3A_131, %mul3A_132 : vector<16xf32>
        %mul3A_134 = arith.mulf %add3A_109, %add3A_109 : vector<16xf32>
        %mul3A_135 = arith.mulf %add3A_116, %add3A_116 : vector<16xf32>
        %add3A_136 = arith.addf %mul3A_134, %mul3A_135 : vector<16xf32>
        %add3A_137 = arith.addf %add3A_133, %add3A_136 : vector<16xf32>
        %add3A_138 = arith.constant 0 : i32
        %add3A_139 = vector.broadcast %add3A_138 : i32 to vector<16xi32>
        %add3A_140 = arith.addi %iota3A, %add3A_139 : vector<16xi32>
        tpu.vector_store_idx %arg14[%add3A_140], %add3A_130 : memref<272xf32, #tpu.memory_space<vmem>>[vector<16xi32>], vector<16xf32>,
        %add3A_141 = arith.constant 0 : i32
        %add3A_142 = vector.broadcast %add3A_141 : i32 to vector<16xi32>
        %add3A_143 = arith.addi %iota3A, %add3A_142 : vector<16xi32>
        tpu.vector_store_idx %arg15[%add3A_143], %add3A_137 : memref<272xf32, #tpu.memory_space<vmem>>[vector<16xi32>], vector<16xf32>,
        %add3A_144 = arith.constant 1 : i32
        %add3A_145 = arith.addi %mul3A_79, %add3A_144 : i32
        %add3A_146 = arith.constant 1 : i32
        %add3A_147 = arith.addi %rem3A_82, %add3A_146 : i32
        %ge3A_148 = arith.constant 200 : i32
        %ge3A_149 = arith.cmpi sge, %add3A_147, %ge3A_148 : i32
        %sub3A_150 = arith.constant 200 : i32
        %sub3A_151 = arith.subi %add3A_147, %sub3A_150 : i32
        %select_n3A_152 = arith.select %ge3A_149, %sub3A_151, %add3A_147 : i32
        %get3A_153 = arith.index_cast %add3A_145 : i32 to index
        %get3A_154 = arith.constant 0 : index
        %get3A_155 = tpu.vector_load %arg9[%get3A_153, %get3A_154] {strides = array<i32>} : memref<640x64xf32, #tpu.memory_space<vmem>>, vector<16xf32>,
        %get3A_156 = arith.index_cast %select_n3A_152 : i32 to index
        %get3A_157 = arith.constant 0 : index
        %get3A_158 = tpu.vector_load %arg11[%get3A_156, %get3A_157] {strides = array<i32>} : memref<200x64xf32, #tpu.memory_space<vmem>>, vector<16xf32>,
        %add3A_159 = arith.addf %get3A_155, %get3A_158 : vector<16xf32>
        %get3A_160 = arith.index_cast %add3A_145 : i32 to index
        %get3A_161 = arith.constant 16 : index
        %get3A_162 = tpu.vector_load %arg9[%get3A_160, %get3A_161] {strides = array<i32>} : memref<640x64xf32, #tpu.memory_space<vmem>>, vector<16xf32>,
        %get3A_163 = arith.index_cast %select_n3A_152 : i32 to index
        %get3A_164 = arith.constant 16 : index
        %get3A_165 = tpu.vector_load %arg11[%get3A_163, %get3A_164] {strides = array<i32>} : memref<200x64xf32, #tpu.memory_space<vmem>>, vector<16xf32>,
        %add3A_166 = arith.addf %get3A_162, %get3A_165 : vector<16xf32>
        %get3A_167 = arith.index_cast %add3A_145 : i32 to index
        %get3A_168 = arith.constant 32 : index
        %get3A_169 = tpu.vector_load %arg9[%get3A_167, %get3A_168] {strides = array<i32>} : memref<640x64xf32, #tpu.memory_space<vmem>>, vector<16xf32>,
        %get3A_170 = arith.index_cast %select_n3A_152 : i32 to index
        %get3A_171 = arith.constant 32 : index
        %get3A_172 = tpu.vector_load %arg11[%get3A_170, %get3A_171] {strides = array<i32>} : memref<200x64xf32, #tpu.memory_space<vmem>>, vector<16xf32>,
        %add3A_173 = arith.addf %get3A_169, %get3A_172 : vector<16xf32>
        %get3A_174 = arith.index_cast %add3A_145 : i32 to index
        %get3A_175 = arith.constant 48 : index
        %get3A_176 = tpu.vector_load %arg9[%get3A_174, %get3A_175] {strides = array<i32>} : memref<640x64xf32, #tpu.memory_space<vmem>>, vector<16xf32>,
        %get3A_177 = arith.index_cast %select_n3A_152 : i32 to index
        %get3A_178 = arith.constant 48 : index
        %get3A_179 = tpu.vector_load %arg11[%get3A_177, %get3A_178] {strides = array<i32>} : memref<200x64xf32, #tpu.memory_space<vmem>>, vector<16xf32>,
        %add3A_180 = arith.addf %get3A_176, %get3A_179 : vector<16xf32>
        %swap3A_181 = arith.index_cast %add3A_145 : i32 to index
        %swap3A_182 = arith.constant 0 : index
        %swap3A_183 = tpu.vector_load %arg9[%swap3A_181, %swap3A_182] {strides = array<i32>} : memref<640x64xf32, #tpu.memory_space<vmem>>, vector<16xf32>,
        tpu.vector_store %arg9[%swap3A_181, %swap3A_182], %add3A_159 {strides = array<i32>} : memref<640x64xf32, #tpu.memory_space<vmem>>, vector<16xf32>,
        %swap3A_184 = arith.index_cast %add3A_145 : i32 to index
        %swap3A_185 = arith.constant 16 : index
        %swap3A_186 = tpu.vector_load %arg9[%swap3A_184, %swap3A_185] {strides = array<i32>} : memref<640x64xf32, #tpu.memory_space<vmem>>, vector<16xf32>,
        tpu.vector_store %arg9[%swap3A_184, %swap3A_185], %add3A_166 {strides = array<i32>} : memref<640x64xf32, #tpu.memory_space<vmem>>, vector<16xf32>,
        %swap3A_187 = arith.index_cast %add3A_145 : i32 to index
        %swap3A_188 = arith.constant 32 : index
        %swap3A_189 = tpu.vector_load %arg9[%swap3A_187, %swap3A_188] {strides = array<i32>} : memref<640x64xf32, #tpu.memory_space<vmem>>, vector<16xf32>,
        tpu.vector_store %arg9[%swap3A_187, %swap3A_188], %add3A_173 {strides = array<i32>} : memref<640x64xf32, #tpu.memory_space<vmem>>, vector<16xf32>,
        %swap3A_190 = arith.index_cast %add3A_145 : i32 to index
        %swap3A_191 = arith.constant 48 : index
        %swap3A_192 = tpu.vector_load %arg9[%swap3A_190, %swap3A_191] {strides = array<i32>} : memref<640x64xf32, #tpu.memory_space<vmem>>, vector<16xf32>,
        tpu.vector_store %arg9[%swap3A_190, %swap3A_191], %add3A_180 {strides = array<i32>} : memref<640x64xf32, #tpu.memory_space<vmem>>, vector<16xf32>,
        %add3A_193 = arith.addf %add3A_159, %add3A_166 : vector<16xf32>
        %add3A_194 = arith.addf %add3A_173, %add3A_180 : vector<16xf32>
        %add3A_195 = arith.addf %add3A_193, %add3A_194 : vector<16xf32>
        %mul3A_196 = arith.mulf %add3A_159, %add3A_159 : vector<16xf32>
        %mul3A_197 = arith.mulf %add3A_166, %add3A_166 : vector<16xf32>
        %add3A_198 = arith.addf %mul3A_196, %mul3A_197 : vector<16xf32>
        %mul3A_199 = arith.mulf %add3A_173, %add3A_173 : vector<16xf32>
        %mul3A_200 = arith.mulf %add3A_180, %add3A_180 : vector<16xf32>
        %add3A_201 = arith.addf %mul3A_199, %mul3A_200 : vector<16xf32>
        %add3A_202 = arith.addf %add3A_198, %add3A_201 : vector<16xf32>
        %add3A_203 = arith.constant 17 : i32
        %add3A_204 = vector.broadcast %add3A_203 : i32 to vector<16xi32>
        %add3A_205 = arith.addi %iota3A, %add3A_204 : vector<16xi32>
        tpu.vector_store_idx %arg14[%add3A_205], %add3A_195 : memref<272xf32, #tpu.memory_space<vmem>>[vector<16xi32>], vector<16xf32>,
        %add3A_206 = arith.constant 17 : i32
        %add3A_207 = vector.broadcast %add3A_206 : i32 to vector<16xi32>
        %add3A_208 = arith.addi %iota3A, %add3A_207 : vector<16xi32>
        tpu.vector_store_idx %arg15[%add3A_208], %add3A_202 : memref<272xf32, #tpu.memory_space<vmem>>[vector<16xi32>], vector<16xf32>,
        %add3A_209 = arith.constant 2 : i32
        %add3A_210 = arith.addi %mul3A_79, %add3A_209 : i32
        %add3A_211 = arith.constant 2 : i32
        %add3A_212 = arith.addi %rem3A_82, %add3A_211 : i32
        %ge3A_213 = arith.constant 200 : i32
        %ge3A_214 = arith.cmpi sge, %add3A_212, %ge3A_213 : i32
        %sub3A_215 = arith.constant 200 : i32
        %sub3A_216 = arith.subi %add3A_212, %sub3A_215 : i32
        %select_n3A_217 = arith.select %ge3A_214, %sub3A_216, %add3A_212 : i32
        %get3A_218 = arith.index_cast %add3A_210 : i32 to index
        %get3A_219 = arith.constant 0 : index
        %get3A_220 = tpu.vector_load %arg9[%get3A_218, %get3A_219] {strides = array<i32>} : memref<640x64xf32, #tpu.memory_space<vmem>>, vector<16xf32>,
        %get3A_221 = arith.index_cast %select_n3A_217 : i32 to index
        %get3A_222 = arith.constant 0 : index
        %get3A_223 = tpu.vector_load %arg11[%get3A_221, %get3A_222] {strides = array<i32>} : memref<200x64xf32, #tpu.memory_space<vmem>>, vector<16xf32>,
        %add3A_224 = arith.addf %get3A_220, %get3A_223 : vector<16xf32>
        %get3A_225 = arith.index_cast %add3A_210 : i32 to index
        %get3A_226 = arith.constant 16 : index
        %get3A_227 = tpu.vector_load %arg9[%get3A_225, %get3A_226] {strides = array<i32>} : memref<640x64xf32, #tpu.memory_space<vmem>>, vector<16xf32>,
        %get3A_228 = arith.index_cast %select_n3A_217 : i32 to index
        %get3A_229 = arith.constant 16 : index
        %get3A_230 = tpu.vector_load %arg11[%get3A_228, %get3A_229] {strides = array<i32>} : memref<200x64xf32, #tpu.memory_space<vmem>>, vector<16xf32>,
        %add3A_231 = arith.addf %get3A_227, %get3A_230 : vector<16xf32>
        %get3A_232 = arith.index_cast %add3A_210 : i32 to index
        %get3A_233 = arith.constant 32 : index
        %get3A_234 = tpu.vector_load %arg9[%get3A_232, %get3A_233] {strides = array<i32>} : memref<640x64xf32, #tpu.memory_space<vmem>>, vector<16xf32>,
        %get3A_235 = arith.index_cast %select_n3A_217 : i32 to index
        %get3A_236 = arith.constant 32 : index
        %get3A_237 = tpu.vector_load %arg11[%get3A_235, %get3A_236] {strides = array<i32>} : memref<200x64xf32, #tpu.memory_space<vmem>>, vector<16xf32>,
        %add3A_238 = arith.addf %get3A_234, %get3A_237 : vector<16xf32>
        %get3A_239 = arith.index_cast %add3A_210 : i32 to index
        %get3A_240 = arith.constant 48 : index
        %get3A_241 = tpu.vector_load %arg9[%get3A_239, %get3A_240] {strides = array<i32>} : memref<640x64xf32, #tpu.memory_space<vmem>>, vector<16xf32>,
        %get3A_242 = arith.index_cast %select_n3A_217 : i32 to index
        %get3A_243 = arith.constant 48 : index
        %get3A_244 = tpu.vector_load %arg11[%get3A_242, %get3A_243] {strides = array<i32>} : memref<200x64xf32, #tpu.memory_space<vmem>>, vector<16xf32>,
        %add3A_245 = arith.addf %get3A_241, %get3A_244 : vector<16xf32>
        %swap3A_246 = arith.index_cast %add3A_210 : i32 to index
        %swap3A_247 = arith.constant 0 : index
        %swap3A_248 = tpu.vector_load %arg9[%swap3A_246, %swap3A_247] {strides = array<i32>} : memref<640x64xf32, #tpu.memory_space<vmem>>, vector<16xf32>,
        tpu.vector_store %arg9[%swap3A_246, %swap3A_247], %add3A_224 {strides = array<i32>} : memref<640x64xf32, #tpu.memory_space<vmem>>, vector<16xf32>,
        %swap3A_249 = arith.index_cast %add3A_210 : i32 to index
        %swap3A_250 = arith.constant 16 : index
        %swap3A_251 = tpu.vector_load %arg9[%swap3A_249, %swap3A_250] {strides = array<i32>} : memref<640x64xf32, #tpu.memory_space<vmem>>, vector<16xf32>,
        tpu.vector_store %arg9[%swap3A_249, %swap3A_250], %add3A_231 {strides = array<i32>} : memref<640x64xf32, #tpu.memory_space<vmem>>, vector<16xf32>,
        %swap3A_252 = arith.index_cast %add3A_210 : i32 to index
        %swap3A_253 = arith.constant 32 : index
        %swap3A_254 = tpu.vector_load %arg9[%swap3A_252, %swap3A_253] {strides = array<i32>} : memref<640x64xf32, #tpu.memory_space<vmem>>, vector<16xf32>,
        tpu.vector_store %arg9[%swap3A_252, %swap3A_253], %add3A_238 {strides = array<i32>} : memref<640x64xf32, #tpu.memory_space<vmem>>, vector<16xf32>,
        %swap3A_255 = arith.index_cast %add3A_210 : i32 to index
        %swap3A_256 = arith.constant 48 : index
        %swap3A_257 = tpu.vector_load %arg9[%swap3A_255, %swap3A_256] {strides = array<i32>} : memref<640x64xf32, #tpu.memory_space<vmem>>, vector<16xf32>,
        tpu.vector_store %arg9[%swap3A_255, %swap3A_256], %add3A_245 {strides = array<i32>} : memref<640x64xf32, #tpu.memory_space<vmem>>, vector<16xf32>,
        %add3A_258 = arith.addf %add3A_224, %add3A_231 : vector<16xf32>
        %add3A_259 = arith.addf %add3A_238, %add3A_245 : vector<16xf32>
        %add3A_260 = arith.addf %add3A_258, %add3A_259 : vector<16xf32>
        %mul3A_261 = arith.mulf %add3A_224, %add3A_224 : vector<16xf32>
        %mul3A_262 = arith.mulf %add3A_231, %add3A_231 : vector<16xf32>
        %add3A_263 = arith.addf %mul3A_261, %mul3A_262 : vector<16xf32>
        %mul3A_264 = arith.mulf %add3A_238, %add3A_238 : vector<16xf32>
        %mul3A_265 = arith.mulf %add3A_245, %add3A_245 : vector<16xf32>
        %add3A_266 = arith.addf %mul3A_264, %mul3A_265 : vector<16xf32>
        %add3A_267 = arith.addf %add3A_263, %add3A_266 : vector<16xf32>
        %add3A_268 = arith.constant 34 : i32
        %add3A_269 = vector.broadcast %add3A_268 : i32 to vector<16xi32>
        %add3A_270 = arith.addi %iota3A, %add3A_269 : vector<16xi32>
        tpu.vector_store_idx %arg14[%add3A_270], %add3A_260 : memref<272xf32, #tpu.memory_space<vmem>>[vector<16xi32>], vector<16xf32>,
        %add3A_271 = arith.constant 34 : i32
        %add3A_272 = vector.broadcast %add3A_271 : i32 to vector<16xi32>
        %add3A_273 = arith.addi %iota3A, %add3A_272 : vector<16xi32>
        tpu.vector_store_idx %arg15[%add3A_273], %add3A_267 : memref<272xf32, #tpu.memory_space<vmem>>[vector<16xi32>], vector<16xf32>,
        %add3A_274 = arith.constant 3 : i32
        %add3A_275 = arith.addi %mul3A_79, %add3A_274 : i32
        %add3A_276 = arith.constant 3 : i32
        %add3A_277 = arith.addi %rem3A_82, %add3A_276 : i32
        %ge3A_278 = arith.constant 200 : i32
        %ge3A_279 = arith.cmpi sge, %add3A_277, %ge3A_278 : i32
        %sub3A_280 = arith.constant 200 : i32
        %sub3A_281 = arith.subi %add3A_277, %sub3A_280 : i32
        %select_n3A_282 = arith.select %ge3A_279, %sub3A_281, %add3A_277 : i32
        %get3A_283 = arith.index_cast %add3A_275 : i32 to index
        %get3A_284 = arith.constant 0 : index
        %get3A_285 = tpu.vector_load %arg9[%get3A_283, %get3A_284] {strides = array<i32>} : memref<640x64xf32, #tpu.memory_space<vmem>>, vector<16xf32>,
        %get3A_286 = arith.index_cast %select_n3A_282 : i32 to index
        %get3A_287 = arith.constant 0 : index
        %get3A_288 = tpu.vector_load %arg11[%get3A_286, %get3A_287] {strides = array<i32>} : memref<200x64xf32, #tpu.memory_space<vmem>>, vector<16xf32>,
        %add3A_289 = arith.addf %get3A_285, %get3A_288 : vector<16xf32>
        %get3A_290 = arith.index_cast %add3A_275 : i32 to index
        %get3A_291 = arith.constant 16 : index
        %get3A_292 = tpu.vector_load %arg9[%get3A_290, %get3A_291] {strides = array<i32>} : memref<640x64xf32, #tpu.memory_space<vmem>>, vector<16xf32>,
        %get3A_293 = arith.index_cast %select_n3A_282 : i32 to index
        %get3A_294 = arith.constant 16 : index
        %get3A_295 = tpu.vector_load %arg11[%get3A_293, %get3A_294] {strides = array<i32>} : memref<200x64xf32, #tpu.memory_space<vmem>>, vector<16xf32>,
        %add3A_296 = arith.addf %get3A_292, %get3A_295 : vector<16xf32>
        %get3A_297 = arith.index_cast %add3A_275 : i32 to index
        %get3A_298 = arith.constant 32 : index
        %get3A_299 = tpu.vector_load %arg9[%get3A_297, %get3A_298] {strides = array<i32>} : memref<640x64xf32, #tpu.memory_space<vmem>>, vector<16xf32>,
        %get3A_300 = arith.index_cast %select_n3A_282 : i32 to index
        %get3A_301 = arith.constant 32 : index
        %get3A_302 = tpu.vector_load %arg11[%get3A_300, %get3A_301] {strides = array<i32>} : memref<200x64xf32, #tpu.memory_space<vmem>>, vector<16xf32>,
        %add3A_303 = arith.addf %get3A_299, %get3A_302 : vector<16xf32>
        %get3A_304 = arith.index_cast %add3A_275 : i32 to index
        %get3A_305 = arith.constant 48 : index
        %get3A_306 = tpu.vector_load %arg9[%get3A_304, %get3A_305] {strides = array<i32>} : memref<640x64xf32, #tpu.memory_space<vmem>>, vector<16xf32>,
        %get3A_307 = arith.index_cast %select_n3A_282 : i32 to index
        %get3A_308 = arith.constant 48 : index
        %get3A_309 = tpu.vector_load %arg11[%get3A_307, %get3A_308] {strides = array<i32>} : memref<200x64xf32, #tpu.memory_space<vmem>>, vector<16xf32>,
        %add3A_310 = arith.addf %get3A_306, %get3A_309 : vector<16xf32>
        %swap3A_311 = arith.index_cast %add3A_275 : i32 to index
        %swap3A_312 = arith.constant 0 : index
        %swap3A_313 = tpu.vector_load %arg9[%swap3A_311, %swap3A_312] {strides = array<i32>} : memref<640x64xf32, #tpu.memory_space<vmem>>, vector<16xf32>,
        tpu.vector_store %arg9[%swap3A_311, %swap3A_312], %add3A_289 {strides = array<i32>} : memref<640x64xf32, #tpu.memory_space<vmem>>, vector<16xf32>,
        %swap3A_314 = arith.index_cast %add3A_275 : i32 to index
        %swap3A_315 = arith.constant 16 : index
        %swap3A_316 = tpu.vector_load %arg9[%swap3A_314, %swap3A_315] {strides = array<i32>} : memref<640x64xf32, #tpu.memory_space<vmem>>, vector<16xf32>,
        tpu.vector_store %arg9[%swap3A_314, %swap3A_315], %add3A_296 {strides = array<i32>} : memref<640x64xf32, #tpu.memory_space<vmem>>, vector<16xf32>,
        %swap3A_317 = arith.index_cast %add3A_275 : i32 to index
        %swap3A_318 = arith.constant 32 : index
        %swap3A_319 = tpu.vector_load %arg9[%swap3A_317, %swap3A_318] {strides = array<i32>} : memref<640x64xf32, #tpu.memory_space<vmem>>, vector<16xf32>,
        tpu.vector_store %arg9[%swap3A_317, %swap3A_318], %add3A_303 {strides = array<i32>} : memref<640x64xf32, #tpu.memory_space<vmem>>, vector<16xf32>,
        %swap3A_320 = arith.index_cast %add3A_275 : i32 to index
        %swap3A_321 = arith.constant 48 : index
        %swap3A_322 = tpu.vector_load %arg9[%swap3A_320, %swap3A_321] {strides = array<i32>} : memref<640x64xf32, #tpu.memory_space<vmem>>, vector<16xf32>,
        tpu.vector_store %arg9[%swap3A_320, %swap3A_321], %add3A_310 {strides = array<i32>} : memref<640x64xf32, #tpu.memory_space<vmem>>, vector<16xf32>,
        %add3A_323 = arith.addf %add3A_289, %add3A_296 : vector<16xf32>
        %add3A_324 = arith.addf %add3A_303, %add3A_310 : vector<16xf32>
        %add3A_325 = arith.addf %add3A_323, %add3A_324 : vector<16xf32>
        %mul3A_326 = arith.mulf %add3A_289, %add3A_289 : vector<16xf32>
        %mul3A_327 = arith.mulf %add3A_296, %add3A_296 : vector<16xf32>
        %add3A_328 = arith.addf %mul3A_326, %mul3A_327 : vector<16xf32>
        %mul3A_329 = arith.mulf %add3A_303, %add3A_303 : vector<16xf32>
        %mul3A_330 = arith.mulf %add3A_310, %add3A_310 : vector<16xf32>
        %add3A_331 = arith.addf %mul3A_329, %mul3A_330 : vector<16xf32>
        %add3A_332 = arith.addf %add3A_328, %add3A_331 : vector<16xf32>
        %add3A_333 = arith.constant 51 : i32
        %add3A_334 = vector.broadcast %add3A_333 : i32 to vector<16xi32>
        %add3A_335 = arith.addi %iota3A, %add3A_334 : vector<16xi32>
        tpu.vector_store_idx %arg14[%add3A_335], %add3A_325 : memref<272xf32, #tpu.memory_space<vmem>>[vector<16xi32>], vector<16xf32>,
        %add3A_336 = arith.constant 51 : i32
        %add3A_337 = vector.broadcast %add3A_336 : i32 to vector<16xi32>
        %add3A_338 = arith.addi %iota3A, %add3A_337 : vector<16xi32>
        tpu.vector_store_idx %arg15[%add3A_338], %add3A_332 : memref<272xf32, #tpu.memory_space<vmem>>[vector<16xi32>], vector<16xf32>,
        %add3A_339 = arith.constant 4 : i32
        %add3A_340 = arith.addi %mul3A_79, %add3A_339 : i32
        %add3A_341 = arith.constant 4 : i32
        %add3A_342 = arith.addi %rem3A_82, %add3A_341 : i32
        %ge3A_343 = arith.constant 200 : i32
        %ge3A_344 = arith.cmpi sge, %add3A_342, %ge3A_343 : i32
        %sub3A_345 = arith.constant 200 : i32
        %sub3A_346 = arith.subi %add3A_342, %sub3A_345 : i32
        %select_n3A_347 = arith.select %ge3A_344, %sub3A_346, %add3A_342 : i32
        %get3A_348 = arith.index_cast %add3A_340 : i32 to index
        %get3A_349 = arith.constant 0 : index
        %get3A_350 = tpu.vector_load %arg9[%get3A_348, %get3A_349] {strides = array<i32>} : memref<640x64xf32, #tpu.memory_space<vmem>>, vector<16xf32>,
        %get3A_351 = arith.index_cast %select_n3A_347 : i32 to index
        %get3A_352 = arith.constant 0 : index
        %get3A_353 = tpu.vector_load %arg11[%get3A_351, %get3A_352] {strides = array<i32>} : memref<200x64xf32, #tpu.memory_space<vmem>>, vector<16xf32>,
        %add3A_354 = arith.addf %get3A_350, %get3A_353 : vector<16xf32>
        %get3A_355 = arith.index_cast %add3A_340 : i32 to index
        %get3A_356 = arith.constant 16 : index
        %get3A_357 = tpu.vector_load %arg9[%get3A_355, %get3A_356] {strides = array<i32>} : memref<640x64xf32, #tpu.memory_space<vmem>>, vector<16xf32>,
        %get3A_358 = arith.index_cast %select_n3A_347 : i32 to index
        %get3A_359 = arith.constant 16 : index
        %get3A_360 = tpu.vector_load %arg11[%get3A_358, %get3A_359] {strides = array<i32>} : memref<200x64xf32, #tpu.memory_space<vmem>>, vector<16xf32>,
        %add3A_361 = arith.addf %get3A_357, %get3A_360 : vector<16xf32>
        %get3A_362 = arith.index_cast %add3A_340 : i32 to index
        %get3A_363 = arith.constant 32 : index
        %get3A_364 = tpu.vector_load %arg9[%get3A_362, %get3A_363] {strides = array<i32>} : memref<640x64xf32, #tpu.memory_space<vmem>>, vector<16xf32>,
        %get3A_365 = arith.index_cast %select_n3A_347 : i32 to index
        %get3A_366 = arith.constant 32 : index
        %get3A_367 = tpu.vector_load %arg11[%get3A_365, %get3A_366] {strides = array<i32>} : memref<200x64xf32, #tpu.memory_space<vmem>>, vector<16xf32>,
        %add3A_368 = arith.addf %get3A_364, %get3A_367 : vector<16xf32>
        %get3A_369 = arith.index_cast %add3A_340 : i32 to index
        %get3A_370 = arith.constant 48 : index
        %get3A_371 = tpu.vector_load %arg9[%get3A_369, %get3A_370] {strides = array<i32>} : memref<640x64xf32, #tpu.memory_space<vmem>>, vector<16xf32>,
        %get3A_372 = arith.index_cast %select_n3A_347 : i32 to index
        %get3A_373 = arith.constant 48 : index
        %get3A_374 = tpu.vector_load %arg11[%get3A_372, %get3A_373] {strides = array<i32>} : memref<200x64xf32, #tpu.memory_space<vmem>>, vector<16xf32>,
        %add3A_375 = arith.addf %get3A_371, %get3A_374 : vector<16xf32>
        %swap3A_376 = arith.index_cast %add3A_340 : i32 to index
        %swap3A_377 = arith.constant 0 : index
        %swap3A_378 = tpu.vector_load %arg9[%swap3A_376, %swap3A_377] {strides = array<i32>} : memref<640x64xf32, #tpu.memory_space<vmem>>, vector<16xf32>,
        tpu.vector_store %arg9[%swap3A_376, %swap3A_377], %add3A_354 {strides = array<i32>} : memref<640x64xf32, #tpu.memory_space<vmem>>, vector<16xf32>,
        %swap3A_379 = arith.index_cast %add3A_340 : i32 to index
        %swap3A_380 = arith.constant 16 : index
        %swap3A_381 = tpu.vector_load %arg9[%swap3A_379, %swap3A_380] {strides = array<i32>} : memref<640x64xf32, #tpu.memory_space<vmem>>, vector<16xf32>,
        tpu.vector_store %arg9[%swap3A_379, %swap3A_380], %add3A_361 {strides = array<i32>} : memref<640x64xf32, #tpu.memory_space<vmem>>, vector<16xf32>,
        %swap3A_382 = arith.index_cast %add3A_340 : i32 to index
        %swap3A_383 = arith.constant 32 : index
        %swap3A_384 = tpu.vector_load %arg9[%swap3A_382, %swap3A_383] {strides = array<i32>} : memref<640x64xf32, #tpu.memory_space<vmem>>, vector<16xf32>,
        tpu.vector_store %arg9[%swap3A_382, %swap3A_383], %add3A_368 {strides = array<i32>} : memref<640x64xf32, #tpu.memory_space<vmem>>, vector<16xf32>,
        %swap3A_385 = arith.index_cast %add3A_340 : i32 to index
        %swap3A_386 = arith.constant 48 : index
        %swap3A_387 = tpu.vector_load %arg9[%swap3A_385, %swap3A_386] {strides = array<i32>} : memref<640x64xf32, #tpu.memory_space<vmem>>, vector<16xf32>,
        tpu.vector_store %arg9[%swap3A_385, %swap3A_386], %add3A_375 {strides = array<i32>} : memref<640x64xf32, #tpu.memory_space<vmem>>, vector<16xf32>,
        %add3A_388 = arith.addf %add3A_354, %add3A_361 : vector<16xf32>
        %add3A_389 = arith.addf %add3A_368, %add3A_375 : vector<16xf32>
        %add3A_390 = arith.addf %add3A_388, %add3A_389 : vector<16xf32>
        %mul3A_391 = arith.mulf %add3A_354, %add3A_354 : vector<16xf32>
        %mul3A_392 = arith.mulf %add3A_361, %add3A_361 : vector<16xf32>
        %add3A_393 = arith.addf %mul3A_391, %mul3A_392 : vector<16xf32>
        %mul3A_394 = arith.mulf %add3A_368, %add3A_368 : vector<16xf32>
        %mul3A_395 = arith.mulf %add3A_375, %add3A_375 : vector<16xf32>
        %add3A_396 = arith.addf %mul3A_394, %mul3A_395 : vector<16xf32>
        %add3A_397 = arith.addf %add3A_393, %add3A_396 : vector<16xf32>
        %add3A_398 = arith.constant 68 : i32
        %add3A_399 = vector.broadcast %add3A_398 : i32 to vector<16xi32>
        %add3A_400 = arith.addi %iota3A, %add3A_399 : vector<16xi32>
        tpu.vector_store_idx %arg14[%add3A_400], %add3A_390 : memref<272xf32, #tpu.memory_space<vmem>>[vector<16xi32>], vector<16xf32>,
        %add3A_401 = arith.constant 68 : i32
        %add3A_402 = vector.broadcast %add3A_401 : i32 to vector<16xi32>
        %add3A_403 = arith.addi %iota3A, %add3A_402 : vector<16xi32>
        tpu.vector_store_idx %arg15[%add3A_403], %add3A_397 : memref<272xf32, #tpu.memory_space<vmem>>[vector<16xi32>], vector<16xf32>,
        %add3A_404 = arith.constant 5 : i32
        %add3A_405 = arith.addi %mul3A_79, %add3A_404 : i32
        %add3A_406 = arith.constant 5 : i32
        %add3A_407 = arith.addi %rem3A_82, %add3A_406 : i32
        %ge3A_408 = arith.constant 200 : i32
        %ge3A_409 = arith.cmpi sge, %add3A_407, %ge3A_408 : i32
        %sub3A_410 = arith.constant 200 : i32
        %sub3A_411 = arith.subi %add3A_407, %sub3A_410 : i32
        %select_n3A_412 = arith.select %ge3A_409, %sub3A_411, %add3A_407 : i32
        %get3A_413 = arith.index_cast %add3A_405 : i32 to index
        %get3A_414 = arith.constant 0 : index
        %get3A_415 = tpu.vector_load %arg9[%get3A_413, %get3A_414] {strides = array<i32>} : memref<640x64xf32, #tpu.memory_space<vmem>>, vector<16xf32>,
        %get3A_416 = arith.index_cast %select_n3A_412 : i32 to index
        %get3A_417 = arith.constant 0 : index
        %get3A_418 = tpu.vector_load %arg11[%get3A_416, %get3A_417] {strides = array<i32>} : memref<200x64xf32, #tpu.memory_space<vmem>>, vector<16xf32>,
        %add3A_419 = arith.addf %get3A_415, %get3A_418 : vector<16xf32>
        %get3A_420 = arith.index_cast %add3A_405 : i32 to index
        %get3A_421 = arith.constant 16 : index
        %get3A_422 = tpu.vector_load %arg9[%get3A_420, %get3A_421] {strides = array<i32>} : memref<640x64xf32, #tpu.memory_space<vmem>>, vector<16xf32>,
        %get3A_423 = arith.index_cast %select_n3A_412 : i32 to index
        %get3A_424 = arith.constant 16 : index
        %get3A_425 = tpu.vector_load %arg11[%get3A_423, %get3A_424] {strides = array<i32>} : memref<200x64xf32, #tpu.memory_space<vmem>>, vector<16xf32>,
        %add3A_426 = arith.addf %get3A_422, %get3A_425 : vector<16xf32>
        %get3A_427 = arith.index_cast %add3A_405 : i32 to index
        %get3A_428 = arith.constant 32 : index
        %get3A_429 = tpu.vector_load %arg9[%get3A_427, %get3A_428] {strides = array<i32>} : memref<640x64xf32, #tpu.memory_space<vmem>>, vector<16xf32>,
        %get3A_430 = arith.index_cast %select_n3A_412 : i32 to index
        %get3A_431 = arith.constant 32 : index
        %get3A_432 = tpu.vector_load %arg11[%get3A_430, %get3A_431] {strides = array<i32>} : memref<200x64xf32, #tpu.memory_space<vmem>>, vector<16xf32>,
        %add3A_433 = arith.addf %get3A_429, %get3A_432 : vector<16xf32>
        %get3A_434 = arith.index_cast %add3A_405 : i32 to index
        %get3A_435 = arith.constant 48 : index
        %get3A_436 = tpu.vector_load %arg9[%get3A_434, %get3A_435] {strides = array<i32>} : memref<640x64xf32, #tpu.memory_space<vmem>>, vector<16xf32>,
        %get3A_437 = arith.index_cast %select_n3A_412 : i32 to index
        %get3A_438 = arith.constant 48 : index
        %get3A_439 = tpu.vector_load %arg11[%get3A_437, %get3A_438] {strides = array<i32>} : memref<200x64xf32, #tpu.memory_space<vmem>>, vector<16xf32>,
        %add3A_440 = arith.addf %get3A_436, %get3A_439 : vector<16xf32>
        %swap3A_441 = arith.index_cast %add3A_405 : i32 to index
        %swap3A_442 = arith.constant 0 : index
        %swap3A_443 = tpu.vector_load %arg9[%swap3A_441, %swap3A_442] {strides = array<i32>} : memref<640x64xf32, #tpu.memory_space<vmem>>, vector<16xf32>,
        tpu.vector_store %arg9[%swap3A_441, %swap3A_442], %add3A_419 {strides = array<i32>} : memref<640x64xf32, #tpu.memory_space<vmem>>, vector<16xf32>,
        %swap3A_444 = arith.index_cast %add3A_405 : i32 to index
        %swap3A_445 = arith.constant 16 : index
        %swap3A_446 = tpu.vector_load %arg9[%swap3A_444, %swap3A_445] {strides = array<i32>} : memref<640x64xf32, #tpu.memory_space<vmem>>, vector<16xf32>,
        tpu.vector_store %arg9[%swap3A_444, %swap3A_445], %add3A_426 {strides = array<i32>} : memref<640x64xf32, #tpu.memory_space<vmem>>, vector<16xf32>,
        %swap3A_447 = arith.index_cast %add3A_405 : i32 to index
        %swap3A_448 = arith.constant 32 : index
        %swap3A_449 = tpu.vector_load %arg9[%swap3A_447, %swap3A_448] {strides = array<i32>} : memref<640x64xf32, #tpu.memory_space<vmem>>, vector<16xf32>,
        tpu.vector_store %arg9[%swap3A_447, %swap3A_448], %add3A_433 {strides = array<i32>} : memref<640x64xf32, #tpu.memory_space<vmem>>, vector<16xf32>,
        %swap3A_450 = arith.index_cast %add3A_405 : i32 to index
        %swap3A_451 = arith.constant 48 : index
        %swap3A_452 = tpu.vector_load %arg9[%swap3A_450, %swap3A_451] {strides = array<i32>} : memref<640x64xf32, #tpu.memory_space<vmem>>, vector<16xf32>,
        tpu.vector_store %arg9[%swap3A_450, %swap3A_451], %add3A_440 {strides = array<i32>} : memref<640x64xf32, #tpu.memory_space<vmem>>, vector<16xf32>,
        %add3A_453 = arith.addf %add3A_419, %add3A_426 : vector<16xf32>
        %add3A_454 = arith.addf %add3A_433, %add3A_440 : vector<16xf32>
        %add3A_455 = arith.addf %add3A_453, %add3A_454 : vector<16xf32>
        %mul3A_456 = arith.mulf %add3A_419, %add3A_419 : vector<16xf32>
        %mul3A_457 = arith.mulf %add3A_426, %add3A_426 : vector<16xf32>
        %add3A_458 = arith.addf %mul3A_456, %mul3A_457 : vector<16xf32>
        %mul3A_459 = arith.mulf %add3A_433, %add3A_433 : vector<16xf32>
        %mul3A_460 = arith.mulf %add3A_440, %add3A_440 : vector<16xf32>
        %add3A_461 = arith.addf %mul3A_459, %mul3A_460 : vector<16xf32>
        %add3A_462 = arith.addf %add3A_458, %add3A_461 : vector<16xf32>
        %add3A_463 = arith.constant 85 : i32
        %add3A_464 = vector.broadcast %add3A_463 : i32 to vector<16xi32>
        %add3A_465 = arith.addi %iota3A, %add3A_464 : vector<16xi32>
        tpu.vector_store_idx %arg14[%add3A_465], %add3A_455 : memref<272xf32, #tpu.memory_space<vmem>>[vector<16xi32>], vector<16xf32>,
        %add3A_466 = arith.constant 85 : i32
        %add3A_467 = vector.broadcast %add3A_466 : i32 to vector<16xi32>
        %add3A_468 = arith.addi %iota3A, %add3A_467 : vector<16xi32>
        tpu.vector_store_idx %arg15[%add3A_468], %add3A_462 : memref<272xf32, #tpu.memory_space<vmem>>[vector<16xi32>], vector<16xf32>,
        %add3A_469 = arith.constant 6 : i32
        %add3A_470 = arith.addi %mul3A_79, %add3A_469 : i32
        %add3A_471 = arith.constant 6 : i32
        %add3A_472 = arith.addi %rem3A_82, %add3A_471 : i32
        %ge3A_473 = arith.constant 200 : i32
        %ge3A_474 = arith.cmpi sge, %add3A_472, %ge3A_473 : i32
        %sub3A_475 = arith.constant 200 : i32
        %sub3A_476 = arith.subi %add3A_472, %sub3A_475 : i32
        %select_n3A_477 = arith.select %ge3A_474, %sub3A_476, %add3A_472 : i32
        %get3A_478 = arith.index_cast %add3A_470 : i32 to index
        %get3A_479 = arith.constant 0 : index
        %get3A_480 = tpu.vector_load %arg9[%get3A_478, %get3A_479] {strides = array<i32>} : memref<640x64xf32, #tpu.memory_space<vmem>>, vector<16xf32>,
        %get3A_481 = arith.index_cast %select_n3A_477 : i32 to index
        %get3A_482 = arith.constant 0 : index
        %get3A_483 = tpu.vector_load %arg11[%get3A_481, %get3A_482] {strides = array<i32>} : memref<200x64xf32, #tpu.memory_space<vmem>>, vector<16xf32>,
        %add3A_484 = arith.addf %get3A_480, %get3A_483 : vector<16xf32>
        %get3A_485 = arith.index_cast %add3A_470 : i32 to index
        %get3A_486 = arith.constant 16 : index
        %get3A_487 = tpu.vector_load %arg9[%get3A_485, %get3A_486] {strides = array<i32>} : memref<640x64xf32, #tpu.memory_space<vmem>>, vector<16xf32>,
        %get3A_488 = arith.index_cast %select_n3A_477 : i32 to index
        %get3A_489 = arith.constant 16 : index
        %get3A_490 = tpu.vector_load %arg11[%get3A_488, %get3A_489] {strides = array<i32>} : memref<200x64xf32, #tpu.memory_space<vmem>>, vector<16xf32>,
        %add3A_491 = arith.addf %get3A_487, %get3A_490 : vector<16xf32>
        %get3A_492 = arith.index_cast %add3A_470 : i32 to index
        %get3A_493 = arith.constant 32 : index
        %get3A_494 = tpu.vector_load %arg9[%get3A_492, %get3A_493] {strides = array<i32>} : memref<640x64xf32, #tpu.memory_space<vmem>>, vector<16xf32>,
        %get3A_495 = arith.index_cast %select_n3A_477 : i32 to index
        %get3A_496 = arith.constant 32 : index
        %get3A_497 = tpu.vector_load %arg11[%get3A_495, %get3A_496] {strides = array<i32>} : memref<200x64xf32, #tpu.memory_space<vmem>>, vector<16xf32>,
        %add3A_498 = arith.addf %get3A_494, %get3A_497 : vector<16xf32>
        %get3A_499 = arith.index_cast %add3A_470 : i32 to index
        %get3A_500 = arith.constant 48 : index
        %get3A_501 = tpu.vector_load %arg9[%get3A_499, %get3A_500] {strides = array<i32>} : memref<640x64xf32, #tpu.memory_space<vmem>>, vector<16xf32>,
        %get3A_502 = arith.index_cast %select_n3A_477 : i32 to index
        %get3A_503 = arith.constant 48 : index
        %get3A_504 = tpu.vector_load %arg11[%get3A_502, %get3A_503] {strides = array<i32>} : memref<200x64xf32, #tpu.memory_space<vmem>>, vector<16xf32>,
        %add3A_505 = arith.addf %get3A_501, %get3A_504 : vector<16xf32>
        %swap3A_506 = arith.index_cast %add3A_470 : i32 to index
        %swap3A_507 = arith.constant 0 : index
        %swap3A_508 = tpu.vector_load %arg9[%swap3A_506, %swap3A_507] {strides = array<i32>} : memref<640x64xf32, #tpu.memory_space<vmem>>, vector<16xf32>,
        tpu.vector_store %arg9[%swap3A_506, %swap3A_507], %add3A_484 {strides = array<i32>} : memref<640x64xf32, #tpu.memory_space<vmem>>, vector<16xf32>,
        %swap3A_509 = arith.index_cast %add3A_470 : i32 to index
        %swap3A_510 = arith.constant 16 : index
        %swap3A_511 = tpu.vector_load %arg9[%swap3A_509, %swap3A_510] {strides = array<i32>} : memref<640x64xf32, #tpu.memory_space<vmem>>, vector<16xf32>,
        tpu.vector_store %arg9[%swap3A_509, %swap3A_510], %add3A_491 {strides = array<i32>} : memref<640x64xf32, #tpu.memory_space<vmem>>, vector<16xf32>,
        %swap3A_512 = arith.index_cast %add3A_470 : i32 to index
        %swap3A_513 = arith.constant 32 : index
        %swap3A_514 = tpu.vector_load %arg9[%swap3A_512, %swap3A_513] {strides = array<i32>} : memref<640x64xf32, #tpu.memory_space<vmem>>, vector<16xf32>,
        tpu.vector_store %arg9[%swap3A_512, %swap3A_513], %add3A_498 {strides = array<i32>} : memref<640x64xf32, #tpu.memory_space<vmem>>, vector<16xf32>,
        %swap3A_515 = arith.index_cast %add3A_470 : i32 to index
        %swap3A_516 = arith.constant 48 : index
        %swap3A_517 = tpu.vector_load %arg9[%swap3A_515, %swap3A_516] {strides = array<i32>} : memref<640x64xf32, #tpu.memory_space<vmem>>, vector<16xf32>,
        tpu.vector_store %arg9[%swap3A_515, %swap3A_516], %add3A_505 {strides = array<i32>} : memref<640x64xf32, #tpu.memory_space<vmem>>, vector<16xf32>,
        %add3A_518 = arith.addf %add3A_484, %add3A_491 : vector<16xf32>
        %add3A_519 = arith.addf %add3A_498, %add3A_505 : vector<16xf32>
        %add3A_520 = arith.addf %add3A_518, %add3A_519 : vector<16xf32>
        %mul3A_521 = arith.mulf %add3A_484, %add3A_484 : vector<16xf32>
        %mul3A_522 = arith.mulf %add3A_491, %add3A_491 : vector<16xf32>
        %add3A_523 = arith.addf %mul3A_521, %mul3A_522 : vector<16xf32>
        %mul3A_524 = arith.mulf %add3A_498, %add3A_498 : vector<16xf32>
        %mul3A_525 = arith.mulf %add3A_505, %add3A_505 : vector<16xf32>
        %add3A_526 = arith.addf %mul3A_524, %mul3A_525 : vector<16xf32>
        %add3A_527 = arith.addf %add3A_523, %add3A_526 : vector<16xf32>
        %add3A_528 = arith.constant 102 : i32
        %add3A_529 = vector.broadcast %add3A_528 : i32 to vector<16xi32>
        %add3A_530 = arith.addi %iota3A, %add3A_529 : vector<16xi32>
        tpu.vector_store_idx %arg14[%add3A_530], %add3A_520 : memref<272xf32, #tpu.memory_space<vmem>>[vector<16xi32>], vector<16xf32>,
        %add3A_531 = arith.constant 102 : i32
        %add3A_532 = vector.broadcast %add3A_531 : i32 to vector<16xi32>
        %add3A_533 = arith.addi %iota3A, %add3A_532 : vector<16xi32>
        tpu.vector_store_idx %arg15[%add3A_533], %add3A_527 : memref<272xf32, #tpu.memory_space<vmem>>[vector<16xi32>], vector<16xf32>,
        %add3A_534 = arith.constant 7 : i32
        %add3A_535 = arith.addi %mul3A_79, %add3A_534 : i32
        %add3A_536 = arith.constant 7 : i32
        %add3A_537 = arith.addi %rem3A_82, %add3A_536 : i32
        %ge3A_538 = arith.constant 200 : i32
        %ge3A_539 = arith.cmpi sge, %add3A_537, %ge3A_538 : i32
        %sub3A_540 = arith.constant 200 : i32
        %sub3A_541 = arith.subi %add3A_537, %sub3A_540 : i32
        %select_n3A_542 = arith.select %ge3A_539, %sub3A_541, %add3A_537 : i32
        %get3A_543 = arith.index_cast %add3A_535 : i32 to index
        %get3A_544 = arith.constant 0 : index
        %get3A_545 = tpu.vector_load %arg9[%get3A_543, %get3A_544] {strides = array<i32>} : memref<640x64xf32, #tpu.memory_space<vmem>>, vector<16xf32>,
        %get3A_546 = arith.index_cast %select_n3A_542 : i32 to index
        %get3A_547 = arith.constant 0 : index
        %get3A_548 = tpu.vector_load %arg11[%get3A_546, %get3A_547] {strides = array<i32>} : memref<200x64xf32, #tpu.memory_space<vmem>>, vector<16xf32>,
        %add3A_549 = arith.addf %get3A_545, %get3A_548 : vector<16xf32>
        %get3A_550 = arith.index_cast %add3A_535 : i32 to index
        %get3A_551 = arith.constant 16 : index
        %get3A_552 = tpu.vector_load %arg9[%get3A_550, %get3A_551] {strides = array<i32>} : memref<640x64xf32, #tpu.memory_space<vmem>>, vector<16xf32>,
        %get3A_553 = arith.index_cast %select_n3A_542 : i32 to index
        %get3A_554 = arith.constant 16 : index
        %get3A_555 = tpu.vector_load %arg11[%get3A_553, %get3A_554] {strides = array<i32>} : memref<200x64xf32, #tpu.memory_space<vmem>>, vector<16xf32>,
        %add3A_556 = arith.addf %get3A_552, %get3A_555 : vector<16xf32>
        %get3A_557 = arith.index_cast %add3A_535 : i32 to index
        %get3A_558 = arith.constant 32 : index
        %get3A_559 = tpu.vector_load %arg9[%get3A_557, %get3A_558] {strides = array<i32>} : memref<640x64xf32, #tpu.memory_space<vmem>>, vector<16xf32>,
        %get3A_560 = arith.index_cast %select_n3A_542 : i32 to index
        %get3A_561 = arith.constant 32 : index
        %get3A_562 = tpu.vector_load %arg11[%get3A_560, %get3A_561] {strides = array<i32>} : memref<200x64xf32, #tpu.memory_space<vmem>>, vector<16xf32>,
        %add3A_563 = arith.addf %get3A_559, %get3A_562 : vector<16xf32>
        %get3A_564 = arith.index_cast %add3A_535 : i32 to index
        %get3A_565 = arith.constant 48 : index
        %get3A_566 = tpu.vector_load %arg9[%get3A_564, %get3A_565] {strides = array<i32>} : memref<640x64xf32, #tpu.memory_space<vmem>>, vector<16xf32>,
        %get3A_567 = arith.index_cast %select_n3A_542 : i32 to index
        %get3A_568 = arith.constant 48 : index
        %get3A_569 = tpu.vector_load %arg11[%get3A_567, %get3A_568] {strides = array<i32>} : memref<200x64xf32, #tpu.memory_space<vmem>>, vector<16xf32>,
        %add3A_570 = arith.addf %get3A_566, %get3A_569 : vector<16xf32>
        %swap3A_571 = arith.index_cast %add3A_535 : i32 to index
        %swap3A_572 = arith.constant 0 : index
        %swap3A_573 = tpu.vector_load %arg9[%swap3A_571, %swap3A_572] {strides = array<i32>} : memref<640x64xf32, #tpu.memory_space<vmem>>, vector<16xf32>,
        tpu.vector_store %arg9[%swap3A_571, %swap3A_572], %add3A_549 {strides = array<i32>} : memref<640x64xf32, #tpu.memory_space<vmem>>, vector<16xf32>,
        %swap3A_574 = arith.index_cast %add3A_535 : i32 to index
        %swap3A_575 = arith.constant 16 : index
        %swap3A_576 = tpu.vector_load %arg9[%swap3A_574, %swap3A_575] {strides = array<i32>} : memref<640x64xf32, #tpu.memory_space<vmem>>, vector<16xf32>,
        tpu.vector_store %arg9[%swap3A_574, %swap3A_575], %add3A_556 {strides = array<i32>} : memref<640x64xf32, #tpu.memory_space<vmem>>, vector<16xf32>,
        %swap3A_577 = arith.index_cast %add3A_535 : i32 to index
        %swap3A_578 = arith.constant 32 : index
        %swap3A_579 = tpu.vector_load %arg9[%swap3A_577, %swap3A_578] {strides = array<i32>} : memref<640x64xf32, #tpu.memory_space<vmem>>, vector<16xf32>,
        tpu.vector_store %arg9[%swap3A_577, %swap3A_578], %add3A_563 {strides = array<i32>} : memref<640x64xf32, #tpu.memory_space<vmem>>, vector<16xf32>,
        %swap3A_580 = arith.index_cast %add3A_535 : i32 to index
        %swap3A_581 = arith.constant 48 : index
        %swap3A_582 = tpu.vector_load %arg9[%swap3A_580, %swap3A_581] {strides = array<i32>} : memref<640x64xf32, #tpu.memory_space<vmem>>, vector<16xf32>,
        tpu.vector_store %arg9[%swap3A_580, %swap3A_581], %add3A_570 {strides = array<i32>} : memref<640x64xf32, #tpu.memory_space<vmem>>, vector<16xf32>,
        %add3A_583 = arith.addf %add3A_549, %add3A_556 : vector<16xf32>
        %add3A_584 = arith.addf %add3A_563, %add3A_570 : vector<16xf32>
        %add3A_585 = arith.addf %add3A_583, %add3A_584 : vector<16xf32>
        %mul3A_586 = arith.mulf %add3A_549, %add3A_549 : vector<16xf32>
        %mul3A_587 = arith.mulf %add3A_556, %add3A_556 : vector<16xf32>
        %add3A_588 = arith.addf %mul3A_586, %mul3A_587 : vector<16xf32>
        %mul3A_589 = arith.mulf %add3A_563, %add3A_563 : vector<16xf32>
        %mul3A_590 = arith.mulf %add3A_570, %add3A_570 : vector<16xf32>
        %add3A_591 = arith.addf %mul3A_589, %mul3A_590 : vector<16xf32>
        %add3A_592 = arith.addf %add3A_588, %add3A_591 : vector<16xf32>
        %add3A_593 = arith.constant 119 : i32
        %add3A_594 = vector.broadcast %add3A_593 : i32 to vector<16xi32>
        %add3A_595 = arith.addi %iota3A, %add3A_594 : vector<16xi32>
        tpu.vector_store_idx %arg14[%add3A_595], %add3A_585 : memref<272xf32, #tpu.memory_space<vmem>>[vector<16xi32>], vector<16xf32>,
        %add3A_596 = arith.constant 119 : i32
        %add3A_597 = vector.broadcast %add3A_596 : i32 to vector<16xi32>
        %add3A_598 = arith.addi %iota3A, %add3A_597 : vector<16xi32>
        tpu.vector_store_idx %arg15[%add3A_598], %add3A_592 : memref<272xf32, #tpu.memory_space<vmem>>[vector<16xi32>], vector<16xf32>,
        %add3A_599 = arith.constant 8 : i32
        %add3A_600 = arith.addi %mul3A_79, %add3A_599 : i32
        %add3A_601 = arith.constant 8 : i32
        %add3A_602 = arith.addi %rem3A_82, %add3A_601 : i32
        %ge3A_603 = arith.constant 200 : i32
        %ge3A_604 = arith.cmpi sge, %add3A_602, %ge3A_603 : i32
        %sub3A_605 = arith.constant 200 : i32
        %sub3A_606 = arith.subi %add3A_602, %sub3A_605 : i32
        %select_n3A_607 = arith.select %ge3A_604, %sub3A_606, %add3A_602 : i32
        %get3A_608 = arith.index_cast %add3A_600 : i32 to index
        %get3A_609 = arith.constant 0 : index
        %get3A_610 = tpu.vector_load %arg9[%get3A_608, %get3A_609] {strides = array<i32>} : memref<640x64xf32, #tpu.memory_space<vmem>>, vector<16xf32>,
        %get3A_611 = arith.index_cast %select_n3A_607 : i32 to index
        %get3A_612 = arith.constant 0 : index
        %get3A_613 = tpu.vector_load %arg11[%get3A_611, %get3A_612] {strides = array<i32>} : memref<200x64xf32, #tpu.memory_space<vmem>>, vector<16xf32>,
        %add3A_614 = arith.addf %get3A_610, %get3A_613 : vector<16xf32>
        %get3A_615 = arith.index_cast %add3A_600 : i32 to index
        %get3A_616 = arith.constant 16 : index
        %get3A_617 = tpu.vector_load %arg9[%get3A_615, %get3A_616] {strides = array<i32>} : memref<640x64xf32, #tpu.memory_space<vmem>>, vector<16xf32>,
        %get3A_618 = arith.index_cast %select_n3A_607 : i32 to index
        %get3A_619 = arith.constant 16 : index
        %get3A_620 = tpu.vector_load %arg11[%get3A_618, %get3A_619] {strides = array<i32>} : memref<200x64xf32, #tpu.memory_space<vmem>>, vector<16xf32>,
        %add3A_621 = arith.addf %get3A_617, %get3A_620 : vector<16xf32>
        %get3A_622 = arith.index_cast %add3A_600 : i32 to index
        %get3A_623 = arith.constant 32 : index
        %get3A_624 = tpu.vector_load %arg9[%get3A_622, %get3A_623] {strides = array<i32>} : memref<640x64xf32, #tpu.memory_space<vmem>>, vector<16xf32>,
        %get3A_625 = arith.index_cast %select_n3A_607 : i32 to index
        %get3A_626 = arith.constant 32 : index
        %get3A_627 = tpu.vector_load %arg11[%get3A_625, %get3A_626] {strides = array<i32>} : memref<200x64xf32, #tpu.memory_space<vmem>>, vector<16xf32>,
        %add3A_628 = arith.addf %get3A_624, %get3A_627 : vector<16xf32>
        %get3A_629 = arith.index_cast %add3A_600 : i32 to index
        %get3A_630 = arith.constant 48 : index
        %get3A_631 = tpu.vector_load %arg9[%get3A_629, %get3A_630] {strides = array<i32>} : memref<640x64xf32, #tpu.memory_space<vmem>>, vector<16xf32>,
        %get3A_632 = arith.index_cast %select_n3A_607 : i32 to index
        %get3A_633 = arith.constant 48 : index
        %get3A_634 = tpu.vector_load %arg11[%get3A_632, %get3A_633] {strides = array<i32>} : memref<200x64xf32, #tpu.memory_space<vmem>>, vector<16xf32>,
        %add3A_635 = arith.addf %get3A_631, %get3A_634 : vector<16xf32>
        %swap3A_636 = arith.index_cast %add3A_600 : i32 to index
        %swap3A_637 = arith.constant 0 : index
        %swap3A_638 = tpu.vector_load %arg9[%swap3A_636, %swap3A_637] {strides = array<i32>} : memref<640x64xf32, #tpu.memory_space<vmem>>, vector<16xf32>,
        tpu.vector_store %arg9[%swap3A_636, %swap3A_637], %add3A_614 {strides = array<i32>} : memref<640x64xf32, #tpu.memory_space<vmem>>, vector<16xf32>,
        %swap3A_639 = arith.index_cast %add3A_600 : i32 to index
        %swap3A_640 = arith.constant 16 : index
        %swap3A_641 = tpu.vector_load %arg9[%swap3A_639, %swap3A_640] {strides = array<i32>} : memref<640x64xf32, #tpu.memory_space<vmem>>, vector<16xf32>,
        tpu.vector_store %arg9[%swap3A_639, %swap3A_640], %add3A_621 {strides = array<i32>} : memref<640x64xf32, #tpu.memory_space<vmem>>, vector<16xf32>,
        %swap3A_642 = arith.index_cast %add3A_600 : i32 to index
        %swap3A_643 = arith.constant 32 : index
        %swap3A_644 = tpu.vector_load %arg9[%swap3A_642, %swap3A_643] {strides = array<i32>} : memref<640x64xf32, #tpu.memory_space<vmem>>, vector<16xf32>,
        tpu.vector_store %arg9[%swap3A_642, %swap3A_643], %add3A_628 {strides = array<i32>} : memref<640x64xf32, #tpu.memory_space<vmem>>, vector<16xf32>,
        %swap3A_645 = arith.index_cast %add3A_600 : i32 to index
        %swap3A_646 = arith.constant 48 : index
        %swap3A_647 = tpu.vector_load %arg9[%swap3A_645, %swap3A_646] {strides = array<i32>} : memref<640x64xf32, #tpu.memory_space<vmem>>, vector<16xf32>,
        tpu.vector_store %arg9[%swap3A_645, %swap3A_646], %add3A_635 {strides = array<i32>} : memref<640x64xf32, #tpu.memory_space<vmem>>, vector<16xf32>,
        %add3A_648 = arith.addf %add3A_614, %add3A_621 : vector<16xf32>
        %add3A_649 = arith.addf %add3A_628, %add3A_635 : vector<16xf32>
        %add3A_650 = arith.addf %add3A_648, %add3A_649 : vector<16xf32>
        %mul3A_651 = arith.mulf %add3A_614, %add3A_614 : vector<16xf32>
        %mul3A_652 = arith.mulf %add3A_621, %add3A_621 : vector<16xf32>
        %add3A_653 = arith.addf %mul3A_651, %mul3A_652 : vector<16xf32>
        %mul3A_654 = arith.mulf %add3A_628, %add3A_628 : vector<16xf32>
        %mul3A_655 = arith.mulf %add3A_635, %add3A_635 : vector<16xf32>
        %add3A_656 = arith.addf %mul3A_654, %mul3A_655 : vector<16xf32>
        %add3A_657 = arith.addf %add3A_653, %add3A_656 : vector<16xf32>
        %add3A_658 = arith.constant 136 : i32
        %add3A_659 = vector.broadcast %add3A_658 : i32 to vector<16xi32>
        %add3A_660 = arith.addi %iota3A, %add3A_659 : vector<16xi32>
        tpu.vector_store_idx %arg14[%add3A_660], %add3A_650 : memref<272xf32, #tpu.memory_space<vmem>>[vector<16xi32>], vector<16xf32>,
        %add3A_661 = arith.constant 136 : i32
        %add3A_662 = vector.broadcast %add3A_661 : i32 to vector<16xi32>
        %add3A_663 = arith.addi %iota3A, %add3A_662 : vector<16xi32>
        tpu.vector_store_idx %arg15[%add3A_663], %add3A_657 : memref<272xf32, #tpu.memory_space<vmem>>[vector<16xi32>], vector<16xf32>,
        %add3A_664 = arith.constant 9 : i32
        %add3A_665 = arith.addi %mul3A_79, %add3A_664 : i32
        %add3A_666 = arith.constant 9 : i32
        %add3A_667 = arith.addi %rem3A_82, %add3A_666 : i32
        %ge3A_668 = arith.constant 200 : i32
        %ge3A_669 = arith.cmpi sge, %add3A_667, %ge3A_668 : i32
        %sub3A_670 = arith.constant 200 : i32
        %sub3A_671 = arith.subi %add3A_667, %sub3A_670 : i32
        %select_n3A_672 = arith.select %ge3A_669, %sub3A_671, %add3A_667 : i32
        %get3A_673 = arith.index_cast %add3A_665 : i32 to index
        %get3A_674 = arith.constant 0 : index
        %get3A_675 = tpu.vector_load %arg9[%get3A_673, %get3A_674] {strides = array<i32>} : memref<640x64xf32, #tpu.memory_space<vmem>>, vector<16xf32>,
        %get3A_676 = arith.index_cast %select_n3A_672 : i32 to index
        %get3A_677 = arith.constant 0 : index
        %get3A_678 = tpu.vector_load %arg11[%get3A_676, %get3A_677] {strides = array<i32>} : memref<200x64xf32, #tpu.memory_space<vmem>>, vector<16xf32>,
        %add3A_679 = arith.addf %get3A_675, %get3A_678 : vector<16xf32>
        %get3A_680 = arith.index_cast %add3A_665 : i32 to index
        %get3A_681 = arith.constant 16 : index
        %get3A_682 = tpu.vector_load %arg9[%get3A_680, %get3A_681] {strides = array<i32>} : memref<640x64xf32, #tpu.memory_space<vmem>>, vector<16xf32>,
        %get3A_683 = arith.index_cast %select_n3A_672 : i32 to index
        %get3A_684 = arith.constant 16 : index
        %get3A_685 = tpu.vector_load %arg11[%get3A_683, %get3A_684] {strides = array<i32>} : memref<200x64xf32, #tpu.memory_space<vmem>>, vector<16xf32>,
        %add3A_686 = arith.addf %get3A_682, %get3A_685 : vector<16xf32>
        %get3A_687 = arith.index_cast %add3A_665 : i32 to index
        %get3A_688 = arith.constant 32 : index
        %get3A_689 = tpu.vector_load %arg9[%get3A_687, %get3A_688] {strides = array<i32>} : memref<640x64xf32, #tpu.memory_space<vmem>>, vector<16xf32>,
        %get3A_690 = arith.index_cast %select_n3A_672 : i32 to index
        %get3A_691 = arith.constant 32 : index
        %get3A_692 = tpu.vector_load %arg11[%get3A_690, %get3A_691] {strides = array<i32>} : memref<200x64xf32, #tpu.memory_space<vmem>>, vector<16xf32>,
        %add3A_693 = arith.addf %get3A_689, %get3A_692 : vector<16xf32>
        %get3A_694 = arith.index_cast %add3A_665 : i32 to index
        %get3A_695 = arith.constant 48 : index
        %get3A_696 = tpu.vector_load %arg9[%get3A_694, %get3A_695] {strides = array<i32>} : memref<640x64xf32, #tpu.memory_space<vmem>>, vector<16xf32>,
        %get3A_697 = arith.index_cast %select_n3A_672 : i32 to index
        %get3A_698 = arith.constant 48 : index
        %get3A_699 = tpu.vector_load %arg11[%get3A_697, %get3A_698] {strides = array<i32>} : memref<200x64xf32, #tpu.memory_space<vmem>>, vector<16xf32>,
        %add3A_700 = arith.addf %get3A_696, %get3A_699 : vector<16xf32>
        %swap3A_701 = arith.index_cast %add3A_665 : i32 to index
        %swap3A_702 = arith.constant 0 : index
        %swap3A_703 = tpu.vector_load %arg9[%swap3A_701, %swap3A_702] {strides = array<i32>} : memref<640x64xf32, #tpu.memory_space<vmem>>, vector<16xf32>,
        tpu.vector_store %arg9[%swap3A_701, %swap3A_702], %add3A_679 {strides = array<i32>} : memref<640x64xf32, #tpu.memory_space<vmem>>, vector<16xf32>,
        %swap3A_704 = arith.index_cast %add3A_665 : i32 to index
        %swap3A_705 = arith.constant 16 : index
        %swap3A_706 = tpu.vector_load %arg9[%swap3A_704, %swap3A_705] {strides = array<i32>} : memref<640x64xf32, #tpu.memory_space<vmem>>, vector<16xf32>,
        tpu.vector_store %arg9[%swap3A_704, %swap3A_705], %add3A_686 {strides = array<i32>} : memref<640x64xf32, #tpu.memory_space<vmem>>, vector<16xf32>,
        %swap3A_707 = arith.index_cast %add3A_665 : i32 to index
        %swap3A_708 = arith.constant 32 : index
        %swap3A_709 = tpu.vector_load %arg9[%swap3A_707, %swap3A_708] {strides = array<i32>} : memref<640x64xf32, #tpu.memory_space<vmem>>, vector<16xf32>,
        tpu.vector_store %arg9[%swap3A_707, %swap3A_708], %add3A_693 {strides = array<i32>} : memref<640x64xf32, #tpu.memory_space<vmem>>, vector<16xf32>,
        %swap3A_710 = arith.index_cast %add3A_665 : i32 to index
        %swap3A_711 = arith.constant 48 : index
        %swap3A_712 = tpu.vector_load %arg9[%swap3A_710, %swap3A_711] {strides = array<i32>} : memref<640x64xf32, #tpu.memory_space<vmem>>, vector<16xf32>,
        tpu.vector_store %arg9[%swap3A_710, %swap3A_711], %add3A_700 {strides = array<i32>} : memref<640x64xf32, #tpu.memory_space<vmem>>, vector<16xf32>,
        %add3A_713 = arith.addf %add3A_679, %add3A_686 : vector<16xf32>
        %add3A_714 = arith.addf %add3A_693, %add3A_700 : vector<16xf32>
        %add3A_715 = arith.addf %add3A_713, %add3A_714 : vector<16xf32>
        %mul3A_716 = arith.mulf %add3A_679, %add3A_679 : vector<16xf32>
        %mul3A_717 = arith.mulf %add3A_686, %add3A_686 : vector<16xf32>
        %add3A_718 = arith.addf %mul3A_716, %mul3A_717 : vector<16xf32>
        %mul3A_719 = arith.mulf %add3A_693, %add3A_693 : vector<16xf32>
        %mul3A_720 = arith.mulf %add3A_700, %add3A_700 : vector<16xf32>
        %add3A_721 = arith.addf %mul3A_719, %mul3A_720 : vector<16xf32>
        %add3A_722 = arith.addf %add3A_718, %add3A_721 : vector<16xf32>
        %add3A_723 = arith.constant 153 : i32
        %add3A_724 = vector.broadcast %add3A_723 : i32 to vector<16xi32>
        %add3A_725 = arith.addi %iota3A, %add3A_724 : vector<16xi32>
        tpu.vector_store_idx %arg14[%add3A_725], %add3A_715 : memref<272xf32, #tpu.memory_space<vmem>>[vector<16xi32>], vector<16xf32>,
        %add3A_726 = arith.constant 153 : i32
        %add3A_727 = vector.broadcast %add3A_726 : i32 to vector<16xi32>
        %add3A_728 = arith.addi %iota3A, %add3A_727 : vector<16xi32>
        tpu.vector_store_idx %arg15[%add3A_728], %add3A_722 : memref<272xf32, #tpu.memory_space<vmem>>[vector<16xi32>], vector<16xf32>,
        %add3A_729 = arith.constant 10 : i32
        %add3A_730 = arith.addi %mul3A_79, %add3A_729 : i32
        %add3A_731 = arith.constant 10 : i32
        %add3A_732 = arith.addi %rem3A_82, %add3A_731 : i32
        %ge3A_733 = arith.constant 200 : i32
        %ge3A_734 = arith.cmpi sge, %add3A_732, %ge3A_733 : i32
        %sub3A_735 = arith.constant 200 : i32
        %sub3A_736 = arith.subi %add3A_732, %sub3A_735 : i32
        %select_n3A_737 = arith.select %ge3A_734, %sub3A_736, %add3A_732 : i32
        %get3A_738 = arith.index_cast %add3A_730 : i32 to index
        %get3A_739 = arith.constant 0 : index
        %get3A_740 = tpu.vector_load %arg9[%get3A_738, %get3A_739] {strides = array<i32>} : memref<640x64xf32, #tpu.memory_space<vmem>>, vector<16xf32>,
        %get3A_741 = arith.index_cast %select_n3A_737 : i32 to index
        %get3A_742 = arith.constant 0 : index
        %get3A_743 = tpu.vector_load %arg11[%get3A_741, %get3A_742] {strides = array<i32>} : memref<200x64xf32, #tpu.memory_space<vmem>>, vector<16xf32>,
        %add3A_744 = arith.addf %get3A_740, %get3A_743 : vector<16xf32>
        %get3A_745 = arith.index_cast %add3A_730 : i32 to index
        %get3A_746 = arith.constant 16 : index
        %get3A_747 = tpu.vector_load %arg9[%get3A_745, %get3A_746] {strides = array<i32>} : memref<640x64xf32, #tpu.memory_space<vmem>>, vector<16xf32>,
        %get3A_748 = arith.index_cast %select_n3A_737 : i32 to index
        %get3A_749 = arith.constant 16 : index
        %get3A_750 = tpu.vector_load %arg11[%get3A_748, %get3A_749] {strides = array<i32>} : memref<200x64xf32, #tpu.memory_space<vmem>>, vector<16xf32>,
        %add3A_751 = arith.addf %get3A_747, %get3A_750 : vector<16xf32>
        %get3A_752 = arith.index_cast %add3A_730 : i32 to index
        %get3A_753 = arith.constant 32 : index
        %get3A_754 = tpu.vector_load %arg9[%get3A_752, %get3A_753] {strides = array<i32>} : memref<640x64xf32, #tpu.memory_space<vmem>>, vector<16xf32>,
        %get3A_755 = arith.index_cast %select_n3A_737 : i32 to index
        %get3A_756 = arith.constant 32 : index
        %get3A_757 = tpu.vector_load %arg11[%get3A_755, %get3A_756] {strides = array<i32>} : memref<200x64xf32, #tpu.memory_space<vmem>>, vector<16xf32>,
        %add3A_758 = arith.addf %get3A_754, %get3A_757 : vector<16xf32>
        %get3A_759 = arith.index_cast %add3A_730 : i32 to index
        %get3A_760 = arith.constant 48 : index
        %get3A_761 = tpu.vector_load %arg9[%get3A_759, %get3A_760] {strides = array<i32>} : memref<640x64xf32, #tpu.memory_space<vmem>>, vector<16xf32>,
        %get3A_762 = arith.index_cast %select_n3A_737 : i32 to index
        %get3A_763 = arith.constant 48 : index
        %get3A_764 = tpu.vector_load %arg11[%get3A_762, %get3A_763] {strides = array<i32>} : memref<200x64xf32, #tpu.memory_space<vmem>>, vector<16xf32>,
        %add3A_765 = arith.addf %get3A_761, %get3A_764 : vector<16xf32>
        %swap3A_766 = arith.index_cast %add3A_730 : i32 to index
        %swap3A_767 = arith.constant 0 : index
        %swap3A_768 = tpu.vector_load %arg9[%swap3A_766, %swap3A_767] {strides = array<i32>} : memref<640x64xf32, #tpu.memory_space<vmem>>, vector<16xf32>,
        tpu.vector_store %arg9[%swap3A_766, %swap3A_767], %add3A_744 {strides = array<i32>} : memref<640x64xf32, #tpu.memory_space<vmem>>, vector<16xf32>,
        %swap3A_769 = arith.index_cast %add3A_730 : i32 to index
        %swap3A_770 = arith.constant 16 : index
        %swap3A_771 = tpu.vector_load %arg9[%swap3A_769, %swap3A_770] {strides = array<i32>} : memref<640x64xf32, #tpu.memory_space<vmem>>, vector<16xf32>,
        tpu.vector_store %arg9[%swap3A_769, %swap3A_770], %add3A_751 {strides = array<i32>} : memref<640x64xf32, #tpu.memory_space<vmem>>, vector<16xf32>,
        %swap3A_772 = arith.index_cast %add3A_730 : i32 to index
        %swap3A_773 = arith.constant 32 : index
        %swap3A_774 = tpu.vector_load %arg9[%swap3A_772, %swap3A_773] {strides = array<i32>} : memref<640x64xf32, #tpu.memory_space<vmem>>, vector<16xf32>,
        tpu.vector_store %arg9[%swap3A_772, %swap3A_773], %add3A_758 {strides = array<i32>} : memref<640x64xf32, #tpu.memory_space<vmem>>, vector<16xf32>,
        %swap3A_775 = arith.index_cast %add3A_730 : i32 to index
        %swap3A_776 = arith.constant 48 : index
        %swap3A_777 = tpu.vector_load %arg9[%swap3A_775, %swap3A_776] {strides = array<i32>} : memref<640x64xf32, #tpu.memory_space<vmem>>, vector<16xf32>,
        tpu.vector_store %arg9[%swap3A_775, %swap3A_776], %add3A_765 {strides = array<i32>} : memref<640x64xf32, #tpu.memory_space<vmem>>, vector<16xf32>,
        %add3A_778 = arith.addf %add3A_744, %add3A_751 : vector<16xf32>
        %add3A_779 = arith.addf %add3A_758, %add3A_765 : vector<16xf32>
        %add3A_780 = arith.addf %add3A_778, %add3A_779 : vector<16xf32>
        %mul3A_781 = arith.mulf %add3A_744, %add3A_744 : vector<16xf32>
        %mul3A_782 = arith.mulf %add3A_751, %add3A_751 : vector<16xf32>
        %add3A_783 = arith.addf %mul3A_781, %mul3A_782 : vector<16xf32>
        %mul3A_784 = arith.mulf %add3A_758, %add3A_758 : vector<16xf32>
        %mul3A_785 = arith.mulf %add3A_765, %add3A_765 : vector<16xf32>
        %add3A_786 = arith.addf %mul3A_784, %mul3A_785 : vector<16xf32>
        %add3A_787 = arith.addf %add3A_783, %add3A_786 : vector<16xf32>
        %add3A_788 = arith.constant 170 : i32
        %add3A_789 = vector.broadcast %add3A_788 : i32 to vector<16xi32>
        %add3A_790 = arith.addi %iota3A, %add3A_789 : vector<16xi32>
        tpu.vector_store_idx %arg14[%add3A_790], %add3A_780 : memref<272xf32, #tpu.memory_space<vmem>>[vector<16xi32>], vector<16xf32>,
        %add3A_791 = arith.constant 170 : i32
        %add3A_792 = vector.broadcast %add3A_791 : i32 to vector<16xi32>
        %add3A_793 = arith.addi %iota3A, %add3A_792 : vector<16xi32>
        tpu.vector_store_idx %arg15[%add3A_793], %add3A_787 : memref<272xf32, #tpu.memory_space<vmem>>[vector<16xi32>], vector<16xf32>,
        %add3A_794 = arith.constant 11 : i32
        %add3A_795 = arith.addi %mul3A_79, %add3A_794 : i32
        %add3A_796 = arith.constant 11 : i32
        %add3A_797 = arith.addi %rem3A_82, %add3A_796 : i32
        %ge3A_798 = arith.constant 200 : i32
        %ge3A_799 = arith.cmpi sge, %add3A_797, %ge3A_798 : i32
        %sub3A_800 = arith.constant 200 : i32
        %sub3A_801 = arith.subi %add3A_797, %sub3A_800 : i32
        %select_n3A_802 = arith.select %ge3A_799, %sub3A_801, %add3A_797 : i32
        %get3A_803 = arith.index_cast %add3A_795 : i32 to index
        %get3A_804 = arith.constant 0 : index
        %get3A_805 = tpu.vector_load %arg9[%get3A_803, %get3A_804] {strides = array<i32>} : memref<640x64xf32, #tpu.memory_space<vmem>>, vector<16xf32>,
        %get3A_806 = arith.index_cast %select_n3A_802 : i32 to index
        %get3A_807 = arith.constant 0 : index
        %get3A_808 = tpu.vector_load %arg11[%get3A_806, %get3A_807] {strides = array<i32>} : memref<200x64xf32, #tpu.memory_space<vmem>>, vector<16xf32>,
        %add3A_809 = arith.addf %get3A_805, %get3A_808 : vector<16xf32>
        %get3A_810 = arith.index_cast %add3A_795 : i32 to index
        %get3A_811 = arith.constant 16 : index
        %get3A_812 = tpu.vector_load %arg9[%get3A_810, %get3A_811] {strides = array<i32>} : memref<640x64xf32, #tpu.memory_space<vmem>>, vector<16xf32>,
        %get3A_813 = arith.index_cast %select_n3A_802 : i32 to index
        %get3A_814 = arith.constant 16 : index
        %get3A_815 = tpu.vector_load %arg11[%get3A_813, %get3A_814] {strides = array<i32>} : memref<200x64xf32, #tpu.memory_space<vmem>>, vector<16xf32>,
        %add3A_816 = arith.addf %get3A_812, %get3A_815 : vector<16xf32>
        %get3A_817 = arith.index_cast %add3A_795 : i32 to index
        %get3A_818 = arith.constant 32 : index
        %get3A_819 = tpu.vector_load %arg9[%get3A_817, %get3A_818] {strides = array<i32>} : memref<640x64xf32, #tpu.memory_space<vmem>>, vector<16xf32>,
        %get3A_820 = arith.index_cast %select_n3A_802 : i32 to index
        %get3A_821 = arith.constant 32 : index
        %get3A_822 = tpu.vector_load %arg11[%get3A_820, %get3A_821] {strides = array<i32>} : memref<200x64xf32, #tpu.memory_space<vmem>>, vector<16xf32>,
        %add3A_823 = arith.addf %get3A_819, %get3A_822 : vector<16xf32>
        %get3A_824 = arith.index_cast %add3A_795 : i32 to index
        %get3A_825 = arith.constant 48 : index
        %get3A_826 = tpu.vector_load %arg9[%get3A_824, %get3A_825] {strides = array<i32>} : memref<640x64xf32, #tpu.memory_space<vmem>>, vector<16xf32>,
        %get3A_827 = arith.index_cast %select_n3A_802 : i32 to index
        %get3A_828 = arith.constant 48 : index
        %get3A_829 = tpu.vector_load %arg11[%get3A_827, %get3A_828] {strides = array<i32>} : memref<200x64xf32, #tpu.memory_space<vmem>>, vector<16xf32>,
        %add3A_830 = arith.addf %get3A_826, %get3A_829 : vector<16xf32>
        %swap3A_831 = arith.index_cast %add3A_795 : i32 to index
        %swap3A_832 = arith.constant 0 : index
        %swap3A_833 = tpu.vector_load %arg9[%swap3A_831, %swap3A_832] {strides = array<i32>} : memref<640x64xf32, #tpu.memory_space<vmem>>, vector<16xf32>,
        tpu.vector_store %arg9[%swap3A_831, %swap3A_832], %add3A_809 {strides = array<i32>} : memref<640x64xf32, #tpu.memory_space<vmem>>, vector<16xf32>,
        %swap3A_834 = arith.index_cast %add3A_795 : i32 to index
        %swap3A_835 = arith.constant 16 : index
        %swap3A_836 = tpu.vector_load %arg9[%swap3A_834, %swap3A_835] {strides = array<i32>} : memref<640x64xf32, #tpu.memory_space<vmem>>, vector<16xf32>,
        tpu.vector_store %arg9[%swap3A_834, %swap3A_835], %add3A_816 {strides = array<i32>} : memref<640x64xf32, #tpu.memory_space<vmem>>, vector<16xf32>,
        %swap3A_837 = arith.index_cast %add3A_795 : i32 to index
        %swap3A_838 = arith.constant 32 : index
        %swap3A_839 = tpu.vector_load %arg9[%swap3A_837, %swap3A_838] {strides = array<i32>} : memref<640x64xf32, #tpu.memory_space<vmem>>, vector<16xf32>,
        tpu.vector_store %arg9[%swap3A_837, %swap3A_838], %add3A_823 {strides = array<i32>} : memref<640x64xf32, #tpu.memory_space<vmem>>, vector<16xf32>,
        %swap3A_840 = arith.index_cast %add3A_795 : i32 to index
        %swap3A_841 = arith.constant 48 : index
        %swap3A_842 = tpu.vector_load %arg9[%swap3A_840, %swap3A_841] {strides = array<i32>} : memref<640x64xf32, #tpu.memory_space<vmem>>, vector<16xf32>,
        tpu.vector_store %arg9[%swap3A_840, %swap3A_841], %add3A_830 {strides = array<i32>} : memref<640x64xf32, #tpu.memory_space<vmem>>, vector<16xf32>,
        %add3A_843 = arith.addf %add3A_809, %add3A_816 : vector<16xf32>
        %add3A_844 = arith.addf %add3A_823, %add3A_830 : vector<16xf32>
        %add3A_845 = arith.addf %add3A_843, %add3A_844 : vector<16xf32>
        %mul3A_846 = arith.mulf %add3A_809, %add3A_809 : vector<16xf32>
        %mul3A_847 = arith.mulf %add3A_816, %add3A_816 : vector<16xf32>
        %add3A_848 = arith.addf %mul3A_846, %mul3A_847 : vector<16xf32>
        %mul3A_849 = arith.mulf %add3A_823, %add3A_823 : vector<16xf32>
        %mul3A_850 = arith.mulf %add3A_830, %add3A_830 : vector<16xf32>
        %add3A_851 = arith.addf %mul3A_849, %mul3A_850 : vector<16xf32>
        %add3A_852 = arith.addf %add3A_848, %add3A_851 : vector<16xf32>
        %add3A_853 = arith.constant 187 : i32
        %add3A_854 = vector.broadcast %add3A_853 : i32 to vector<16xi32>
        %add3A_855 = arith.addi %iota3A, %add3A_854 : vector<16xi32>
        tpu.vector_store_idx %arg14[%add3A_855], %add3A_845 : memref<272xf32, #tpu.memory_space<vmem>>[vector<16xi32>], vector<16xf32>,
        %add3A_856 = arith.constant 187 : i32
        %add3A_857 = vector.broadcast %add3A_856 : i32 to vector<16xi32>
        %add3A_858 = arith.addi %iota3A, %add3A_857 : vector<16xi32>
        tpu.vector_store_idx %arg15[%add3A_858], %add3A_852 : memref<272xf32, #tpu.memory_space<vmem>>[vector<16xi32>], vector<16xf32>,
        %add3A_859 = arith.constant 12 : i32
        %add3A_860 = arith.addi %mul3A_79, %add3A_859 : i32
        %add3A_861 = arith.constant 12 : i32
        %add3A_862 = arith.addi %rem3A_82, %add3A_861 : i32
        %ge3A_863 = arith.constant 200 : i32
        %ge3A_864 = arith.cmpi sge, %add3A_862, %ge3A_863 : i32
        %sub3A_865 = arith.constant 200 : i32
        %sub3A_866 = arith.subi %add3A_862, %sub3A_865 : i32
        %select_n3A_867 = arith.select %ge3A_864, %sub3A_866, %add3A_862 : i32
        %get3A_868 = arith.index_cast %add3A_860 : i32 to index
        %get3A_869 = arith.constant 0 : index
        %get3A_870 = tpu.vector_load %arg9[%get3A_868, %get3A_869] {strides = array<i32>} : memref<640x64xf32, #tpu.memory_space<vmem>>, vector<16xf32>,
        %get3A_871 = arith.index_cast %select_n3A_867 : i32 to index
        %get3A_872 = arith.constant 0 : index
        %get3A_873 = tpu.vector_load %arg11[%get3A_871, %get3A_872] {strides = array<i32>} : memref<200x64xf32, #tpu.memory_space<vmem>>, vector<16xf32>,
        %add3A_874 = arith.addf %get3A_870, %get3A_873 : vector<16xf32>
        %get3A_875 = arith.index_cast %add3A_860 : i32 to index
        %get3A_876 = arith.constant 16 : index
        %get3A_877 = tpu.vector_load %arg9[%get3A_875, %get3A_876] {strides = array<i32>} : memref<640x64xf32, #tpu.memory_space<vmem>>, vector<16xf32>,
        %get3A_878 = arith.index_cast %select_n3A_867 : i32 to index
        %get3A_879 = arith.constant 16 : index
        %get3A_880 = tpu.vector_load %arg11[%get3A_878, %get3A_879] {strides = array<i32>} : memref<200x64xf32, #tpu.memory_space<vmem>>, vector<16xf32>,
        %add3A_881 = arith.addf %get3A_877, %get3A_880 : vector<16xf32>
        %get3A_882 = arith.index_cast %add3A_860 : i32 to index
        %get3A_883 = arith.constant 32 : index
        %get3A_884 = tpu.vector_load %arg9[%get3A_882, %get3A_883] {strides = array<i32>} : memref<640x64xf32, #tpu.memory_space<vmem>>, vector<16xf32>,
        %get3A_885 = arith.index_cast %select_n3A_867 : i32 to index
        %get3A_886 = arith.constant 32 : index
        %get3A_887 = tpu.vector_load %arg11[%get3A_885, %get3A_886] {strides = array<i32>} : memref<200x64xf32, #tpu.memory_space<vmem>>, vector<16xf32>,
        %add3A_888 = arith.addf %get3A_884, %get3A_887 : vector<16xf32>
        %get3A_889 = arith.index_cast %add3A_860 : i32 to index
        %get3A_890 = arith.constant 48 : index
        %get3A_891 = tpu.vector_load %arg9[%get3A_889, %get3A_890] {strides = array<i32>} : memref<640x64xf32, #tpu.memory_space<vmem>>, vector<16xf32>,
        %get3A_892 = arith.index_cast %select_n3A_867 : i32 to index
        %get3A_893 = arith.constant 48 : index
        %get3A_894 = tpu.vector_load %arg11[%get3A_892, %get3A_893] {strides = array<i32>} : memref<200x64xf32, #tpu.memory_space<vmem>>, vector<16xf32>,
        %add3A_895 = arith.addf %get3A_891, %get3A_894 : vector<16xf32>
        %swap3A_896 = arith.index_cast %add3A_860 : i32 to index
        %swap3A_897 = arith.constant 0 : index
        %swap3A_898 = tpu.vector_load %arg9[%swap3A_896, %swap3A_897] {strides = array<i32>} : memref<640x64xf32, #tpu.memory_space<vmem>>, vector<16xf32>,
        tpu.vector_store %arg9[%swap3A_896, %swap3A_897], %add3A_874 {strides = array<i32>} : memref<640x64xf32, #tpu.memory_space<vmem>>, vector<16xf32>,
        %swap3A_899 = arith.index_cast %add3A_860 : i32 to index
        %swap3A_900 = arith.constant 16 : index
        %swap3A_901 = tpu.vector_load %arg9[%swap3A_899, %swap3A_900] {strides = array<i32>} : memref<640x64xf32, #tpu.memory_space<vmem>>, vector<16xf32>,
        tpu.vector_store %arg9[%swap3A_899, %swap3A_900], %add3A_881 {strides = array<i32>} : memref<640x64xf32, #tpu.memory_space<vmem>>, vector<16xf32>,
        %swap3A_902 = arith.index_cast %add3A_860 : i32 to index
        %swap3A_903 = arith.constant 32 : index
        %swap3A_904 = tpu.vector_load %arg9[%swap3A_902, %swap3A_903] {strides = array<i32>} : memref<640x64xf32, #tpu.memory_space<vmem>>, vector<16xf32>,
        tpu.vector_store %arg9[%swap3A_902, %swap3A_903], %add3A_888 {strides = array<i32>} : memref<640x64xf32, #tpu.memory_space<vmem>>, vector<16xf32>,
        %swap3A_905 = arith.index_cast %add3A_860 : i32 to index
        %swap3A_906 = arith.constant 48 : index
        %swap3A_907 = tpu.vector_load %arg9[%swap3A_905, %swap3A_906] {strides = array<i32>} : memref<640x64xf32, #tpu.memory_space<vmem>>, vector<16xf32>,
        tpu.vector_store %arg9[%swap3A_905, %swap3A_906], %add3A_895 {strides = array<i32>} : memref<640x64xf32, #tpu.memory_space<vmem>>, vector<16xf32>,
        %add3A_908 = arith.addf %add3A_874, %add3A_881 : vector<16xf32>
        %add3A_909 = arith.addf %add3A_888, %add3A_895 : vector<16xf32>
        %add3A_910 = arith.addf %add3A_908, %add3A_909 : vector<16xf32>
        %mul3A_911 = arith.mulf %add3A_874, %add3A_874 : vector<16xf32>
        %mul3A_912 = arith.mulf %add3A_881, %add3A_881 : vector<16xf32>
        %add3A_913 = arith.addf %mul3A_911, %mul3A_912 : vector<16xf32>
        %mul3A_914 = arith.mulf %add3A_888, %add3A_888 : vector<16xf32>
        %mul3A_915 = arith.mulf %add3A_895, %add3A_895 : vector<16xf32>
        %add3A_916 = arith.addf %mul3A_914, %mul3A_915 : vector<16xf32>
        %add3A_917 = arith.addf %add3A_913, %add3A_916 : vector<16xf32>
        %add3A_918 = arith.constant 204 : i32
        %add3A_919 = vector.broadcast %add3A_918 : i32 to vector<16xi32>
        %add3A_920 = arith.addi %iota3A, %add3A_919 : vector<16xi32>
        tpu.vector_store_idx %arg14[%add3A_920], %add3A_910 : memref<272xf32, #tpu.memory_space<vmem>>[vector<16xi32>], vector<16xf32>,
        %add3A_921 = arith.constant 204 : i32
        %add3A_922 = vector.broadcast %add3A_921 : i32 to vector<16xi32>
        %add3A_923 = arith.addi %iota3A, %add3A_922 : vector<16xi32>
        tpu.vector_store_idx %arg15[%add3A_923], %add3A_917 : memref<272xf32, #tpu.memory_space<vmem>>[vector<16xi32>], vector<16xf32>,
        %add3A_924 = arith.constant 13 : i32
        %add3A_925 = arith.addi %mul3A_79, %add3A_924 : i32
        %add3A_926 = arith.constant 13 : i32
        %add3A_927 = arith.addi %rem3A_82, %add3A_926 : i32
        %ge3A_928 = arith.constant 200 : i32
        %ge3A_929 = arith.cmpi sge, %add3A_927, %ge3A_928 : i32
        %sub3A_930 = arith.constant 200 : i32
        %sub3A_931 = arith.subi %add3A_927, %sub3A_930 : i32
        %select_n3A_932 = arith.select %ge3A_929, %sub3A_931, %add3A_927 : i32
        %get3A_933 = arith.index_cast %add3A_925 : i32 to index
        %get3A_934 = arith.constant 0 : index
        %get3A_935 = tpu.vector_load %arg9[%get3A_933, %get3A_934] {strides = array<i32>} : memref<640x64xf32, #tpu.memory_space<vmem>>, vector<16xf32>,
        %get3A_936 = arith.index_cast %select_n3A_932 : i32 to index
        %get3A_937 = arith.constant 0 : index
        %get3A_938 = tpu.vector_load %arg11[%get3A_936, %get3A_937] {strides = array<i32>} : memref<200x64xf32, #tpu.memory_space<vmem>>, vector<16xf32>,
        %add3A_939 = arith.addf %get3A_935, %get3A_938 : vector<16xf32>
        %get3A_940 = arith.index_cast %add3A_925 : i32 to index
        %get3A_941 = arith.constant 16 : index
        %get3A_942 = tpu.vector_load %arg9[%get3A_940, %get3A_941] {strides = array<i32>} : memref<640x64xf32, #tpu.memory_space<vmem>>, vector<16xf32>,
        %get3A_943 = arith.index_cast %select_n3A_932 : i32 to index
        %get3A_944 = arith.constant 16 : index
        %get3A_945 = tpu.vector_load %arg11[%get3A_943, %get3A_944] {strides = array<i32>} : memref<200x64xf32, #tpu.memory_space<vmem>>, vector<16xf32>,
        %add3A_946 = arith.addf %get3A_942, %get3A_945 : vector<16xf32>
        %get3A_947 = arith.index_cast %add3A_925 : i32 to index
        %get3A_948 = arith.constant 32 : index
        %get3A_949 = tpu.vector_load %arg9[%get3A_947, %get3A_948] {strides = array<i32>} : memref<640x64xf32, #tpu.memory_space<vmem>>, vector<16xf32>,
        %get3A_950 = arith.index_cast %select_n3A_932 : i32 to index
        %get3A_951 = arith.constant 32 : index
        %get3A_952 = tpu.vector_load %arg11[%get3A_950, %get3A_951] {strides = array<i32>} : memref<200x64xf32, #tpu.memory_space<vmem>>, vector<16xf32>,
        %add3A_953 = arith.addf %get3A_949, %get3A_952 : vector<16xf32>
        %get3A_954 = arith.index_cast %add3A_925 : i32 to index
        %get3A_955 = arith.constant 48 : index
        %get3A_956 = tpu.vector_load %arg9[%get3A_954, %get3A_955] {strides = array<i32>} : memref<640x64xf32, #tpu.memory_space<vmem>>, vector<16xf32>,
        %get3A_957 = arith.index_cast %select_n3A_932 : i32 to index
        %get3A_958 = arith.constant 48 : index
        %get3A_959 = tpu.vector_load %arg11[%get3A_957, %get3A_958] {strides = array<i32>} : memref<200x64xf32, #tpu.memory_space<vmem>>, vector<16xf32>,
        %add3A_960 = arith.addf %get3A_956, %get3A_959 : vector<16xf32>
        %swap3A_961 = arith.index_cast %add3A_925 : i32 to index
        %swap3A_962 = arith.constant 0 : index
        %swap3A_963 = tpu.vector_load %arg9[%swap3A_961, %swap3A_962] {strides = array<i32>} : memref<640x64xf32, #tpu.memory_space<vmem>>, vector<16xf32>,
        tpu.vector_store %arg9[%swap3A_961, %swap3A_962], %add3A_939 {strides = array<i32>} : memref<640x64xf32, #tpu.memory_space<vmem>>, vector<16xf32>,
        %swap3A_964 = arith.index_cast %add3A_925 : i32 to index
        %swap3A_965 = arith.constant 16 : index
        %swap3A_966 = tpu.vector_load %arg9[%swap3A_964, %swap3A_965] {strides = array<i32>} : memref<640x64xf32, #tpu.memory_space<vmem>>, vector<16xf32>,
        tpu.vector_store %arg9[%swap3A_964, %swap3A_965], %add3A_946 {strides = array<i32>} : memref<640x64xf32, #tpu.memory_space<vmem>>, vector<16xf32>,
        %swap3A_967 = arith.index_cast %add3A_925 : i32 to index
        %swap3A_968 = arith.constant 32 : index
        %swap3A_969 = tpu.vector_load %arg9[%swap3A_967, %swap3A_968] {strides = array<i32>} : memref<640x64xf32, #tpu.memory_space<vmem>>, vector<16xf32>,
        tpu.vector_store %arg9[%swap3A_967, %swap3A_968], %add3A_953 {strides = array<i32>} : memref<640x64xf32, #tpu.memory_space<vmem>>, vector<16xf32>,
        %swap3A_970 = arith.index_cast %add3A_925 : i32 to index
        %swap3A_971 = arith.constant 48 : index
        %swap3A_972 = tpu.vector_load %arg9[%swap3A_970, %swap3A_971] {strides = array<i32>} : memref<640x64xf32, #tpu.memory_space<vmem>>, vector<16xf32>,
        tpu.vector_store %arg9[%swap3A_970, %swap3A_971], %add3A_960 {strides = array<i32>} : memref<640x64xf32, #tpu.memory_space<vmem>>, vector<16xf32>,
        %add3A_973 = arith.addf %add3A_939, %add3A_946 : vector<16xf32>
        %add3A_974 = arith.addf %add3A_953, %add3A_960 : vector<16xf32>
        %add3A_975 = arith.addf %add3A_973, %add3A_974 : vector<16xf32>
        %mul3A_976 = arith.mulf %add3A_939, %add3A_939 : vector<16xf32>
        %mul3A_977 = arith.mulf %add3A_946, %add3A_946 : vector<16xf32>
        %add3A_978 = arith.addf %mul3A_976, %mul3A_977 : vector<16xf32>
        %mul3A_979 = arith.mulf %add3A_953, %add3A_953 : vector<16xf32>
        %mul3A_980 = arith.mulf %add3A_960, %add3A_960 : vector<16xf32>
        %add3A_981 = arith.addf %mul3A_979, %mul3A_980 : vector<16xf32>
        %add3A_982 = arith.addf %add3A_978, %add3A_981 : vector<16xf32>
        %add3A_983 = arith.constant 221 : i32
        %add3A_984 = vector.broadcast %add3A_983 : i32 to vector<16xi32>
        %add3A_985 = arith.addi %iota3A, %add3A_984 : vector<16xi32>
        tpu.vector_store_idx %arg14[%add3A_985], %add3A_975 : memref<272xf32, #tpu.memory_space<vmem>>[vector<16xi32>], vector<16xf32>,
        %add3A_986 = arith.constant 221 : i32
        %add3A_987 = vector.broadcast %add3A_986 : i32 to vector<16xi32>
        %add3A_988 = arith.addi %iota3A, %add3A_987 : vector<16xi32>
        tpu.vector_store_idx %arg15[%add3A_988], %add3A_982 : memref<272xf32, #tpu.memory_space<vmem>>[vector<16xi32>], vector<16xf32>,
        %add3A_989 = arith.constant 14 : i32
        %add3A_990 = arith.addi %mul3A_79, %add3A_989 : i32
        %add3A_991 = arith.constant 14 : i32
        %add3A_992 = arith.addi %rem3A_82, %add3A_991 : i32
        %ge3A_993 = arith.constant 200 : i32
        %ge3A_994 = arith.cmpi sge, %add3A_992, %ge3A_993 : i32
        %sub3A_995 = arith.constant 200 : i32
        %sub3A_996 = arith.subi %add3A_992, %sub3A_995 : i32
        %select_n3A_997 = arith.select %ge3A_994, %sub3A_996, %add3A_992 : i32
        %get3A_998 = arith.index_cast %add3A_990 : i32 to index
        %get3A_999 = arith.constant 0 : index
        %get3A_1000 = tpu.vector_load %arg9[%get3A_998, %get3A_999] {strides = array<i32>} : memref<640x64xf32, #tpu.memory_space<vmem>>, vector<16xf32>,
        %get3A_1001 = arith.index_cast %select_n3A_997 : i32 to index
        %get3A_1002 = arith.constant 0 : index
        %get3A_1003 = tpu.vector_load %arg11[%get3A_1001, %get3A_1002] {strides = array<i32>} : memref<200x64xf32, #tpu.memory_space<vmem>>, vector<16xf32>,
        %add3A_1004 = arith.addf %get3A_1000, %get3A_1003 : vector<16xf32>
        %get3A_1005 = arith.index_cast %add3A_990 : i32 to index
        %get3A_1006 = arith.constant 16 : index
        %get3A_1007 = tpu.vector_load %arg9[%get3A_1005, %get3A_1006] {strides = array<i32>} : memref<640x64xf32, #tpu.memory_space<vmem>>, vector<16xf32>,
        %get3A_1008 = arith.index_cast %select_n3A_997 : i32 to index
        %get3A_1009 = arith.constant 16 : index
        %get3A_1010 = tpu.vector_load %arg11[%get3A_1008, %get3A_1009] {strides = array<i32>} : memref<200x64xf32, #tpu.memory_space<vmem>>, vector<16xf32>,
        %add3A_1011 = arith.addf %get3A_1007, %get3A_1010 : vector<16xf32>
        %get3A_1012 = arith.index_cast %add3A_990 : i32 to index
        %get3A_1013 = arith.constant 32 : index
        %get3A_1014 = tpu.vector_load %arg9[%get3A_1012, %get3A_1013] {strides = array<i32>} : memref<640x64xf32, #tpu.memory_space<vmem>>, vector<16xf32>,
        %get3A_1015 = arith.index_cast %select_n3A_997 : i32 to index
        %get3A_1016 = arith.constant 32 : index
        %get3A_1017 = tpu.vector_load %arg11[%get3A_1015, %get3A_1016] {strides = array<i32>} : memref<200x64xf32, #tpu.memory_space<vmem>>, vector<16xf32>,
        %add3A_1018 = arith.addf %get3A_1014, %get3A_1017 : vector<16xf32>
        %get3A_1019 = arith.index_cast %add3A_990 : i32 to index
        %get3A_1020 = arith.constant 48 : index
        %get3A_1021 = tpu.vector_load %arg9[%get3A_1019, %get3A_1020] {strides = array<i32>} : memref<640x64xf32, #tpu.memory_space<vmem>>, vector<16xf32>,
        %get3A_1022 = arith.index_cast %select_n3A_997 : i32 to index
        %get3A_1023 = arith.constant 48 : index
        %get3A_1024 = tpu.vector_load %arg11[%get3A_1022, %get3A_1023] {strides = array<i32>} : memref<200x64xf32, #tpu.memory_space<vmem>>, vector<16xf32>,
        %add3A_1025 = arith.addf %get3A_1021, %get3A_1024 : vector<16xf32>
        %swap3A_1026 = arith.index_cast %add3A_990 : i32 to index
        %swap3A_1027 = arith.constant 0 : index
        %swap3A_1028 = tpu.vector_load %arg9[%swap3A_1026, %swap3A_1027] {strides = array<i32>} : memref<640x64xf32, #tpu.memory_space<vmem>>, vector<16xf32>,
        tpu.vector_store %arg9[%swap3A_1026, %swap3A_1027], %add3A_1004 {strides = array<i32>} : memref<640x64xf32, #tpu.memory_space<vmem>>, vector<16xf32>,
        %swap3A_1029 = arith.index_cast %add3A_990 : i32 to index
        %swap3A_1030 = arith.constant 16 : index
        %swap3A_1031 = tpu.vector_load %arg9[%swap3A_1029, %swap3A_1030] {strides = array<i32>} : memref<640x64xf32, #tpu.memory_space<vmem>>, vector<16xf32>,
        tpu.vector_store %arg9[%swap3A_1029, %swap3A_1030], %add3A_1011 {strides = array<i32>} : memref<640x64xf32, #tpu.memory_space<vmem>>, vector<16xf32>,
        %swap3A_1032 = arith.index_cast %add3A_990 : i32 to index
        %swap3A_1033 = arith.constant 32 : index
        %swap3A_1034 = tpu.vector_load %arg9[%swap3A_1032, %swap3A_1033] {strides = array<i32>} : memref<640x64xf32, #tpu.memory_space<vmem>>, vector<16xf32>,
        tpu.vector_store %arg9[%swap3A_1032, %swap3A_1033], %add3A_1018 {strides = array<i32>} : memref<640x64xf32, #tpu.memory_space<vmem>>, vector<16xf32>,
        %swap3A_1035 = arith.index_cast %add3A_990 : i32 to index
        %swap3A_1036 = arith.constant 48 : index
        %swap3A_1037 = tpu.vector_load %arg9[%swap3A_1035, %swap3A_1036] {strides = array<i32>} : memref<640x64xf32, #tpu.memory_space<vmem>>, vector<16xf32>,
        tpu.vector_store %arg9[%swap3A_1035, %swap3A_1036], %add3A_1025 {strides = array<i32>} : memref<640x64xf32, #tpu.memory_space<vmem>>, vector<16xf32>,
        %add3A_1038 = arith.addf %add3A_1004, %add3A_1011 : vector<16xf32>
        %add3A_1039 = arith.addf %add3A_1018, %add3A_1025 : vector<16xf32>
        %add3A_1040 = arith.addf %add3A_1038, %add3A_1039 : vector<16xf32>
        %mul3A_1041 = arith.mulf %add3A_1004, %add3A_1004 : vector<16xf32>
        %mul3A_1042 = arith.mulf %add3A_1011, %add3A_1011 : vector<16xf32>
        %add3A_1043 = arith.addf %mul3A_1041, %mul3A_1042 : vector<16xf32>
        %mul3A_1044 = arith.mulf %add3A_1018, %add3A_1018 : vector<16xf32>
        %mul3A_1045 = arith.mulf %add3A_1025, %add3A_1025 : vector<16xf32>
        %add3A_1046 = arith.addf %mul3A_1044, %mul3A_1045 : vector<16xf32>
        %add3A_1047 = arith.addf %add3A_1043, %add3A_1046 : vector<16xf32>
        %add3A_1048 = arith.constant 238 : i32
        %add3A_1049 = vector.broadcast %add3A_1048 : i32 to vector<16xi32>
        %add3A_1050 = arith.addi %iota3A, %add3A_1049 : vector<16xi32>
        tpu.vector_store_idx %arg14[%add3A_1050], %add3A_1040 : memref<272xf32, #tpu.memory_space<vmem>>[vector<16xi32>], vector<16xf32>,
        %add3A_1051 = arith.constant 238 : i32
        %add3A_1052 = vector.broadcast %add3A_1051 : i32 to vector<16xi32>
        %add3A_1053 = arith.addi %iota3A, %add3A_1052 : vector<16xi32>
        tpu.vector_store_idx %arg15[%add3A_1053], %add3A_1047 : memref<272xf32, #tpu.memory_space<vmem>>[vector<16xi32>], vector<16xf32>,
        %add3A_1054 = arith.constant 15 : i32
        %add3A_1055 = arith.addi %mul3A_79, %add3A_1054 : i32
        %add3A_1056 = arith.constant 15 : i32
        %add3A_1057 = arith.addi %rem3A_82, %add3A_1056 : i32
        %ge3A_1058 = arith.constant 200 : i32
        %ge3A_1059 = arith.cmpi sge, %add3A_1057, %ge3A_1058 : i32
        %sub3A_1060 = arith.constant 200 : i32
        %sub3A_1061 = arith.subi %add3A_1057, %sub3A_1060 : i32
        %select_n3A_1062 = arith.select %ge3A_1059, %sub3A_1061, %add3A_1057 : i32
        %get3A_1063 = arith.index_cast %add3A_1055 : i32 to index
        %get3A_1064 = arith.constant 0 : index
        %get3A_1065 = tpu.vector_load %arg9[%get3A_1063, %get3A_1064] {strides = array<i32>} : memref<640x64xf32, #tpu.memory_space<vmem>>, vector<16xf32>,
        %get3A_1066 = arith.index_cast %select_n3A_1062 : i32 to index
        %get3A_1067 = arith.constant 0 : index
        %get3A_1068 = tpu.vector_load %arg11[%get3A_1066, %get3A_1067] {strides = array<i32>} : memref<200x64xf32, #tpu.memory_space<vmem>>, vector<16xf32>,
        %add3A_1069 = arith.addf %get3A_1065, %get3A_1068 : vector<16xf32>
        %get3A_1070 = arith.index_cast %add3A_1055 : i32 to index
        %get3A_1071 = arith.constant 16 : index
        %get3A_1072 = tpu.vector_load %arg9[%get3A_1070, %get3A_1071] {strides = array<i32>} : memref<640x64xf32, #tpu.memory_space<vmem>>, vector<16xf32>,
        %get3A_1073 = arith.index_cast %select_n3A_1062 : i32 to index
        %get3A_1074 = arith.constant 16 : index
        %get3A_1075 = tpu.vector_load %arg11[%get3A_1073, %get3A_1074] {strides = array<i32>} : memref<200x64xf32, #tpu.memory_space<vmem>>, vector<16xf32>,
        %add3A_1076 = arith.addf %get3A_1072, %get3A_1075 : vector<16xf32>
        %get3A_1077 = arith.index_cast %add3A_1055 : i32 to index
        %get3A_1078 = arith.constant 32 : index
        %get3A_1079 = tpu.vector_load %arg9[%get3A_1077, %get3A_1078] {strides = array<i32>} : memref<640x64xf32, #tpu.memory_space<vmem>>, vector<16xf32>,
        %get3A_1080 = arith.index_cast %select_n3A_1062 : i32 to index
        %get3A_1081 = arith.constant 32 : index
        %get3A_1082 = tpu.vector_load %arg11[%get3A_1080, %get3A_1081] {strides = array<i32>} : memref<200x64xf32, #tpu.memory_space<vmem>>, vector<16xf32>,
        %add3A_1083 = arith.addf %get3A_1079, %get3A_1082 : vector<16xf32>
        %get3A_1084 = arith.index_cast %add3A_1055 : i32 to index
        %get3A_1085 = arith.constant 48 : index
        %get3A_1086 = tpu.vector_load %arg9[%get3A_1084, %get3A_1085] {strides = array<i32>} : memref<640x64xf32, #tpu.memory_space<vmem>>, vector<16xf32>,
        %get3A_1087 = arith.index_cast %select_n3A_1062 : i32 to index
        %get3A_1088 = arith.constant 48 : index
        %get3A_1089 = tpu.vector_load %arg11[%get3A_1087, %get3A_1088] {strides = array<i32>} : memref<200x64xf32, #tpu.memory_space<vmem>>, vector<16xf32>,
        %add3A_1090 = arith.addf %get3A_1086, %get3A_1089 : vector<16xf32>
        %swap3A_1091 = arith.index_cast %add3A_1055 : i32 to index
        %swap3A_1092 = arith.constant 0 : index
        %swap3A_1093 = tpu.vector_load %arg9[%swap3A_1091, %swap3A_1092] {strides = array<i32>} : memref<640x64xf32, #tpu.memory_space<vmem>>, vector<16xf32>,
        tpu.vector_store %arg9[%swap3A_1091, %swap3A_1092], %add3A_1069 {strides = array<i32>} : memref<640x64xf32, #tpu.memory_space<vmem>>, vector<16xf32>,
        %swap3A_1094 = arith.index_cast %add3A_1055 : i32 to index
        %swap3A_1095 = arith.constant 16 : index
        %swap3A_1096 = tpu.vector_load %arg9[%swap3A_1094, %swap3A_1095] {strides = array<i32>} : memref<640x64xf32, #tpu.memory_space<vmem>>, vector<16xf32>,
        tpu.vector_store %arg9[%swap3A_1094, %swap3A_1095], %add3A_1076 {strides = array<i32>} : memref<640x64xf32, #tpu.memory_space<vmem>>, vector<16xf32>,
        %swap3A_1097 = arith.index_cast %add3A_1055 : i32 to index
        %swap3A_1098 = arith.constant 32 : index
        %swap3A_1099 = tpu.vector_load %arg9[%swap3A_1097, %swap3A_1098] {strides = array<i32>} : memref<640x64xf32, #tpu.memory_space<vmem>>, vector<16xf32>,
        tpu.vector_store %arg9[%swap3A_1097, %swap3A_1098], %add3A_1083 {strides = array<i32>} : memref<640x64xf32, #tpu.memory_space<vmem>>, vector<16xf32>,
        %swap3A_1100 = arith.index_cast %add3A_1055 : i32 to index
        %swap3A_1101 = arith.constant 48 : index
        %swap3A_1102 = tpu.vector_load %arg9[%swap3A_1100, %swap3A_1101] {strides = array<i32>} : memref<640x64xf32, #tpu.memory_space<vmem>>, vector<16xf32>,
        tpu.vector_store %arg9[%swap3A_1100, %swap3A_1101], %add3A_1090 {strides = array<i32>} : memref<640x64xf32, #tpu.memory_space<vmem>>, vector<16xf32>,
        %add3A_1103 = arith.addf %add3A_1069, %add3A_1076 : vector<16xf32>
        %add3A_1104 = arith.addf %add3A_1083, %add3A_1090 : vector<16xf32>
        %add3A_1105 = arith.addf %add3A_1103, %add3A_1104 : vector<16xf32>
        %mul3A_1106 = arith.mulf %add3A_1069, %add3A_1069 : vector<16xf32>
        %mul3A_1107 = arith.mulf %add3A_1076, %add3A_1076 : vector<16xf32>
        %add3A_1108 = arith.addf %mul3A_1106, %mul3A_1107 : vector<16xf32>
        %mul3A_1109 = arith.mulf %add3A_1083, %add3A_1083 : vector<16xf32>
        %mul3A_1110 = arith.mulf %add3A_1090, %add3A_1090 : vector<16xf32>
        %add3A_1111 = arith.addf %mul3A_1109, %mul3A_1110 : vector<16xf32>
        %add3A_1112 = arith.addf %add3A_1108, %add3A_1111 : vector<16xf32>
        %add3A_1113 = arith.constant 255 : i32
        %add3A_1114 = vector.broadcast %add3A_1113 : i32 to vector<16xi32>
        %add3A_1115 = arith.addi %iota3A, %add3A_1114 : vector<16xi32>
        tpu.vector_store_idx %arg14[%add3A_1115], %add3A_1105 : memref<272xf32, #tpu.memory_space<vmem>>[vector<16xi32>], vector<16xf32>,
        %add3A_1116 = arith.constant 255 : i32
        %add3A_1117 = vector.broadcast %add3A_1116 : i32 to vector<16xi32>
        %add3A_1118 = arith.addi %iota3A, %add3A_1117 : vector<16xi32>
        tpu.vector_store_idx %arg15[%add3A_1118], %add3A_1112 : memref<272xf32, #tpu.memory_space<vmem>>[vector<16xi32>], vector<16xf32>,
        %gather3A = tpu.vector_load_idx %arg14[%mul3A_5] : memref<272xf32, #tpu.memory_space<vmem>>[vector<16xi32>], vector<16xf32>,
        %gather3A_1119 = tpu.vector_load_idx %arg15[%mul3A_5] : memref<272xf32, #tpu.memory_space<vmem>>[vector<16xi32>], vector<16xf32>,
        %add3A_1120 = arith.constant 1 : i32
        %add3A_1121 = vector.broadcast %add3A_1120 : i32 to vector<16xi32>
        %add3A_1122 = arith.addi %mul3A_5, %add3A_1121 : vector<16xi32>
        %gather3A_1123 = tpu.vector_load_idx %arg14[%add3A_1122] : memref<272xf32, #tpu.memory_space<vmem>>[vector<16xi32>], vector<16xf32>,
        %add3A_1124 = arith.addf %gather3A, %gather3A_1123 : vector<16xf32>
        %add3A_1125 = arith.constant 1 : i32
        %add3A_1126 = vector.broadcast %add3A_1125 : i32 to vector<16xi32>
        %add3A_1127 = arith.addi %mul3A_5, %add3A_1126 : vector<16xi32>
        %gather3A_1128 = tpu.vector_load_idx %arg15[%add3A_1127] : memref<272xf32, #tpu.memory_space<vmem>>[vector<16xi32>], vector<16xf32>,
        %add3A_1129 = arith.addf %gather3A_1119, %gather3A_1128 : vector<16xf32>
        %add3A_1130 = arith.constant 2 : i32
        %add3A_1131 = vector.broadcast %add3A_1130 : i32 to vector<16xi32>
        %add3A_1132 = arith.addi %mul3A_5, %add3A_1131 : vector<16xi32>
        %gather3A_1133 = tpu.vector_load_idx %arg14[%add3A_1132] : memref<272xf32, #tpu.memory_space<vmem>>[vector<16xi32>], vector<16xf32>,
        %add3A_1134 = arith.addf %add3A_1124, %gather3A_1133 : vector<16xf32>
        %add3A_1135 = arith.constant 2 : i32
        %add3A_1136 = vector.broadcast %add3A_1135 : i32 to vector<16xi32>
        %add3A_1137 = arith.addi %mul3A_5, %add3A_1136 : vector<16xi32>
        %gather3A_1138 = tpu.vector_load_idx %arg15[%add3A_1137] : memref<272xf32, #tpu.memory_space<vmem>>[vector<16xi32>], vector<16xf32>,
        %add3A_1139 = arith.addf %add3A_1129, %gather3A_1138 : vector<16xf32>
        %add3A_1140 = arith.constant 3 : i32
        %add3A_1141 = vector.broadcast %add3A_1140 : i32 to vector<16xi32>
        %add3A_1142 = arith.addi %mul3A_5, %add3A_1141 : vector<16xi32>
        %gather3A_1143 = tpu.vector_load_idx %arg14[%add3A_1142] : memref<272xf32, #tpu.memory_space<vmem>>[vector<16xi32>], vector<16xf32>,
        %add3A_1144 = arith.addf %add3A_1134, %gather3A_1143 : vector<16xf32>
        %add3A_1145 = arith.constant 3 : i32
        %add3A_1146 = vector.broadcast %add3A_1145 : i32 to vector<16xi32>
        %add3A_1147 = arith.addi %mul3A_5, %add3A_1146 : vector<16xi32>
        %gather3A_1148 = tpu.vector_load_idx %arg15[%add3A_1147] : memref<272xf32, #tpu.memory_space<vmem>>[vector<16xi32>], vector<16xf32>,
        %add3A_1149 = arith.addf %add3A_1139, %gather3A_1148 : vector<16xf32>
        %add3A_1150 = arith.constant 4 : i32
        %add3A_1151 = vector.broadcast %add3A_1150 : i32 to vector<16xi32>
        %add3A_1152 = arith.addi %mul3A_5, %add3A_1151 : vector<16xi32>
        %gather3A_1153 = tpu.vector_load_idx %arg14[%add3A_1152] : memref<272xf32, #tpu.memory_space<vmem>>[vector<16xi32>], vector<16xf32>,
        %add3A_1154 = arith.addf %add3A_1144, %gather3A_1153 : vector<16xf32>
        %add3A_1155 = arith.constant 4 : i32
        %add3A_1156 = vector.broadcast %add3A_1155 : i32 to vector<16xi32>
        %add3A_1157 = arith.addi %mul3A_5, %add3A_1156 : vector<16xi32>
        %gather3A_1158 = tpu.vector_load_idx %arg15[%add3A_1157] : memref<272xf32, #tpu.memory_space<vmem>>[vector<16xi32>], vector<16xf32>,
        %add3A_1159 = arith.addf %add3A_1149, %gather3A_1158 : vector<16xf32>
        %add3A_1160 = arith.constant 5 : i32
        %add3A_1161 = vector.broadcast %add3A_1160 : i32 to vector<16xi32>
        %add3A_1162 = arith.addi %mul3A_5, %add3A_1161 : vector<16xi32>
        %gather3A_1163 = tpu.vector_load_idx %arg14[%add3A_1162] : memref<272xf32, #tpu.memory_space<vmem>>[vector<16xi32>], vector<16xf32>,
        %add3A_1164 = arith.addf %add3A_1154, %gather3A_1163 : vector<16xf32>
        %add3A_1165 = arith.constant 5 : i32
        %add3A_1166 = vector.broadcast %add3A_1165 : i32 to vector<16xi32>
        %add3A_1167 = arith.addi %mul3A_5, %add3A_1166 : vector<16xi32>
        %gather3A_1168 = tpu.vector_load_idx %arg15[%add3A_1167] : memref<272xf32, #tpu.memory_space<vmem>>[vector<16xi32>], vector<16xf32>,
        %add3A_1169 = arith.addf %add3A_1159, %gather3A_1168 : vector<16xf32>
        %add3A_1170 = arith.constant 6 : i32
        %add3A_1171 = vector.broadcast %add3A_1170 : i32 to vector<16xi32>
        %add3A_1172 = arith.addi %mul3A_5, %add3A_1171 : vector<16xi32>
        %gather3A_1173 = tpu.vector_load_idx %arg14[%add3A_1172] : memref<272xf32, #tpu.memory_space<vmem>>[vector<16xi32>], vector<16xf32>,
        %add3A_1174 = arith.addf %add3A_1164, %gather3A_1173 : vector<16xf32>
        %add3A_1175 = arith.constant 6 : i32
        %add3A_1176 = vector.broadcast %add3A_1175 : i32 to vector<16xi32>
        %add3A_1177 = arith.addi %mul3A_5, %add3A_1176 : vector<16xi32>
        %gather3A_1178 = tpu.vector_load_idx %arg15[%add3A_1177] : memref<272xf32, #tpu.memory_space<vmem>>[vector<16xi32>], vector<16xf32>,
        %add3A_1179 = arith.addf %add3A_1169, %gather3A_1178 : vector<16xf32>
        %add3A_1180 = arith.constant 7 : i32
        %add3A_1181 = vector.broadcast %add3A_1180 : i32 to vector<16xi32>
        %add3A_1182 = arith.addi %mul3A_5, %add3A_1181 : vector<16xi32>
        %gather3A_1183 = tpu.vector_load_idx %arg14[%add3A_1182] : memref<272xf32, #tpu.memory_space<vmem>>[vector<16xi32>], vector<16xf32>,
        %add3A_1184 = arith.addf %add3A_1174, %gather3A_1183 : vector<16xf32>
        %add3A_1185 = arith.constant 7 : i32
        %add3A_1186 = vector.broadcast %add3A_1185 : i32 to vector<16xi32>
        %add3A_1187 = arith.addi %mul3A_5, %add3A_1186 : vector<16xi32>
        %gather3A_1188 = tpu.vector_load_idx %arg15[%add3A_1187] : memref<272xf32, #tpu.memory_space<vmem>>[vector<16xi32>], vector<16xf32>,
        %add3A_1189 = arith.addf %add3A_1179, %gather3A_1188 : vector<16xf32>
        %add3A_1190 = arith.constant 8 : i32
        %add3A_1191 = vector.broadcast %add3A_1190 : i32 to vector<16xi32>
        %add3A_1192 = arith.addi %mul3A_5, %add3A_1191 : vector<16xi32>
        %gather3A_1193 = tpu.vector_load_idx %arg14[%add3A_1192] : memref<272xf32, #tpu.memory_space<vmem>>[vector<16xi32>], vector<16xf32>,
        %add3A_1194 = arith.addf %add3A_1184, %gather3A_1193 : vector<16xf32>
        %add3A_1195 = arith.constant 8 : i32
        %add3A_1196 = vector.broadcast %add3A_1195 : i32 to vector<16xi32>
        %add3A_1197 = arith.addi %mul3A_5, %add3A_1196 : vector<16xi32>
        %gather3A_1198 = tpu.vector_load_idx %arg15[%add3A_1197] : memref<272xf32, #tpu.memory_space<vmem>>[vector<16xi32>], vector<16xf32>,
        %add3A_1199 = arith.addf %add3A_1189, %gather3A_1198 : vector<16xf32>
        %add3A_1200 = arith.constant 9 : i32
        %add3A_1201 = vector.broadcast %add3A_1200 : i32 to vector<16xi32>
        %add3A_1202 = arith.addi %mul3A_5, %add3A_1201 : vector<16xi32>
        %gather3A_1203 = tpu.vector_load_idx %arg14[%add3A_1202] : memref<272xf32, #tpu.memory_space<vmem>>[vector<16xi32>], vector<16xf32>,
        %add3A_1204 = arith.addf %add3A_1194, %gather3A_1203 : vector<16xf32>
        %add3A_1205 = arith.constant 9 : i32
        %add3A_1206 = vector.broadcast %add3A_1205 : i32 to vector<16xi32>
        %add3A_1207 = arith.addi %mul3A_5, %add3A_1206 : vector<16xi32>
        %gather3A_1208 = tpu.vector_load_idx %arg15[%add3A_1207] : memref<272xf32, #tpu.memory_space<vmem>>[vector<16xi32>], vector<16xf32>,
        %add3A_1209 = arith.addf %add3A_1199, %gather3A_1208 : vector<16xf32>
        %add3A_1210 = arith.constant 10 : i32
        %add3A_1211 = vector.broadcast %add3A_1210 : i32 to vector<16xi32>
        %add3A_1212 = arith.addi %mul3A_5, %add3A_1211 : vector<16xi32>
        %gather3A_1213 = tpu.vector_load_idx %arg14[%add3A_1212] : memref<272xf32, #tpu.memory_space<vmem>>[vector<16xi32>], vector<16xf32>,
        %add3A_1214 = arith.addf %add3A_1204, %gather3A_1213 : vector<16xf32>
        %add3A_1215 = arith.constant 10 : i32
        %add3A_1216 = vector.broadcast %add3A_1215 : i32 to vector<16xi32>
        %add3A_1217 = arith.addi %mul3A_5, %add3A_1216 : vector<16xi32>
        %gather3A_1218 = tpu.vector_load_idx %arg15[%add3A_1217] : memref<272xf32, #tpu.memory_space<vmem>>[vector<16xi32>], vector<16xf32>,
        %add3A_1219 = arith.addf %add3A_1209, %gather3A_1218 : vector<16xf32>
        %add3A_1220 = arith.constant 11 : i32
        %add3A_1221 = vector.broadcast %add3A_1220 : i32 to vector<16xi32>
        %add3A_1222 = arith.addi %mul3A_5, %add3A_1221 : vector<16xi32>
        %gather3A_1223 = tpu.vector_load_idx %arg14[%add3A_1222] : memref<272xf32, #tpu.memory_space<vmem>>[vector<16xi32>], vector<16xf32>,
        %add3A_1224 = arith.addf %add3A_1214, %gather3A_1223 : vector<16xf32>
        %add3A_1225 = arith.constant 11 : i32
        %add3A_1226 = vector.broadcast %add3A_1225 : i32 to vector<16xi32>
        %add3A_1227 = arith.addi %mul3A_5, %add3A_1226 : vector<16xi32>
        %gather3A_1228 = tpu.vector_load_idx %arg15[%add3A_1227] : memref<272xf32, #tpu.memory_space<vmem>>[vector<16xi32>], vector<16xf32>,
        %add3A_1229 = arith.addf %add3A_1219, %gather3A_1228 : vector<16xf32>
        %add3A_1230 = arith.constant 12 : i32
        %add3A_1231 = vector.broadcast %add3A_1230 : i32 to vector<16xi32>
        %add3A_1232 = arith.addi %mul3A_5, %add3A_1231 : vector<16xi32>
        %gather3A_1233 = tpu.vector_load_idx %arg14[%add3A_1232] : memref<272xf32, #tpu.memory_space<vmem>>[vector<16xi32>], vector<16xf32>,
        %add3A_1234 = arith.addf %add3A_1224, %gather3A_1233 : vector<16xf32>
        %add3A_1235 = arith.constant 12 : i32
        %add3A_1236 = vector.broadcast %add3A_1235 : i32 to vector<16xi32>
        %add3A_1237 = arith.addi %mul3A_5, %add3A_1236 : vector<16xi32>
        %gather3A_1238 = tpu.vector_load_idx %arg15[%add3A_1237] : memref<272xf32, #tpu.memory_space<vmem>>[vector<16xi32>], vector<16xf32>,
        %add3A_1239 = arith.addf %add3A_1229, %gather3A_1238 : vector<16xf32>
        %add3A_1240 = arith.constant 13 : i32
        %add3A_1241 = vector.broadcast %add3A_1240 : i32 to vector<16xi32>
        %add3A_1242 = arith.addi %mul3A_5, %add3A_1241 : vector<16xi32>
        %gather3A_1243 = tpu.vector_load_idx %arg14[%add3A_1242] : memref<272xf32, #tpu.memory_space<vmem>>[vector<16xi32>], vector<16xf32>,
        %add3A_1244 = arith.addf %add3A_1234, %gather3A_1243 : vector<16xf32>
        %add3A_1245 = arith.constant 13 : i32
        %add3A_1246 = vector.broadcast %add3A_1245 : i32 to vector<16xi32>
        %add3A_1247 = arith.addi %mul3A_5, %add3A_1246 : vector<16xi32>
        %gather3A_1248 = tpu.vector_load_idx %arg15[%add3A_1247] : memref<272xf32, #tpu.memory_space<vmem>>[vector<16xi32>], vector<16xf32>,
        %add3A_1249 = arith.addf %add3A_1239, %gather3A_1248 : vector<16xf32>
        %add3A_1250 = arith.constant 14 : i32
        %add3A_1251 = vector.broadcast %add3A_1250 : i32 to vector<16xi32>
        %add3A_1252 = arith.addi %mul3A_5, %add3A_1251 : vector<16xi32>
        %gather3A_1253 = tpu.vector_load_idx %arg14[%add3A_1252] : memref<272xf32, #tpu.memory_space<vmem>>[vector<16xi32>], vector<16xf32>,
        %add3A_1254 = arith.addf %add3A_1244, %gather3A_1253 : vector<16xf32>
        %add3A_1255 = arith.constant 14 : i32
        %add3A_1256 = vector.broadcast %add3A_1255 : i32 to vector<16xi32>
        %add3A_1257 = arith.addi %mul3A_5, %add3A_1256 : vector<16xi32>
        %gather3A_1258 = tpu.vector_load_idx %arg15[%add3A_1257] : memref<272xf32, #tpu.memory_space<vmem>>[vector<16xi32>], vector<16xf32>,
        %add3A_1259 = arith.addf %add3A_1249, %gather3A_1258 : vector<16xf32>
        %add3A_1260 = arith.constant 15 : i32
        %add3A_1261 = vector.broadcast %add3A_1260 : i32 to vector<16xi32>
        %add3A_1262 = arith.addi %mul3A_5, %add3A_1261 : vector<16xi32>
        %gather3A_1263 = tpu.vector_load_idx %arg14[%add3A_1262] : memref<272xf32, #tpu.memory_space<vmem>>[vector<16xi32>], vector<16xf32>,
        %add3A_1264 = arith.addf %add3A_1254, %gather3A_1263 : vector<16xf32>
        %add3A_1265 = arith.constant 15 : i32
        %add3A_1266 = vector.broadcast %add3A_1265 : i32 to vector<16xi32>
        %add3A_1267 = arith.addi %mul3A_5, %add3A_1266 : vector<16xi32>
        %gather3A_1268 = tpu.vector_load_idx %arg15[%add3A_1267] : memref<272xf32, #tpu.memory_space<vmem>>[vector<16xi32>], vector<16xf32>,
        %add3A_1269 = arith.addf %add3A_1259, %gather3A_1268 : vector<16xf32>
        %mul3A_1270 = arith.constant 1.562500e-02 : f32
        %mul3A_1271 = vector.broadcast %mul3A_1270 : f32 to vector<16xf32>
        %mul3A_1272 = arith.mulf %add3A_1264, %mul3A_1271 : vector<16xf32>
        %mul3A_1273 = arith.constant 1.562500e-02 : f32
        %mul3A_1274 = vector.broadcast %mul3A_1273 : f32 to vector<16xf32>
        %mul3A_1275 = arith.mulf %add3A_1269, %mul3A_1274 : vector<16xf32>
        %mul3A_1276 = arith.mulf %mul3A_1272, %mul3A_1272 : vector<16xf32>
        %sub3A_1277 = arith.subf %mul3A_1275, %mul3A_1276 : vector<16xf32>
        %add3A_1278 = arith.constant 9.99999974E-6 : f32
        %add3A_1279 = vector.broadcast %add3A_1278 : f32 to vector<16xf32>
        %add3A_1280 = arith.addf %sub3A_1277, %add3A_1279 : vector<16xf32>
        %bitcast_convert_type3A = tpu.bitcast %add3A_1280 : vector<16xf32> -> vector<16xi32>
        %shift_right_arithmetic3A = arith.constant 1 : i32
        %shift_right_arithmetic3A_1281 = vector.broadcast %shift_right_arithmetic3A : i32 to vector<16xi32>
        %shift_right_arithmetic3A_1282 = arith.shrsi %bitcast_convert_type3A, %shift_right_arithmetic3A_1281 : vector<16xi32>
        %sub3A_1283 = arith.constant 1597463007 : i32
        %sub3A_1284 = vector.broadcast %sub3A_1283 : i32 to vector<16xi32>
        %sub3A_1285 = arith.subi %sub3A_1284, %shift_right_arithmetic3A_1282 : vector<16xi32>
        %bitcast_convert_type3A_1286 = tpu.bitcast %sub3A_1285 : vector<16xi32> -> vector<16xf32>
        %mul3A_1287 = arith.constant 5.000000e-01 : f32
        %mul3A_1288 = vector.broadcast %mul3A_1287 : f32 to vector<16xf32>
        %mul3A_1289 = arith.mulf %mul3A_1288, %add3A_1280 : vector<16xf32>
        %mul3A_1290 = arith.mulf %mul3A_1289, %bitcast_convert_type3A_1286 : vector<16xf32>
        %mul3A_1291 = arith.mulf %mul3A_1290, %bitcast_convert_type3A_1286 : vector<16xf32>
        %sub3A_1292 = arith.constant 1.500000e+00 : f32
        %sub3A_1293 = vector.broadcast %sub3A_1292 : f32 to vector<16xf32>
        %sub3A_1294 = arith.subf %sub3A_1293, %mul3A_1291 : vector<16xf32>
        %mul3A_1295 = arith.mulf %bitcast_convert_type3A_1286, %sub3A_1294 : vector<16xf32>
        %mul3A_1296 = arith.constant 5.000000e-01 : f32
        %mul3A_1297 = vector.broadcast %mul3A_1296 : f32 to vector<16xf32>
        %mul3A_1298 = arith.mulf %mul3A_1297, %add3A_1280 : vector<16xf32>
        %mul3A_1299 = arith.mulf %mul3A_1298, %mul3A_1295 : vector<16xf32>
        %mul3A_1300 = arith.mulf %mul3A_1299, %mul3A_1295 : vector<16xf32>
        %sub3A_1301 = arith.constant 1.500000e+00 : f32
        %sub3A_1302 = vector.broadcast %sub3A_1301 : f32 to vector<16xf32>
        %sub3A_1303 = arith.subf %sub3A_1302, %mul3A_1300 : vector<16xf32>
        %mul3A_1304 = arith.mulf %mul3A_1295, %sub3A_1303 : vector<16xf32>
        %mul3A_1305 = arith.constant 5.000000e-01 : f32
        %mul3A_1306 = vector.broadcast %mul3A_1305 : f32 to vector<16xf32>
        %mul3A_1307 = arith.mulf %mul3A_1306, %add3A_1280 : vector<16xf32>
        %mul3A_1308 = arith.mulf %mul3A_1307, %mul3A_1304 : vector<16xf32>
        %mul3A_1309 = arith.mulf %mul3A_1308, %mul3A_1304 : vector<16xf32>
        %sub3A_1310 = arith.constant 1.500000e+00 : f32
        %sub3A_1311 = vector.broadcast %sub3A_1310 : f32 to vector<16xf32>
        %sub3A_1312 = arith.subf %sub3A_1311, %mul3A_1309 : vector<16xf32>
        %mul3A_1313 = arith.mulf %mul3A_1304, %sub3A_1312 : vector<16xf32>
        %add3A_1314 = arith.constant 0 : i32
        %add3A_1315 = arith.addi %mul3A_79, %add3A_1314 : i32
        %broadcast_in_dim3A = arith.constant 0 : i32
        %broadcast_in_dim3A_1316 = vector.broadcast %broadcast_in_dim3A : i32 to vector<16xi32>
        %broadcast_in_dim3A_1317 = vector.shape_cast %broadcast_in_dim3A_1316 : vector<16xi32> to vector<16x1xi32>
        %gather3A_1318 = vector.shape_cast %broadcast_in_dim3A_1317 : vector<16x1xi32> to vector<16xi32>
        %gather3A_1319 = tpu.dynamic_gather %mul3A_1272[%gather3A_1318] in [0] : vector<16xf32>, vector<16xi32> -> vector<16xf32>
        %broadcast_in_dim3A_1320 = vector.shape_cast %broadcast_in_dim3A_1316 : vector<16xi32> to vector<16x1xi32>
        %gather3A_1321 = vector.shape_cast %broadcast_in_dim3A_1320 : vector<16x1xi32> to vector<16xi32>
        %gather3A_1322 = tpu.dynamic_gather %mul3A_1313[%gather3A_1321] in [0] : vector<16xf32>, vector<16xi32> -> vector<16xf32>
        %get3A_1323 = arith.index_cast %add3A_1315 : i32 to index
        %get3A_1324 = arith.constant 0 : index
        %get3A_1325 = tpu.vector_load %arg9[%get3A_1323, %get3A_1324] {strides = array<i32>} : memref<640x64xf32, #tpu.memory_space<vmem>>, vector<16xf32>,
        %sub3A_1326 = arith.subf %get3A_1325, %gather3A_1319 : vector<16xf32>
        %mul3A_1327 = arith.mulf %sub3A_1326, %gather3A_1322 : vector<16xf32>
        %mul3A_1328 = arith.mulf %mul3A_1327, %get3A_6 : vector<16xf32>
        %add3A_1329 = arith.addf %mul3A_1328, %get3A_14 : vector<16xf32>
        %swap3A_1330 = arith.index_cast %add3A_1315 : i32 to index
        %swap3A_1331 = arith.constant 0 : index
        %swap3A_1332 = tpu.vector_load %arg9[%swap3A_1330, %swap3A_1331] {strides = array<i32>} : memref<640x64xf32, #tpu.memory_space<vmem>>, vector<16xf32>,
        tpu.vector_store %arg9[%swap3A_1330, %swap3A_1331], %add3A_1329 {strides = array<i32>} : memref<640x64xf32, #tpu.memory_space<vmem>>, vector<16xf32>,
        %get3A_1333 = arith.index_cast %add3A_1315 : i32 to index
        %get3A_1334 = arith.constant 16 : index
        %get3A_1335 = tpu.vector_load %arg9[%get3A_1333, %get3A_1334] {strides = array<i32>} : memref<640x64xf32, #tpu.memory_space<vmem>>, vector<16xf32>,
        %sub3A_1336 = arith.subf %get3A_1335, %gather3A_1319 : vector<16xf32>
        %mul3A_1337 = arith.mulf %sub3A_1336, %gather3A_1322 : vector<16xf32>
        %mul3A_1338 = arith.mulf %mul3A_1337, %get3A_8 : vector<16xf32>
        %add3A_1339 = arith.addf %mul3A_1338, %get3A_16 : vector<16xf32>
        %swap3A_1340 = arith.index_cast %add3A_1315 : i32 to index
        %swap3A_1341 = arith.constant 16 : index
        %swap3A_1342 = tpu.vector_load %arg9[%swap3A_1340, %swap3A_1341] {strides = array<i32>} : memref<640x64xf32, #tpu.memory_space<vmem>>, vector<16xf32>,
        tpu.vector_store %arg9[%swap3A_1340, %swap3A_1341], %add3A_1339 {strides = array<i32>} : memref<640x64xf32, #tpu.memory_space<vmem>>, vector<16xf32>,
        %get3A_1343 = arith.index_cast %add3A_1315 : i32 to index
        %get3A_1344 = arith.constant 32 : index
        %get3A_1345 = tpu.vector_load %arg9[%get3A_1343, %get3A_1344] {strides = array<i32>} : memref<640x64xf32, #tpu.memory_space<vmem>>, vector<16xf32>,
        %sub3A_1346 = arith.subf %get3A_1345, %gather3A_1319 : vector<16xf32>
        %mul3A_1347 = arith.mulf %sub3A_1346, %gather3A_1322 : vector<16xf32>
        %mul3A_1348 = arith.mulf %mul3A_1347, %get3A_10 : vector<16xf32>
        %add3A_1349 = arith.addf %mul3A_1348, %get3A_18 : vector<16xf32>
        %swap3A_1350 = arith.index_cast %add3A_1315 : i32 to index
        %swap3A_1351 = arith.constant 32 : index
        %swap3A_1352 = tpu.vector_load %arg9[%swap3A_1350, %swap3A_1351] {strides = array<i32>} : memref<640x64xf32, #tpu.memory_space<vmem>>, vector<16xf32>,
        tpu.vector_store %arg9[%swap3A_1350, %swap3A_1351], %add3A_1349 {strides = array<i32>} : memref<640x64xf32, #tpu.memory_space<vmem>>, vector<16xf32>,
        %get3A_1353 = arith.index_cast %add3A_1315 : i32 to index
        %get3A_1354 = arith.constant 48 : index
        %get3A_1355 = tpu.vector_load %arg9[%get3A_1353, %get3A_1354] {strides = array<i32>} : memref<640x64xf32, #tpu.memory_space<vmem>>, vector<16xf32>,
        %sub3A_1356 = arith.subf %get3A_1355, %gather3A_1319 : vector<16xf32>
        %mul3A_1357 = arith.mulf %sub3A_1356, %gather3A_1322 : vector<16xf32>
        %mul3A_1358 = arith.mulf %mul3A_1357, %get3A_12 : vector<16xf32>
        %add3A_1359 = arith.addf %mul3A_1358, %get3A_20 : vector<16xf32>
        %swap3A_1360 = arith.index_cast %add3A_1315 : i32 to index
        %swap3A_1361 = arith.constant 48 : index
        %swap3A_1362 = tpu.vector_load %arg9[%swap3A_1360, %swap3A_1361] {strides = array<i32>} : memref<640x64xf32, #tpu.memory_space<vmem>>, vector<16xf32>,
        tpu.vector_store %arg9[%swap3A_1360, %swap3A_1361], %add3A_1359 {strides = array<i32>} : memref<640x64xf32, #tpu.memory_space<vmem>>, vector<16xf32>,
        %add3A_1363 = arith.constant 1 : i32
        %add3A_1364 = arith.addi %mul3A_79, %add3A_1363 : i32
        %broadcast_in_dim3A_1365 = arith.constant 1 : i32
        %broadcast_in_dim3A_1366 = vector.broadcast %broadcast_in_dim3A_1365 : i32 to vector<16xi32>
        %broadcast_in_dim3A_1367 = vector.shape_cast %broadcast_in_dim3A_1366 : vector<16xi32> to vector<16x1xi32>
        %gather3A_1368 = vector.shape_cast %broadcast_in_dim3A_1367 : vector<16x1xi32> to vector<16xi32>
        %gather3A_1369 = tpu.dynamic_gather %mul3A_1272[%gather3A_1368] in [0] : vector<16xf32>, vector<16xi32> -> vector<16xf32>
        %broadcast_in_dim3A_1370 = vector.shape_cast %broadcast_in_dim3A_1366 : vector<16xi32> to vector<16x1xi32>
        %gather3A_1371 = vector.shape_cast %broadcast_in_dim3A_1370 : vector<16x1xi32> to vector<16xi32>
        %gather3A_1372 = tpu.dynamic_gather %mul3A_1313[%gather3A_1371] in [0] : vector<16xf32>, vector<16xi32> -> vector<16xf32>
        %get3A_1373 = arith.index_cast %add3A_1364 : i32 to index
        %get3A_1374 = arith.constant 0 : index
        %get3A_1375 = tpu.vector_load %arg9[%get3A_1373, %get3A_1374] {strides = array<i32>} : memref<640x64xf32, #tpu.memory_space<vmem>>, vector<16xf32>,
        %sub3A_1376 = arith.subf %get3A_1375, %gather3A_1369 : vector<16xf32>
        %mul3A_1377 = arith.mulf %sub3A_1376, %gather3A_1372 : vector<16xf32>
        %mul3A_1378 = arith.mulf %mul3A_1377, %get3A_6 : vector<16xf32>
        %add3A_1379 = arith.addf %mul3A_1378, %get3A_14 : vector<16xf32>
        %swap3A_1380 = arith.index_cast %add3A_1364 : i32 to index
        %swap3A_1381 = arith.constant 0 : index
        %swap3A_1382 = tpu.vector_load %arg9[%swap3A_1380, %swap3A_1381] {strides = array<i32>} : memref<640x64xf32, #tpu.memory_space<vmem>>, vector<16xf32>,
        tpu.vector_store %arg9[%swap3A_1380, %swap3A_1381], %add3A_1379 {strides = array<i32>} : memref<640x64xf32, #tpu.memory_space<vmem>>, vector<16xf32>,
        %get3A_1383 = arith.index_cast %add3A_1364 : i32 to index
        %get3A_1384 = arith.constant 16 : index
        %get3A_1385 = tpu.vector_load %arg9[%get3A_1383, %get3A_1384] {strides = array<i32>} : memref<640x64xf32, #tpu.memory_space<vmem>>, vector<16xf32>,
        %sub3A_1386 = arith.subf %get3A_1385, %gather3A_1369 : vector<16xf32>
        %mul3A_1387 = arith.mulf %sub3A_1386, %gather3A_1372 : vector<16xf32>
        %mul3A_1388 = arith.mulf %mul3A_1387, %get3A_8 : vector<16xf32>
        %add3A_1389 = arith.addf %mul3A_1388, %get3A_16 : vector<16xf32>
        %swap3A_1390 = arith.index_cast %add3A_1364 : i32 to index
        %swap3A_1391 = arith.constant 16 : index
        %swap3A_1392 = tpu.vector_load %arg9[%swap3A_1390, %swap3A_1391] {strides = array<i32>} : memref<640x64xf32, #tpu.memory_space<vmem>>, vector<16xf32>,
        tpu.vector_store %arg9[%swap3A_1390, %swap3A_1391], %add3A_1389 {strides = array<i32>} : memref<640x64xf32, #tpu.memory_space<vmem>>, vector<16xf32>,
        %get3A_1393 = arith.index_cast %add3A_1364 : i32 to index
        %get3A_1394 = arith.constant 32 : index
        %get3A_1395 = tpu.vector_load %arg9[%get3A_1393, %get3A_1394] {strides = array<i32>} : memref<640x64xf32, #tpu.memory_space<vmem>>, vector<16xf32>,
        %sub3A_1396 = arith.subf %get3A_1395, %gather3A_1369 : vector<16xf32>
        %mul3A_1397 = arith.mulf %sub3A_1396, %gather3A_1372 : vector<16xf32>
        %mul3A_1398 = arith.mulf %mul3A_1397, %get3A_10 : vector<16xf32>
        %add3A_1399 = arith.addf %mul3A_1398, %get3A_18 : vector<16xf32>
        %swap3A_1400 = arith.index_cast %add3A_1364 : i32 to index
        %swap3A_1401 = arith.constant 32 : index
        %swap3A_1402 = tpu.vector_load %arg9[%swap3A_1400, %swap3A_1401] {strides = array<i32>} : memref<640x64xf32, #tpu.memory_space<vmem>>, vector<16xf32>,
        tpu.vector_store %arg9[%swap3A_1400, %swap3A_1401], %add3A_1399 {strides = array<i32>} : memref<640x64xf32, #tpu.memory_space<vmem>>, vector<16xf32>,
        %get3A_1403 = arith.index_cast %add3A_1364 : i32 to index
        %get3A_1404 = arith.constant 48 : index
        %get3A_1405 = tpu.vector_load %arg9[%get3A_1403, %get3A_1404] {strides = array<i32>} : memref<640x64xf32, #tpu.memory_space<vmem>>, vector<16xf32>,
        %sub3A_1406 = arith.subf %get3A_1405, %gather3A_1369 : vector<16xf32>
        %mul3A_1407 = arith.mulf %sub3A_1406, %gather3A_1372 : vector<16xf32>
        %mul3A_1408 = arith.mulf %mul3A_1407, %get3A_12 : vector<16xf32>
        %add3A_1409 = arith.addf %mul3A_1408, %get3A_20 : vector<16xf32>
        %swap3A_1410 = arith.index_cast %add3A_1364 : i32 to index
        %swap3A_1411 = arith.constant 48 : index
        %swap3A_1412 = tpu.vector_load %arg9[%swap3A_1410, %swap3A_1411] {strides = array<i32>} : memref<640x64xf32, #tpu.memory_space<vmem>>, vector<16xf32>,
        tpu.vector_store %arg9[%swap3A_1410, %swap3A_1411], %add3A_1409 {strides = array<i32>} : memref<640x64xf32, #tpu.memory_space<vmem>>, vector<16xf32>,
        %add3A_1413 = arith.constant 2 : i32
        %add3A_1414 = arith.addi %mul3A_79, %add3A_1413 : i32
        %broadcast_in_dim3A_1415 = arith.constant 2 : i32
        %broadcast_in_dim3A_1416 = vector.broadcast %broadcast_in_dim3A_1415 : i32 to vector<16xi32>
        %broadcast_in_dim3A_1417 = vector.shape_cast %broadcast_in_dim3A_1416 : vector<16xi32> to vector<16x1xi32>
        %gather3A_1418 = vector.shape_cast %broadcast_in_dim3A_1417 : vector<16x1xi32> to vector<16xi32>
        %gather3A_1419 = tpu.dynamic_gather %mul3A_1272[%gather3A_1418] in [0] : vector<16xf32>, vector<16xi32> -> vector<16xf32>
        %broadcast_in_dim3A_1420 = vector.shape_cast %broadcast_in_dim3A_1416 : vector<16xi32> to vector<16x1xi32>
        %gather3A_1421 = vector.shape_cast %broadcast_in_dim3A_1420 : vector<16x1xi32> to vector<16xi32>
        %gather3A_1422 = tpu.dynamic_gather %mul3A_1313[%gather3A_1421] in [0] : vector<16xf32>, vector<16xi32> -> vector<16xf32>
        %get3A_1423 = arith.index_cast %add3A_1414 : i32 to index
        %get3A_1424 = arith.constant 0 : index
        %get3A_1425 = tpu.vector_load %arg9[%get3A_1423, %get3A_1424] {strides = array<i32>} : memref<640x64xf32, #tpu.memory_space<vmem>>, vector<16xf32>,
        %sub3A_1426 = arith.subf %get3A_1425, %gather3A_1419 : vector<16xf32>
        %mul3A_1427 = arith.mulf %sub3A_1426, %gather3A_1422 : vector<16xf32>
        %mul3A_1428 = arith.mulf %mul3A_1427, %get3A_6 : vector<16xf32>
        %add3A_1429 = arith.addf %mul3A_1428, %get3A_14 : vector<16xf32>
        %swap3A_1430 = arith.index_cast %add3A_1414 : i32 to index
        %swap3A_1431 = arith.constant 0 : index
        %swap3A_1432 = tpu.vector_load %arg9[%swap3A_1430, %swap3A_1431] {strides = array<i32>} : memref<640x64xf32, #tpu.memory_space<vmem>>, vector<16xf32>,
        tpu.vector_store %arg9[%swap3A_1430, %swap3A_1431], %add3A_1429 {strides = array<i32>} : memref<640x64xf32, #tpu.memory_space<vmem>>, vector<16xf32>,
        %get3A_1433 = arith.index_cast %add3A_1414 : i32 to index
        %get3A_1434 = arith.constant 16 : index
        %get3A_1435 = tpu.vector_load %arg9[%get3A_1433, %get3A_1434] {strides = array<i32>} : memref<640x64xf32, #tpu.memory_space<vmem>>, vector<16xf32>,
        %sub3A_1436 = arith.subf %get3A_1435, %gather3A_1419 : vector<16xf32>
        %mul3A_1437 = arith.mulf %sub3A_1436, %gather3A_1422 : vector<16xf32>
        %mul3A_1438 = arith.mulf %mul3A_1437, %get3A_8 : vector<16xf32>
        %add3A_1439 = arith.addf %mul3A_1438, %get3A_16 : vector<16xf32>
        %swap3A_1440 = arith.index_cast %add3A_1414 : i32 to index
        %swap3A_1441 = arith.constant 16 : index
        %swap3A_1442 = tpu.vector_load %arg9[%swap3A_1440, %swap3A_1441] {strides = array<i32>} : memref<640x64xf32, #tpu.memory_space<vmem>>, vector<16xf32>,
        tpu.vector_store %arg9[%swap3A_1440, %swap3A_1441], %add3A_1439 {strides = array<i32>} : memref<640x64xf32, #tpu.memory_space<vmem>>, vector<16xf32>,
        %get3A_1443 = arith.index_cast %add3A_1414 : i32 to index
        %get3A_1444 = arith.constant 32 : index
        %get3A_1445 = tpu.vector_load %arg9[%get3A_1443, %get3A_1444] {strides = array<i32>} : memref<640x64xf32, #tpu.memory_space<vmem>>, vector<16xf32>,
        %sub3A_1446 = arith.subf %get3A_1445, %gather3A_1419 : vector<16xf32>
        %mul3A_1447 = arith.mulf %sub3A_1446, %gather3A_1422 : vector<16xf32>
        %mul3A_1448 = arith.mulf %mul3A_1447, %get3A_10 : vector<16xf32>
        %add3A_1449 = arith.addf %mul3A_1448, %get3A_18 : vector<16xf32>
        %swap3A_1450 = arith.index_cast %add3A_1414 : i32 to index
        %swap3A_1451 = arith.constant 32 : index
        %swap3A_1452 = tpu.vector_load %arg9[%swap3A_1450, %swap3A_1451] {strides = array<i32>} : memref<640x64xf32, #tpu.memory_space<vmem>>, vector<16xf32>,
        tpu.vector_store %arg9[%swap3A_1450, %swap3A_1451], %add3A_1449 {strides = array<i32>} : memref<640x64xf32, #tpu.memory_space<vmem>>, vector<16xf32>,
        %get3A_1453 = arith.index_cast %add3A_1414 : i32 to index
        %get3A_1454 = arith.constant 48 : index
        %get3A_1455 = tpu.vector_load %arg9[%get3A_1453, %get3A_1454] {strides = array<i32>} : memref<640x64xf32, #tpu.memory_space<vmem>>, vector<16xf32>,
        %sub3A_1456 = arith.subf %get3A_1455, %gather3A_1419 : vector<16xf32>
        %mul3A_1457 = arith.mulf %sub3A_1456, %gather3A_1422 : vector<16xf32>
        %mul3A_1458 = arith.mulf %mul3A_1457, %get3A_12 : vector<16xf32>
        %add3A_1459 = arith.addf %mul3A_1458, %get3A_20 : vector<16xf32>
        %swap3A_1460 = arith.index_cast %add3A_1414 : i32 to index
        %swap3A_1461 = arith.constant 48 : index
        %swap3A_1462 = tpu.vector_load %arg9[%swap3A_1460, %swap3A_1461] {strides = array<i32>} : memref<640x64xf32, #tpu.memory_space<vmem>>, vector<16xf32>,
        tpu.vector_store %arg9[%swap3A_1460, %swap3A_1461], %add3A_1459 {strides = array<i32>} : memref<640x64xf32, #tpu.memory_space<vmem>>, vector<16xf32>,
        %add3A_1463 = arith.constant 3 : i32
        %add3A_1464 = arith.addi %mul3A_79, %add3A_1463 : i32
        %broadcast_in_dim3A_1465 = arith.constant 3 : i32
        %broadcast_in_dim3A_1466 = vector.broadcast %broadcast_in_dim3A_1465 : i32 to vector<16xi32>
        %broadcast_in_dim3A_1467 = vector.shape_cast %broadcast_in_dim3A_1466 : vector<16xi32> to vector<16x1xi32>
        %gather3A_1468 = vector.shape_cast %broadcast_in_dim3A_1467 : vector<16x1xi32> to vector<16xi32>
        %gather3A_1469 = tpu.dynamic_gather %mul3A_1272[%gather3A_1468] in [0] : vector<16xf32>, vector<16xi32> -> vector<16xf32>
        %broadcast_in_dim3A_1470 = vector.shape_cast %broadcast_in_dim3A_1466 : vector<16xi32> to vector<16x1xi32>
        %gather3A_1471 = vector.shape_cast %broadcast_in_dim3A_1470 : vector<16x1xi32> to vector<16xi32>
        %gather3A_1472 = tpu.dynamic_gather %mul3A_1313[%gather3A_1471] in [0] : vector<16xf32>, vector<16xi32> -> vector<16xf32>
        %get3A_1473 = arith.index_cast %add3A_1464 : i32 to index
        %get3A_1474 = arith.constant 0 : index
        %get3A_1475 = tpu.vector_load %arg9[%get3A_1473, %get3A_1474] {strides = array<i32>} : memref<640x64xf32, #tpu.memory_space<vmem>>, vector<16xf32>,
        %sub3A_1476 = arith.subf %get3A_1475, %gather3A_1469 : vector<16xf32>
        %mul3A_1477 = arith.mulf %sub3A_1476, %gather3A_1472 : vector<16xf32>
        %mul3A_1478 = arith.mulf %mul3A_1477, %get3A_6 : vector<16xf32>
        %add3A_1479 = arith.addf %mul3A_1478, %get3A_14 : vector<16xf32>
        %swap3A_1480 = arith.index_cast %add3A_1464 : i32 to index
        %swap3A_1481 = arith.constant 0 : index
        %swap3A_1482 = tpu.vector_load %arg9[%swap3A_1480, %swap3A_1481] {strides = array<i32>} : memref<640x64xf32, #tpu.memory_space<vmem>>, vector<16xf32>,
        tpu.vector_store %arg9[%swap3A_1480, %swap3A_1481], %add3A_1479 {strides = array<i32>} : memref<640x64xf32, #tpu.memory_space<vmem>>, vector<16xf32>,
        %get3A_1483 = arith.index_cast %add3A_1464 : i32 to index
        %get3A_1484 = arith.constant 16 : index
        %get3A_1485 = tpu.vector_load %arg9[%get3A_1483, %get3A_1484] {strides = array<i32>} : memref<640x64xf32, #tpu.memory_space<vmem>>, vector<16xf32>,
        %sub3A_1486 = arith.subf %get3A_1485, %gather3A_1469 : vector<16xf32>
        %mul3A_1487 = arith.mulf %sub3A_1486, %gather3A_1472 : vector<16xf32>
        %mul3A_1488 = arith.mulf %mul3A_1487, %get3A_8 : vector<16xf32>
        %add3A_1489 = arith.addf %mul3A_1488, %get3A_16 : vector<16xf32>
        %swap3A_1490 = arith.index_cast %add3A_1464 : i32 to index
        %swap3A_1491 = arith.constant 16 : index
        %swap3A_1492 = tpu.vector_load %arg9[%swap3A_1490, %swap3A_1491] {strides = array<i32>} : memref<640x64xf32, #tpu.memory_space<vmem>>, vector<16xf32>,
        tpu.vector_store %arg9[%swap3A_1490, %swap3A_1491], %add3A_1489 {strides = array<i32>} : memref<640x64xf32, #tpu.memory_space<vmem>>, vector<16xf32>,
        %get3A_1493 = arith.index_cast %add3A_1464 : i32 to index
        %get3A_1494 = arith.constant 32 : index
        %get3A_1495 = tpu.vector_load %arg9[%get3A_1493, %get3A_1494] {strides = array<i32>} : memref<640x64xf32, #tpu.memory_space<vmem>>, vector<16xf32>,
        %sub3A_1496 = arith.subf %get3A_1495, %gather3A_1469 : vector<16xf32>
        %mul3A_1497 = arith.mulf %sub3A_1496, %gather3A_1472 : vector<16xf32>
        %mul3A_1498 = arith.mulf %mul3A_1497, %get3A_10 : vector<16xf32>
        %add3A_1499 = arith.addf %mul3A_1498, %get3A_18 : vector<16xf32>
        %swap3A_1500 = arith.index_cast %add3A_1464 : i32 to index
        %swap3A_1501 = arith.constant 32 : index
        %swap3A_1502 = tpu.vector_load %arg9[%swap3A_1500, %swap3A_1501] {strides = array<i32>} : memref<640x64xf32, #tpu.memory_space<vmem>>, vector<16xf32>,
        tpu.vector_store %arg9[%swap3A_1500, %swap3A_1501], %add3A_1499 {strides = array<i32>} : memref<640x64xf32, #tpu.memory_space<vmem>>, vector<16xf32>,
        %get3A_1503 = arith.index_cast %add3A_1464 : i32 to index
        %get3A_1504 = arith.constant 48 : index
        %get3A_1505 = tpu.vector_load %arg9[%get3A_1503, %get3A_1504] {strides = array<i32>} : memref<640x64xf32, #tpu.memory_space<vmem>>, vector<16xf32>,
        %sub3A_1506 = arith.subf %get3A_1505, %gather3A_1469 : vector<16xf32>
        %mul3A_1507 = arith.mulf %sub3A_1506, %gather3A_1472 : vector<16xf32>
        %mul3A_1508 = arith.mulf %mul3A_1507, %get3A_12 : vector<16xf32>
        %add3A_1509 = arith.addf %mul3A_1508, %get3A_20 : vector<16xf32>
        %swap3A_1510 = arith.index_cast %add3A_1464 : i32 to index
        %swap3A_1511 = arith.constant 48 : index
        %swap3A_1512 = tpu.vector_load %arg9[%swap3A_1510, %swap3A_1511] {strides = array<i32>} : memref<640x64xf32, #tpu.memory_space<vmem>>, vector<16xf32>,
        tpu.vector_store %arg9[%swap3A_1510, %swap3A_1511], %add3A_1509 {strides = array<i32>} : memref<640x64xf32, #tpu.memory_space<vmem>>, vector<16xf32>,
        %add3A_1513 = arith.constant 4 : i32
        %add3A_1514 = arith.addi %mul3A_79, %add3A_1513 : i32
        %broadcast_in_dim3A_1515 = arith.constant 4 : i32
        %broadcast_in_dim3A_1516 = vector.broadcast %broadcast_in_dim3A_1515 : i32 to vector<16xi32>
        %broadcast_in_dim3A_1517 = vector.shape_cast %broadcast_in_dim3A_1516 : vector<16xi32> to vector<16x1xi32>
        %gather3A_1518 = vector.shape_cast %broadcast_in_dim3A_1517 : vector<16x1xi32> to vector<16xi32>
        %gather3A_1519 = tpu.dynamic_gather %mul3A_1272[%gather3A_1518] in [0] : vector<16xf32>, vector<16xi32> -> vector<16xf32>
        %broadcast_in_dim3A_1520 = vector.shape_cast %broadcast_in_dim3A_1516 : vector<16xi32> to vector<16x1xi32>
        %gather3A_1521 = vector.shape_cast %broadcast_in_dim3A_1520 : vector<16x1xi32> to vector<16xi32>
        %gather3A_1522 = tpu.dynamic_gather %mul3A_1313[%gather3A_1521] in [0] : vector<16xf32>, vector<16xi32> -> vector<16xf32>
        %get3A_1523 = arith.index_cast %add3A_1514 : i32 to index
        %get3A_1524 = arith.constant 0 : index
        %get3A_1525 = tpu.vector_load %arg9[%get3A_1523, %get3A_1524] {strides = array<i32>} : memref<640x64xf32, #tpu.memory_space<vmem>>, vector<16xf32>,
        %sub3A_1526 = arith.subf %get3A_1525, %gather3A_1519 : vector<16xf32>
        %mul3A_1527 = arith.mulf %sub3A_1526, %gather3A_1522 : vector<16xf32>
        %mul3A_1528 = arith.mulf %mul3A_1527, %get3A_6 : vector<16xf32>
        %add3A_1529 = arith.addf %mul3A_1528, %get3A_14 : vector<16xf32>
        %swap3A_1530 = arith.index_cast %add3A_1514 : i32 to index
        %swap3A_1531 = arith.constant 0 : index
        %swap3A_1532 = tpu.vector_load %arg9[%swap3A_1530, %swap3A_1531] {strides = array<i32>} : memref<640x64xf32, #tpu.memory_space<vmem>>, vector<16xf32>,
        tpu.vector_store %arg9[%swap3A_1530, %swap3A_1531], %add3A_1529 {strides = array<i32>} : memref<640x64xf32, #tpu.memory_space<vmem>>, vector<16xf32>,
        %get3A_1533 = arith.index_cast %add3A_1514 : i32 to index
        %get3A_1534 = arith.constant 16 : index
        %get3A_1535 = tpu.vector_load %arg9[%get3A_1533, %get3A_1534] {strides = array<i32>} : memref<640x64xf32, #tpu.memory_space<vmem>>, vector<16xf32>,
        %sub3A_1536 = arith.subf %get3A_1535, %gather3A_1519 : vector<16xf32>
        %mul3A_1537 = arith.mulf %sub3A_1536, %gather3A_1522 : vector<16xf32>
        %mul3A_1538 = arith.mulf %mul3A_1537, %get3A_8 : vector<16xf32>
        %add3A_1539 = arith.addf %mul3A_1538, %get3A_16 : vector<16xf32>
        %swap3A_1540 = arith.index_cast %add3A_1514 : i32 to index
        %swap3A_1541 = arith.constant 16 : index
        %swap3A_1542 = tpu.vector_load %arg9[%swap3A_1540, %swap3A_1541] {strides = array<i32>} : memref<640x64xf32, #tpu.memory_space<vmem>>, vector<16xf32>,
        tpu.vector_store %arg9[%swap3A_1540, %swap3A_1541], %add3A_1539 {strides = array<i32>} : memref<640x64xf32, #tpu.memory_space<vmem>>, vector<16xf32>,
        %get3A_1543 = arith.index_cast %add3A_1514 : i32 to index
        %get3A_1544 = arith.constant 32 : index
        %get3A_1545 = tpu.vector_load %arg9[%get3A_1543, %get3A_1544] {strides = array<i32>} : memref<640x64xf32, #tpu.memory_space<vmem>>, vector<16xf32>,
        %sub3A_1546 = arith.subf %get3A_1545, %gather3A_1519 : vector<16xf32>
        %mul3A_1547 = arith.mulf %sub3A_1546, %gather3A_1522 : vector<16xf32>
        %mul3A_1548 = arith.mulf %mul3A_1547, %get3A_10 : vector<16xf32>
        %add3A_1549 = arith.addf %mul3A_1548, %get3A_18 : vector<16xf32>
        %swap3A_1550 = arith.index_cast %add3A_1514 : i32 to index
        %swap3A_1551 = arith.constant 32 : index
        %swap3A_1552 = tpu.vector_load %arg9[%swap3A_1550, %swap3A_1551] {strides = array<i32>} : memref<640x64xf32, #tpu.memory_space<vmem>>, vector<16xf32>,
        tpu.vector_store %arg9[%swap3A_1550, %swap3A_1551], %add3A_1549 {strides = array<i32>} : memref<640x64xf32, #tpu.memory_space<vmem>>, vector<16xf32>,
        %get3A_1553 = arith.index_cast %add3A_1514 : i32 to index
        %get3A_1554 = arith.constant 48 : index
        %get3A_1555 = tpu.vector_load %arg9[%get3A_1553, %get3A_1554] {strides = array<i32>} : memref<640x64xf32, #tpu.memory_space<vmem>>, vector<16xf32>,
        %sub3A_1556 = arith.subf %get3A_1555, %gather3A_1519 : vector<16xf32>
        %mul3A_1557 = arith.mulf %sub3A_1556, %gather3A_1522 : vector<16xf32>
        %mul3A_1558 = arith.mulf %mul3A_1557, %get3A_12 : vector<16xf32>
        %add3A_1559 = arith.addf %mul3A_1558, %get3A_20 : vector<16xf32>
        %swap3A_1560 = arith.index_cast %add3A_1514 : i32 to index
        %swap3A_1561 = arith.constant 48 : index
        %swap3A_1562 = tpu.vector_load %arg9[%swap3A_1560, %swap3A_1561] {strides = array<i32>} : memref<640x64xf32, #tpu.memory_space<vmem>>, vector<16xf32>,
        tpu.vector_store %arg9[%swap3A_1560, %swap3A_1561], %add3A_1559 {strides = array<i32>} : memref<640x64xf32, #tpu.memory_space<vmem>>, vector<16xf32>,
        %add3A_1563 = arith.constant 5 : i32
        %add3A_1564 = arith.addi %mul3A_79, %add3A_1563 : i32
        %broadcast_in_dim3A_1565 = arith.constant 5 : i32
        %broadcast_in_dim3A_1566 = vector.broadcast %broadcast_in_dim3A_1565 : i32 to vector<16xi32>
        %broadcast_in_dim3A_1567 = vector.shape_cast %broadcast_in_dim3A_1566 : vector<16xi32> to vector<16x1xi32>
        %gather3A_1568 = vector.shape_cast %broadcast_in_dim3A_1567 : vector<16x1xi32> to vector<16xi32>
        %gather3A_1569 = tpu.dynamic_gather %mul3A_1272[%gather3A_1568] in [0] : vector<16xf32>, vector<16xi32> -> vector<16xf32>
        %broadcast_in_dim3A_1570 = vector.shape_cast %broadcast_in_dim3A_1566 : vector<16xi32> to vector<16x1xi32>
        %gather3A_1571 = vector.shape_cast %broadcast_in_dim3A_1570 : vector<16x1xi32> to vector<16xi32>
        %gather3A_1572 = tpu.dynamic_gather %mul3A_1313[%gather3A_1571] in [0] : vector<16xf32>, vector<16xi32> -> vector<16xf32>
        %get3A_1573 = arith.index_cast %add3A_1564 : i32 to index
        %get3A_1574 = arith.constant 0 : index
        %get3A_1575 = tpu.vector_load %arg9[%get3A_1573, %get3A_1574] {strides = array<i32>} : memref<640x64xf32, #tpu.memory_space<vmem>>, vector<16xf32>,
        %sub3A_1576 = arith.subf %get3A_1575, %gather3A_1569 : vector<16xf32>
        %mul3A_1577 = arith.mulf %sub3A_1576, %gather3A_1572 : vector<16xf32>
        %mul3A_1578 = arith.mulf %mul3A_1577, %get3A_6 : vector<16xf32>
        %add3A_1579 = arith.addf %mul3A_1578, %get3A_14 : vector<16xf32>
        %swap3A_1580 = arith.index_cast %add3A_1564 : i32 to index
        %swap3A_1581 = arith.constant 0 : index
        %swap3A_1582 = tpu.vector_load %arg9[%swap3A_1580, %swap3A_1581] {strides = array<i32>} : memref<640x64xf32, #tpu.memory_space<vmem>>, vector<16xf32>,
        tpu.vector_store %arg9[%swap3A_1580, %swap3A_1581], %add3A_1579 {strides = array<i32>} : memref<640x64xf32, #tpu.memory_space<vmem>>, vector<16xf32>,
        %get3A_1583 = arith.index_cast %add3A_1564 : i32 to index
        %get3A_1584 = arith.constant 16 : index
        %get3A_1585 = tpu.vector_load %arg9[%get3A_1583, %get3A_1584] {strides = array<i32>} : memref<640x64xf32, #tpu.memory_space<vmem>>, vector<16xf32>,
        %sub3A_1586 = arith.subf %get3A_1585, %gather3A_1569 : vector<16xf32>
        %mul3A_1587 = arith.mulf %sub3A_1586, %gather3A_1572 : vector<16xf32>
        %mul3A_1588 = arith.mulf %mul3A_1587, %get3A_8 : vector<16xf32>
        %add3A_1589 = arith.addf %mul3A_1588, %get3A_16 : vector<16xf32>
        %swap3A_1590 = arith.index_cast %add3A_1564 : i32 to index
        %swap3A_1591 = arith.constant 16 : index
        %swap3A_1592 = tpu.vector_load %arg9[%swap3A_1590, %swap3A_1591] {strides = array<i32>} : memref<640x64xf32, #tpu.memory_space<vmem>>, vector<16xf32>,
        tpu.vector_store %arg9[%swap3A_1590, %swap3A_1591], %add3A_1589 {strides = array<i32>} : memref<640x64xf32, #tpu.memory_space<vmem>>, vector<16xf32>,
        %get3A_1593 = arith.index_cast %add3A_1564 : i32 to index
        %get3A_1594 = arith.constant 32 : index
        %get3A_1595 = tpu.vector_load %arg9[%get3A_1593, %get3A_1594] {strides = array<i32>} : memref<640x64xf32, #tpu.memory_space<vmem>>, vector<16xf32>,
        %sub3A_1596 = arith.subf %get3A_1595, %gather3A_1569 : vector<16xf32>
        %mul3A_1597 = arith.mulf %sub3A_1596, %gather3A_1572 : vector<16xf32>
        %mul3A_1598 = arith.mulf %mul3A_1597, %get3A_10 : vector<16xf32>
        %add3A_1599 = arith.addf %mul3A_1598, %get3A_18 : vector<16xf32>
        %swap3A_1600 = arith.index_cast %add3A_1564 : i32 to index
        %swap3A_1601 = arith.constant 32 : index
        %swap3A_1602 = tpu.vector_load %arg9[%swap3A_1600, %swap3A_1601] {strides = array<i32>} : memref<640x64xf32, #tpu.memory_space<vmem>>, vector<16xf32>,
        tpu.vector_store %arg9[%swap3A_1600, %swap3A_1601], %add3A_1599 {strides = array<i32>} : memref<640x64xf32, #tpu.memory_space<vmem>>, vector<16xf32>,
        %get3A_1603 = arith.index_cast %add3A_1564 : i32 to index
        %get3A_1604 = arith.constant 48 : index
        %get3A_1605 = tpu.vector_load %arg9[%get3A_1603, %get3A_1604] {strides = array<i32>} : memref<640x64xf32, #tpu.memory_space<vmem>>, vector<16xf32>,
        %sub3A_1606 = arith.subf %get3A_1605, %gather3A_1569 : vector<16xf32>
        %mul3A_1607 = arith.mulf %sub3A_1606, %gather3A_1572 : vector<16xf32>
        %mul3A_1608 = arith.mulf %mul3A_1607, %get3A_12 : vector<16xf32>
        %add3A_1609 = arith.addf %mul3A_1608, %get3A_20 : vector<16xf32>
        %swap3A_1610 = arith.index_cast %add3A_1564 : i32 to index
        %swap3A_1611 = arith.constant 48 : index
        %swap3A_1612 = tpu.vector_load %arg9[%swap3A_1610, %swap3A_1611] {strides = array<i32>} : memref<640x64xf32, #tpu.memory_space<vmem>>, vector<16xf32>,
        tpu.vector_store %arg9[%swap3A_1610, %swap3A_1611], %add3A_1609 {strides = array<i32>} : memref<640x64xf32, #tpu.memory_space<vmem>>, vector<16xf32>,
        %add3A_1613 = arith.constant 6 : i32
        %add3A_1614 = arith.addi %mul3A_79, %add3A_1613 : i32
        %broadcast_in_dim3A_1615 = arith.constant 6 : i32
        %broadcast_in_dim3A_1616 = vector.broadcast %broadcast_in_dim3A_1615 : i32 to vector<16xi32>
        %broadcast_in_dim3A_1617 = vector.shape_cast %broadcast_in_dim3A_1616 : vector<16xi32> to vector<16x1xi32>
        %gather3A_1618 = vector.shape_cast %broadcast_in_dim3A_1617 : vector<16x1xi32> to vector<16xi32>
        %gather3A_1619 = tpu.dynamic_gather %mul3A_1272[%gather3A_1618] in [0] : vector<16xf32>, vector<16xi32> -> vector<16xf32>
        %broadcast_in_dim3A_1620 = vector.shape_cast %broadcast_in_dim3A_1616 : vector<16xi32> to vector<16x1xi32>
        %gather3A_1621 = vector.shape_cast %broadcast_in_dim3A_1620 : vector<16x1xi32> to vector<16xi32>
        %gather3A_1622 = tpu.dynamic_gather %mul3A_1313[%gather3A_1621] in [0] : vector<16xf32>, vector<16xi32> -> vector<16xf32>
        %get3A_1623 = arith.index_cast %add3A_1614 : i32 to index
        %get3A_1624 = arith.constant 0 : index
        %get3A_1625 = tpu.vector_load %arg9[%get3A_1623, %get3A_1624] {strides = array<i32>} : memref<640x64xf32, #tpu.memory_space<vmem>>, vector<16xf32>,
        %sub3A_1626 = arith.subf %get3A_1625, %gather3A_1619 : vector<16xf32>
        %mul3A_1627 = arith.mulf %sub3A_1626, %gather3A_1622 : vector<16xf32>
        %mul3A_1628 = arith.mulf %mul3A_1627, %get3A_6 : vector<16xf32>
        %add3A_1629 = arith.addf %mul3A_1628, %get3A_14 : vector<16xf32>
        %swap3A_1630 = arith.index_cast %add3A_1614 : i32 to index
        %swap3A_1631 = arith.constant 0 : index
        %swap3A_1632 = tpu.vector_load %arg9[%swap3A_1630, %swap3A_1631] {strides = array<i32>} : memref<640x64xf32, #tpu.memory_space<vmem>>, vector<16xf32>,
        tpu.vector_store %arg9[%swap3A_1630, %swap3A_1631], %add3A_1629 {strides = array<i32>} : memref<640x64xf32, #tpu.memory_space<vmem>>, vector<16xf32>,
        %get3A_1633 = arith.index_cast %add3A_1614 : i32 to index
        %get3A_1634 = arith.constant 16 : index
        %get3A_1635 = tpu.vector_load %arg9[%get3A_1633, %get3A_1634] {strides = array<i32>} : memref<640x64xf32, #tpu.memory_space<vmem>>, vector<16xf32>,
        %sub3A_1636 = arith.subf %get3A_1635, %gather3A_1619 : vector<16xf32>
        %mul3A_1637 = arith.mulf %sub3A_1636, %gather3A_1622 : vector<16xf32>
        %mul3A_1638 = arith.mulf %mul3A_1637, %get3A_8 : vector<16xf32>
        %add3A_1639 = arith.addf %mul3A_1638, %get3A_16 : vector<16xf32>
        %swap3A_1640 = arith.index_cast %add3A_1614 : i32 to index
        %swap3A_1641 = arith.constant 16 : index
        %swap3A_1642 = tpu.vector_load %arg9[%swap3A_1640, %swap3A_1641] {strides = array<i32>} : memref<640x64xf32, #tpu.memory_space<vmem>>, vector<16xf32>,
        tpu.vector_store %arg9[%swap3A_1640, %swap3A_1641], %add3A_1639 {strides = array<i32>} : memref<640x64xf32, #tpu.memory_space<vmem>>, vector<16xf32>,
        %get3A_1643 = arith.index_cast %add3A_1614 : i32 to index
        %get3A_1644 = arith.constant 32 : index
        %get3A_1645 = tpu.vector_load %arg9[%get3A_1643, %get3A_1644] {strides = array<i32>} : memref<640x64xf32, #tpu.memory_space<vmem>>, vector<16xf32>,
        %sub3A_1646 = arith.subf %get3A_1645, %gather3A_1619 : vector<16xf32>
        %mul3A_1647 = arith.mulf %sub3A_1646, %gather3A_1622 : vector<16xf32>
        %mul3A_1648 = arith.mulf %mul3A_1647, %get3A_10 : vector<16xf32>
        %add3A_1649 = arith.addf %mul3A_1648, %get3A_18 : vector<16xf32>
        %swap3A_1650 = arith.index_cast %add3A_1614 : i32 to index
        %swap3A_1651 = arith.constant 32 : index
        %swap3A_1652 = tpu.vector_load %arg9[%swap3A_1650, %swap3A_1651] {strides = array<i32>} : memref<640x64xf32, #tpu.memory_space<vmem>>, vector<16xf32>,
        tpu.vector_store %arg9[%swap3A_1650, %swap3A_1651], %add3A_1649 {strides = array<i32>} : memref<640x64xf32, #tpu.memory_space<vmem>>, vector<16xf32>,
        %get3A_1653 = arith.index_cast %add3A_1614 : i32 to index
        %get3A_1654 = arith.constant 48 : index
        %get3A_1655 = tpu.vector_load %arg9[%get3A_1653, %get3A_1654] {strides = array<i32>} : memref<640x64xf32, #tpu.memory_space<vmem>>, vector<16xf32>,
        %sub3A_1656 = arith.subf %get3A_1655, %gather3A_1619 : vector<16xf32>
        %mul3A_1657 = arith.mulf %sub3A_1656, %gather3A_1622 : vector<16xf32>
        %mul3A_1658 = arith.mulf %mul3A_1657, %get3A_12 : vector<16xf32>
        %add3A_1659 = arith.addf %mul3A_1658, %get3A_20 : vector<16xf32>
        %swap3A_1660 = arith.index_cast %add3A_1614 : i32 to index
        %swap3A_1661 = arith.constant 48 : index
        %swap3A_1662 = tpu.vector_load %arg9[%swap3A_1660, %swap3A_1661] {strides = array<i32>} : memref<640x64xf32, #tpu.memory_space<vmem>>, vector<16xf32>,
        tpu.vector_store %arg9[%swap3A_1660, %swap3A_1661], %add3A_1659 {strides = array<i32>} : memref<640x64xf32, #tpu.memory_space<vmem>>, vector<16xf32>,
        %add3A_1663 = arith.constant 7 : i32
        %add3A_1664 = arith.addi %mul3A_79, %add3A_1663 : i32
        %broadcast_in_dim3A_1665 = arith.constant 7 : i32
        %broadcast_in_dim3A_1666 = vector.broadcast %broadcast_in_dim3A_1665 : i32 to vector<16xi32>
        %broadcast_in_dim3A_1667 = vector.shape_cast %broadcast_in_dim3A_1666 : vector<16xi32> to vector<16x1xi32>
        %gather3A_1668 = vector.shape_cast %broadcast_in_dim3A_1667 : vector<16x1xi32> to vector<16xi32>
        %gather3A_1669 = tpu.dynamic_gather %mul3A_1272[%gather3A_1668] in [0] : vector<16xf32>, vector<16xi32> -> vector<16xf32>
        %broadcast_in_dim3A_1670 = vector.shape_cast %broadcast_in_dim3A_1666 : vector<16xi32> to vector<16x1xi32>
        %gather3A_1671 = vector.shape_cast %broadcast_in_dim3A_1670 : vector<16x1xi32> to vector<16xi32>
        %gather3A_1672 = tpu.dynamic_gather %mul3A_1313[%gather3A_1671] in [0] : vector<16xf32>, vector<16xi32> -> vector<16xf32>
        %get3A_1673 = arith.index_cast %add3A_1664 : i32 to index
        %get3A_1674 = arith.constant 0 : index
        %get3A_1675 = tpu.vector_load %arg9[%get3A_1673, %get3A_1674] {strides = array<i32>} : memref<640x64xf32, #tpu.memory_space<vmem>>, vector<16xf32>,
        %sub3A_1676 = arith.subf %get3A_1675, %gather3A_1669 : vector<16xf32>
        %mul3A_1677 = arith.mulf %sub3A_1676, %gather3A_1672 : vector<16xf32>
        %mul3A_1678 = arith.mulf %mul3A_1677, %get3A_6 : vector<16xf32>
        %add3A_1679 = arith.addf %mul3A_1678, %get3A_14 : vector<16xf32>
        %swap3A_1680 = arith.index_cast %add3A_1664 : i32 to index
        %swap3A_1681 = arith.constant 0 : index
        %swap3A_1682 = tpu.vector_load %arg9[%swap3A_1680, %swap3A_1681] {strides = array<i32>} : memref<640x64xf32, #tpu.memory_space<vmem>>, vector<16xf32>,
        tpu.vector_store %arg9[%swap3A_1680, %swap3A_1681], %add3A_1679 {strides = array<i32>} : memref<640x64xf32, #tpu.memory_space<vmem>>, vector<16xf32>,
        %get3A_1683 = arith.index_cast %add3A_1664 : i32 to index
        %get3A_1684 = arith.constant 16 : index
        %get3A_1685 = tpu.vector_load %arg9[%get3A_1683, %get3A_1684] {strides = array<i32>} : memref<640x64xf32, #tpu.memory_space<vmem>>, vector<16xf32>,
        %sub3A_1686 = arith.subf %get3A_1685, %gather3A_1669 : vector<16xf32>
        %mul3A_1687 = arith.mulf %sub3A_1686, %gather3A_1672 : vector<16xf32>
        %mul3A_1688 = arith.mulf %mul3A_1687, %get3A_8 : vector<16xf32>
        %add3A_1689 = arith.addf %mul3A_1688, %get3A_16 : vector<16xf32>
        %swap3A_1690 = arith.index_cast %add3A_1664 : i32 to index
        %swap3A_1691 = arith.constant 16 : index
        %swap3A_1692 = tpu.vector_load %arg9[%swap3A_1690, %swap3A_1691] {strides = array<i32>} : memref<640x64xf32, #tpu.memory_space<vmem>>, vector<16xf32>,
        tpu.vector_store %arg9[%swap3A_1690, %swap3A_1691], %add3A_1689 {strides = array<i32>} : memref<640x64xf32, #tpu.memory_space<vmem>>, vector<16xf32>,
        %get3A_1693 = arith.index_cast %add3A_1664 : i32 to index
        %get3A_1694 = arith.constant 32 : index
        %get3A_1695 = tpu.vector_load %arg9[%get3A_1693, %get3A_1694] {strides = array<i32>} : memref<640x64xf32, #tpu.memory_space<vmem>>, vector<16xf32>,
        %sub3A_1696 = arith.subf %get3A_1695, %gather3A_1669 : vector<16xf32>
        %mul3A_1697 = arith.mulf %sub3A_1696, %gather3A_1672 : vector<16xf32>
        %mul3A_1698 = arith.mulf %mul3A_1697, %get3A_10 : vector<16xf32>
        %add3A_1699 = arith.addf %mul3A_1698, %get3A_18 : vector<16xf32>
        %swap3A_1700 = arith.index_cast %add3A_1664 : i32 to index
        %swap3A_1701 = arith.constant 32 : index
        %swap3A_1702 = tpu.vector_load %arg9[%swap3A_1700, %swap3A_1701] {strides = array<i32>} : memref<640x64xf32, #tpu.memory_space<vmem>>, vector<16xf32>,
        tpu.vector_store %arg9[%swap3A_1700, %swap3A_1701], %add3A_1699 {strides = array<i32>} : memref<640x64xf32, #tpu.memory_space<vmem>>, vector<16xf32>,
        %get3A_1703 = arith.index_cast %add3A_1664 : i32 to index
        %get3A_1704 = arith.constant 48 : index
        %get3A_1705 = tpu.vector_load %arg9[%get3A_1703, %get3A_1704] {strides = array<i32>} : memref<640x64xf32, #tpu.memory_space<vmem>>, vector<16xf32>,
        %sub3A_1706 = arith.subf %get3A_1705, %gather3A_1669 : vector<16xf32>
        %mul3A_1707 = arith.mulf %sub3A_1706, %gather3A_1672 : vector<16xf32>
        %mul3A_1708 = arith.mulf %mul3A_1707, %get3A_12 : vector<16xf32>
        %add3A_1709 = arith.addf %mul3A_1708, %get3A_20 : vector<16xf32>
        %swap3A_1710 = arith.index_cast %add3A_1664 : i32 to index
        %swap3A_1711 = arith.constant 48 : index
        %swap3A_1712 = tpu.vector_load %arg9[%swap3A_1710, %swap3A_1711] {strides = array<i32>} : memref<640x64xf32, #tpu.memory_space<vmem>>, vector<16xf32>,
        tpu.vector_store %arg9[%swap3A_1710, %swap3A_1711], %add3A_1709 {strides = array<i32>} : memref<640x64xf32, #tpu.memory_space<vmem>>, vector<16xf32>,
        %add3A_1713 = arith.constant 8 : i32
        %add3A_1714 = arith.addi %mul3A_79, %add3A_1713 : i32
        %broadcast_in_dim3A_1715 = arith.constant 8 : i32
        %broadcast_in_dim3A_1716 = vector.broadcast %broadcast_in_dim3A_1715 : i32 to vector<16xi32>
        %broadcast_in_dim3A_1717 = vector.shape_cast %broadcast_in_dim3A_1716 : vector<16xi32> to vector<16x1xi32>
        %gather3A_1718 = vector.shape_cast %broadcast_in_dim3A_1717 : vector<16x1xi32> to vector<16xi32>
        %gather3A_1719 = tpu.dynamic_gather %mul3A_1272[%gather3A_1718] in [0] : vector<16xf32>, vector<16xi32> -> vector<16xf32>
        %broadcast_in_dim3A_1720 = vector.shape_cast %broadcast_in_dim3A_1716 : vector<16xi32> to vector<16x1xi32>
        %gather3A_1721 = vector.shape_cast %broadcast_in_dim3A_1720 : vector<16x1xi32> to vector<16xi32>
        %gather3A_1722 = tpu.dynamic_gather %mul3A_1313[%gather3A_1721] in [0] : vector<16xf32>, vector<16xi32> -> vector<16xf32>
        %get3A_1723 = arith.index_cast %add3A_1714 : i32 to index
        %get3A_1724 = arith.constant 0 : index
        %get3A_1725 = tpu.vector_load %arg9[%get3A_1723, %get3A_1724] {strides = array<i32>} : memref<640x64xf32, #tpu.memory_space<vmem>>, vector<16xf32>,
        %sub3A_1726 = arith.subf %get3A_1725, %gather3A_1719 : vector<16xf32>
        %mul3A_1727 = arith.mulf %sub3A_1726, %gather3A_1722 : vector<16xf32>
        %mul3A_1728 = arith.mulf %mul3A_1727, %get3A_6 : vector<16xf32>
        %add3A_1729 = arith.addf %mul3A_1728, %get3A_14 : vector<16xf32>
        %swap3A_1730 = arith.index_cast %add3A_1714 : i32 to index
        %swap3A_1731 = arith.constant 0 : index
        %swap3A_1732 = tpu.vector_load %arg9[%swap3A_1730, %swap3A_1731] {strides = array<i32>} : memref<640x64xf32, #tpu.memory_space<vmem>>, vector<16xf32>,
        tpu.vector_store %arg9[%swap3A_1730, %swap3A_1731], %add3A_1729 {strides = array<i32>} : memref<640x64xf32, #tpu.memory_space<vmem>>, vector<16xf32>,
        %get3A_1733 = arith.index_cast %add3A_1714 : i32 to index
        %get3A_1734 = arith.constant 16 : index
        %get3A_1735 = tpu.vector_load %arg9[%get3A_1733, %get3A_1734] {strides = array<i32>} : memref<640x64xf32, #tpu.memory_space<vmem>>, vector<16xf32>,
        %sub3A_1736 = arith.subf %get3A_1735, %gather3A_1719 : vector<16xf32>
        %mul3A_1737 = arith.mulf %sub3A_1736, %gather3A_1722 : vector<16xf32>
        %mul3A_1738 = arith.mulf %mul3A_1737, %get3A_8 : vector<16xf32>
        %add3A_1739 = arith.addf %mul3A_1738, %get3A_16 : vector<16xf32>
        %swap3A_1740 = arith.index_cast %add3A_1714 : i32 to index
        %swap3A_1741 = arith.constant 16 : index
        %swap3A_1742 = tpu.vector_load %arg9[%swap3A_1740, %swap3A_1741] {strides = array<i32>} : memref<640x64xf32, #tpu.memory_space<vmem>>, vector<16xf32>,
        tpu.vector_store %arg9[%swap3A_1740, %swap3A_1741], %add3A_1739 {strides = array<i32>} : memref<640x64xf32, #tpu.memory_space<vmem>>, vector<16xf32>,
        %get3A_1743 = arith.index_cast %add3A_1714 : i32 to index
        %get3A_1744 = arith.constant 32 : index
        %get3A_1745 = tpu.vector_load %arg9[%get3A_1743, %get3A_1744] {strides = array<i32>} : memref<640x64xf32, #tpu.memory_space<vmem>>, vector<16xf32>,
        %sub3A_1746 = arith.subf %get3A_1745, %gather3A_1719 : vector<16xf32>
        %mul3A_1747 = arith.mulf %sub3A_1746, %gather3A_1722 : vector<16xf32>
        %mul3A_1748 = arith.mulf %mul3A_1747, %get3A_10 : vector<16xf32>
        %add3A_1749 = arith.addf %mul3A_1748, %get3A_18 : vector<16xf32>
        %swap3A_1750 = arith.index_cast %add3A_1714 : i32 to index
        %swap3A_1751 = arith.constant 32 : index
        %swap3A_1752 = tpu.vector_load %arg9[%swap3A_1750, %swap3A_1751] {strides = array<i32>} : memref<640x64xf32, #tpu.memory_space<vmem>>, vector<16xf32>,
        tpu.vector_store %arg9[%swap3A_1750, %swap3A_1751], %add3A_1749 {strides = array<i32>} : memref<640x64xf32, #tpu.memory_space<vmem>>, vector<16xf32>,
        %get3A_1753 = arith.index_cast %add3A_1714 : i32 to index
        %get3A_1754 = arith.constant 48 : index
        %get3A_1755 = tpu.vector_load %arg9[%get3A_1753, %get3A_1754] {strides = array<i32>} : memref<640x64xf32, #tpu.memory_space<vmem>>, vector<16xf32>,
        %sub3A_1756 = arith.subf %get3A_1755, %gather3A_1719 : vector<16xf32>
        %mul3A_1757 = arith.mulf %sub3A_1756, %gather3A_1722 : vector<16xf32>
        %mul3A_1758 = arith.mulf %mul3A_1757, %get3A_12 : vector<16xf32>
        %add3A_1759 = arith.addf %mul3A_1758, %get3A_20 : vector<16xf32>
        %swap3A_1760 = arith.index_cast %add3A_1714 : i32 to index
        %swap3A_1761 = arith.constant 48 : index
        %swap3A_1762 = tpu.vector_load %arg9[%swap3A_1760, %swap3A_1761] {strides = array<i32>} : memref<640x64xf32, #tpu.memory_space<vmem>>, vector<16xf32>,
        tpu.vector_store %arg9[%swap3A_1760, %swap3A_1761], %add3A_1759 {strides = array<i32>} : memref<640x64xf32, #tpu.memory_space<vmem>>, vector<16xf32>,
        %add3A_1763 = arith.constant 9 : i32
        %add3A_1764 = arith.addi %mul3A_79, %add3A_1763 : i32
        %broadcast_in_dim3A_1765 = arith.constant 9 : i32
        %broadcast_in_dim3A_1766 = vector.broadcast %broadcast_in_dim3A_1765 : i32 to vector<16xi32>
        %broadcast_in_dim3A_1767 = vector.shape_cast %broadcast_in_dim3A_1766 : vector<16xi32> to vector<16x1xi32>
        %gather3A_1768 = vector.shape_cast %broadcast_in_dim3A_1767 : vector<16x1xi32> to vector<16xi32>
        %gather3A_1769 = tpu.dynamic_gather %mul3A_1272[%gather3A_1768] in [0] : vector<16xf32>, vector<16xi32> -> vector<16xf32>
        %broadcast_in_dim3A_1770 = vector.shape_cast %broadcast_in_dim3A_1766 : vector<16xi32> to vector<16x1xi32>
        %gather3A_1771 = vector.shape_cast %broadcast_in_dim3A_1770 : vector<16x1xi32> to vector<16xi32>
        %gather3A_1772 = tpu.dynamic_gather %mul3A_1313[%gather3A_1771] in [0] : vector<16xf32>, vector<16xi32> -> vector<16xf32>
        %get3A_1773 = arith.index_cast %add3A_1764 : i32 to index
        %get3A_1774 = arith.constant 0 : index
        %get3A_1775 = tpu.vector_load %arg9[%get3A_1773, %get3A_1774] {strides = array<i32>} : memref<640x64xf32, #tpu.memory_space<vmem>>, vector<16xf32>,
        %sub3A_1776 = arith.subf %get3A_1775, %gather3A_1769 : vector<16xf32>
        %mul3A_1777 = arith.mulf %sub3A_1776, %gather3A_1772 : vector<16xf32>
        %mul3A_1778 = arith.mulf %mul3A_1777, %get3A_6 : vector<16xf32>
        %add3A_1779 = arith.addf %mul3A_1778, %get3A_14 : vector<16xf32>
        %swap3A_1780 = arith.index_cast %add3A_1764 : i32 to index
        %swap3A_1781 = arith.constant 0 : index
        %swap3A_1782 = tpu.vector_load %arg9[%swap3A_1780, %swap3A_1781] {strides = array<i32>} : memref<640x64xf32, #tpu.memory_space<vmem>>, vector<16xf32>,
        tpu.vector_store %arg9[%swap3A_1780, %swap3A_1781], %add3A_1779 {strides = array<i32>} : memref<640x64xf32, #tpu.memory_space<vmem>>, vector<16xf32>,
        %get3A_1783 = arith.index_cast %add3A_1764 : i32 to index
        %get3A_1784 = arith.constant 16 : index
        %get3A_1785 = tpu.vector_load %arg9[%get3A_1783, %get3A_1784] {strides = array<i32>} : memref<640x64xf32, #tpu.memory_space<vmem>>, vector<16xf32>,
        %sub3A_1786 = arith.subf %get3A_1785, %gather3A_1769 : vector<16xf32>
        %mul3A_1787 = arith.mulf %sub3A_1786, %gather3A_1772 : vector<16xf32>
        %mul3A_1788 = arith.mulf %mul3A_1787, %get3A_8 : vector<16xf32>
        %add3A_1789 = arith.addf %mul3A_1788, %get3A_16 : vector<16xf32>
        %swap3A_1790 = arith.index_cast %add3A_1764 : i32 to index
        %swap3A_1791 = arith.constant 16 : index
        %swap3A_1792 = tpu.vector_load %arg9[%swap3A_1790, %swap3A_1791] {strides = array<i32>} : memref<640x64xf32, #tpu.memory_space<vmem>>, vector<16xf32>,
        tpu.vector_store %arg9[%swap3A_1790, %swap3A_1791], %add3A_1789 {strides = array<i32>} : memref<640x64xf32, #tpu.memory_space<vmem>>, vector<16xf32>,
        %get3A_1793 = arith.index_cast %add3A_1764 : i32 to index
        %get3A_1794 = arith.constant 32 : index
        %get3A_1795 = tpu.vector_load %arg9[%get3A_1793, %get3A_1794] {strides = array<i32>} : memref<640x64xf32, #tpu.memory_space<vmem>>, vector<16xf32>,
        %sub3A_1796 = arith.subf %get3A_1795, %gather3A_1769 : vector<16xf32>
        %mul3A_1797 = arith.mulf %sub3A_1796, %gather3A_1772 : vector<16xf32>
        %mul3A_1798 = arith.mulf %mul3A_1797, %get3A_10 : vector<16xf32>
        %add3A_1799 = arith.addf %mul3A_1798, %get3A_18 : vector<16xf32>
        %swap3A_1800 = arith.index_cast %add3A_1764 : i32 to index
        %swap3A_1801 = arith.constant 32 : index
        %swap3A_1802 = tpu.vector_load %arg9[%swap3A_1800, %swap3A_1801] {strides = array<i32>} : memref<640x64xf32, #tpu.memory_space<vmem>>, vector<16xf32>,
        tpu.vector_store %arg9[%swap3A_1800, %swap3A_1801], %add3A_1799 {strides = array<i32>} : memref<640x64xf32, #tpu.memory_space<vmem>>, vector<16xf32>,
        %get3A_1803 = arith.index_cast %add3A_1764 : i32 to index
        %get3A_1804 = arith.constant 48 : index
        %get3A_1805 = tpu.vector_load %arg9[%get3A_1803, %get3A_1804] {strides = array<i32>} : memref<640x64xf32, #tpu.memory_space<vmem>>, vector<16xf32>,
        %sub3A_1806 = arith.subf %get3A_1805, %gather3A_1769 : vector<16xf32>
        %mul3A_1807 = arith.mulf %sub3A_1806, %gather3A_1772 : vector<16xf32>
        %mul3A_1808 = arith.mulf %mul3A_1807, %get3A_12 : vector<16xf32>
        %add3A_1809 = arith.addf %mul3A_1808, %get3A_20 : vector<16xf32>
        %swap3A_1810 = arith.index_cast %add3A_1764 : i32 to index
        %swap3A_1811 = arith.constant 48 : index
        %swap3A_1812 = tpu.vector_load %arg9[%swap3A_1810, %swap3A_1811] {strides = array<i32>} : memref<640x64xf32, #tpu.memory_space<vmem>>, vector<16xf32>,
        tpu.vector_store %arg9[%swap3A_1810, %swap3A_1811], %add3A_1809 {strides = array<i32>} : memref<640x64xf32, #tpu.memory_space<vmem>>, vector<16xf32>,
        %add3A_1813 = arith.constant 10 : i32
        %add3A_1814 = arith.addi %mul3A_79, %add3A_1813 : i32
        %broadcast_in_dim3A_1815 = arith.constant 10 : i32
        %broadcast_in_dim3A_1816 = vector.broadcast %broadcast_in_dim3A_1815 : i32 to vector<16xi32>
        %broadcast_in_dim3A_1817 = vector.shape_cast %broadcast_in_dim3A_1816 : vector<16xi32> to vector<16x1xi32>
        %gather3A_1818 = vector.shape_cast %broadcast_in_dim3A_1817 : vector<16x1xi32> to vector<16xi32>
        %gather3A_1819 = tpu.dynamic_gather %mul3A_1272[%gather3A_1818] in [0] : vector<16xf32>, vector<16xi32> -> vector<16xf32>
        %broadcast_in_dim3A_1820 = vector.shape_cast %broadcast_in_dim3A_1816 : vector<16xi32> to vector<16x1xi32>
        %gather3A_1821 = vector.shape_cast %broadcast_in_dim3A_1820 : vector<16x1xi32> to vector<16xi32>
        %gather3A_1822 = tpu.dynamic_gather %mul3A_1313[%gather3A_1821] in [0] : vector<16xf32>, vector<16xi32> -> vector<16xf32>
        %get3A_1823 = arith.index_cast %add3A_1814 : i32 to index
        %get3A_1824 = arith.constant 0 : index
        %get3A_1825 = tpu.vector_load %arg9[%get3A_1823, %get3A_1824] {strides = array<i32>} : memref<640x64xf32, #tpu.memory_space<vmem>>, vector<16xf32>,
        %sub3A_1826 = arith.subf %get3A_1825, %gather3A_1819 : vector<16xf32>
        %mul3A_1827 = arith.mulf %sub3A_1826, %gather3A_1822 : vector<16xf32>
        %mul3A_1828 = arith.mulf %mul3A_1827, %get3A_6 : vector<16xf32>
        %add3A_1829 = arith.addf %mul3A_1828, %get3A_14 : vector<16xf32>
        %swap3A_1830 = arith.index_cast %add3A_1814 : i32 to index
        %swap3A_1831 = arith.constant 0 : index
        %swap3A_1832 = tpu.vector_load %arg9[%swap3A_1830, %swap3A_1831] {strides = array<i32>} : memref<640x64xf32, #tpu.memory_space<vmem>>, vector<16xf32>,
        tpu.vector_store %arg9[%swap3A_1830, %swap3A_1831], %add3A_1829 {strides = array<i32>} : memref<640x64xf32, #tpu.memory_space<vmem>>, vector<16xf32>,
        %get3A_1833 = arith.index_cast %add3A_1814 : i32 to index
        %get3A_1834 = arith.constant 16 : index
        %get3A_1835 = tpu.vector_load %arg9[%get3A_1833, %get3A_1834] {strides = array<i32>} : memref<640x64xf32, #tpu.memory_space<vmem>>, vector<16xf32>,
        %sub3A_1836 = arith.subf %get3A_1835, %gather3A_1819 : vector<16xf32>
        %mul3A_1837 = arith.mulf %sub3A_1836, %gather3A_1822 : vector<16xf32>
        %mul3A_1838 = arith.mulf %mul3A_1837, %get3A_8 : vector<16xf32>
        %add3A_1839 = arith.addf %mul3A_1838, %get3A_16 : vector<16xf32>
        %swap3A_1840 = arith.index_cast %add3A_1814 : i32 to index
        %swap3A_1841 = arith.constant 16 : index
        %swap3A_1842 = tpu.vector_load %arg9[%swap3A_1840, %swap3A_1841] {strides = array<i32>} : memref<640x64xf32, #tpu.memory_space<vmem>>, vector<16xf32>,
        tpu.vector_store %arg9[%swap3A_1840, %swap3A_1841], %add3A_1839 {strides = array<i32>} : memref<640x64xf32, #tpu.memory_space<vmem>>, vector<16xf32>,
        %get3A_1843 = arith.index_cast %add3A_1814 : i32 to index
        %get3A_1844 = arith.constant 32 : index
        %get3A_1845 = tpu.vector_load %arg9[%get3A_1843, %get3A_1844] {strides = array<i32>} : memref<640x64xf32, #tpu.memory_space<vmem>>, vector<16xf32>,
        %sub3A_1846 = arith.subf %get3A_1845, %gather3A_1819 : vector<16xf32>
        %mul3A_1847 = arith.mulf %sub3A_1846, %gather3A_1822 : vector<16xf32>
        %mul3A_1848 = arith.mulf %mul3A_1847, %get3A_10 : vector<16xf32>
        %add3A_1849 = arith.addf %mul3A_1848, %get3A_18 : vector<16xf32>
        %swap3A_1850 = arith.index_cast %add3A_1814 : i32 to index
        %swap3A_1851 = arith.constant 32 : index
        %swap3A_1852 = tpu.vector_load %arg9[%swap3A_1850, %swap3A_1851] {strides = array<i32>} : memref<640x64xf32, #tpu.memory_space<vmem>>, vector<16xf32>,
        tpu.vector_store %arg9[%swap3A_1850, %swap3A_1851], %add3A_1849 {strides = array<i32>} : memref<640x64xf32, #tpu.memory_space<vmem>>, vector<16xf32>,
        %get3A_1853 = arith.index_cast %add3A_1814 : i32 to index
        %get3A_1854 = arith.constant 48 : index
        %get3A_1855 = tpu.vector_load %arg9[%get3A_1853, %get3A_1854] {strides = array<i32>} : memref<640x64xf32, #tpu.memory_space<vmem>>, vector<16xf32>,
        %sub3A_1856 = arith.subf %get3A_1855, %gather3A_1819 : vector<16xf32>
        %mul3A_1857 = arith.mulf %sub3A_1856, %gather3A_1822 : vector<16xf32>
        %mul3A_1858 = arith.mulf %mul3A_1857, %get3A_12 : vector<16xf32>
        %add3A_1859 = arith.addf %mul3A_1858, %get3A_20 : vector<16xf32>
        %swap3A_1860 = arith.index_cast %add3A_1814 : i32 to index
        %swap3A_1861 = arith.constant 48 : index
        %swap3A_1862 = tpu.vector_load %arg9[%swap3A_1860, %swap3A_1861] {strides = array<i32>} : memref<640x64xf32, #tpu.memory_space<vmem>>, vector<16xf32>,
        tpu.vector_store %arg9[%swap3A_1860, %swap3A_1861], %add3A_1859 {strides = array<i32>} : memref<640x64xf32, #tpu.memory_space<vmem>>, vector<16xf32>,
        %add3A_1863 = arith.constant 11 : i32
        %add3A_1864 = arith.addi %mul3A_79, %add3A_1863 : i32
        %broadcast_in_dim3A_1865 = arith.constant 11 : i32
        %broadcast_in_dim3A_1866 = vector.broadcast %broadcast_in_dim3A_1865 : i32 to vector<16xi32>
        %broadcast_in_dim3A_1867 = vector.shape_cast %broadcast_in_dim3A_1866 : vector<16xi32> to vector<16x1xi32>
        %gather3A_1868 = vector.shape_cast %broadcast_in_dim3A_1867 : vector<16x1xi32> to vector<16xi32>
        %gather3A_1869 = tpu.dynamic_gather %mul3A_1272[%gather3A_1868] in [0] : vector<16xf32>, vector<16xi32> -> vector<16xf32>
        %broadcast_in_dim3A_1870 = vector.shape_cast %broadcast_in_dim3A_1866 : vector<16xi32> to vector<16x1xi32>
        %gather3A_1871 = vector.shape_cast %broadcast_in_dim3A_1870 : vector<16x1xi32> to vector<16xi32>
        %gather3A_1872 = tpu.dynamic_gather %mul3A_1313[%gather3A_1871] in [0] : vector<16xf32>, vector<16xi32> -> vector<16xf32>
        %get3A_1873 = arith.index_cast %add3A_1864 : i32 to index
        %get3A_1874 = arith.constant 0 : index
        %get3A_1875 = tpu.vector_load %arg9[%get3A_1873, %get3A_1874] {strides = array<i32>} : memref<640x64xf32, #tpu.memory_space<vmem>>, vector<16xf32>,
        %sub3A_1876 = arith.subf %get3A_1875, %gather3A_1869 : vector<16xf32>
        %mul3A_1877 = arith.mulf %sub3A_1876, %gather3A_1872 : vector<16xf32>
        %mul3A_1878 = arith.mulf %mul3A_1877, %get3A_6 : vector<16xf32>
        %add3A_1879 = arith.addf %mul3A_1878, %get3A_14 : vector<16xf32>
        %swap3A_1880 = arith.index_cast %add3A_1864 : i32 to index
        %swap3A_1881 = arith.constant 0 : index
        %swap3A_1882 = tpu.vector_load %arg9[%swap3A_1880, %swap3A_1881] {strides = array<i32>} : memref<640x64xf32, #tpu.memory_space<vmem>>, vector<16xf32>,
        tpu.vector_store %arg9[%swap3A_1880, %swap3A_1881], %add3A_1879 {strides = array<i32>} : memref<640x64xf32, #tpu.memory_space<vmem>>, vector<16xf32>,
        %get3A_1883 = arith.index_cast %add3A_1864 : i32 to index
        %get3A_1884 = arith.constant 16 : index
        %get3A_1885 = tpu.vector_load %arg9[%get3A_1883, %get3A_1884] {strides = array<i32>} : memref<640x64xf32, #tpu.memory_space<vmem>>, vector<16xf32>,
        %sub3A_1886 = arith.subf %get3A_1885, %gather3A_1869 : vector<16xf32>
        %mul3A_1887 = arith.mulf %sub3A_1886, %gather3A_1872 : vector<16xf32>
        %mul3A_1888 = arith.mulf %mul3A_1887, %get3A_8 : vector<16xf32>
        %add3A_1889 = arith.addf %mul3A_1888, %get3A_16 : vector<16xf32>
        %swap3A_1890 = arith.index_cast %add3A_1864 : i32 to index
        %swap3A_1891 = arith.constant 16 : index
        %swap3A_1892 = tpu.vector_load %arg9[%swap3A_1890, %swap3A_1891] {strides = array<i32>} : memref<640x64xf32, #tpu.memory_space<vmem>>, vector<16xf32>,
        tpu.vector_store %arg9[%swap3A_1890, %swap3A_1891], %add3A_1889 {strides = array<i32>} : memref<640x64xf32, #tpu.memory_space<vmem>>, vector<16xf32>,
        %get3A_1893 = arith.index_cast %add3A_1864 : i32 to index
        %get3A_1894 = arith.constant 32 : index
        %get3A_1895 = tpu.vector_load %arg9[%get3A_1893, %get3A_1894] {strides = array<i32>} : memref<640x64xf32, #tpu.memory_space<vmem>>, vector<16xf32>,
        %sub3A_1896 = arith.subf %get3A_1895, %gather3A_1869 : vector<16xf32>
        %mul3A_1897 = arith.mulf %sub3A_1896, %gather3A_1872 : vector<16xf32>
        %mul3A_1898 = arith.mulf %mul3A_1897, %get3A_10 : vector<16xf32>
        %add3A_1899 = arith.addf %mul3A_1898, %get3A_18 : vector<16xf32>
        %swap3A_1900 = arith.index_cast %add3A_1864 : i32 to index
        %swap3A_1901 = arith.constant 32 : index
        %swap3A_1902 = tpu.vector_load %arg9[%swap3A_1900, %swap3A_1901] {strides = array<i32>} : memref<640x64xf32, #tpu.memory_space<vmem>>, vector<16xf32>,
        tpu.vector_store %arg9[%swap3A_1900, %swap3A_1901], %add3A_1899 {strides = array<i32>} : memref<640x64xf32, #tpu.memory_space<vmem>>, vector<16xf32>,
        %get3A_1903 = arith.index_cast %add3A_1864 : i32 to index
        %get3A_1904 = arith.constant 48 : index
        %get3A_1905 = tpu.vector_load %arg9[%get3A_1903, %get3A_1904] {strides = array<i32>} : memref<640x64xf32, #tpu.memory_space<vmem>>, vector<16xf32>,
        %sub3A_1906 = arith.subf %get3A_1905, %gather3A_1869 : vector<16xf32>
        %mul3A_1907 = arith.mulf %sub3A_1906, %gather3A_1872 : vector<16xf32>
        %mul3A_1908 = arith.mulf %mul3A_1907, %get3A_12 : vector<16xf32>
        %add3A_1909 = arith.addf %mul3A_1908, %get3A_20 : vector<16xf32>
        %swap3A_1910 = arith.index_cast %add3A_1864 : i32 to index
        %swap3A_1911 = arith.constant 48 : index
        %swap3A_1912 = tpu.vector_load %arg9[%swap3A_1910, %swap3A_1911] {strides = array<i32>} : memref<640x64xf32, #tpu.memory_space<vmem>>, vector<16xf32>,
        tpu.vector_store %arg9[%swap3A_1910, %swap3A_1911], %add3A_1909 {strides = array<i32>} : memref<640x64xf32, #tpu.memory_space<vmem>>, vector<16xf32>,
        %add3A_1913 = arith.constant 12 : i32
        %add3A_1914 = arith.addi %mul3A_79, %add3A_1913 : i32
        %broadcast_in_dim3A_1915 = arith.constant 12 : i32
        %broadcast_in_dim3A_1916 = vector.broadcast %broadcast_in_dim3A_1915 : i32 to vector<16xi32>
        %broadcast_in_dim3A_1917 = vector.shape_cast %broadcast_in_dim3A_1916 : vector<16xi32> to vector<16x1xi32>
        %gather3A_1918 = vector.shape_cast %broadcast_in_dim3A_1917 : vector<16x1xi32> to vector<16xi32>
        %gather3A_1919 = tpu.dynamic_gather %mul3A_1272[%gather3A_1918] in [0] : vector<16xf32>, vector<16xi32> -> vector<16xf32>
        %broadcast_in_dim3A_1920 = vector.shape_cast %broadcast_in_dim3A_1916 : vector<16xi32> to vector<16x1xi32>
        %gather3A_1921 = vector.shape_cast %broadcast_in_dim3A_1920 : vector<16x1xi32> to vector<16xi32>
        %gather3A_1922 = tpu.dynamic_gather %mul3A_1313[%gather3A_1921] in [0] : vector<16xf32>, vector<16xi32> -> vector<16xf32>
        %get3A_1923 = arith.index_cast %add3A_1914 : i32 to index
        %get3A_1924 = arith.constant 0 : index
        %get3A_1925 = tpu.vector_load %arg9[%get3A_1923, %get3A_1924] {strides = array<i32>} : memref<640x64xf32, #tpu.memory_space<vmem>>, vector<16xf32>,
        %sub3A_1926 = arith.subf %get3A_1925, %gather3A_1919 : vector<16xf32>
        %mul3A_1927 = arith.mulf %sub3A_1926, %gather3A_1922 : vector<16xf32>
        %mul3A_1928 = arith.mulf %mul3A_1927, %get3A_6 : vector<16xf32>
        %add3A_1929 = arith.addf %mul3A_1928, %get3A_14 : vector<16xf32>
        %swap3A_1930 = arith.index_cast %add3A_1914 : i32 to index
        %swap3A_1931 = arith.constant 0 : index
        %swap3A_1932 = tpu.vector_load %arg9[%swap3A_1930, %swap3A_1931] {strides = array<i32>} : memref<640x64xf32, #tpu.memory_space<vmem>>, vector<16xf32>,
        tpu.vector_store %arg9[%swap3A_1930, %swap3A_1931], %add3A_1929 {strides = array<i32>} : memref<640x64xf32, #tpu.memory_space<vmem>>, vector<16xf32>,
        %get3A_1933 = arith.index_cast %add3A_1914 : i32 to index
        %get3A_1934 = arith.constant 16 : index
        %get3A_1935 = tpu.vector_load %arg9[%get3A_1933, %get3A_1934] {strides = array<i32>} : memref<640x64xf32, #tpu.memory_space<vmem>>, vector<16xf32>,
        %sub3A_1936 = arith.subf %get3A_1935, %gather3A_1919 : vector<16xf32>
        %mul3A_1937 = arith.mulf %sub3A_1936, %gather3A_1922 : vector<16xf32>
        %mul3A_1938 = arith.mulf %mul3A_1937, %get3A_8 : vector<16xf32>
        %add3A_1939 = arith.addf %mul3A_1938, %get3A_16 : vector<16xf32>
        %swap3A_1940 = arith.index_cast %add3A_1914 : i32 to index
        %swap3A_1941 = arith.constant 16 : index
        %swap3A_1942 = tpu.vector_load %arg9[%swap3A_1940, %swap3A_1941] {strides = array<i32>} : memref<640x64xf32, #tpu.memory_space<vmem>>, vector<16xf32>,
        tpu.vector_store %arg9[%swap3A_1940, %swap3A_1941], %add3A_1939 {strides = array<i32>} : memref<640x64xf32, #tpu.memory_space<vmem>>, vector<16xf32>,
        %get3A_1943 = arith.index_cast %add3A_1914 : i32 to index
        %get3A_1944 = arith.constant 32 : index
        %get3A_1945 = tpu.vector_load %arg9[%get3A_1943, %get3A_1944] {strides = array<i32>} : memref<640x64xf32, #tpu.memory_space<vmem>>, vector<16xf32>,
        %sub3A_1946 = arith.subf %get3A_1945, %gather3A_1919 : vector<16xf32>
        %mul3A_1947 = arith.mulf %sub3A_1946, %gather3A_1922 : vector<16xf32>
        %mul3A_1948 = arith.mulf %mul3A_1947, %get3A_10 : vector<16xf32>
        %add3A_1949 = arith.addf %mul3A_1948, %get3A_18 : vector<16xf32>
        %swap3A_1950 = arith.index_cast %add3A_1914 : i32 to index
        %swap3A_1951 = arith.constant 32 : index
        %swap3A_1952 = tpu.vector_load %arg9[%swap3A_1950, %swap3A_1951] {strides = array<i32>} : memref<640x64xf32, #tpu.memory_space<vmem>>, vector<16xf32>,
        tpu.vector_store %arg9[%swap3A_1950, %swap3A_1951], %add3A_1949 {strides = array<i32>} : memref<640x64xf32, #tpu.memory_space<vmem>>, vector<16xf32>,
        %get3A_1953 = arith.index_cast %add3A_1914 : i32 to index
        %get3A_1954 = arith.constant 48 : index
        %get3A_1955 = tpu.vector_load %arg9[%get3A_1953, %get3A_1954] {strides = array<i32>} : memref<640x64xf32, #tpu.memory_space<vmem>>, vector<16xf32>,
        %sub3A_1956 = arith.subf %get3A_1955, %gather3A_1919 : vector<16xf32>
        %mul3A_1957 = arith.mulf %sub3A_1956, %gather3A_1922 : vector<16xf32>
        %mul3A_1958 = arith.mulf %mul3A_1957, %get3A_12 : vector<16xf32>
        %add3A_1959 = arith.addf %mul3A_1958, %get3A_20 : vector<16xf32>
        %swap3A_1960 = arith.index_cast %add3A_1914 : i32 to index
        %swap3A_1961 = arith.constant 48 : index
        %swap3A_1962 = tpu.vector_load %arg9[%swap3A_1960, %swap3A_1961] {strides = array<i32>} : memref<640x64xf32, #tpu.memory_space<vmem>>, vector<16xf32>,
        tpu.vector_store %arg9[%swap3A_1960, %swap3A_1961], %add3A_1959 {strides = array<i32>} : memref<640x64xf32, #tpu.memory_space<vmem>>, vector<16xf32>,
        %add3A_1963 = arith.constant 13 : i32
        %add3A_1964 = arith.addi %mul3A_79, %add3A_1963 : i32
        %broadcast_in_dim3A_1965 = arith.constant 13 : i32
        %broadcast_in_dim3A_1966 = vector.broadcast %broadcast_in_dim3A_1965 : i32 to vector<16xi32>
        %broadcast_in_dim3A_1967 = vector.shape_cast %broadcast_in_dim3A_1966 : vector<16xi32> to vector<16x1xi32>
        %gather3A_1968 = vector.shape_cast %broadcast_in_dim3A_1967 : vector<16x1xi32> to vector<16xi32>
        %gather3A_1969 = tpu.dynamic_gather %mul3A_1272[%gather3A_1968] in [0] : vector<16xf32>, vector<16xi32> -> vector<16xf32>
        %broadcast_in_dim3A_1970 = vector.shape_cast %broadcast_in_dim3A_1966 : vector<16xi32> to vector<16x1xi32>
        %gather3A_1971 = vector.shape_cast %broadcast_in_dim3A_1970 : vector<16x1xi32> to vector<16xi32>
        %gather3A_1972 = tpu.dynamic_gather %mul3A_1313[%gather3A_1971] in [0] : vector<16xf32>, vector<16xi32> -> vector<16xf32>
        %get3A_1973 = arith.index_cast %add3A_1964 : i32 to index
        %get3A_1974 = arith.constant 0 : index
        %get3A_1975 = tpu.vector_load %arg9[%get3A_1973, %get3A_1974] {strides = array<i32>} : memref<640x64xf32, #tpu.memory_space<vmem>>, vector<16xf32>,
        %sub3A_1976 = arith.subf %get3A_1975, %gather3A_1969 : vector<16xf32>
        %mul3A_1977 = arith.mulf %sub3A_1976, %gather3A_1972 : vector<16xf32>
        %mul3A_1978 = arith.mulf %mul3A_1977, %get3A_6 : vector<16xf32>
        %add3A_1979 = arith.addf %mul3A_1978, %get3A_14 : vector<16xf32>
        %swap3A_1980 = arith.index_cast %add3A_1964 : i32 to index
        %swap3A_1981 = arith.constant 0 : index
        %swap3A_1982 = tpu.vector_load %arg9[%swap3A_1980, %swap3A_1981] {strides = array<i32>} : memref<640x64xf32, #tpu.memory_space<vmem>>, vector<16xf32>,
        tpu.vector_store %arg9[%swap3A_1980, %swap3A_1981], %add3A_1979 {strides = array<i32>} : memref<640x64xf32, #tpu.memory_space<vmem>>, vector<16xf32>,
        %get3A_1983 = arith.index_cast %add3A_1964 : i32 to index
        %get3A_1984 = arith.constant 16 : index
        %get3A_1985 = tpu.vector_load %arg9[%get3A_1983, %get3A_1984] {strides = array<i32>} : memref<640x64xf32, #tpu.memory_space<vmem>>, vector<16xf32>,
        %sub3A_1986 = arith.subf %get3A_1985, %gather3A_1969 : vector<16xf32>
        %mul3A_1987 = arith.mulf %sub3A_1986, %gather3A_1972 : vector<16xf32>
        %mul3A_1988 = arith.mulf %mul3A_1987, %get3A_8 : vector<16xf32>
        %add3A_1989 = arith.addf %mul3A_1988, %get3A_16 : vector<16xf32>
        %swap3A_1990 = arith.index_cast %add3A_1964 : i32 to index
        %swap3A_1991 = arith.constant 16 : index
        %swap3A_1992 = tpu.vector_load %arg9[%swap3A_1990, %swap3A_1991] {strides = array<i32>} : memref<640x64xf32, #tpu.memory_space<vmem>>, vector<16xf32>,
        tpu.vector_store %arg9[%swap3A_1990, %swap3A_1991], %add3A_1989 {strides = array<i32>} : memref<640x64xf32, #tpu.memory_space<vmem>>, vector<16xf32>,
        %get3A_1993 = arith.index_cast %add3A_1964 : i32 to index
        %get3A_1994 = arith.constant 32 : index
        %get3A_1995 = tpu.vector_load %arg9[%get3A_1993, %get3A_1994] {strides = array<i32>} : memref<640x64xf32, #tpu.memory_space<vmem>>, vector<16xf32>,
        %sub3A_1996 = arith.subf %get3A_1995, %gather3A_1969 : vector<16xf32>
        %mul3A_1997 = arith.mulf %sub3A_1996, %gather3A_1972 : vector<16xf32>
        %mul3A_1998 = arith.mulf %mul3A_1997, %get3A_10 : vector<16xf32>
        %add3A_1999 = arith.addf %mul3A_1998, %get3A_18 : vector<16xf32>
        %swap3A_2000 = arith.index_cast %add3A_1964 : i32 to index
        %swap3A_2001 = arith.constant 32 : index
        %swap3A_2002 = tpu.vector_load %arg9[%swap3A_2000, %swap3A_2001] {strides = array<i32>} : memref<640x64xf32, #tpu.memory_space<vmem>>, vector<16xf32>,
        tpu.vector_store %arg9[%swap3A_2000, %swap3A_2001], %add3A_1999 {strides = array<i32>} : memref<640x64xf32, #tpu.memory_space<vmem>>, vector<16xf32>,
        %get3A_2003 = arith.index_cast %add3A_1964 : i32 to index
        %get3A_2004 = arith.constant 48 : index
        %get3A_2005 = tpu.vector_load %arg9[%get3A_2003, %get3A_2004] {strides = array<i32>} : memref<640x64xf32, #tpu.memory_space<vmem>>, vector<16xf32>,
        %sub3A_2006 = arith.subf %get3A_2005, %gather3A_1969 : vector<16xf32>
        %mul3A_2007 = arith.mulf %sub3A_2006, %gather3A_1972 : vector<16xf32>
        %mul3A_2008 = arith.mulf %mul3A_2007, %get3A_12 : vector<16xf32>
        %add3A_2009 = arith.addf %mul3A_2008, %get3A_20 : vector<16xf32>
        %swap3A_2010 = arith.index_cast %add3A_1964 : i32 to index
        %swap3A_2011 = arith.constant 48 : index
        %swap3A_2012 = tpu.vector_load %arg9[%swap3A_2010, %swap3A_2011] {strides = array<i32>} : memref<640x64xf32, #tpu.memory_space<vmem>>, vector<16xf32>,
        tpu.vector_store %arg9[%swap3A_2010, %swap3A_2011], %add3A_2009 {strides = array<i32>} : memref<640x64xf32, #tpu.memory_space<vmem>>, vector<16xf32>,
        %add3A_2013 = arith.constant 14 : i32
        %add3A_2014 = arith.addi %mul3A_79, %add3A_2013 : i32
        %broadcast_in_dim3A_2015 = arith.constant 14 : i32
        %broadcast_in_dim3A_2016 = vector.broadcast %broadcast_in_dim3A_2015 : i32 to vector<16xi32>
        %broadcast_in_dim3A_2017 = vector.shape_cast %broadcast_in_dim3A_2016 : vector<16xi32> to vector<16x1xi32>
        %gather3A_2018 = vector.shape_cast %broadcast_in_dim3A_2017 : vector<16x1xi32> to vector<16xi32>
        %gather3A_2019 = tpu.dynamic_gather %mul3A_1272[%gather3A_2018] in [0] : vector<16xf32>, vector<16xi32> -> vector<16xf32>
        %broadcast_in_dim3A_2020 = vector.shape_cast %broadcast_in_dim3A_2016 : vector<16xi32> to vector<16x1xi32>
        %gather3A_2021 = vector.shape_cast %broadcast_in_dim3A_2020 : vector<16x1xi32> to vector<16xi32>
        %gather3A_2022 = tpu.dynamic_gather %mul3A_1313[%gather3A_2021] in [0] : vector<16xf32>, vector<16xi32> -> vector<16xf32>
        %get3A_2023 = arith.index_cast %add3A_2014 : i32 to index
        %get3A_2024 = arith.constant 0 : index
        %get3A_2025 = tpu.vector_load %arg9[%get3A_2023, %get3A_2024] {strides = array<i32>} : memref<640x64xf32, #tpu.memory_space<vmem>>, vector<16xf32>,
        %sub3A_2026 = arith.subf %get3A_2025, %gather3A_2019 : vector<16xf32>
        %mul3A_2027 = arith.mulf %sub3A_2026, %gather3A_2022 : vector<16xf32>
        %mul3A_2028 = arith.mulf %mul3A_2027, %get3A_6 : vector<16xf32>
        %add3A_2029 = arith.addf %mul3A_2028, %get3A_14 : vector<16xf32>
        %swap3A_2030 = arith.index_cast %add3A_2014 : i32 to index
        %swap3A_2031 = arith.constant 0 : index
        %swap3A_2032 = tpu.vector_load %arg9[%swap3A_2030, %swap3A_2031] {strides = array<i32>} : memref<640x64xf32, #tpu.memory_space<vmem>>, vector<16xf32>,
        tpu.vector_store %arg9[%swap3A_2030, %swap3A_2031], %add3A_2029 {strides = array<i32>} : memref<640x64xf32, #tpu.memory_space<vmem>>, vector<16xf32>,
        %get3A_2033 = arith.index_cast %add3A_2014 : i32 to index
        %get3A_2034 = arith.constant 16 : index
        %get3A_2035 = tpu.vector_load %arg9[%get3A_2033, %get3A_2034] {strides = array<i32>} : memref<640x64xf32, #tpu.memory_space<vmem>>, vector<16xf32>,
        %sub3A_2036 = arith.subf %get3A_2035, %gather3A_2019 : vector<16xf32>
        %mul3A_2037 = arith.mulf %sub3A_2036, %gather3A_2022 : vector<16xf32>
        %mul3A_2038 = arith.mulf %mul3A_2037, %get3A_8 : vector<16xf32>
        %add3A_2039 = arith.addf %mul3A_2038, %get3A_16 : vector<16xf32>
        %swap3A_2040 = arith.index_cast %add3A_2014 : i32 to index
        %swap3A_2041 = arith.constant 16 : index
        %swap3A_2042 = tpu.vector_load %arg9[%swap3A_2040, %swap3A_2041] {strides = array<i32>} : memref<640x64xf32, #tpu.memory_space<vmem>>, vector<16xf32>,
        tpu.vector_store %arg9[%swap3A_2040, %swap3A_2041], %add3A_2039 {strides = array<i32>} : memref<640x64xf32, #tpu.memory_space<vmem>>, vector<16xf32>,
        %get3A_2043 = arith.index_cast %add3A_2014 : i32 to index
        %get3A_2044 = arith.constant 32 : index
        %get3A_2045 = tpu.vector_load %arg9[%get3A_2043, %get3A_2044] {strides = array<i32>} : memref<640x64xf32, #tpu.memory_space<vmem>>, vector<16xf32>,
        %sub3A_2046 = arith.subf %get3A_2045, %gather3A_2019 : vector<16xf32>
        %mul3A_2047 = arith.mulf %sub3A_2046, %gather3A_2022 : vector<16xf32>
        %mul3A_2048 = arith.mulf %mul3A_2047, %get3A_10 : vector<16xf32>
        %add3A_2049 = arith.addf %mul3A_2048, %get3A_18 : vector<16xf32>
        %swap3A_2050 = arith.index_cast %add3A_2014 : i32 to index
        %swap3A_2051 = arith.constant 32 : index
        %swap3A_2052 = tpu.vector_load %arg9[%swap3A_2050, %swap3A_2051] {strides = array<i32>} : memref<640x64xf32, #tpu.memory_space<vmem>>, vector<16xf32>,
        tpu.vector_store %arg9[%swap3A_2050, %swap3A_2051], %add3A_2049 {strides = array<i32>} : memref<640x64xf32, #tpu.memory_space<vmem>>, vector<16xf32>,
        %get3A_2053 = arith.index_cast %add3A_2014 : i32 to index
        %get3A_2054 = arith.constant 48 : index
        %get3A_2055 = tpu.vector_load %arg9[%get3A_2053, %get3A_2054] {strides = array<i32>} : memref<640x64xf32, #tpu.memory_space<vmem>>, vector<16xf32>,
        %sub3A_2056 = arith.subf %get3A_2055, %gather3A_2019 : vector<16xf32>
        %mul3A_2057 = arith.mulf %sub3A_2056, %gather3A_2022 : vector<16xf32>
        %mul3A_2058 = arith.mulf %mul3A_2057, %get3A_12 : vector<16xf32>
        %add3A_2059 = arith.addf %mul3A_2058, %get3A_20 : vector<16xf32>
        %swap3A_2060 = arith.index_cast %add3A_2014 : i32 to index
        %swap3A_2061 = arith.constant 48 : index
        %swap3A_2062 = tpu.vector_load %arg9[%swap3A_2060, %swap3A_2061] {strides = array<i32>} : memref<640x64xf32, #tpu.memory_space<vmem>>, vector<16xf32>,
        tpu.vector_store %arg9[%swap3A_2060, %swap3A_2061], %add3A_2059 {strides = array<i32>} : memref<640x64xf32, #tpu.memory_space<vmem>>, vector<16xf32>,
        %add3A_2063 = arith.constant 15 : i32
        %add3A_2064 = arith.addi %mul3A_79, %add3A_2063 : i32
        %broadcast_in_dim3A_2065 = arith.constant 15 : i32
        %broadcast_in_dim3A_2066 = vector.broadcast %broadcast_in_dim3A_2065 : i32 to vector<16xi32>
        %broadcast_in_dim3A_2067 = vector.shape_cast %broadcast_in_dim3A_2066 : vector<16xi32> to vector<16x1xi32>
        %gather3A_2068 = vector.shape_cast %broadcast_in_dim3A_2067 : vector<16x1xi32> to vector<16xi32>
        %gather3A_2069 = tpu.dynamic_gather %mul3A_1272[%gather3A_2068] in [0] : vector<16xf32>, vector<16xi32> -> vector<16xf32>
        %broadcast_in_dim3A_2070 = vector.shape_cast %broadcast_in_dim3A_2066 : vector<16xi32> to vector<16x1xi32>
        %gather3A_2071 = vector.shape_cast %broadcast_in_dim3A_2070 : vector<16x1xi32> to vector<16xi32>
        %gather3A_2072 = tpu.dynamic_gather %mul3A_1313[%gather3A_2071] in [0] : vector<16xf32>, vector<16xi32> -> vector<16xf32>
        %get3A_2073 = arith.index_cast %add3A_2064 : i32 to index
        %get3A_2074 = arith.constant 0 : index
        %get3A_2075 = tpu.vector_load %arg9[%get3A_2073, %get3A_2074] {strides = array<i32>} : memref<640x64xf32, #tpu.memory_space<vmem>>, vector<16xf32>,
        %sub3A_2076 = arith.subf %get3A_2075, %gather3A_2069 : vector<16xf32>
        %mul3A_2077 = arith.mulf %sub3A_2076, %gather3A_2072 : vector<16xf32>
        %mul3A_2078 = arith.mulf %mul3A_2077, %get3A_6 : vector<16xf32>
        %add3A_2079 = arith.addf %mul3A_2078, %get3A_14 : vector<16xf32>
        %swap3A_2080 = arith.index_cast %add3A_2064 : i32 to index
        %swap3A_2081 = arith.constant 0 : index
        %swap3A_2082 = tpu.vector_load %arg9[%swap3A_2080, %swap3A_2081] {strides = array<i32>} : memref<640x64xf32, #tpu.memory_space<vmem>>, vector<16xf32>,
        tpu.vector_store %arg9[%swap3A_2080, %swap3A_2081], %add3A_2079 {strides = array<i32>} : memref<640x64xf32, #tpu.memory_space<vmem>>, vector<16xf32>,
        %get3A_2083 = arith.index_cast %add3A_2064 : i32 to index
        %get3A_2084 = arith.constant 16 : index
        %get3A_2085 = tpu.vector_load %arg9[%get3A_2083, %get3A_2084] {strides = array<i32>} : memref<640x64xf32, #tpu.memory_space<vmem>>, vector<16xf32>,
        %sub3A_2086 = arith.subf %get3A_2085, %gather3A_2069 : vector<16xf32>
        %mul3A_2087 = arith.mulf %sub3A_2086, %gather3A_2072 : vector<16xf32>
        %mul3A_2088 = arith.mulf %mul3A_2087, %get3A_8 : vector<16xf32>
        %add3A_2089 = arith.addf %mul3A_2088, %get3A_16 : vector<16xf32>
        %swap3A_2090 = arith.index_cast %add3A_2064 : i32 to index
        %swap3A_2091 = arith.constant 16 : index
        %swap3A_2092 = tpu.vector_load %arg9[%swap3A_2090, %swap3A_2091] {strides = array<i32>} : memref<640x64xf32, #tpu.memory_space<vmem>>, vector<16xf32>,
        tpu.vector_store %arg9[%swap3A_2090, %swap3A_2091], %add3A_2089 {strides = array<i32>} : memref<640x64xf32, #tpu.memory_space<vmem>>, vector<16xf32>,
        %get3A_2093 = arith.index_cast %add3A_2064 : i32 to index
        %get3A_2094 = arith.constant 32 : index
        %get3A_2095 = tpu.vector_load %arg9[%get3A_2093, %get3A_2094] {strides = array<i32>} : memref<640x64xf32, #tpu.memory_space<vmem>>, vector<16xf32>,
        %sub3A_2096 = arith.subf %get3A_2095, %gather3A_2069 : vector<16xf32>
        %mul3A_2097 = arith.mulf %sub3A_2096, %gather3A_2072 : vector<16xf32>
        %mul3A_2098 = arith.mulf %mul3A_2097, %get3A_10 : vector<16xf32>
        %add3A_2099 = arith.addf %mul3A_2098, %get3A_18 : vector<16xf32>
        %swap3A_2100 = arith.index_cast %add3A_2064 : i32 to index
        %swap3A_2101 = arith.constant 32 : index
        %swap3A_2102 = tpu.vector_load %arg9[%swap3A_2100, %swap3A_2101] {strides = array<i32>} : memref<640x64xf32, #tpu.memory_space<vmem>>, vector<16xf32>,
        tpu.vector_store %arg9[%swap3A_2100, %swap3A_2101], %add3A_2099 {strides = array<i32>} : memref<640x64xf32, #tpu.memory_space<vmem>>, vector<16xf32>,
        %get3A_2103 = arith.index_cast %add3A_2064 : i32 to index
        %get3A_2104 = arith.constant 48 : index
        %get3A_2105 = tpu.vector_load %arg9[%get3A_2103, %get3A_2104] {strides = array<i32>} : memref<640x64xf32, #tpu.memory_space<vmem>>, vector<16xf32>,
        %sub3A_2106 = arith.subf %get3A_2105, %gather3A_2069 : vector<16xf32>
        %mul3A_2107 = arith.mulf %sub3A_2106, %gather3A_2072 : vector<16xf32>
        %mul3A_2108 = arith.mulf %mul3A_2107, %get3A_12 : vector<16xf32>
        %add3A_2109 = arith.addf %mul3A_2108, %get3A_20 : vector<16xf32>
        %swap3A_2110 = arith.index_cast %add3A_2064 : i32 to index
        %swap3A_2111 = arith.constant 48 : index
        %swap3A_2112 = tpu.vector_load %arg9[%swap3A_2110, %swap3A_2111] {strides = array<i32>} : memref<640x64xf32, #tpu.memory_space<vmem>>, vector<16xf32>,
        tpu.vector_store %arg9[%swap3A_2110, %swap3A_2111], %add3A_2109 {strides = array<i32>} : memref<640x64xf32, #tpu.memory_space<vmem>>, vector<16xf32>,
      }
      %scan3A_54 = arith.constant 40 : i32
      "tpu.region"() ({
        %run_scoped3A = tpu.sem_alloc : memref<!tpu.dma_semaphore, #tpu.memory_space<semaphore_mem>>
        %dma_start3A_77 = arith.constant 0 : i32
        %dma_start3A_78 = tpu.memref_slice %arg7[%add3A_47, %dma_start3A_77] : memref<819200x64xf32, #tpu.memory_space<hbm>> -> memref<640x64xf32, #tpu.memory_space<hbm>>
        %dma_start3A_79 = arith.constant 0 : i32
        %dma_start3A_80 = tpu.memref_slice %arg7[%add3A_47, %dma_start3A_79] : memref<819200x64xf32, #tpu.memory_space<hbm>> -> memref<640x64xf32, #tpu.memory_space<hbm>>
        tpu.enqueue_dma source(%arg9 : memref<640x64xf32, #tpu.memory_space<vmem>>) target(%dma_start3A_80 : memref<640x64xf32, #tpu.memory_space<hbm>>) target_semaphore(%run_scoped3A : memref<!tpu.dma_semaphore, #tpu.memory_space<semaphore_mem>>)
        %dma_wait3A_81 = arith.constant 0 : i32
        %dma_wait3A_82 = tpu.memref_slice %arg7[%add3A_47, %dma_wait3A_81] : memref<819200x64xf32, #tpu.memory_space<hbm>> -> memref<640x64xf32, #tpu.memory_space<hbm>>
        %dma_wait3A_83 = arith.constant 0 : i32
        %dma_wait3A_84 = tpu.memref_slice %arg7[%add3A_47, %dma_wait3A_83] : memref<819200x64xf32, #tpu.memory_space<hbm>> -> memref<640x64xf32, #tpu.memory_space<hbm>>
        tpu.wait_dma2 semaphore(%run_scoped3A : memref<!tpu.dma_semaphore, #tpu.memory_space<semaphore_mem>>) src(%arg9 : memref<640x64xf32, #tpu.memory_space<vmem>>) dst(%dma_wait3A_84 : memref<640x64xf32, #tpu.memory_space<hbm>>)
        tpu.yield
      }) : () -> ()
      %dma_wait3A_55 = arith.constant 0 : i32
      %dma_wait3A_56 = tpu.memref_slice %arg8[%dma_wait3A_55] : memref<25600xi32, #tpu.memory_space<vmem>> -> memref<640xi32, #tpu.memory_space<vmem>>
      %dma_wait3A_57 = arith.constant 0 : i32
      %dma_wait3A_58 = arith.constant 0 : i32
      %dma_wait3A_59 = tpu.memref_slice %arg3[%dma_wait3A_57, %dma_wait3A_58] : memref<1000000x64xf32, #tpu.memory_space<hbm>> -> memref<1000000x64xf32, #tpu.memory_space<hbm>>
      tpu.wait_indirect_dma semaphore(%arg17 : memref<!tpu.dma_semaphore, #tpu.memory_space<semaphore_mem>>) src(%dma_wait3A_59 : memref<1000000x64xf32, #tpu.memory_space<hbm>>) dst(%arg10 : memref<640x64xf32, #tpu.memory_space<vmem>>)
      %add3A_60 = arith.constant 2 : i32
      %add3A_61 = arith.addi %mul3A_32, %add3A_60 : i32
      %lt3A = arith.constant 40 : i32
      %lt3A_62 = arith.cmpi slt, %add3A_61, %lt3A : i32
      %convert_element_type3A = arith.extui %lt3A_62 : i1 to i32
      %cond3A = arith.constant 0 : i32
      %cond3A_63 = arith.cmpi ne, %convert_element_type3A, %cond3A : i32
      scf.if %cond3A_63 {
        %add3A_77 = arith.constant 2 : i32
        %add3A_78 = arith.addi %mul3A_32, %add3A_77 : i32
        %mul3A_79 = arith.constant 640 : i32
        %mul3A_80 = arith.muli %add3A_78, %mul3A_79 : i32
        %dma_start3A_81 = tpu.memref_slice %arg8[%mul3A_80] : memref<25600xi32, #tpu.memory_space<vmem>> -> memref<640xi32, #tpu.memory_space<vmem>>
        %dma_start3A_82 = arith.constant 0 : i32
        %dma_start3A_83 = arith.constant 0 : i32
        %dma_start3A_84 = tpu.memref_slice %arg3[%dma_start3A_82, %dma_start3A_83] : memref<1000000x64xf32, #tpu.memory_space<hbm>> -> memref<1000000x64xf32, #tpu.memory_space<hbm>>
        tpu.enqueue_indirect_dma source(%dma_start3A_84 : memref<1000000x64xf32, #tpu.memory_space<hbm>>) target(%arg9 : memref<640x64xf32, #tpu.memory_space<vmem>>) offsets(%dma_start3A_81 : memref<640xi32, #tpu.memory_space<vmem>>) semaphore(%arg16 : memref<!tpu.dma_semaphore, #tpu.memory_space<semaphore_mem>>)
      } else {
      }
      %add3A_64 = arith.constant 1 : i32
      %add3A_65 = arith.addi %mul3A_32, %add3A_64 : i32
      %mul3A_66 = arith.constant 640 : i32
      %mul3A_67 = arith.muli %add3A_65, %mul3A_66 : i32
      %add3A_68 = arith.addi %mul3A_2, %mul3A_67 : i32
      %rem3A_69 = arith.constant 200 : i32
      %rem3A_70 = arith.remsi %add3A_68, %rem3A_69 : i32
      %scan3A_71 = arith.constant 0 : i32
      %scan3A_72 = arith.constant 0 : i32
      %scan3A_73 = arith.constant 40 : i32
      %scan3A_74 = arith.addi %scan3A_72, %scan3A_73 : i32
      %scan3A_75 = arith.constant 1 : i32
      scf.for %scan3A_77 = %scan3A_72 to %scan3A_74 step %scan3A_75  : i32 {
        %mul3A_78 = arith.constant 16 : i32
        %mul3A_79 = arith.muli %scan3A_77, %mul3A_78 : i32
        %add3A_80 = arith.addi %rem3A_70, %mul3A_79 : i32
        %rem3A_81 = arith.constant 200 : i32
        %rem3A_82 = arith.remsi %add3A_80, %rem3A_81 : i32
        %add3A_83 = arith.constant 0 : i32
        %add3A_84 = arith.addi %mul3A_79, %add3A_83 : i32
        %add3A_85 = arith.constant 0 : i32
        %add3A_86 = arith.addi %rem3A_82, %add3A_85 : i32
        %ge3A = arith.constant 200 : i32
        %ge3A_87 = arith.cmpi sge, %add3A_86, %ge3A : i32
        %sub3A = arith.constant 200 : i32
        %sub3A_88 = arith.subi %add3A_86, %sub3A : i32
        %select_n3A = arith.select %ge3A_87, %sub3A_88, %add3A_86 : i32
        %get3A_89 = arith.index_cast %add3A_84 : i32 to index
        %get3A_90 = arith.constant 0 : index
        %get3A_91 = tpu.vector_load %arg10[%get3A_89, %get3A_90] {strides = array<i32>} : memref<640x64xf32, #tpu.memory_space<vmem>>, vector<16xf32>,
        %get3A_92 = arith.index_cast %select_n3A : i32 to index
        %get3A_93 = arith.constant 0 : index
        %get3A_94 = tpu.vector_load %arg11[%get3A_92, %get3A_93] {strides = array<i32>} : memref<200x64xf32, #tpu.memory_space<vmem>>, vector<16xf32>,
        %add3A_95 = arith.addf %get3A_91, %get3A_94 : vector<16xf32>
        %get3A_96 = arith.index_cast %add3A_84 : i32 to index
        %get3A_97 = arith.constant 16 : index
        %get3A_98 = tpu.vector_load %arg10[%get3A_96, %get3A_97] {strides = array<i32>} : memref<640x64xf32, #tpu.memory_space<vmem>>, vector<16xf32>,
        %get3A_99 = arith.index_cast %select_n3A : i32 to index
        %get3A_100 = arith.constant 16 : index
        %get3A_101 = tpu.vector_load %arg11[%get3A_99, %get3A_100] {strides = array<i32>} : memref<200x64xf32, #tpu.memory_space<vmem>>, vector<16xf32>,
        %add3A_102 = arith.addf %get3A_98, %get3A_101 : vector<16xf32>
        %get3A_103 = arith.index_cast %add3A_84 : i32 to index
        %get3A_104 = arith.constant 32 : index
        %get3A_105 = tpu.vector_load %arg10[%get3A_103, %get3A_104] {strides = array<i32>} : memref<640x64xf32, #tpu.memory_space<vmem>>, vector<16xf32>,
        %get3A_106 = arith.index_cast %select_n3A : i32 to index
        %get3A_107 = arith.constant 32 : index
        %get3A_108 = tpu.vector_load %arg11[%get3A_106, %get3A_107] {strides = array<i32>} : memref<200x64xf32, #tpu.memory_space<vmem>>, vector<16xf32>,
        %add3A_109 = arith.addf %get3A_105, %get3A_108 : vector<16xf32>
        %get3A_110 = arith.index_cast %add3A_84 : i32 to index
        %get3A_111 = arith.constant 48 : index
        %get3A_112 = tpu.vector_load %arg10[%get3A_110, %get3A_111] {strides = array<i32>} : memref<640x64xf32, #tpu.memory_space<vmem>>, vector<16xf32>,
        %get3A_113 = arith.index_cast %select_n3A : i32 to index
        %get3A_114 = arith.constant 48 : index
        %get3A_115 = tpu.vector_load %arg11[%get3A_113, %get3A_114] {strides = array<i32>} : memref<200x64xf32, #tpu.memory_space<vmem>>, vector<16xf32>,
        %add3A_116 = arith.addf %get3A_112, %get3A_115 : vector<16xf32>
        %swap3A = arith.index_cast %add3A_84 : i32 to index
        %swap3A_117 = arith.constant 0 : index
        %swap3A_118 = tpu.vector_load %arg10[%swap3A, %swap3A_117] {strides = array<i32>} : memref<640x64xf32, #tpu.memory_space<vmem>>, vector<16xf32>,
        tpu.vector_store %arg10[%swap3A, %swap3A_117], %add3A_95 {strides = array<i32>} : memref<640x64xf32, #tpu.memory_space<vmem>>, vector<16xf32>,
        %swap3A_119 = arith.index_cast %add3A_84 : i32 to index
        %swap3A_120 = arith.constant 16 : index
        %swap3A_121 = tpu.vector_load %arg10[%swap3A_119, %swap3A_120] {strides = array<i32>} : memref<640x64xf32, #tpu.memory_space<vmem>>, vector<16xf32>,
        tpu.vector_store %arg10[%swap3A_119, %swap3A_120], %add3A_102 {strides = array<i32>} : memref<640x64xf32, #tpu.memory_space<vmem>>, vector<16xf32>,
        %swap3A_122 = arith.index_cast %add3A_84 : i32 to index
        %swap3A_123 = arith.constant 32 : index
        %swap3A_124 = tpu.vector_load %arg10[%swap3A_122, %swap3A_123] {strides = array<i32>} : memref<640x64xf32, #tpu.memory_space<vmem>>, vector<16xf32>,
        tpu.vector_store %arg10[%swap3A_122, %swap3A_123], %add3A_109 {strides = array<i32>} : memref<640x64xf32, #tpu.memory_space<vmem>>, vector<16xf32>,
        %swap3A_125 = arith.index_cast %add3A_84 : i32 to index
        %swap3A_126 = arith.constant 48 : index
        %swap3A_127 = tpu.vector_load %arg10[%swap3A_125, %swap3A_126] {strides = array<i32>} : memref<640x64xf32, #tpu.memory_space<vmem>>, vector<16xf32>,
        tpu.vector_store %arg10[%swap3A_125, %swap3A_126], %add3A_116 {strides = array<i32>} : memref<640x64xf32, #tpu.memory_space<vmem>>, vector<16xf32>,
        %add3A_128 = arith.addf %add3A_95, %add3A_102 : vector<16xf32>
        %add3A_129 = arith.addf %add3A_109, %add3A_116 : vector<16xf32>
        %add3A_130 = arith.addf %add3A_128, %add3A_129 : vector<16xf32>
        %mul3A_131 = arith.mulf %add3A_95, %add3A_95 : vector<16xf32>
        %mul3A_132 = arith.mulf %add3A_102, %add3A_102 : vector<16xf32>
        %add3A_133 = arith.addf %mul3A_131, %mul3A_132 : vector<16xf32>
        %mul3A_134 = arith.mulf %add3A_109, %add3A_109 : vector<16xf32>
        %mul3A_135 = arith.mulf %add3A_116, %add3A_116 : vector<16xf32>
        %add3A_136 = arith.addf %mul3A_134, %mul3A_135 : vector<16xf32>
        %add3A_137 = arith.addf %add3A_133, %add3A_136 : vector<16xf32>
        %add3A_138 = arith.constant 0 : i32
        %add3A_139 = vector.broadcast %add3A_138 : i32 to vector<16xi32>
        %add3A_140 = arith.addi %iota3A, %add3A_139 : vector<16xi32>
        tpu.vector_store_idx %arg14[%add3A_140], %add3A_130 : memref<272xf32, #tpu.memory_space<vmem>>[vector<16xi32>], vector<16xf32>,
        %add3A_141 = arith.constant 0 : i32
        %add3A_142 = vector.broadcast %add3A_141 : i32 to vector<16xi32>
        %add3A_143 = arith.addi %iota3A, %add3A_142 : vector<16xi32>
        tpu.vector_store_idx %arg15[%add3A_143], %add3A_137 : memref<272xf32, #tpu.memory_space<vmem>>[vector<16xi32>], vector<16xf32>,
        %add3A_144 = arith.constant 1 : i32
        %add3A_145 = arith.addi %mul3A_79, %add3A_144 : i32
        %add3A_146 = arith.constant 1 : i32
        %add3A_147 = arith.addi %rem3A_82, %add3A_146 : i32
        %ge3A_148 = arith.constant 200 : i32
        %ge3A_149 = arith.cmpi sge, %add3A_147, %ge3A_148 : i32
        %sub3A_150 = arith.constant 200 : i32
        %sub3A_151 = arith.subi %add3A_147, %sub3A_150 : i32
        %select_n3A_152 = arith.select %ge3A_149, %sub3A_151, %add3A_147 : i32
        %get3A_153 = arith.index_cast %add3A_145 : i32 to index
        %get3A_154 = arith.constant 0 : index
        %get3A_155 = tpu.vector_load %arg10[%get3A_153, %get3A_154] {strides = array<i32>} : memref<640x64xf32, #tpu.memory_space<vmem>>, vector<16xf32>,
        %get3A_156 = arith.index_cast %select_n3A_152 : i32 to index
        %get3A_157 = arith.constant 0 : index
        %get3A_158 = tpu.vector_load %arg11[%get3A_156, %get3A_157] {strides = array<i32>} : memref<200x64xf32, #tpu.memory_space<vmem>>, vector<16xf32>,
        %add3A_159 = arith.addf %get3A_155, %get3A_158 : vector<16xf32>
        %get3A_160 = arith.index_cast %add3A_145 : i32 to index
        %get3A_161 = arith.constant 16 : index
        %get3A_162 = tpu.vector_load %arg10[%get3A_160, %get3A_161] {strides = array<i32>} : memref<640x64xf32, #tpu.memory_space<vmem>>, vector<16xf32>,
        %get3A_163 = arith.index_cast %select_n3A_152 : i32 to index
        %get3A_164 = arith.constant 16 : index
        %get3A_165 = tpu.vector_load %arg11[%get3A_163, %get3A_164] {strides = array<i32>} : memref<200x64xf32, #tpu.memory_space<vmem>>, vector<16xf32>,
        %add3A_166 = arith.addf %get3A_162, %get3A_165 : vector<16xf32>
        %get3A_167 = arith.index_cast %add3A_145 : i32 to index
        %get3A_168 = arith.constant 32 : index
        %get3A_169 = tpu.vector_load %arg10[%get3A_167, %get3A_168] {strides = array<i32>} : memref<640x64xf32, #tpu.memory_space<vmem>>, vector<16xf32>,
        %get3A_170 = arith.index_cast %select_n3A_152 : i32 to index
        %get3A_171 = arith.constant 32 : index
        %get3A_172 = tpu.vector_load %arg11[%get3A_170, %get3A_171] {strides = array<i32>} : memref<200x64xf32, #tpu.memory_space<vmem>>, vector<16xf32>,
        %add3A_173 = arith.addf %get3A_169, %get3A_172 : vector<16xf32>
        %get3A_174 = arith.index_cast %add3A_145 : i32 to index
        %get3A_175 = arith.constant 48 : index
        %get3A_176 = tpu.vector_load %arg10[%get3A_174, %get3A_175] {strides = array<i32>} : memref<640x64xf32, #tpu.memory_space<vmem>>, vector<16xf32>,
        %get3A_177 = arith.index_cast %select_n3A_152 : i32 to index
        %get3A_178 = arith.constant 48 : index
        %get3A_179 = tpu.vector_load %arg11[%get3A_177, %get3A_178] {strides = array<i32>} : memref<200x64xf32, #tpu.memory_space<vmem>>, vector<16xf32>,
        %add3A_180 = arith.addf %get3A_176, %get3A_179 : vector<16xf32>
        %swap3A_181 = arith.index_cast %add3A_145 : i32 to index
        %swap3A_182 = arith.constant 0 : index
        %swap3A_183 = tpu.vector_load %arg10[%swap3A_181, %swap3A_182] {strides = array<i32>} : memref<640x64xf32, #tpu.memory_space<vmem>>, vector<16xf32>,
        tpu.vector_store %arg10[%swap3A_181, %swap3A_182], %add3A_159 {strides = array<i32>} : memref<640x64xf32, #tpu.memory_space<vmem>>, vector<16xf32>,
        %swap3A_184 = arith.index_cast %add3A_145 : i32 to index
        %swap3A_185 = arith.constant 16 : index
        %swap3A_186 = tpu.vector_load %arg10[%swap3A_184, %swap3A_185] {strides = array<i32>} : memref<640x64xf32, #tpu.memory_space<vmem>>, vector<16xf32>,
        tpu.vector_store %arg10[%swap3A_184, %swap3A_185], %add3A_166 {strides = array<i32>} : memref<640x64xf32, #tpu.memory_space<vmem>>, vector<16xf32>,
        %swap3A_187 = arith.index_cast %add3A_145 : i32 to index
        %swap3A_188 = arith.constant 32 : index
        %swap3A_189 = tpu.vector_load %arg10[%swap3A_187, %swap3A_188] {strides = array<i32>} : memref<640x64xf32, #tpu.memory_space<vmem>>, vector<16xf32>,
        tpu.vector_store %arg10[%swap3A_187, %swap3A_188], %add3A_173 {strides = array<i32>} : memref<640x64xf32, #tpu.memory_space<vmem>>, vector<16xf32>,
        %swap3A_190 = arith.index_cast %add3A_145 : i32 to index
        %swap3A_191 = arith.constant 48 : index
        %swap3A_192 = tpu.vector_load %arg10[%swap3A_190, %swap3A_191] {strides = array<i32>} : memref<640x64xf32, #tpu.memory_space<vmem>>, vector<16xf32>,
        tpu.vector_store %arg10[%swap3A_190, %swap3A_191], %add3A_180 {strides = array<i32>} : memref<640x64xf32, #tpu.memory_space<vmem>>, vector<16xf32>,
        %add3A_193 = arith.addf %add3A_159, %add3A_166 : vector<16xf32>
        %add3A_194 = arith.addf %add3A_173, %add3A_180 : vector<16xf32>
        %add3A_195 = arith.addf %add3A_193, %add3A_194 : vector<16xf32>
        %mul3A_196 = arith.mulf %add3A_159, %add3A_159 : vector<16xf32>
        %mul3A_197 = arith.mulf %add3A_166, %add3A_166 : vector<16xf32>
        %add3A_198 = arith.addf %mul3A_196, %mul3A_197 : vector<16xf32>
        %mul3A_199 = arith.mulf %add3A_173, %add3A_173 : vector<16xf32>
        %mul3A_200 = arith.mulf %add3A_180, %add3A_180 : vector<16xf32>
        %add3A_201 = arith.addf %mul3A_199, %mul3A_200 : vector<16xf32>
        %add3A_202 = arith.addf %add3A_198, %add3A_201 : vector<16xf32>
        %add3A_203 = arith.constant 17 : i32
        %add3A_204 = vector.broadcast %add3A_203 : i32 to vector<16xi32>
        %add3A_205 = arith.addi %iota3A, %add3A_204 : vector<16xi32>
        tpu.vector_store_idx %arg14[%add3A_205], %add3A_195 : memref<272xf32, #tpu.memory_space<vmem>>[vector<16xi32>], vector<16xf32>,
        %add3A_206 = arith.constant 17 : i32
        %add3A_207 = vector.broadcast %add3A_206 : i32 to vector<16xi32>
        %add3A_208 = arith.addi %iota3A, %add3A_207 : vector<16xi32>
        tpu.vector_store_idx %arg15[%add3A_208], %add3A_202 : memref<272xf32, #tpu.memory_space<vmem>>[vector<16xi32>], vector<16xf32>,
        %add3A_209 = arith.constant 2 : i32
        %add3A_210 = arith.addi %mul3A_79, %add3A_209 : i32
        %add3A_211 = arith.constant 2 : i32
        %add3A_212 = arith.addi %rem3A_82, %add3A_211 : i32
        %ge3A_213 = arith.constant 200 : i32
        %ge3A_214 = arith.cmpi sge, %add3A_212, %ge3A_213 : i32
        %sub3A_215 = arith.constant 200 : i32
        %sub3A_216 = arith.subi %add3A_212, %sub3A_215 : i32
        %select_n3A_217 = arith.select %ge3A_214, %sub3A_216, %add3A_212 : i32
        %get3A_218 = arith.index_cast %add3A_210 : i32 to index
        %get3A_219 = arith.constant 0 : index
        %get3A_220 = tpu.vector_load %arg10[%get3A_218, %get3A_219] {strides = array<i32>} : memref<640x64xf32, #tpu.memory_space<vmem>>, vector<16xf32>,
        %get3A_221 = arith.index_cast %select_n3A_217 : i32 to index
        %get3A_222 = arith.constant 0 : index
        %get3A_223 = tpu.vector_load %arg11[%get3A_221, %get3A_222] {strides = array<i32>} : memref<200x64xf32, #tpu.memory_space<vmem>>, vector<16xf32>,
        %add3A_224 = arith.addf %get3A_220, %get3A_223 : vector<16xf32>
        %get3A_225 = arith.index_cast %add3A_210 : i32 to index
        %get3A_226 = arith.constant 16 : index
        %get3A_227 = tpu.vector_load %arg10[%get3A_225, %get3A_226] {strides = array<i32>} : memref<640x64xf32, #tpu.memory_space<vmem>>, vector<16xf32>,
        %get3A_228 = arith.index_cast %select_n3A_217 : i32 to index
        %get3A_229 = arith.constant 16 : index
        %get3A_230 = tpu.vector_load %arg11[%get3A_228, %get3A_229] {strides = array<i32>} : memref<200x64xf32, #tpu.memory_space<vmem>>, vector<16xf32>,
        %add3A_231 = arith.addf %get3A_227, %get3A_230 : vector<16xf32>
        %get3A_232 = arith.index_cast %add3A_210 : i32 to index
        %get3A_233 = arith.constant 32 : index
        %get3A_234 = tpu.vector_load %arg10[%get3A_232, %get3A_233] {strides = array<i32>} : memref<640x64xf32, #tpu.memory_space<vmem>>, vector<16xf32>,
        %get3A_235 = arith.index_cast %select_n3A_217 : i32 to index
        %get3A_236 = arith.constant 32 : index
        %get3A_237 = tpu.vector_load %arg11[%get3A_235, %get3A_236] {strides = array<i32>} : memref<200x64xf32, #tpu.memory_space<vmem>>, vector<16xf32>,
        %add3A_238 = arith.addf %get3A_234, %get3A_237 : vector<16xf32>
        %get3A_239 = arith.index_cast %add3A_210 : i32 to index
        %get3A_240 = arith.constant 48 : index
        %get3A_241 = tpu.vector_load %arg10[%get3A_239, %get3A_240] {strides = array<i32>} : memref<640x64xf32, #tpu.memory_space<vmem>>, vector<16xf32>,
        %get3A_242 = arith.index_cast %select_n3A_217 : i32 to index
        %get3A_243 = arith.constant 48 : index
        %get3A_244 = tpu.vector_load %arg11[%get3A_242, %get3A_243] {strides = array<i32>} : memref<200x64xf32, #tpu.memory_space<vmem>>, vector<16xf32>,
        %add3A_245 = arith.addf %get3A_241, %get3A_244 : vector<16xf32>
        %swap3A_246 = arith.index_cast %add3A_210 : i32 to index
        %swap3A_247 = arith.constant 0 : index
        %swap3A_248 = tpu.vector_load %arg10[%swap3A_246, %swap3A_247] {strides = array<i32>} : memref<640x64xf32, #tpu.memory_space<vmem>>, vector<16xf32>,
        tpu.vector_store %arg10[%swap3A_246, %swap3A_247], %add3A_224 {strides = array<i32>} : memref<640x64xf32, #tpu.memory_space<vmem>>, vector<16xf32>,
        %swap3A_249 = arith.index_cast %add3A_210 : i32 to index
        %swap3A_250 = arith.constant 16 : index
        %swap3A_251 = tpu.vector_load %arg10[%swap3A_249, %swap3A_250] {strides = array<i32>} : memref<640x64xf32, #tpu.memory_space<vmem>>, vector<16xf32>,
        tpu.vector_store %arg10[%swap3A_249, %swap3A_250], %add3A_231 {strides = array<i32>} : memref<640x64xf32, #tpu.memory_space<vmem>>, vector<16xf32>,
        %swap3A_252 = arith.index_cast %add3A_210 : i32 to index
        %swap3A_253 = arith.constant 32 : index
        %swap3A_254 = tpu.vector_load %arg10[%swap3A_252, %swap3A_253] {strides = array<i32>} : memref<640x64xf32, #tpu.memory_space<vmem>>, vector<16xf32>,
        tpu.vector_store %arg10[%swap3A_252, %swap3A_253], %add3A_238 {strides = array<i32>} : memref<640x64xf32, #tpu.memory_space<vmem>>, vector<16xf32>,
        %swap3A_255 = arith.index_cast %add3A_210 : i32 to index
        %swap3A_256 = arith.constant 48 : index
        %swap3A_257 = tpu.vector_load %arg10[%swap3A_255, %swap3A_256] {strides = array<i32>} : memref<640x64xf32, #tpu.memory_space<vmem>>, vector<16xf32>,
        tpu.vector_store %arg10[%swap3A_255, %swap3A_256], %add3A_245 {strides = array<i32>} : memref<640x64xf32, #tpu.memory_space<vmem>>, vector<16xf32>,
        %add3A_258 = arith.addf %add3A_224, %add3A_231 : vector<16xf32>
        %add3A_259 = arith.addf %add3A_238, %add3A_245 : vector<16xf32>
        %add3A_260 = arith.addf %add3A_258, %add3A_259 : vector<16xf32>
        %mul3A_261 = arith.mulf %add3A_224, %add3A_224 : vector<16xf32>
        %mul3A_262 = arith.mulf %add3A_231, %add3A_231 : vector<16xf32>
        %add3A_263 = arith.addf %mul3A_261, %mul3A_262 : vector<16xf32>
        %mul3A_264 = arith.mulf %add3A_238, %add3A_238 : vector<16xf32>
        %mul3A_265 = arith.mulf %add3A_245, %add3A_245 : vector<16xf32>
        %add3A_266 = arith.addf %mul3A_264, %mul3A_265 : vector<16xf32>
        %add3A_267 = arith.addf %add3A_263, %add3A_266 : vector<16xf32>
        %add3A_268 = arith.constant 34 : i32
        %add3A_269 = vector.broadcast %add3A_268 : i32 to vector<16xi32>
        %add3A_270 = arith.addi %iota3A, %add3A_269 : vector<16xi32>
        tpu.vector_store_idx %arg14[%add3A_270], %add3A_260 : memref<272xf32, #tpu.memory_space<vmem>>[vector<16xi32>], vector<16xf32>,
        %add3A_271 = arith.constant 34 : i32
        %add3A_272 = vector.broadcast %add3A_271 : i32 to vector<16xi32>
        %add3A_273 = arith.addi %iota3A, %add3A_272 : vector<16xi32>
        tpu.vector_store_idx %arg15[%add3A_273], %add3A_267 : memref<272xf32, #tpu.memory_space<vmem>>[vector<16xi32>], vector<16xf32>,
        %add3A_274 = arith.constant 3 : i32
        %add3A_275 = arith.addi %mul3A_79, %add3A_274 : i32
        %add3A_276 = arith.constant 3 : i32
        %add3A_277 = arith.addi %rem3A_82, %add3A_276 : i32
        %ge3A_278 = arith.constant 200 : i32
        %ge3A_279 = arith.cmpi sge, %add3A_277, %ge3A_278 : i32
        %sub3A_280 = arith.constant 200 : i32
        %sub3A_281 = arith.subi %add3A_277, %sub3A_280 : i32
        %select_n3A_282 = arith.select %ge3A_279, %sub3A_281, %add3A_277 : i32
        %get3A_283 = arith.index_cast %add3A_275 : i32 to index
        %get3A_284 = arith.constant 0 : index
        %get3A_285 = tpu.vector_load %arg10[%get3A_283, %get3A_284] {strides = array<i32>} : memref<640x64xf32, #tpu.memory_space<vmem>>, vector<16xf32>,
        %get3A_286 = arith.index_cast %select_n3A_282 : i32 to index
        %get3A_287 = arith.constant 0 : index
        %get3A_288 = tpu.vector_load %arg11[%get3A_286, %get3A_287] {strides = array<i32>} : memref<200x64xf32, #tpu.memory_space<vmem>>, vector<16xf32>,
        %add3A_289 = arith.addf %get3A_285, %get3A_288 : vector<16xf32>
        %get3A_290 = arith.index_cast %add3A_275 : i32 to index
        %get3A_291 = arith.constant 16 : index
        %get3A_292 = tpu.vector_load %arg10[%get3A_290, %get3A_291] {strides = array<i32>} : memref<640x64xf32, #tpu.memory_space<vmem>>, vector<16xf32>,
        %get3A_293 = arith.index_cast %select_n3A_282 : i32 to index
        %get3A_294 = arith.constant 16 : index
        %get3A_295 = tpu.vector_load %arg11[%get3A_293, %get3A_294] {strides = array<i32>} : memref<200x64xf32, #tpu.memory_space<vmem>>, vector<16xf32>,
        %add3A_296 = arith.addf %get3A_292, %get3A_295 : vector<16xf32>
        %get3A_297 = arith.index_cast %add3A_275 : i32 to index
        %get3A_298 = arith.constant 32 : index
        %get3A_299 = tpu.vector_load %arg10[%get3A_297, %get3A_298] {strides = array<i32>} : memref<640x64xf32, #tpu.memory_space<vmem>>, vector<16xf32>,
        %get3A_300 = arith.index_cast %select_n3A_282 : i32 to index
        %get3A_301 = arith.constant 32 : index
        %get3A_302 = tpu.vector_load %arg11[%get3A_300, %get3A_301] {strides = array<i32>} : memref<200x64xf32, #tpu.memory_space<vmem>>, vector<16xf32>,
        %add3A_303 = arith.addf %get3A_299, %get3A_302 : vector<16xf32>
        %get3A_304 = arith.index_cast %add3A_275 : i32 to index
        %get3A_305 = arith.constant 48 : index
        %get3A_306 = tpu.vector_load %arg10[%get3A_304, %get3A_305] {strides = array<i32>} : memref<640x64xf32, #tpu.memory_space<vmem>>, vector<16xf32>,
        %get3A_307 = arith.index_cast %select_n3A_282 : i32 to index
        %get3A_308 = arith.constant 48 : index
        %get3A_309 = tpu.vector_load %arg11[%get3A_307, %get3A_308] {strides = array<i32>} : memref<200x64xf32, #tpu.memory_space<vmem>>, vector<16xf32>,
        %add3A_310 = arith.addf %get3A_306, %get3A_309 : vector<16xf32>
        %swap3A_311 = arith.index_cast %add3A_275 : i32 to index
        %swap3A_312 = arith.constant 0 : index
        %swap3A_313 = tpu.vector_load %arg10[%swap3A_311, %swap3A_312] {strides = array<i32>} : memref<640x64xf32, #tpu.memory_space<vmem>>, vector<16xf32>,
        tpu.vector_store %arg10[%swap3A_311, %swap3A_312], %add3A_289 {strides = array<i32>} : memref<640x64xf32, #tpu.memory_space<vmem>>, vector<16xf32>,
        %swap3A_314 = arith.index_cast %add3A_275 : i32 to index
        %swap3A_315 = arith.constant 16 : index
        %swap3A_316 = tpu.vector_load %arg10[%swap3A_314, %swap3A_315] {strides = array<i32>} : memref<640x64xf32, #tpu.memory_space<vmem>>, vector<16xf32>,
        tpu.vector_store %arg10[%swap3A_314, %swap3A_315], %add3A_296 {strides = array<i32>} : memref<640x64xf32, #tpu.memory_space<vmem>>, vector<16xf32>,
        %swap3A_317 = arith.index_cast %add3A_275 : i32 to index
        %swap3A_318 = arith.constant 32 : index
        %swap3A_319 = tpu.vector_load %arg10[%swap3A_317, %swap3A_318] {strides = array<i32>} : memref<640x64xf32, #tpu.memory_space<vmem>>, vector<16xf32>,
        tpu.vector_store %arg10[%swap3A_317, %swap3A_318], %add3A_303 {strides = array<i32>} : memref<640x64xf32, #tpu.memory_space<vmem>>, vector<16xf32>,
        %swap3A_320 = arith.index_cast %add3A_275 : i32 to index
        %swap3A_321 = arith.constant 48 : index
        %swap3A_322 = tpu.vector_load %arg10[%swap3A_320, %swap3A_321] {strides = array<i32>} : memref<640x64xf32, #tpu.memory_space<vmem>>, vector<16xf32>,
        tpu.vector_store %arg10[%swap3A_320, %swap3A_321], %add3A_310 {strides = array<i32>} : memref<640x64xf32, #tpu.memory_space<vmem>>, vector<16xf32>,
        %add3A_323 = arith.addf %add3A_289, %add3A_296 : vector<16xf32>
        %add3A_324 = arith.addf %add3A_303, %add3A_310 : vector<16xf32>
        %add3A_325 = arith.addf %add3A_323, %add3A_324 : vector<16xf32>
        %mul3A_326 = arith.mulf %add3A_289, %add3A_289 : vector<16xf32>
        %mul3A_327 = arith.mulf %add3A_296, %add3A_296 : vector<16xf32>
        %add3A_328 = arith.addf %mul3A_326, %mul3A_327 : vector<16xf32>
        %mul3A_329 = arith.mulf %add3A_303, %add3A_303 : vector<16xf32>
        %mul3A_330 = arith.mulf %add3A_310, %add3A_310 : vector<16xf32>
        %add3A_331 = arith.addf %mul3A_329, %mul3A_330 : vector<16xf32>
        %add3A_332 = arith.addf %add3A_328, %add3A_331 : vector<16xf32>
        %add3A_333 = arith.constant 51 : i32
        %add3A_334 = vector.broadcast %add3A_333 : i32 to vector<16xi32>
        %add3A_335 = arith.addi %iota3A, %add3A_334 : vector<16xi32>
        tpu.vector_store_idx %arg14[%add3A_335], %add3A_325 : memref<272xf32, #tpu.memory_space<vmem>>[vector<16xi32>], vector<16xf32>,
        %add3A_336 = arith.constant 51 : i32
        %add3A_337 = vector.broadcast %add3A_336 : i32 to vector<16xi32>
        %add3A_338 = arith.addi %iota3A, %add3A_337 : vector<16xi32>
        tpu.vector_store_idx %arg15[%add3A_338], %add3A_332 : memref<272xf32, #tpu.memory_space<vmem>>[vector<16xi32>], vector<16xf32>,
        %add3A_339 = arith.constant 4 : i32
        %add3A_340 = arith.addi %mul3A_79, %add3A_339 : i32
        %add3A_341 = arith.constant 4 : i32
        %add3A_342 = arith.addi %rem3A_82, %add3A_341 : i32
        %ge3A_343 = arith.constant 200 : i32
        %ge3A_344 = arith.cmpi sge, %add3A_342, %ge3A_343 : i32
        %sub3A_345 = arith.constant 200 : i32
        %sub3A_346 = arith.subi %add3A_342, %sub3A_345 : i32
        %select_n3A_347 = arith.select %ge3A_344, %sub3A_346, %add3A_342 : i32
        %get3A_348 = arith.index_cast %add3A_340 : i32 to index
        %get3A_349 = arith.constant 0 : index
        %get3A_350 = tpu.vector_load %arg10[%get3A_348, %get3A_349] {strides = array<i32>} : memref<640x64xf32, #tpu.memory_space<vmem>>, vector<16xf32>,
        %get3A_351 = arith.index_cast %select_n3A_347 : i32 to index
        %get3A_352 = arith.constant 0 : index
        %get3A_353 = tpu.vector_load %arg11[%get3A_351, %get3A_352] {strides = array<i32>} : memref<200x64xf32, #tpu.memory_space<vmem>>, vector<16xf32>,
        %add3A_354 = arith.addf %get3A_350, %get3A_353 : vector<16xf32>
        %get3A_355 = arith.index_cast %add3A_340 : i32 to index
        %get3A_356 = arith.constant 16 : index
        %get3A_357 = tpu.vector_load %arg10[%get3A_355, %get3A_356] {strides = array<i32>} : memref<640x64xf32, #tpu.memory_space<vmem>>, vector<16xf32>,
        %get3A_358 = arith.index_cast %select_n3A_347 : i32 to index
        %get3A_359 = arith.constant 16 : index
        %get3A_360 = tpu.vector_load %arg11[%get3A_358, %get3A_359] {strides = array<i32>} : memref<200x64xf32, #tpu.memory_space<vmem>>, vector<16xf32>,
        %add3A_361 = arith.addf %get3A_357, %get3A_360 : vector<16xf32>
        %get3A_362 = arith.index_cast %add3A_340 : i32 to index
        %get3A_363 = arith.constant 32 : index
        %get3A_364 = tpu.vector_load %arg10[%get3A_362, %get3A_363] {strides = array<i32>} : memref<640x64xf32, #tpu.memory_space<vmem>>, vector<16xf32>,
        %get3A_365 = arith.index_cast %select_n3A_347 : i32 to index
        %get3A_366 = arith.constant 32 : index
        %get3A_367 = tpu.vector_load %arg11[%get3A_365, %get3A_366] {strides = array<i32>} : memref<200x64xf32, #tpu.memory_space<vmem>>, vector<16xf32>,
        %add3A_368 = arith.addf %get3A_364, %get3A_367 : vector<16xf32>
        %get3A_369 = arith.index_cast %add3A_340 : i32 to index
        %get3A_370 = arith.constant 48 : index
        %get3A_371 = tpu.vector_load %arg10[%get3A_369, %get3A_370] {strides = array<i32>} : memref<640x64xf32, #tpu.memory_space<vmem>>, vector<16xf32>,
        %get3A_372 = arith.index_cast %select_n3A_347 : i32 to index
        %get3A_373 = arith.constant 48 : index
        %get3A_374 = tpu.vector_load %arg11[%get3A_372, %get3A_373] {strides = array<i32>} : memref<200x64xf32, #tpu.memory_space<vmem>>, vector<16xf32>,
        %add3A_375 = arith.addf %get3A_371, %get3A_374 : vector<16xf32>
        %swap3A_376 = arith.index_cast %add3A_340 : i32 to index
        %swap3A_377 = arith.constant 0 : index
        %swap3A_378 = tpu.vector_load %arg10[%swap3A_376, %swap3A_377] {strides = array<i32>} : memref<640x64xf32, #tpu.memory_space<vmem>>, vector<16xf32>,
        tpu.vector_store %arg10[%swap3A_376, %swap3A_377], %add3A_354 {strides = array<i32>} : memref<640x64xf32, #tpu.memory_space<vmem>>, vector<16xf32>,
        %swap3A_379 = arith.index_cast %add3A_340 : i32 to index
        %swap3A_380 = arith.constant 16 : index
        %swap3A_381 = tpu.vector_load %arg10[%swap3A_379, %swap3A_380] {strides = array<i32>} : memref<640x64xf32, #tpu.memory_space<vmem>>, vector<16xf32>,
        tpu.vector_store %arg10[%swap3A_379, %swap3A_380], %add3A_361 {strides = array<i32>} : memref<640x64xf32, #tpu.memory_space<vmem>>, vector<16xf32>,
        %swap3A_382 = arith.index_cast %add3A_340 : i32 to index
        %swap3A_383 = arith.constant 32 : index
        %swap3A_384 = tpu.vector_load %arg10[%swap3A_382, %swap3A_383] {strides = array<i32>} : memref<640x64xf32, #tpu.memory_space<vmem>>, vector<16xf32>,
        tpu.vector_store %arg10[%swap3A_382, %swap3A_383], %add3A_368 {strides = array<i32>} : memref<640x64xf32, #tpu.memory_space<vmem>>, vector<16xf32>,
        %swap3A_385 = arith.index_cast %add3A_340 : i32 to index
        %swap3A_386 = arith.constant 48 : index
        %swap3A_387 = tpu.vector_load %arg10[%swap3A_385, %swap3A_386] {strides = array<i32>} : memref<640x64xf32, #tpu.memory_space<vmem>>, vector<16xf32>,
        tpu.vector_store %arg10[%swap3A_385, %swap3A_386], %add3A_375 {strides = array<i32>} : memref<640x64xf32, #tpu.memory_space<vmem>>, vector<16xf32>,
        %add3A_388 = arith.addf %add3A_354, %add3A_361 : vector<16xf32>
        %add3A_389 = arith.addf %add3A_368, %add3A_375 : vector<16xf32>
        %add3A_390 = arith.addf %add3A_388, %add3A_389 : vector<16xf32>
        %mul3A_391 = arith.mulf %add3A_354, %add3A_354 : vector<16xf32>
        %mul3A_392 = arith.mulf %add3A_361, %add3A_361 : vector<16xf32>
        %add3A_393 = arith.addf %mul3A_391, %mul3A_392 : vector<16xf32>
        %mul3A_394 = arith.mulf %add3A_368, %add3A_368 : vector<16xf32>
        %mul3A_395 = arith.mulf %add3A_375, %add3A_375 : vector<16xf32>
        %add3A_396 = arith.addf %mul3A_394, %mul3A_395 : vector<16xf32>
        %add3A_397 = arith.addf %add3A_393, %add3A_396 : vector<16xf32>
        %add3A_398 = arith.constant 68 : i32
        %add3A_399 = vector.broadcast %add3A_398 : i32 to vector<16xi32>
        %add3A_400 = arith.addi %iota3A, %add3A_399 : vector<16xi32>
        tpu.vector_store_idx %arg14[%add3A_400], %add3A_390 : memref<272xf32, #tpu.memory_space<vmem>>[vector<16xi32>], vector<16xf32>,
        %add3A_401 = arith.constant 68 : i32
        %add3A_402 = vector.broadcast %add3A_401 : i32 to vector<16xi32>
        %add3A_403 = arith.addi %iota3A, %add3A_402 : vector<16xi32>
        tpu.vector_store_idx %arg15[%add3A_403], %add3A_397 : memref<272xf32, #tpu.memory_space<vmem>>[vector<16xi32>], vector<16xf32>,
        %add3A_404 = arith.constant 5 : i32
        %add3A_405 = arith.addi %mul3A_79, %add3A_404 : i32
        %add3A_406 = arith.constant 5 : i32
        %add3A_407 = arith.addi %rem3A_82, %add3A_406 : i32
        %ge3A_408 = arith.constant 200 : i32
        %ge3A_409 = arith.cmpi sge, %add3A_407, %ge3A_408 : i32
        %sub3A_410 = arith.constant 200 : i32
        %sub3A_411 = arith.subi %add3A_407, %sub3A_410 : i32
        %select_n3A_412 = arith.select %ge3A_409, %sub3A_411, %add3A_407 : i32
        %get3A_413 = arith.index_cast %add3A_405 : i32 to index
        %get3A_414 = arith.constant 0 : index
        %get3A_415 = tpu.vector_load %arg10[%get3A_413, %get3A_414] {strides = array<i32>} : memref<640x64xf32, #tpu.memory_space<vmem>>, vector<16xf32>,
        %get3A_416 = arith.index_cast %select_n3A_412 : i32 to index
        %get3A_417 = arith.constant 0 : index
        %get3A_418 = tpu.vector_load %arg11[%get3A_416, %get3A_417] {strides = array<i32>} : memref<200x64xf32, #tpu.memory_space<vmem>>, vector<16xf32>,
        %add3A_419 = arith.addf %get3A_415, %get3A_418 : vector<16xf32>
        %get3A_420 = arith.index_cast %add3A_405 : i32 to index
        %get3A_421 = arith.constant 16 : index
        %get3A_422 = tpu.vector_load %arg10[%get3A_420, %get3A_421] {strides = array<i32>} : memref<640x64xf32, #tpu.memory_space<vmem>>, vector<16xf32>,
        %get3A_423 = arith.index_cast %select_n3A_412 : i32 to index
        %get3A_424 = arith.constant 16 : index
        %get3A_425 = tpu.vector_load %arg11[%get3A_423, %get3A_424] {strides = array<i32>} : memref<200x64xf32, #tpu.memory_space<vmem>>, vector<16xf32>,
        %add3A_426 = arith.addf %get3A_422, %get3A_425 : vector<16xf32>
        %get3A_427 = arith.index_cast %add3A_405 : i32 to index
        %get3A_428 = arith.constant 32 : index
        %get3A_429 = tpu.vector_load %arg10[%get3A_427, %get3A_428] {strides = array<i32>} : memref<640x64xf32, #tpu.memory_space<vmem>>, vector<16xf32>,
        %get3A_430 = arith.index_cast %select_n3A_412 : i32 to index
        %get3A_431 = arith.constant 32 : index
        %get3A_432 = tpu.vector_load %arg11[%get3A_430, %get3A_431] {strides = array<i32>} : memref<200x64xf32, #tpu.memory_space<vmem>>, vector<16xf32>,
        %add3A_433 = arith.addf %get3A_429, %get3A_432 : vector<16xf32>
        %get3A_434 = arith.index_cast %add3A_405 : i32 to index
        %get3A_435 = arith.constant 48 : index
        %get3A_436 = tpu.vector_load %arg10[%get3A_434, %get3A_435] {strides = array<i32>} : memref<640x64xf32, #tpu.memory_space<vmem>>, vector<16xf32>,
        %get3A_437 = arith.index_cast %select_n3A_412 : i32 to index
        %get3A_438 = arith.constant 48 : index
        %get3A_439 = tpu.vector_load %arg11[%get3A_437, %get3A_438] {strides = array<i32>} : memref<200x64xf32, #tpu.memory_space<vmem>>, vector<16xf32>,
        %add3A_440 = arith.addf %get3A_436, %get3A_439 : vector<16xf32>
        %swap3A_441 = arith.index_cast %add3A_405 : i32 to index
        %swap3A_442 = arith.constant 0 : index
        %swap3A_443 = tpu.vector_load %arg10[%swap3A_441, %swap3A_442] {strides = array<i32>} : memref<640x64xf32, #tpu.memory_space<vmem>>, vector<16xf32>,
        tpu.vector_store %arg10[%swap3A_441, %swap3A_442], %add3A_419 {strides = array<i32>} : memref<640x64xf32, #tpu.memory_space<vmem>>, vector<16xf32>,
        %swap3A_444 = arith.index_cast %add3A_405 : i32 to index
        %swap3A_445 = arith.constant 16 : index
        %swap3A_446 = tpu.vector_load %arg10[%swap3A_444, %swap3A_445] {strides = array<i32>} : memref<640x64xf32, #tpu.memory_space<vmem>>, vector<16xf32>,
        tpu.vector_store %arg10[%swap3A_444, %swap3A_445], %add3A_426 {strides = array<i32>} : memref<640x64xf32, #tpu.memory_space<vmem>>, vector<16xf32>,
        %swap3A_447 = arith.index_cast %add3A_405 : i32 to index
        %swap3A_448 = arith.constant 32 : index
        %swap3A_449 = tpu.vector_load %arg10[%swap3A_447, %swap3A_448] {strides = array<i32>} : memref<640x64xf32, #tpu.memory_space<vmem>>, vector<16xf32>,
        tpu.vector_store %arg10[%swap3A_447, %swap3A_448], %add3A_433 {strides = array<i32>} : memref<640x64xf32, #tpu.memory_space<vmem>>, vector<16xf32>,
        %swap3A_450 = arith.index_cast %add3A_405 : i32 to index
        %swap3A_451 = arith.constant 48 : index
        %swap3A_452 = tpu.vector_load %arg10[%swap3A_450, %swap3A_451] {strides = array<i32>} : memref<640x64xf32, #tpu.memory_space<vmem>>, vector<16xf32>,
        tpu.vector_store %arg10[%swap3A_450, %swap3A_451], %add3A_440 {strides = array<i32>} : memref<640x64xf32, #tpu.memory_space<vmem>>, vector<16xf32>,
        %add3A_453 = arith.addf %add3A_419, %add3A_426 : vector<16xf32>
        %add3A_454 = arith.addf %add3A_433, %add3A_440 : vector<16xf32>
        %add3A_455 = arith.addf %add3A_453, %add3A_454 : vector<16xf32>
        %mul3A_456 = arith.mulf %add3A_419, %add3A_419 : vector<16xf32>
        %mul3A_457 = arith.mulf %add3A_426, %add3A_426 : vector<16xf32>
        %add3A_458 = arith.addf %mul3A_456, %mul3A_457 : vector<16xf32>
        %mul3A_459 = arith.mulf %add3A_433, %add3A_433 : vector<16xf32>
        %mul3A_460 = arith.mulf %add3A_440, %add3A_440 : vector<16xf32>
        %add3A_461 = arith.addf %mul3A_459, %mul3A_460 : vector<16xf32>
        %add3A_462 = arith.addf %add3A_458, %add3A_461 : vector<16xf32>
        %add3A_463 = arith.constant 85 : i32
        %add3A_464 = vector.broadcast %add3A_463 : i32 to vector<16xi32>
        %add3A_465 = arith.addi %iota3A, %add3A_464 : vector<16xi32>
        tpu.vector_store_idx %arg14[%add3A_465], %add3A_455 : memref<272xf32, #tpu.memory_space<vmem>>[vector<16xi32>], vector<16xf32>,
        %add3A_466 = arith.constant 85 : i32
        %add3A_467 = vector.broadcast %add3A_466 : i32 to vector<16xi32>
        %add3A_468 = arith.addi %iota3A, %add3A_467 : vector<16xi32>
        tpu.vector_store_idx %arg15[%add3A_468], %add3A_462 : memref<272xf32, #tpu.memory_space<vmem>>[vector<16xi32>], vector<16xf32>,
        %add3A_469 = arith.constant 6 : i32
        %add3A_470 = arith.addi %mul3A_79, %add3A_469 : i32
        %add3A_471 = arith.constant 6 : i32
        %add3A_472 = arith.addi %rem3A_82, %add3A_471 : i32
        %ge3A_473 = arith.constant 200 : i32
        %ge3A_474 = arith.cmpi sge, %add3A_472, %ge3A_473 : i32
        %sub3A_475 = arith.constant 200 : i32
        %sub3A_476 = arith.subi %add3A_472, %sub3A_475 : i32
        %select_n3A_477 = arith.select %ge3A_474, %sub3A_476, %add3A_472 : i32
        %get3A_478 = arith.index_cast %add3A_470 : i32 to index
        %get3A_479 = arith.constant 0 : index
        %get3A_480 = tpu.vector_load %arg10[%get3A_478, %get3A_479] {strides = array<i32>} : memref<640x64xf32, #tpu.memory_space<vmem>>, vector<16xf32>,
        %get3A_481 = arith.index_cast %select_n3A_477 : i32 to index
        %get3A_482 = arith.constant 0 : index
        %get3A_483 = tpu.vector_load %arg11[%get3A_481, %get3A_482] {strides = array<i32>} : memref<200x64xf32, #tpu.memory_space<vmem>>, vector<16xf32>,
        %add3A_484 = arith.addf %get3A_480, %get3A_483 : vector<16xf32>
        %get3A_485 = arith.index_cast %add3A_470 : i32 to index
        %get3A_486 = arith.constant 16 : index
        %get3A_487 = tpu.vector_load %arg10[%get3A_485, %get3A_486] {strides = array<i32>} : memref<640x64xf32, #tpu.memory_space<vmem>>, vector<16xf32>,
        %get3A_488 = arith.index_cast %select_n3A_477 : i32 to index
        %get3A_489 = arith.constant 16 : index
        %get3A_490 = tpu.vector_load %arg11[%get3A_488, %get3A_489] {strides = array<i32>} : memref<200x64xf32, #tpu.memory_space<vmem>>, vector<16xf32>,
        %add3A_491 = arith.addf %get3A_487, %get3A_490 : vector<16xf32>
        %get3A_492 = arith.index_cast %add3A_470 : i32 to index
        %get3A_493 = arith.constant 32 : index
        %get3A_494 = tpu.vector_load %arg10[%get3A_492, %get3A_493] {strides = array<i32>} : memref<640x64xf32, #tpu.memory_space<vmem>>, vector<16xf32>,
        %get3A_495 = arith.index_cast %select_n3A_477 : i32 to index
        %get3A_496 = arith.constant 32 : index
        %get3A_497 = tpu.vector_load %arg11[%get3A_495, %get3A_496] {strides = array<i32>} : memref<200x64xf32, #tpu.memory_space<vmem>>, vector<16xf32>,
        %add3A_498 = arith.addf %get3A_494, %get3A_497 : vector<16xf32>
        %get3A_499 = arith.index_cast %add3A_470 : i32 to index
        %get3A_500 = arith.constant 48 : index
        %get3A_501 = tpu.vector_load %arg10[%get3A_499, %get3A_500] {strides = array<i32>} : memref<640x64xf32, #tpu.memory_space<vmem>>, vector<16xf32>,
        %get3A_502 = arith.index_cast %select_n3A_477 : i32 to index
        %get3A_503 = arith.constant 48 : index
        %get3A_504 = tpu.vector_load %arg11[%get3A_502, %get3A_503] {strides = array<i32>} : memref<200x64xf32, #tpu.memory_space<vmem>>, vector<16xf32>,
        %add3A_505 = arith.addf %get3A_501, %get3A_504 : vector<16xf32>
        %swap3A_506 = arith.index_cast %add3A_470 : i32 to index
        %swap3A_507 = arith.constant 0 : index
        %swap3A_508 = tpu.vector_load %arg10[%swap3A_506, %swap3A_507] {strides = array<i32>} : memref<640x64xf32, #tpu.memory_space<vmem>>, vector<16xf32>,
        tpu.vector_store %arg10[%swap3A_506, %swap3A_507], %add3A_484 {strides = array<i32>} : memref<640x64xf32, #tpu.memory_space<vmem>>, vector<16xf32>,
        %swap3A_509 = arith.index_cast %add3A_470 : i32 to index
        %swap3A_510 = arith.constant 16 : index
        %swap3A_511 = tpu.vector_load %arg10[%swap3A_509, %swap3A_510] {strides = array<i32>} : memref<640x64xf32, #tpu.memory_space<vmem>>, vector<16xf32>,
        tpu.vector_store %arg10[%swap3A_509, %swap3A_510], %add3A_491 {strides = array<i32>} : memref<640x64xf32, #tpu.memory_space<vmem>>, vector<16xf32>,
        %swap3A_512 = arith.index_cast %add3A_470 : i32 to index
        %swap3A_513 = arith.constant 32 : index
        %swap3A_514 = tpu.vector_load %arg10[%swap3A_512, %swap3A_513] {strides = array<i32>} : memref<640x64xf32, #tpu.memory_space<vmem>>, vector<16xf32>,
        tpu.vector_store %arg10[%swap3A_512, %swap3A_513], %add3A_498 {strides = array<i32>} : memref<640x64xf32, #tpu.memory_space<vmem>>, vector<16xf32>,
        %swap3A_515 = arith.index_cast %add3A_470 : i32 to index
        %swap3A_516 = arith.constant 48 : index
        %swap3A_517 = tpu.vector_load %arg10[%swap3A_515, %swap3A_516] {strides = array<i32>} : memref<640x64xf32, #tpu.memory_space<vmem>>, vector<16xf32>,
        tpu.vector_store %arg10[%swap3A_515, %swap3A_516], %add3A_505 {strides = array<i32>} : memref<640x64xf32, #tpu.memory_space<vmem>>, vector<16xf32>,
        %add3A_518 = arith.addf %add3A_484, %add3A_491 : vector<16xf32>
        %add3A_519 = arith.addf %add3A_498, %add3A_505 : vector<16xf32>
        %add3A_520 = arith.addf %add3A_518, %add3A_519 : vector<16xf32>
        %mul3A_521 = arith.mulf %add3A_484, %add3A_484 : vector<16xf32>
        %mul3A_522 = arith.mulf %add3A_491, %add3A_491 : vector<16xf32>
        %add3A_523 = arith.addf %mul3A_521, %mul3A_522 : vector<16xf32>
        %mul3A_524 = arith.mulf %add3A_498, %add3A_498 : vector<16xf32>
        %mul3A_525 = arith.mulf %add3A_505, %add3A_505 : vector<16xf32>
        %add3A_526 = arith.addf %mul3A_524, %mul3A_525 : vector<16xf32>
        %add3A_527 = arith.addf %add3A_523, %add3A_526 : vector<16xf32>
        %add3A_528 = arith.constant 102 : i32
        %add3A_529 = vector.broadcast %add3A_528 : i32 to vector<16xi32>
        %add3A_530 = arith.addi %iota3A, %add3A_529 : vector<16xi32>
        tpu.vector_store_idx %arg14[%add3A_530], %add3A_520 : memref<272xf32, #tpu.memory_space<vmem>>[vector<16xi32>], vector<16xf32>,
        %add3A_531 = arith.constant 102 : i32
        %add3A_532 = vector.broadcast %add3A_531 : i32 to vector<16xi32>
        %add3A_533 = arith.addi %iota3A, %add3A_532 : vector<16xi32>
        tpu.vector_store_idx %arg15[%add3A_533], %add3A_527 : memref<272xf32, #tpu.memory_space<vmem>>[vector<16xi32>], vector<16xf32>,
        %add3A_534 = arith.constant 7 : i32
        %add3A_535 = arith.addi %mul3A_79, %add3A_534 : i32
        %add3A_536 = arith.constant 7 : i32
        %add3A_537 = arith.addi %rem3A_82, %add3A_536 : i32
        %ge3A_538 = arith.constant 200 : i32
        %ge3A_539 = arith.cmpi sge, %add3A_537, %ge3A_538 : i32
        %sub3A_540 = arith.constant 200 : i32
        %sub3A_541 = arith.subi %add3A_537, %sub3A_540 : i32
        %select_n3A_542 = arith.select %ge3A_539, %sub3A_541, %add3A_537 : i32
        %get3A_543 = arith.index_cast %add3A_535 : i32 to index
        %get3A_544 = arith.constant 0 : index
        %get3A_545 = tpu.vector_load %arg10[%get3A_543, %get3A_544] {strides = array<i32>} : memref<640x64xf32, #tpu.memory_space<vmem>>, vector<16xf32>,
        %get3A_546 = arith.index_cast %select_n3A_542 : i32 to index
        %get3A_547 = arith.constant 0 : index
        %get3A_548 = tpu.vector_load %arg11[%get3A_546, %get3A_547] {strides = array<i32>} : memref<200x64xf32, #tpu.memory_space<vmem>>, vector<16xf32>,
        %add3A_549 = arith.addf %get3A_545, %get3A_548 : vector<16xf32>
        %get3A_550 = arith.index_cast %add3A_535 : i32 to index
        %get3A_551 = arith.constant 16 : index
        %get3A_552 = tpu.vector_load %arg10[%get3A_550, %get3A_551] {strides = array<i32>} : memref<640x64xf32, #tpu.memory_space<vmem>>, vector<16xf32>,
        %get3A_553 = arith.index_cast %select_n3A_542 : i32 to index
        %get3A_554 = arith.constant 16 : index
        %get3A_555 = tpu.vector_load %arg11[%get3A_553, %get3A_554] {strides = array<i32>} : memref<200x64xf32, #tpu.memory_space<vmem>>, vector<16xf32>,
        %add3A_556 = arith.addf %get3A_552, %get3A_555 : vector<16xf32>
        %get3A_557 = arith.index_cast %add3A_535 : i32 to index
        %get3A_558 = arith.constant 32 : index
        %get3A_559 = tpu.vector_load %arg10[%get3A_557, %get3A_558] {strides = array<i32>} : memref<640x64xf32, #tpu.memory_space<vmem>>, vector<16xf32>,
        %get3A_560 = arith.index_cast %select_n3A_542 : i32 to index
        %get3A_561 = arith.constant 32 : index
        %get3A_562 = tpu.vector_load %arg11[%get3A_560, %get3A_561] {strides = array<i32>} : memref<200x64xf32, #tpu.memory_space<vmem>>, vector<16xf32>,
        %add3A_563 = arith.addf %get3A_559, %get3A_562 : vector<16xf32>
        %get3A_564 = arith.index_cast %add3A_535 : i32 to index
        %get3A_565 = arith.constant 48 : index
        %get3A_566 = tpu.vector_load %arg10[%get3A_564, %get3A_565] {strides = array<i32>} : memref<640x64xf32, #tpu.memory_space<vmem>>, vector<16xf32>,
        %get3A_567 = arith.index_cast %select_n3A_542 : i32 to index
        %get3A_568 = arith.constant 48 : index
        %get3A_569 = tpu.vector_load %arg11[%get3A_567, %get3A_568] {strides = array<i32>} : memref<200x64xf32, #tpu.memory_space<vmem>>, vector<16xf32>,
        %add3A_570 = arith.addf %get3A_566, %get3A_569 : vector<16xf32>
        %swap3A_571 = arith.index_cast %add3A_535 : i32 to index
        %swap3A_572 = arith.constant 0 : index
        %swap3A_573 = tpu.vector_load %arg10[%swap3A_571, %swap3A_572] {strides = array<i32>} : memref<640x64xf32, #tpu.memory_space<vmem>>, vector<16xf32>,
        tpu.vector_store %arg10[%swap3A_571, %swap3A_572], %add3A_549 {strides = array<i32>} : memref<640x64xf32, #tpu.memory_space<vmem>>, vector<16xf32>,
        %swap3A_574 = arith.index_cast %add3A_535 : i32 to index
        %swap3A_575 = arith.constant 16 : index
        %swap3A_576 = tpu.vector_load %arg10[%swap3A_574, %swap3A_575] {strides = array<i32>} : memref<640x64xf32, #tpu.memory_space<vmem>>, vector<16xf32>,
        tpu.vector_store %arg10[%swap3A_574, %swap3A_575], %add3A_556 {strides = array<i32>} : memref<640x64xf32, #tpu.memory_space<vmem>>, vector<16xf32>,
        %swap3A_577 = arith.index_cast %add3A_535 : i32 to index
        %swap3A_578 = arith.constant 32 : index
        %swap3A_579 = tpu.vector_load %arg10[%swap3A_577, %swap3A_578] {strides = array<i32>} : memref<640x64xf32, #tpu.memory_space<vmem>>, vector<16xf32>,
        tpu.vector_store %arg10[%swap3A_577, %swap3A_578], %add3A_563 {strides = array<i32>} : memref<640x64xf32, #tpu.memory_space<vmem>>, vector<16xf32>,
        %swap3A_580 = arith.index_cast %add3A_535 : i32 to index
        %swap3A_581 = arith.constant 48 : index
        %swap3A_582 = tpu.vector_load %arg10[%swap3A_580, %swap3A_581] {strides = array<i32>} : memref<640x64xf32, #tpu.memory_space<vmem>>, vector<16xf32>,
        tpu.vector_store %arg10[%swap3A_580, %swap3A_581], %add3A_570 {strides = array<i32>} : memref<640x64xf32, #tpu.memory_space<vmem>>, vector<16xf32>,
        %add3A_583 = arith.addf %add3A_549, %add3A_556 : vector<16xf32>
        %add3A_584 = arith.addf %add3A_563, %add3A_570 : vector<16xf32>
        %add3A_585 = arith.addf %add3A_583, %add3A_584 : vector<16xf32>
        %mul3A_586 = arith.mulf %add3A_549, %add3A_549 : vector<16xf32>
        %mul3A_587 = arith.mulf %add3A_556, %add3A_556 : vector<16xf32>
        %add3A_588 = arith.addf %mul3A_586, %mul3A_587 : vector<16xf32>
        %mul3A_589 = arith.mulf %add3A_563, %add3A_563 : vector<16xf32>
        %mul3A_590 = arith.mulf %add3A_570, %add3A_570 : vector<16xf32>
        %add3A_591 = arith.addf %mul3A_589, %mul3A_590 : vector<16xf32>
        %add3A_592 = arith.addf %add3A_588, %add3A_591 : vector<16xf32>
        %add3A_593 = arith.constant 119 : i32
        %add3A_594 = vector.broadcast %add3A_593 : i32 to vector<16xi32>
        %add3A_595 = arith.addi %iota3A, %add3A_594 : vector<16xi32>
        tpu.vector_store_idx %arg14[%add3A_595], %add3A_585 : memref<272xf32, #tpu.memory_space<vmem>>[vector<16xi32>], vector<16xf32>,
        %add3A_596 = arith.constant 119 : i32
        %add3A_597 = vector.broadcast %add3A_596 : i32 to vector<16xi32>
        %add3A_598 = arith.addi %iota3A, %add3A_597 : vector<16xi32>
        tpu.vector_store_idx %arg15[%add3A_598], %add3A_592 : memref<272xf32, #tpu.memory_space<vmem>>[vector<16xi32>], vector<16xf32>,
        %add3A_599 = arith.constant 8 : i32
        %add3A_600 = arith.addi %mul3A_79, %add3A_599 : i32
        %add3A_601 = arith.constant 8 : i32
        %add3A_602 = arith.addi %rem3A_82, %add3A_601 : i32
        %ge3A_603 = arith.constant 200 : i32
        %ge3A_604 = arith.cmpi sge, %add3A_602, %ge3A_603 : i32
        %sub3A_605 = arith.constant 200 : i32
        %sub3A_606 = arith.subi %add3A_602, %sub3A_605 : i32
        %select_n3A_607 = arith.select %ge3A_604, %sub3A_606, %add3A_602 : i32
        %get3A_608 = arith.index_cast %add3A_600 : i32 to index
        %get3A_609 = arith.constant 0 : index
        %get3A_610 = tpu.vector_load %arg10[%get3A_608, %get3A_609] {strides = array<i32>} : memref<640x64xf32, #tpu.memory_space<vmem>>, vector<16xf32>,
        %get3A_611 = arith.index_cast %select_n3A_607 : i32 to index
        %get3A_612 = arith.constant 0 : index
        %get3A_613 = tpu.vector_load %arg11[%get3A_611, %get3A_612] {strides = array<i32>} : memref<200x64xf32, #tpu.memory_space<vmem>>, vector<16xf32>,
        %add3A_614 = arith.addf %get3A_610, %get3A_613 : vector<16xf32>
        %get3A_615 = arith.index_cast %add3A_600 : i32 to index
        %get3A_616 = arith.constant 16 : index
        %get3A_617 = tpu.vector_load %arg10[%get3A_615, %get3A_616] {strides = array<i32>} : memref<640x64xf32, #tpu.memory_space<vmem>>, vector<16xf32>,
        %get3A_618 = arith.index_cast %select_n3A_607 : i32 to index
        %get3A_619 = arith.constant 16 : index
        %get3A_620 = tpu.vector_load %arg11[%get3A_618, %get3A_619] {strides = array<i32>} : memref<200x64xf32, #tpu.memory_space<vmem>>, vector<16xf32>,
        %add3A_621 = arith.addf %get3A_617, %get3A_620 : vector<16xf32>
        %get3A_622 = arith.index_cast %add3A_600 : i32 to index
        %get3A_623 = arith.constant 32 : index
        %get3A_624 = tpu.vector_load %arg10[%get3A_622, %get3A_623] {strides = array<i32>} : memref<640x64xf32, #tpu.memory_space<vmem>>, vector<16xf32>,
        %get3A_625 = arith.index_cast %select_n3A_607 : i32 to index
        %get3A_626 = arith.constant 32 : index
        %get3A_627 = tpu.vector_load %arg11[%get3A_625, %get3A_626] {strides = array<i32>} : memref<200x64xf32, #tpu.memory_space<vmem>>, vector<16xf32>,
        %add3A_628 = arith.addf %get3A_624, %get3A_627 : vector<16xf32>
        %get3A_629 = arith.index_cast %add3A_600 : i32 to index
        %get3A_630 = arith.constant 48 : index
        %get3A_631 = tpu.vector_load %arg10[%get3A_629, %get3A_630] {strides = array<i32>} : memref<640x64xf32, #tpu.memory_space<vmem>>, vector<16xf32>,
        %get3A_632 = arith.index_cast %select_n3A_607 : i32 to index
        %get3A_633 = arith.constant 48 : index
        %get3A_634 = tpu.vector_load %arg11[%get3A_632, %get3A_633] {strides = array<i32>} : memref<200x64xf32, #tpu.memory_space<vmem>>, vector<16xf32>,
        %add3A_635 = arith.addf %get3A_631, %get3A_634 : vector<16xf32>
        %swap3A_636 = arith.index_cast %add3A_600 : i32 to index
        %swap3A_637 = arith.constant 0 : index
        %swap3A_638 = tpu.vector_load %arg10[%swap3A_636, %swap3A_637] {strides = array<i32>} : memref<640x64xf32, #tpu.memory_space<vmem>>, vector<16xf32>,
        tpu.vector_store %arg10[%swap3A_636, %swap3A_637], %add3A_614 {strides = array<i32>} : memref<640x64xf32, #tpu.memory_space<vmem>>, vector<16xf32>,
        %swap3A_639 = arith.index_cast %add3A_600 : i32 to index
        %swap3A_640 = arith.constant 16 : index
        %swap3A_641 = tpu.vector_load %arg10[%swap3A_639, %swap3A_640] {strides = array<i32>} : memref<640x64xf32, #tpu.memory_space<vmem>>, vector<16xf32>,
        tpu.vector_store %arg10[%swap3A_639, %swap3A_640], %add3A_621 {strides = array<i32>} : memref<640x64xf32, #tpu.memory_space<vmem>>, vector<16xf32>,
        %swap3A_642 = arith.index_cast %add3A_600 : i32 to index
        %swap3A_643 = arith.constant 32 : index
        %swap3A_644 = tpu.vector_load %arg10[%swap3A_642, %swap3A_643] {strides = array<i32>} : memref<640x64xf32, #tpu.memory_space<vmem>>, vector<16xf32>,
        tpu.vector_store %arg10[%swap3A_642, %swap3A_643], %add3A_628 {strides = array<i32>} : memref<640x64xf32, #tpu.memory_space<vmem>>, vector<16xf32>,
        %swap3A_645 = arith.index_cast %add3A_600 : i32 to index
        %swap3A_646 = arith.constant 48 : index
        %swap3A_647 = tpu.vector_load %arg10[%swap3A_645, %swap3A_646] {strides = array<i32>} : memref<640x64xf32, #tpu.memory_space<vmem>>, vector<16xf32>,
        tpu.vector_store %arg10[%swap3A_645, %swap3A_646], %add3A_635 {strides = array<i32>} : memref<640x64xf32, #tpu.memory_space<vmem>>, vector<16xf32>,
        %add3A_648 = arith.addf %add3A_614, %add3A_621 : vector<16xf32>
        %add3A_649 = arith.addf %add3A_628, %add3A_635 : vector<16xf32>
        %add3A_650 = arith.addf %add3A_648, %add3A_649 : vector<16xf32>
        %mul3A_651 = arith.mulf %add3A_614, %add3A_614 : vector<16xf32>
        %mul3A_652 = arith.mulf %add3A_621, %add3A_621 : vector<16xf32>
        %add3A_653 = arith.addf %mul3A_651, %mul3A_652 : vector<16xf32>
        %mul3A_654 = arith.mulf %add3A_628, %add3A_628 : vector<16xf32>
        %mul3A_655 = arith.mulf %add3A_635, %add3A_635 : vector<16xf32>
        %add3A_656 = arith.addf %mul3A_654, %mul3A_655 : vector<16xf32>
        %add3A_657 = arith.addf %add3A_653, %add3A_656 : vector<16xf32>
        %add3A_658 = arith.constant 136 : i32
        %add3A_659 = vector.broadcast %add3A_658 : i32 to vector<16xi32>
        %add3A_660 = arith.addi %iota3A, %add3A_659 : vector<16xi32>
        tpu.vector_store_idx %arg14[%add3A_660], %add3A_650 : memref<272xf32, #tpu.memory_space<vmem>>[vector<16xi32>], vector<16xf32>,
        %add3A_661 = arith.constant 136 : i32
        %add3A_662 = vector.broadcast %add3A_661 : i32 to vector<16xi32>
        %add3A_663 = arith.addi %iota3A, %add3A_662 : vector<16xi32>
        tpu.vector_store_idx %arg15[%add3A_663], %add3A_657 : memref<272xf32, #tpu.memory_space<vmem>>[vector<16xi32>], vector<16xf32>,
        %add3A_664 = arith.constant 9 : i32
        %add3A_665 = arith.addi %mul3A_79, %add3A_664 : i32
        %add3A_666 = arith.constant 9 : i32
        %add3A_667 = arith.addi %rem3A_82, %add3A_666 : i32
        %ge3A_668 = arith.constant 200 : i32
        %ge3A_669 = arith.cmpi sge, %add3A_667, %ge3A_668 : i32
        %sub3A_670 = arith.constant 200 : i32
        %sub3A_671 = arith.subi %add3A_667, %sub3A_670 : i32
        %select_n3A_672 = arith.select %ge3A_669, %sub3A_671, %add3A_667 : i32
        %get3A_673 = arith.index_cast %add3A_665 : i32 to index
        %get3A_674 = arith.constant 0 : index
        %get3A_675 = tpu.vector_load %arg10[%get3A_673, %get3A_674] {strides = array<i32>} : memref<640x64xf32, #tpu.memory_space<vmem>>, vector<16xf32>,
        %get3A_676 = arith.index_cast %select_n3A_672 : i32 to index
        %get3A_677 = arith.constant 0 : index
        %get3A_678 = tpu.vector_load %arg11[%get3A_676, %get3A_677] {strides = array<i32>} : memref<200x64xf32, #tpu.memory_space<vmem>>, vector<16xf32>,
        %add3A_679 = arith.addf %get3A_675, %get3A_678 : vector<16xf32>
        %get3A_680 = arith.index_cast %add3A_665 : i32 to index
        %get3A_681 = arith.constant 16 : index
        %get3A_682 = tpu.vector_load %arg10[%get3A_680, %get3A_681] {strides = array<i32>} : memref<640x64xf32, #tpu.memory_space<vmem>>, vector<16xf32>,
        %get3A_683 = arith.index_cast %select_n3A_672 : i32 to index
        %get3A_684 = arith.constant 16 : index
        %get3A_685 = tpu.vector_load %arg11[%get3A_683, %get3A_684] {strides = array<i32>} : memref<200x64xf32, #tpu.memory_space<vmem>>, vector<16xf32>,
        %add3A_686 = arith.addf %get3A_682, %get3A_685 : vector<16xf32>
        %get3A_687 = arith.index_cast %add3A_665 : i32 to index
        %get3A_688 = arith.constant 32 : index
        %get3A_689 = tpu.vector_load %arg10[%get3A_687, %get3A_688] {strides = array<i32>} : memref<640x64xf32, #tpu.memory_space<vmem>>, vector<16xf32>,
        %get3A_690 = arith.index_cast %select_n3A_672 : i32 to index
        %get3A_691 = arith.constant 32 : index
        %get3A_692 = tpu.vector_load %arg11[%get3A_690, %get3A_691] {strides = array<i32>} : memref<200x64xf32, #tpu.memory_space<vmem>>, vector<16xf32>,
        %add3A_693 = arith.addf %get3A_689, %get3A_692 : vector<16xf32>
        %get3A_694 = arith.index_cast %add3A_665 : i32 to index
        %get3A_695 = arith.constant 48 : index
        %get3A_696 = tpu.vector_load %arg10[%get3A_694, %get3A_695] {strides = array<i32>} : memref<640x64xf32, #tpu.memory_space<vmem>>, vector<16xf32>,
        %get3A_697 = arith.index_cast %select_n3A_672 : i32 to index
        %get3A_698 = arith.constant 48 : index
        %get3A_699 = tpu.vector_load %arg11[%get3A_697, %get3A_698] {strides = array<i32>} : memref<200x64xf32, #tpu.memory_space<vmem>>, vector<16xf32>,
        %add3A_700 = arith.addf %get3A_696, %get3A_699 : vector<16xf32>
        %swap3A_701 = arith.index_cast %add3A_665 : i32 to index
        %swap3A_702 = arith.constant 0 : index
        %swap3A_703 = tpu.vector_load %arg10[%swap3A_701, %swap3A_702] {strides = array<i32>} : memref<640x64xf32, #tpu.memory_space<vmem>>, vector<16xf32>,
        tpu.vector_store %arg10[%swap3A_701, %swap3A_702], %add3A_679 {strides = array<i32>} : memref<640x64xf32, #tpu.memory_space<vmem>>, vector<16xf32>,
        %swap3A_704 = arith.index_cast %add3A_665 : i32 to index
        %swap3A_705 = arith.constant 16 : index
        %swap3A_706 = tpu.vector_load %arg10[%swap3A_704, %swap3A_705] {strides = array<i32>} : memref<640x64xf32, #tpu.memory_space<vmem>>, vector<16xf32>,
        tpu.vector_store %arg10[%swap3A_704, %swap3A_705], %add3A_686 {strides = array<i32>} : memref<640x64xf32, #tpu.memory_space<vmem>>, vector<16xf32>,
        %swap3A_707 = arith.index_cast %add3A_665 : i32 to index
        %swap3A_708 = arith.constant 32 : index
        %swap3A_709 = tpu.vector_load %arg10[%swap3A_707, %swap3A_708] {strides = array<i32>} : memref<640x64xf32, #tpu.memory_space<vmem>>, vector<16xf32>,
        tpu.vector_store %arg10[%swap3A_707, %swap3A_708], %add3A_693 {strides = array<i32>} : memref<640x64xf32, #tpu.memory_space<vmem>>, vector<16xf32>,
        %swap3A_710 = arith.index_cast %add3A_665 : i32 to index
        %swap3A_711 = arith.constant 48 : index
        %swap3A_712 = tpu.vector_load %arg10[%swap3A_710, %swap3A_711] {strides = array<i32>} : memref<640x64xf32, #tpu.memory_space<vmem>>, vector<16xf32>,
        tpu.vector_store %arg10[%swap3A_710, %swap3A_711], %add3A_700 {strides = array<i32>} : memref<640x64xf32, #tpu.memory_space<vmem>>, vector<16xf32>,
        %add3A_713 = arith.addf %add3A_679, %add3A_686 : vector<16xf32>
        %add3A_714 = arith.addf %add3A_693, %add3A_700 : vector<16xf32>
        %add3A_715 = arith.addf %add3A_713, %add3A_714 : vector<16xf32>
        %mul3A_716 = arith.mulf %add3A_679, %add3A_679 : vector<16xf32>
        %mul3A_717 = arith.mulf %add3A_686, %add3A_686 : vector<16xf32>
        %add3A_718 = arith.addf %mul3A_716, %mul3A_717 : vector<16xf32>
        %mul3A_719 = arith.mulf %add3A_693, %add3A_693 : vector<16xf32>
        %mul3A_720 = arith.mulf %add3A_700, %add3A_700 : vector<16xf32>
        %add3A_721 = arith.addf %mul3A_719, %mul3A_720 : vector<16xf32>
        %add3A_722 = arith.addf %add3A_718, %add3A_721 : vector<16xf32>
        %add3A_723 = arith.constant 153 : i32
        %add3A_724 = vector.broadcast %add3A_723 : i32 to vector<16xi32>
        %add3A_725 = arith.addi %iota3A, %add3A_724 : vector<16xi32>
        tpu.vector_store_idx %arg14[%add3A_725], %add3A_715 : memref<272xf32, #tpu.memory_space<vmem>>[vector<16xi32>], vector<16xf32>,
        %add3A_726 = arith.constant 153 : i32
        %add3A_727 = vector.broadcast %add3A_726 : i32 to vector<16xi32>
        %add3A_728 = arith.addi %iota3A, %add3A_727 : vector<16xi32>
        tpu.vector_store_idx %arg15[%add3A_728], %add3A_722 : memref<272xf32, #tpu.memory_space<vmem>>[vector<16xi32>], vector<16xf32>,
        %add3A_729 = arith.constant 10 : i32
        %add3A_730 = arith.addi %mul3A_79, %add3A_729 : i32
        %add3A_731 = arith.constant 10 : i32
        %add3A_732 = arith.addi %rem3A_82, %add3A_731 : i32
        %ge3A_733 = arith.constant 200 : i32
        %ge3A_734 = arith.cmpi sge, %add3A_732, %ge3A_733 : i32
        %sub3A_735 = arith.constant 200 : i32
        %sub3A_736 = arith.subi %add3A_732, %sub3A_735 : i32
        %select_n3A_737 = arith.select %ge3A_734, %sub3A_736, %add3A_732 : i32
        %get3A_738 = arith.index_cast %add3A_730 : i32 to index
        %get3A_739 = arith.constant 0 : index
        %get3A_740 = tpu.vector_load %arg10[%get3A_738, %get3A_739] {strides = array<i32>} : memref<640x64xf32, #tpu.memory_space<vmem>>, vector<16xf32>,
        %get3A_741 = arith.index_cast %select_n3A_737 : i32 to index
        %get3A_742 = arith.constant 0 : index
        %get3A_743 = tpu.vector_load %arg11[%get3A_741, %get3A_742] {strides = array<i32>} : memref<200x64xf32, #tpu.memory_space<vmem>>, vector<16xf32>,
        %add3A_744 = arith.addf %get3A_740, %get3A_743 : vector<16xf32>
        %get3A_745 = arith.index_cast %add3A_730 : i32 to index
        %get3A_746 = arith.constant 16 : index
        %get3A_747 = tpu.vector_load %arg10[%get3A_745, %get3A_746] {strides = array<i32>} : memref<640x64xf32, #tpu.memory_space<vmem>>, vector<16xf32>,
        %get3A_748 = arith.index_cast %select_n3A_737 : i32 to index
        %get3A_749 = arith.constant 16 : index
        %get3A_750 = tpu.vector_load %arg11[%get3A_748, %get3A_749] {strides = array<i32>} : memref<200x64xf32, #tpu.memory_space<vmem>>, vector<16xf32>,
        %add3A_751 = arith.addf %get3A_747, %get3A_750 : vector<16xf32>
        %get3A_752 = arith.index_cast %add3A_730 : i32 to index
        %get3A_753 = arith.constant 32 : index
        %get3A_754 = tpu.vector_load %arg10[%get3A_752, %get3A_753] {strides = array<i32>} : memref<640x64xf32, #tpu.memory_space<vmem>>, vector<16xf32>,
        %get3A_755 = arith.index_cast %select_n3A_737 : i32 to index
        %get3A_756 = arith.constant 32 : index
        %get3A_757 = tpu.vector_load %arg11[%get3A_755, %get3A_756] {strides = array<i32>} : memref<200x64xf32, #tpu.memory_space<vmem>>, vector<16xf32>,
        %add3A_758 = arith.addf %get3A_754, %get3A_757 : vector<16xf32>
        %get3A_759 = arith.index_cast %add3A_730 : i32 to index
        %get3A_760 = arith.constant 48 : index
        %get3A_761 = tpu.vector_load %arg10[%get3A_759, %get3A_760] {strides = array<i32>} : memref<640x64xf32, #tpu.memory_space<vmem>>, vector<16xf32>,
        %get3A_762 = arith.index_cast %select_n3A_737 : i32 to index
        %get3A_763 = arith.constant 48 : index
        %get3A_764 = tpu.vector_load %arg11[%get3A_762, %get3A_763] {strides = array<i32>} : memref<200x64xf32, #tpu.memory_space<vmem>>, vector<16xf32>,
        %add3A_765 = arith.addf %get3A_761, %get3A_764 : vector<16xf32>
        %swap3A_766 = arith.index_cast %add3A_730 : i32 to index
        %swap3A_767 = arith.constant 0 : index
        %swap3A_768 = tpu.vector_load %arg10[%swap3A_766, %swap3A_767] {strides = array<i32>} : memref<640x64xf32, #tpu.memory_space<vmem>>, vector<16xf32>,
        tpu.vector_store %arg10[%swap3A_766, %swap3A_767], %add3A_744 {strides = array<i32>} : memref<640x64xf32, #tpu.memory_space<vmem>>, vector<16xf32>,
        %swap3A_769 = arith.index_cast %add3A_730 : i32 to index
        %swap3A_770 = arith.constant 16 : index
        %swap3A_771 = tpu.vector_load %arg10[%swap3A_769, %swap3A_770] {strides = array<i32>} : memref<640x64xf32, #tpu.memory_space<vmem>>, vector<16xf32>,
        tpu.vector_store %arg10[%swap3A_769, %swap3A_770], %add3A_751 {strides = array<i32>} : memref<640x64xf32, #tpu.memory_space<vmem>>, vector<16xf32>,
        %swap3A_772 = arith.index_cast %add3A_730 : i32 to index
        %swap3A_773 = arith.constant 32 : index
        %swap3A_774 = tpu.vector_load %arg10[%swap3A_772, %swap3A_773] {strides = array<i32>} : memref<640x64xf32, #tpu.memory_space<vmem>>, vector<16xf32>,
        tpu.vector_store %arg10[%swap3A_772, %swap3A_773], %add3A_758 {strides = array<i32>} : memref<640x64xf32, #tpu.memory_space<vmem>>, vector<16xf32>,
        %swap3A_775 = arith.index_cast %add3A_730 : i32 to index
        %swap3A_776 = arith.constant 48 : index
        %swap3A_777 = tpu.vector_load %arg10[%swap3A_775, %swap3A_776] {strides = array<i32>} : memref<640x64xf32, #tpu.memory_space<vmem>>, vector<16xf32>,
        tpu.vector_store %arg10[%swap3A_775, %swap3A_776], %add3A_765 {strides = array<i32>} : memref<640x64xf32, #tpu.memory_space<vmem>>, vector<16xf32>,
        %add3A_778 = arith.addf %add3A_744, %add3A_751 : vector<16xf32>
        %add3A_779 = arith.addf %add3A_758, %add3A_765 : vector<16xf32>
        %add3A_780 = arith.addf %add3A_778, %add3A_779 : vector<16xf32>
        %mul3A_781 = arith.mulf %add3A_744, %add3A_744 : vector<16xf32>
        %mul3A_782 = arith.mulf %add3A_751, %add3A_751 : vector<16xf32>
        %add3A_783 = arith.addf %mul3A_781, %mul3A_782 : vector<16xf32>
        %mul3A_784 = arith.mulf %add3A_758, %add3A_758 : vector<16xf32>
        %mul3A_785 = arith.mulf %add3A_765, %add3A_765 : vector<16xf32>
        %add3A_786 = arith.addf %mul3A_784, %mul3A_785 : vector<16xf32>
        %add3A_787 = arith.addf %add3A_783, %add3A_786 : vector<16xf32>
        %add3A_788 = arith.constant 170 : i32
        %add3A_789 = vector.broadcast %add3A_788 : i32 to vector<16xi32>
        %add3A_790 = arith.addi %iota3A, %add3A_789 : vector<16xi32>
        tpu.vector_store_idx %arg14[%add3A_790], %add3A_780 : memref<272xf32, #tpu.memory_space<vmem>>[vector<16xi32>], vector<16xf32>,
        %add3A_791 = arith.constant 170 : i32
        %add3A_792 = vector.broadcast %add3A_791 : i32 to vector<16xi32>
        %add3A_793 = arith.addi %iota3A, %add3A_792 : vector<16xi32>
        tpu.vector_store_idx %arg15[%add3A_793], %add3A_787 : memref<272xf32, #tpu.memory_space<vmem>>[vector<16xi32>], vector<16xf32>,
        %add3A_794 = arith.constant 11 : i32
        %add3A_795 = arith.addi %mul3A_79, %add3A_794 : i32
        %add3A_796 = arith.constant 11 : i32
        %add3A_797 = arith.addi %rem3A_82, %add3A_796 : i32
        %ge3A_798 = arith.constant 200 : i32
        %ge3A_799 = arith.cmpi sge, %add3A_797, %ge3A_798 : i32
        %sub3A_800 = arith.constant 200 : i32
        %sub3A_801 = arith.subi %add3A_797, %sub3A_800 : i32
        %select_n3A_802 = arith.select %ge3A_799, %sub3A_801, %add3A_797 : i32
        %get3A_803 = arith.index_cast %add3A_795 : i32 to index
        %get3A_804 = arith.constant 0 : index
        %get3A_805 = tpu.vector_load %arg10[%get3A_803, %get3A_804] {strides = array<i32>} : memref<640x64xf32, #tpu.memory_space<vmem>>, vector<16xf32>,
        %get3A_806 = arith.index_cast %select_n3A_802 : i32 to index
        %get3A_807 = arith.constant 0 : index
        %get3A_808 = tpu.vector_load %arg11[%get3A_806, %get3A_807] {strides = array<i32>} : memref<200x64xf32, #tpu.memory_space<vmem>>, vector<16xf32>,
        %add3A_809 = arith.addf %get3A_805, %get3A_808 : vector<16xf32>
        %get3A_810 = arith.index_cast %add3A_795 : i32 to index
        %get3A_811 = arith.constant 16 : index
        %get3A_812 = tpu.vector_load %arg10[%get3A_810, %get3A_811] {strides = array<i32>} : memref<640x64xf32, #tpu.memory_space<vmem>>, vector<16xf32>,
        %get3A_813 = arith.index_cast %select_n3A_802 : i32 to index
        %get3A_814 = arith.constant 16 : index
        %get3A_815 = tpu.vector_load %arg11[%get3A_813, %get3A_814] {strides = array<i32>} : memref<200x64xf32, #tpu.memory_space<vmem>>, vector<16xf32>,
        %add3A_816 = arith.addf %get3A_812, %get3A_815 : vector<16xf32>
        %get3A_817 = arith.index_cast %add3A_795 : i32 to index
        %get3A_818 = arith.constant 32 : index
        %get3A_819 = tpu.vector_load %arg10[%get3A_817, %get3A_818] {strides = array<i32>} : memref<640x64xf32, #tpu.memory_space<vmem>>, vector<16xf32>,
        %get3A_820 = arith.index_cast %select_n3A_802 : i32 to index
        %get3A_821 = arith.constant 32 : index
        %get3A_822 = tpu.vector_load %arg11[%get3A_820, %get3A_821] {strides = array<i32>} : memref<200x64xf32, #tpu.memory_space<vmem>>, vector<16xf32>,
        %add3A_823 = arith.addf %get3A_819, %get3A_822 : vector<16xf32>
        %get3A_824 = arith.index_cast %add3A_795 : i32 to index
        %get3A_825 = arith.constant 48 : index
        %get3A_826 = tpu.vector_load %arg10[%get3A_824, %get3A_825] {strides = array<i32>} : memref<640x64xf32, #tpu.memory_space<vmem>>, vector<16xf32>,
        %get3A_827 = arith.index_cast %select_n3A_802 : i32 to index
        %get3A_828 = arith.constant 48 : index
        %get3A_829 = tpu.vector_load %arg11[%get3A_827, %get3A_828] {strides = array<i32>} : memref<200x64xf32, #tpu.memory_space<vmem>>, vector<16xf32>,
        %add3A_830 = arith.addf %get3A_826, %get3A_829 : vector<16xf32>
        %swap3A_831 = arith.index_cast %add3A_795 : i32 to index
        %swap3A_832 = arith.constant 0 : index
        %swap3A_833 = tpu.vector_load %arg10[%swap3A_831, %swap3A_832] {strides = array<i32>} : memref<640x64xf32, #tpu.memory_space<vmem>>, vector<16xf32>,
        tpu.vector_store %arg10[%swap3A_831, %swap3A_832], %add3A_809 {strides = array<i32>} : memref<640x64xf32, #tpu.memory_space<vmem>>, vector<16xf32>,
        %swap3A_834 = arith.index_cast %add3A_795 : i32 to index
        %swap3A_835 = arith.constant 16 : index
        %swap3A_836 = tpu.vector_load %arg10[%swap3A_834, %swap3A_835] {strides = array<i32>} : memref<640x64xf32, #tpu.memory_space<vmem>>, vector<16xf32>,
        tpu.vector_store %arg10[%swap3A_834, %swap3A_835], %add3A_816 {strides = array<i32>} : memref<640x64xf32, #tpu.memory_space<vmem>>, vector<16xf32>,
        %swap3A_837 = arith.index_cast %add3A_795 : i32 to index
        %swap3A_838 = arith.constant 32 : index
        %swap3A_839 = tpu.vector_load %arg10[%swap3A_837, %swap3A_838] {strides = array<i32>} : memref<640x64xf32, #tpu.memory_space<vmem>>, vector<16xf32>,
        tpu.vector_store %arg10[%swap3A_837, %swap3A_838], %add3A_823 {strides = array<i32>} : memref<640x64xf32, #tpu.memory_space<vmem>>, vector<16xf32>,
        %swap3A_840 = arith.index_cast %add3A_795 : i32 to index
        %swap3A_841 = arith.constant 48 : index
        %swap3A_842 = tpu.vector_load %arg10[%swap3A_840, %swap3A_841] {strides = array<i32>} : memref<640x64xf32, #tpu.memory_space<vmem>>, vector<16xf32>,
        tpu.vector_store %arg10[%swap3A_840, %swap3A_841], %add3A_830 {strides = array<i32>} : memref<640x64xf32, #tpu.memory_space<vmem>>, vector<16xf32>,
        %add3A_843 = arith.addf %add3A_809, %add3A_816 : vector<16xf32>
        %add3A_844 = arith.addf %add3A_823, %add3A_830 : vector<16xf32>
        %add3A_845 = arith.addf %add3A_843, %add3A_844 : vector<16xf32>
        %mul3A_846 = arith.mulf %add3A_809, %add3A_809 : vector<16xf32>
        %mul3A_847 = arith.mulf %add3A_816, %add3A_816 : vector<16xf32>
        %add3A_848 = arith.addf %mul3A_846, %mul3A_847 : vector<16xf32>
        %mul3A_849 = arith.mulf %add3A_823, %add3A_823 : vector<16xf32>
        %mul3A_850 = arith.mulf %add3A_830, %add3A_830 : vector<16xf32>
        %add3A_851 = arith.addf %mul3A_849, %mul3A_850 : vector<16xf32>
        %add3A_852 = arith.addf %add3A_848, %add3A_851 : vector<16xf32>
        %add3A_853 = arith.constant 187 : i32
        %add3A_854 = vector.broadcast %add3A_853 : i32 to vector<16xi32>
        %add3A_855 = arith.addi %iota3A, %add3A_854 : vector<16xi32>
        tpu.vector_store_idx %arg14[%add3A_855], %add3A_845 : memref<272xf32, #tpu.memory_space<vmem>>[vector<16xi32>], vector<16xf32>,
        %add3A_856 = arith.constant 187 : i32
        %add3A_857 = vector.broadcast %add3A_856 : i32 to vector<16xi32>
        %add3A_858 = arith.addi %iota3A, %add3A_857 : vector<16xi32>
        tpu.vector_store_idx %arg15[%add3A_858], %add3A_852 : memref<272xf32, #tpu.memory_space<vmem>>[vector<16xi32>], vector<16xf32>,
        %add3A_859 = arith.constant 12 : i32
        %add3A_860 = arith.addi %mul3A_79, %add3A_859 : i32
        %add3A_861 = arith.constant 12 : i32
        %add3A_862 = arith.addi %rem3A_82, %add3A_861 : i32
        %ge3A_863 = arith.constant 200 : i32
        %ge3A_864 = arith.cmpi sge, %add3A_862, %ge3A_863 : i32
        %sub3A_865 = arith.constant 200 : i32
        %sub3A_866 = arith.subi %add3A_862, %sub3A_865 : i32
        %select_n3A_867 = arith.select %ge3A_864, %sub3A_866, %add3A_862 : i32
        %get3A_868 = arith.index_cast %add3A_860 : i32 to index
        %get3A_869 = arith.constant 0 : index
        %get3A_870 = tpu.vector_load %arg10[%get3A_868, %get3A_869] {strides = array<i32>} : memref<640x64xf32, #tpu.memory_space<vmem>>, vector<16xf32>,
        %get3A_871 = arith.index_cast %select_n3A_867 : i32 to index
        %get3A_872 = arith.constant 0 : index
        %get3A_873 = tpu.vector_load %arg11[%get3A_871, %get3A_872] {strides = array<i32>} : memref<200x64xf32, #tpu.memory_space<vmem>>, vector<16xf32>,
        %add3A_874 = arith.addf %get3A_870, %get3A_873 : vector<16xf32>
        %get3A_875 = arith.index_cast %add3A_860 : i32 to index
        %get3A_876 = arith.constant 16 : index
        %get3A_877 = tpu.vector_load %arg10[%get3A_875, %get3A_876] {strides = array<i32>} : memref<640x64xf32, #tpu.memory_space<vmem>>, vector<16xf32>,
        %get3A_878 = arith.index_cast %select_n3A_867 : i32 to index
        %get3A_879 = arith.constant 16 : index
        %get3A_880 = tpu.vector_load %arg11[%get3A_878, %get3A_879] {strides = array<i32>} : memref<200x64xf32, #tpu.memory_space<vmem>>, vector<16xf32>,
        %add3A_881 = arith.addf %get3A_877, %get3A_880 : vector<16xf32>
        %get3A_882 = arith.index_cast %add3A_860 : i32 to index
        %get3A_883 = arith.constant 32 : index
        %get3A_884 = tpu.vector_load %arg10[%get3A_882, %get3A_883] {strides = array<i32>} : memref<640x64xf32, #tpu.memory_space<vmem>>, vector<16xf32>,
        %get3A_885 = arith.index_cast %select_n3A_867 : i32 to index
        %get3A_886 = arith.constant 32 : index
        %get3A_887 = tpu.vector_load %arg11[%get3A_885, %get3A_886] {strides = array<i32>} : memref<200x64xf32, #tpu.memory_space<vmem>>, vector<16xf32>,
        %add3A_888 = arith.addf %get3A_884, %get3A_887 : vector<16xf32>
        %get3A_889 = arith.index_cast %add3A_860 : i32 to index
        %get3A_890 = arith.constant 48 : index
        %get3A_891 = tpu.vector_load %arg10[%get3A_889, %get3A_890] {strides = array<i32>} : memref<640x64xf32, #tpu.memory_space<vmem>>, vector<16xf32>,
        %get3A_892 = arith.index_cast %select_n3A_867 : i32 to index
        %get3A_893 = arith.constant 48 : index
        %get3A_894 = tpu.vector_load %arg11[%get3A_892, %get3A_893] {strides = array<i32>} : memref<200x64xf32, #tpu.memory_space<vmem>>, vector<16xf32>,
        %add3A_895 = arith.addf %get3A_891, %get3A_894 : vector<16xf32>
        %swap3A_896 = arith.index_cast %add3A_860 : i32 to index
        %swap3A_897 = arith.constant 0 : index
        %swap3A_898 = tpu.vector_load %arg10[%swap3A_896, %swap3A_897] {strides = array<i32>} : memref<640x64xf32, #tpu.memory_space<vmem>>, vector<16xf32>,
        tpu.vector_store %arg10[%swap3A_896, %swap3A_897], %add3A_874 {strides = array<i32>} : memref<640x64xf32, #tpu.memory_space<vmem>>, vector<16xf32>,
        %swap3A_899 = arith.index_cast %add3A_860 : i32 to index
        %swap3A_900 = arith.constant 16 : index
        %swap3A_901 = tpu.vector_load %arg10[%swap3A_899, %swap3A_900] {strides = array<i32>} : memref<640x64xf32, #tpu.memory_space<vmem>>, vector<16xf32>,
        tpu.vector_store %arg10[%swap3A_899, %swap3A_900], %add3A_881 {strides = array<i32>} : memref<640x64xf32, #tpu.memory_space<vmem>>, vector<16xf32>,
        %swap3A_902 = arith.index_cast %add3A_860 : i32 to index
        %swap3A_903 = arith.constant 32 : index
        %swap3A_904 = tpu.vector_load %arg10[%swap3A_902, %swap3A_903] {strides = array<i32>} : memref<640x64xf32, #tpu.memory_space<vmem>>, vector<16xf32>,
        tpu.vector_store %arg10[%swap3A_902, %swap3A_903], %add3A_888 {strides = array<i32>} : memref<640x64xf32, #tpu.memory_space<vmem>>, vector<16xf32>,
        %swap3A_905 = arith.index_cast %add3A_860 : i32 to index
        %swap3A_906 = arith.constant 48 : index
        %swap3A_907 = tpu.vector_load %arg10[%swap3A_905, %swap3A_906] {strides = array<i32>} : memref<640x64xf32, #tpu.memory_space<vmem>>, vector<16xf32>,
        tpu.vector_store %arg10[%swap3A_905, %swap3A_906], %add3A_895 {strides = array<i32>} : memref<640x64xf32, #tpu.memory_space<vmem>>, vector<16xf32>,
        %add3A_908 = arith.addf %add3A_874, %add3A_881 : vector<16xf32>
        %add3A_909 = arith.addf %add3A_888, %add3A_895 : vector<16xf32>
        %add3A_910 = arith.addf %add3A_908, %add3A_909 : vector<16xf32>
        %mul3A_911 = arith.mulf %add3A_874, %add3A_874 : vector<16xf32>
        %mul3A_912 = arith.mulf %add3A_881, %add3A_881 : vector<16xf32>
        %add3A_913 = arith.addf %mul3A_911, %mul3A_912 : vector<16xf32>
        %mul3A_914 = arith.mulf %add3A_888, %add3A_888 : vector<16xf32>
        %mul3A_915 = arith.mulf %add3A_895, %add3A_895 : vector<16xf32>
        %add3A_916 = arith.addf %mul3A_914, %mul3A_915 : vector<16xf32>
        %add3A_917 = arith.addf %add3A_913, %add3A_916 : vector<16xf32>
        %add3A_918 = arith.constant 204 : i32
        %add3A_919 = vector.broadcast %add3A_918 : i32 to vector<16xi32>
        %add3A_920 = arith.addi %iota3A, %add3A_919 : vector<16xi32>
        tpu.vector_store_idx %arg14[%add3A_920], %add3A_910 : memref<272xf32, #tpu.memory_space<vmem>>[vector<16xi32>], vector<16xf32>,
        %add3A_921 = arith.constant 204 : i32
        %add3A_922 = vector.broadcast %add3A_921 : i32 to vector<16xi32>
        %add3A_923 = arith.addi %iota3A, %add3A_922 : vector<16xi32>
        tpu.vector_store_idx %arg15[%add3A_923], %add3A_917 : memref<272xf32, #tpu.memory_space<vmem>>[vector<16xi32>], vector<16xf32>,
        %add3A_924 = arith.constant 13 : i32
        %add3A_925 = arith.addi %mul3A_79, %add3A_924 : i32
        %add3A_926 = arith.constant 13 : i32
        %add3A_927 = arith.addi %rem3A_82, %add3A_926 : i32
        %ge3A_928 = arith.constant 200 : i32
        %ge3A_929 = arith.cmpi sge, %add3A_927, %ge3A_928 : i32
        %sub3A_930 = arith.constant 200 : i32
        %sub3A_931 = arith.subi %add3A_927, %sub3A_930 : i32
        %select_n3A_932 = arith.select %ge3A_929, %sub3A_931, %add3A_927 : i32
        %get3A_933 = arith.index_cast %add3A_925 : i32 to index
        %get3A_934 = arith.constant 0 : index
        %get3A_935 = tpu.vector_load %arg10[%get3A_933, %get3A_934] {strides = array<i32>} : memref<640x64xf32, #tpu.memory_space<vmem>>, vector<16xf32>,
        %get3A_936 = arith.index_cast %select_n3A_932 : i32 to index
        %get3A_937 = arith.constant 0 : index
        %get3A_938 = tpu.vector_load %arg11[%get3A_936, %get3A_937] {strides = array<i32>} : memref<200x64xf32, #tpu.memory_space<vmem>>, vector<16xf32>,
        %add3A_939 = arith.addf %get3A_935, %get3A_938 : vector<16xf32>
        %get3A_940 = arith.index_cast %add3A_925 : i32 to index
        %get3A_941 = arith.constant 16 : index
        %get3A_942 = tpu.vector_load %arg10[%get3A_940, %get3A_941] {strides = array<i32>} : memref<640x64xf32, #tpu.memory_space<vmem>>, vector<16xf32>,
        %get3A_943 = arith.index_cast %select_n3A_932 : i32 to index
        %get3A_944 = arith.constant 16 : index
        %get3A_945 = tpu.vector_load %arg11[%get3A_943, %get3A_944] {strides = array<i32>} : memref<200x64xf32, #tpu.memory_space<vmem>>, vector<16xf32>,
        %add3A_946 = arith.addf %get3A_942, %get3A_945 : vector<16xf32>
        %get3A_947 = arith.index_cast %add3A_925 : i32 to index
        %get3A_948 = arith.constant 32 : index
        %get3A_949 = tpu.vector_load %arg10[%get3A_947, %get3A_948] {strides = array<i32>} : memref<640x64xf32, #tpu.memory_space<vmem>>, vector<16xf32>,
        %get3A_950 = arith.index_cast %select_n3A_932 : i32 to index
        %get3A_951 = arith.constant 32 : index
        %get3A_952 = tpu.vector_load %arg11[%get3A_950, %get3A_951] {strides = array<i32>} : memref<200x64xf32, #tpu.memory_space<vmem>>, vector<16xf32>,
        %add3A_953 = arith.addf %get3A_949, %get3A_952 : vector<16xf32>
        %get3A_954 = arith.index_cast %add3A_925 : i32 to index
        %get3A_955 = arith.constant 48 : index
        %get3A_956 = tpu.vector_load %arg10[%get3A_954, %get3A_955] {strides = array<i32>} : memref<640x64xf32, #tpu.memory_space<vmem>>, vector<16xf32>,
        %get3A_957 = arith.index_cast %select_n3A_932 : i32 to index
        %get3A_958 = arith.constant 48 : index
        %get3A_959 = tpu.vector_load %arg11[%get3A_957, %get3A_958] {strides = array<i32>} : memref<200x64xf32, #tpu.memory_space<vmem>>, vector<16xf32>,
        %add3A_960 = arith.addf %get3A_956, %get3A_959 : vector<16xf32>
        %swap3A_961 = arith.index_cast %add3A_925 : i32 to index
        %swap3A_962 = arith.constant 0 : index
        %swap3A_963 = tpu.vector_load %arg10[%swap3A_961, %swap3A_962] {strides = array<i32>} : memref<640x64xf32, #tpu.memory_space<vmem>>, vector<16xf32>,
        tpu.vector_store %arg10[%swap3A_961, %swap3A_962], %add3A_939 {strides = array<i32>} : memref<640x64xf32, #tpu.memory_space<vmem>>, vector<16xf32>,
        %swap3A_964 = arith.index_cast %add3A_925 : i32 to index
        %swap3A_965 = arith.constant 16 : index
        %swap3A_966 = tpu.vector_load %arg10[%swap3A_964, %swap3A_965] {strides = array<i32>} : memref<640x64xf32, #tpu.memory_space<vmem>>, vector<16xf32>,
        tpu.vector_store %arg10[%swap3A_964, %swap3A_965], %add3A_946 {strides = array<i32>} : memref<640x64xf32, #tpu.memory_space<vmem>>, vector<16xf32>,
        %swap3A_967 = arith.index_cast %add3A_925 : i32 to index
        %swap3A_968 = arith.constant 32 : index
        %swap3A_969 = tpu.vector_load %arg10[%swap3A_967, %swap3A_968] {strides = array<i32>} : memref<640x64xf32, #tpu.memory_space<vmem>>, vector<16xf32>,
        tpu.vector_store %arg10[%swap3A_967, %swap3A_968], %add3A_953 {strides = array<i32>} : memref<640x64xf32, #tpu.memory_space<vmem>>, vector<16xf32>,
        %swap3A_970 = arith.index_cast %add3A_925 : i32 to index
        %swap3A_971 = arith.constant 48 : index
        %swap3A_972 = tpu.vector_load %arg10[%swap3A_970, %swap3A_971] {strides = array<i32>} : memref<640x64xf32, #tpu.memory_space<vmem>>, vector<16xf32>,
        tpu.vector_store %arg10[%swap3A_970, %swap3A_971], %add3A_960 {strides = array<i32>} : memref<640x64xf32, #tpu.memory_space<vmem>>, vector<16xf32>,
        %add3A_973 = arith.addf %add3A_939, %add3A_946 : vector<16xf32>
        %add3A_974 = arith.addf %add3A_953, %add3A_960 : vector<16xf32>
        %add3A_975 = arith.addf %add3A_973, %add3A_974 : vector<16xf32>
        %mul3A_976 = arith.mulf %add3A_939, %add3A_939 : vector<16xf32>
        %mul3A_977 = arith.mulf %add3A_946, %add3A_946 : vector<16xf32>
        %add3A_978 = arith.addf %mul3A_976, %mul3A_977 : vector<16xf32>
        %mul3A_979 = arith.mulf %add3A_953, %add3A_953 : vector<16xf32>
        %mul3A_980 = arith.mulf %add3A_960, %add3A_960 : vector<16xf32>
        %add3A_981 = arith.addf %mul3A_979, %mul3A_980 : vector<16xf32>
        %add3A_982 = arith.addf %add3A_978, %add3A_981 : vector<16xf32>
        %add3A_983 = arith.constant 221 : i32
        %add3A_984 = vector.broadcast %add3A_983 : i32 to vector<16xi32>
        %add3A_985 = arith.addi %iota3A, %add3A_984 : vector<16xi32>
        tpu.vector_store_idx %arg14[%add3A_985], %add3A_975 : memref<272xf32, #tpu.memory_space<vmem>>[vector<16xi32>], vector<16xf32>,
        %add3A_986 = arith.constant 221 : i32
        %add3A_987 = vector.broadcast %add3A_986 : i32 to vector<16xi32>
        %add3A_988 = arith.addi %iota3A, %add3A_987 : vector<16xi32>
        tpu.vector_store_idx %arg15[%add3A_988], %add3A_982 : memref<272xf32, #tpu.memory_space<vmem>>[vector<16xi32>], vector<16xf32>,
        %add3A_989 = arith.constant 14 : i32
        %add3A_990 = arith.addi %mul3A_79, %add3A_989 : i32
        %add3A_991 = arith.constant 14 : i32
        %add3A_992 = arith.addi %rem3A_82, %add3A_991 : i32
        %ge3A_993 = arith.constant 200 : i32
        %ge3A_994 = arith.cmpi sge, %add3A_992, %ge3A_993 : i32
        %sub3A_995 = arith.constant 200 : i32
        %sub3A_996 = arith.subi %add3A_992, %sub3A_995 : i32
        %select_n3A_997 = arith.select %ge3A_994, %sub3A_996, %add3A_992 : i32
        %get3A_998 = arith.index_cast %add3A_990 : i32 to index
        %get3A_999 = arith.constant 0 : index
        %get3A_1000 = tpu.vector_load %arg10[%get3A_998, %get3A_999] {strides = array<i32>} : memref<640x64xf32, #tpu.memory_space<vmem>>, vector<16xf32>,
        %get3A_1001 = arith.index_cast %select_n3A_997 : i32 to index
        %get3A_1002 = arith.constant 0 : index
        %get3A_1003 = tpu.vector_load %arg11[%get3A_1001, %get3A_1002] {strides = array<i32>} : memref<200x64xf32, #tpu.memory_space<vmem>>, vector<16xf32>,
        %add3A_1004 = arith.addf %get3A_1000, %get3A_1003 : vector<16xf32>
        %get3A_1005 = arith.index_cast %add3A_990 : i32 to index
        %get3A_1006 = arith.constant 16 : index
        %get3A_1007 = tpu.vector_load %arg10[%get3A_1005, %get3A_1006] {strides = array<i32>} : memref<640x64xf32, #tpu.memory_space<vmem>>, vector<16xf32>,
        %get3A_1008 = arith.index_cast %select_n3A_997 : i32 to index
        %get3A_1009 = arith.constant 16 : index
        %get3A_1010 = tpu.vector_load %arg11[%get3A_1008, %get3A_1009] {strides = array<i32>} : memref<200x64xf32, #tpu.memory_space<vmem>>, vector<16xf32>,
        %add3A_1011 = arith.addf %get3A_1007, %get3A_1010 : vector<16xf32>
        %get3A_1012 = arith.index_cast %add3A_990 : i32 to index
        %get3A_1013 = arith.constant 32 : index
        %get3A_1014 = tpu.vector_load %arg10[%get3A_1012, %get3A_1013] {strides = array<i32>} : memref<640x64xf32, #tpu.memory_space<vmem>>, vector<16xf32>,
        %get3A_1015 = arith.index_cast %select_n3A_997 : i32 to index
        %get3A_1016 = arith.constant 32 : index
        %get3A_1017 = tpu.vector_load %arg11[%get3A_1015, %get3A_1016] {strides = array<i32>} : memref<200x64xf32, #tpu.memory_space<vmem>>, vector<16xf32>,
        %add3A_1018 = arith.addf %get3A_1014, %get3A_1017 : vector<16xf32>
        %get3A_1019 = arith.index_cast %add3A_990 : i32 to index
        %get3A_1020 = arith.constant 48 : index
        %get3A_1021 = tpu.vector_load %arg10[%get3A_1019, %get3A_1020] {strides = array<i32>} : memref<640x64xf32, #tpu.memory_space<vmem>>, vector<16xf32>,
        %get3A_1022 = arith.index_cast %select_n3A_997 : i32 to index
        %get3A_1023 = arith.constant 48 : index
        %get3A_1024 = tpu.vector_load %arg11[%get3A_1022, %get3A_1023] {strides = array<i32>} : memref<200x64xf32, #tpu.memory_space<vmem>>, vector<16xf32>,
        %add3A_1025 = arith.addf %get3A_1021, %get3A_1024 : vector<16xf32>
        %swap3A_1026 = arith.index_cast %add3A_990 : i32 to index
        %swap3A_1027 = arith.constant 0 : index
        %swap3A_1028 = tpu.vector_load %arg10[%swap3A_1026, %swap3A_1027] {strides = array<i32>} : memref<640x64xf32, #tpu.memory_space<vmem>>, vector<16xf32>,
        tpu.vector_store %arg10[%swap3A_1026, %swap3A_1027], %add3A_1004 {strides = array<i32>} : memref<640x64xf32, #tpu.memory_space<vmem>>, vector<16xf32>,
        %swap3A_1029 = arith.index_cast %add3A_990 : i32 to index
        %swap3A_1030 = arith.constant 16 : index
        %swap3A_1031 = tpu.vector_load %arg10[%swap3A_1029, %swap3A_1030] {strides = array<i32>} : memref<640x64xf32, #tpu.memory_space<vmem>>, vector<16xf32>,
        tpu.vector_store %arg10[%swap3A_1029, %swap3A_1030], %add3A_1011 {strides = array<i32>} : memref<640x64xf32, #tpu.memory_space<vmem>>, vector<16xf32>,
        %swap3A_1032 = arith.index_cast %add3A_990 : i32 to index
        %swap3A_1033 = arith.constant 32 : index
        %swap3A_1034 = tpu.vector_load %arg10[%swap3A_1032, %swap3A_1033] {strides = array<i32>} : memref<640x64xf32, #tpu.memory_space<vmem>>, vector<16xf32>,
        tpu.vector_store %arg10[%swap3A_1032, %swap3A_1033], %add3A_1018 {strides = array<i32>} : memref<640x64xf32, #tpu.memory_space<vmem>>, vector<16xf32>,
        %swap3A_1035 = arith.index_cast %add3A_990 : i32 to index
        %swap3A_1036 = arith.constant 48 : index
        %swap3A_1037 = tpu.vector_load %arg10[%swap3A_1035, %swap3A_1036] {strides = array<i32>} : memref<640x64xf32, #tpu.memory_space<vmem>>, vector<16xf32>,
        tpu.vector_store %arg10[%swap3A_1035, %swap3A_1036], %add3A_1025 {strides = array<i32>} : memref<640x64xf32, #tpu.memory_space<vmem>>, vector<16xf32>,
        %add3A_1038 = arith.addf %add3A_1004, %add3A_1011 : vector<16xf32>
        %add3A_1039 = arith.addf %add3A_1018, %add3A_1025 : vector<16xf32>
        %add3A_1040 = arith.addf %add3A_1038, %add3A_1039 : vector<16xf32>
        %mul3A_1041 = arith.mulf %add3A_1004, %add3A_1004 : vector<16xf32>
        %mul3A_1042 = arith.mulf %add3A_1011, %add3A_1011 : vector<16xf32>
        %add3A_1043 = arith.addf %mul3A_1041, %mul3A_1042 : vector<16xf32>
        %mul3A_1044 = arith.mulf %add3A_1018, %add3A_1018 : vector<16xf32>
        %mul3A_1045 = arith.mulf %add3A_1025, %add3A_1025 : vector<16xf32>
        %add3A_1046 = arith.addf %mul3A_1044, %mul3A_1045 : vector<16xf32>
        %add3A_1047 = arith.addf %add3A_1043, %add3A_1046 : vector<16xf32>
        %add3A_1048 = arith.constant 238 : i32
        %add3A_1049 = vector.broadcast %add3A_1048 : i32 to vector<16xi32>
        %add3A_1050 = arith.addi %iota3A, %add3A_1049 : vector<16xi32>
        tpu.vector_store_idx %arg14[%add3A_1050], %add3A_1040 : memref<272xf32, #tpu.memory_space<vmem>>[vector<16xi32>], vector<16xf32>,
        %add3A_1051 = arith.constant 238 : i32
        %add3A_1052 = vector.broadcast %add3A_1051 : i32 to vector<16xi32>
        %add3A_1053 = arith.addi %iota3A, %add3A_1052 : vector<16xi32>
        tpu.vector_store_idx %arg15[%add3A_1053], %add3A_1047 : memref<272xf32, #tpu.memory_space<vmem>>[vector<16xi32>], vector<16xf32>,
        %add3A_1054 = arith.constant 15 : i32
        %add3A_1055 = arith.addi %mul3A_79, %add3A_1054 : i32
        %add3A_1056 = arith.constant 15 : i32
        %add3A_1057 = arith.addi %rem3A_82, %add3A_1056 : i32
        %ge3A_1058 = arith.constant 200 : i32
        %ge3A_1059 = arith.cmpi sge, %add3A_1057, %ge3A_1058 : i32
        %sub3A_1060 = arith.constant 200 : i32
        %sub3A_1061 = arith.subi %add3A_1057, %sub3A_1060 : i32
        %select_n3A_1062 = arith.select %ge3A_1059, %sub3A_1061, %add3A_1057 : i32
        %get3A_1063 = arith.index_cast %add3A_1055 : i32 to index
        %get3A_1064 = arith.constant 0 : index
        %get3A_1065 = tpu.vector_load %arg10[%get3A_1063, %get3A_1064] {strides = array<i32>} : memref<640x64xf32, #tpu.memory_space<vmem>>, vector<16xf32>,
        %get3A_1066 = arith.index_cast %select_n3A_1062 : i32 to index
        %get3A_1067 = arith.constant 0 : index
        %get3A_1068 = tpu.vector_load %arg11[%get3A_1066, %get3A_1067] {strides = array<i32>} : memref<200x64xf32, #tpu.memory_space<vmem>>, vector<16xf32>,
        %add3A_1069 = arith.addf %get3A_1065, %get3A_1068 : vector<16xf32>
        %get3A_1070 = arith.index_cast %add3A_1055 : i32 to index
        %get3A_1071 = arith.constant 16 : index
        %get3A_1072 = tpu.vector_load %arg10[%get3A_1070, %get3A_1071] {strides = array<i32>} : memref<640x64xf32, #tpu.memory_space<vmem>>, vector<16xf32>,
        %get3A_1073 = arith.index_cast %select_n3A_1062 : i32 to index
        %get3A_1074 = arith.constant 16 : index
        %get3A_1075 = tpu.vector_load %arg11[%get3A_1073, %get3A_1074] {strides = array<i32>} : memref<200x64xf32, #tpu.memory_space<vmem>>, vector<16xf32>,
        %add3A_1076 = arith.addf %get3A_1072, %get3A_1075 : vector<16xf32>
        %get3A_1077 = arith.index_cast %add3A_1055 : i32 to index
        %get3A_1078 = arith.constant 32 : index
        %get3A_1079 = tpu.vector_load %arg10[%get3A_1077, %get3A_1078] {strides = array<i32>} : memref<640x64xf32, #tpu.memory_space<vmem>>, vector<16xf32>,
        %get3A_1080 = arith.index_cast %select_n3A_1062 : i32 to index
        %get3A_1081 = arith.constant 32 : index
        %get3A_1082 = tpu.vector_load %arg11[%get3A_1080, %get3A_1081] {strides = array<i32>} : memref<200x64xf32, #tpu.memory_space<vmem>>, vector<16xf32>,
        %add3A_1083 = arith.addf %get3A_1079, %get3A_1082 : vector<16xf32>
        %get3A_1084 = arith.index_cast %add3A_1055 : i32 to index
        %get3A_1085 = arith.constant 48 : index
        %get3A_1086 = tpu.vector_load %arg10[%get3A_1084, %get3A_1085] {strides = array<i32>} : memref<640x64xf32, #tpu.memory_space<vmem>>, vector<16xf32>,
        %get3A_1087 = arith.index_cast %select_n3A_1062 : i32 to index
        %get3A_1088 = arith.constant 48 : index
        %get3A_1089 = tpu.vector_load %arg11[%get3A_1087, %get3A_1088] {strides = array<i32>} : memref<200x64xf32, #tpu.memory_space<vmem>>, vector<16xf32>,
        %add3A_1090 = arith.addf %get3A_1086, %get3A_1089 : vector<16xf32>
        %swap3A_1091 = arith.index_cast %add3A_1055 : i32 to index
        %swap3A_1092 = arith.constant 0 : index
        %swap3A_1093 = tpu.vector_load %arg10[%swap3A_1091, %swap3A_1092] {strides = array<i32>} : memref<640x64xf32, #tpu.memory_space<vmem>>, vector<16xf32>,
        tpu.vector_store %arg10[%swap3A_1091, %swap3A_1092], %add3A_1069 {strides = array<i32>} : memref<640x64xf32, #tpu.memory_space<vmem>>, vector<16xf32>,
        %swap3A_1094 = arith.index_cast %add3A_1055 : i32 to index
        %swap3A_1095 = arith.constant 16 : index
        %swap3A_1096 = tpu.vector_load %arg10[%swap3A_1094, %swap3A_1095] {strides = array<i32>} : memref<640x64xf32, #tpu.memory_space<vmem>>, vector<16xf32>,
        tpu.vector_store %arg10[%swap3A_1094, %swap3A_1095], %add3A_1076 {strides = array<i32>} : memref<640x64xf32, #tpu.memory_space<vmem>>, vector<16xf32>,
        %swap3A_1097 = arith.index_cast %add3A_1055 : i32 to index
        %swap3A_1098 = arith.constant 32 : index
        %swap3A_1099 = tpu.vector_load %arg10[%swap3A_1097, %swap3A_1098] {strides = array<i32>} : memref<640x64xf32, #tpu.memory_space<vmem>>, vector<16xf32>,
        tpu.vector_store %arg10[%swap3A_1097, %swap3A_1098], %add3A_1083 {strides = array<i32>} : memref<640x64xf32, #tpu.memory_space<vmem>>, vector<16xf32>,
        %swap3A_1100 = arith.index_cast %add3A_1055 : i32 to index
        %swap3A_1101 = arith.constant 48 : index
        %swap3A_1102 = tpu.vector_load %arg10[%swap3A_1100, %swap3A_1101] {strides = array<i32>} : memref<640x64xf32, #tpu.memory_space<vmem>>, vector<16xf32>,
        tpu.vector_store %arg10[%swap3A_1100, %swap3A_1101], %add3A_1090 {strides = array<i32>} : memref<640x64xf32, #tpu.memory_space<vmem>>, vector<16xf32>,
        %add3A_1103 = arith.addf %add3A_1069, %add3A_1076 : vector<16xf32>
        %add3A_1104 = arith.addf %add3A_1083, %add3A_1090 : vector<16xf32>
        %add3A_1105 = arith.addf %add3A_1103, %add3A_1104 : vector<16xf32>
        %mul3A_1106 = arith.mulf %add3A_1069, %add3A_1069 : vector<16xf32>
        %mul3A_1107 = arith.mulf %add3A_1076, %add3A_1076 : vector<16xf32>
        %add3A_1108 = arith.addf %mul3A_1106, %mul3A_1107 : vector<16xf32>
        %mul3A_1109 = arith.mulf %add3A_1083, %add3A_1083 : vector<16xf32>
        %mul3A_1110 = arith.mulf %add3A_1090, %add3A_1090 : vector<16xf32>
        %add3A_1111 = arith.addf %mul3A_1109, %mul3A_1110 : vector<16xf32>
        %add3A_1112 = arith.addf %add3A_1108, %add3A_1111 : vector<16xf32>
        %add3A_1113 = arith.constant 255 : i32
        %add3A_1114 = vector.broadcast %add3A_1113 : i32 to vector<16xi32>
        %add3A_1115 = arith.addi %iota3A, %add3A_1114 : vector<16xi32>
        tpu.vector_store_idx %arg14[%add3A_1115], %add3A_1105 : memref<272xf32, #tpu.memory_space<vmem>>[vector<16xi32>], vector<16xf32>,
        %add3A_1116 = arith.constant 255 : i32
        %add3A_1117 = vector.broadcast %add3A_1116 : i32 to vector<16xi32>
        %add3A_1118 = arith.addi %iota3A, %add3A_1117 : vector<16xi32>
        tpu.vector_store_idx %arg15[%add3A_1118], %add3A_1112 : memref<272xf32, #tpu.memory_space<vmem>>[vector<16xi32>], vector<16xf32>,
        %gather3A = tpu.vector_load_idx %arg14[%mul3A_5] : memref<272xf32, #tpu.memory_space<vmem>>[vector<16xi32>], vector<16xf32>,
        %gather3A_1119 = tpu.vector_load_idx %arg15[%mul3A_5] : memref<272xf32, #tpu.memory_space<vmem>>[vector<16xi32>], vector<16xf32>,
        %add3A_1120 = arith.constant 1 : i32
        %add3A_1121 = vector.broadcast %add3A_1120 : i32 to vector<16xi32>
        %add3A_1122 = arith.addi %mul3A_5, %add3A_1121 : vector<16xi32>
        %gather3A_1123 = tpu.vector_load_idx %arg14[%add3A_1122] : memref<272xf32, #tpu.memory_space<vmem>>[vector<16xi32>], vector<16xf32>,
        %add3A_1124 = arith.addf %gather3A, %gather3A_1123 : vector<16xf32>
        %add3A_1125 = arith.constant 1 : i32
        %add3A_1126 = vector.broadcast %add3A_1125 : i32 to vector<16xi32>
        %add3A_1127 = arith.addi %mul3A_5, %add3A_1126 : vector<16xi32>
        %gather3A_1128 = tpu.vector_load_idx %arg15[%add3A_1127] : memref<272xf32, #tpu.memory_space<vmem>>[vector<16xi32>], vector<16xf32>,
        %add3A_1129 = arith.addf %gather3A_1119, %gather3A_1128 : vector<16xf32>
        %add3A_1130 = arith.constant 2 : i32
        %add3A_1131 = vector.broadcast %add3A_1130 : i32 to vector<16xi32>
        %add3A_1132 = arith.addi %mul3A_5, %add3A_1131 : vector<16xi32>
        %gather3A_1133 = tpu.vector_load_idx %arg14[%add3A_1132] : memref<272xf32, #tpu.memory_space<vmem>>[vector<16xi32>], vector<16xf32>,
        %add3A_1134 = arith.addf %add3A_1124, %gather3A_1133 : vector<16xf32>
        %add3A_1135 = arith.constant 2 : i32
        %add3A_1136 = vector.broadcast %add3A_1135 : i32 to vector<16xi32>
        %add3A_1137 = arith.addi %mul3A_5, %add3A_1136 : vector<16xi32>
        %gather3A_1138 = tpu.vector_load_idx %arg15[%add3A_1137] : memref<272xf32, #tpu.memory_space<vmem>>[vector<16xi32>], vector<16xf32>,
        %add3A_1139 = arith.addf %add3A_1129, %gather3A_1138 : vector<16xf32>
        %add3A_1140 = arith.constant 3 : i32
        %add3A_1141 = vector.broadcast %add3A_1140 : i32 to vector<16xi32>
        %add3A_1142 = arith.addi %mul3A_5, %add3A_1141 : vector<16xi32>
        %gather3A_1143 = tpu.vector_load_idx %arg14[%add3A_1142] : memref<272xf32, #tpu.memory_space<vmem>>[vector<16xi32>], vector<16xf32>,
        %add3A_1144 = arith.addf %add3A_1134, %gather3A_1143 : vector<16xf32>
        %add3A_1145 = arith.constant 3 : i32
        %add3A_1146 = vector.broadcast %add3A_1145 : i32 to vector<16xi32>
        %add3A_1147 = arith.addi %mul3A_5, %add3A_1146 : vector<16xi32>
        %gather3A_1148 = tpu.vector_load_idx %arg15[%add3A_1147] : memref<272xf32, #tpu.memory_space<vmem>>[vector<16xi32>], vector<16xf32>,
        %add3A_1149 = arith.addf %add3A_1139, %gather3A_1148 : vector<16xf32>
        %add3A_1150 = arith.constant 4 : i32
        %add3A_1151 = vector.broadcast %add3A_1150 : i32 to vector<16xi32>
        %add3A_1152 = arith.addi %mul3A_5, %add3A_1151 : vector<16xi32>
        %gather3A_1153 = tpu.vector_load_idx %arg14[%add3A_1152] : memref<272xf32, #tpu.memory_space<vmem>>[vector<16xi32>], vector<16xf32>,
        %add3A_1154 = arith.addf %add3A_1144, %gather3A_1153 : vector<16xf32>
        %add3A_1155 = arith.constant 4 : i32
        %add3A_1156 = vector.broadcast %add3A_1155 : i32 to vector<16xi32>
        %add3A_1157 = arith.addi %mul3A_5, %add3A_1156 : vector<16xi32>
        %gather3A_1158 = tpu.vector_load_idx %arg15[%add3A_1157] : memref<272xf32, #tpu.memory_space<vmem>>[vector<16xi32>], vector<16xf32>,
        %add3A_1159 = arith.addf %add3A_1149, %gather3A_1158 : vector<16xf32>
        %add3A_1160 = arith.constant 5 : i32
        %add3A_1161 = vector.broadcast %add3A_1160 : i32 to vector<16xi32>
        %add3A_1162 = arith.addi %mul3A_5, %add3A_1161 : vector<16xi32>
        %gather3A_1163 = tpu.vector_load_idx %arg14[%add3A_1162] : memref<272xf32, #tpu.memory_space<vmem>>[vector<16xi32>], vector<16xf32>,
        %add3A_1164 = arith.addf %add3A_1154, %gather3A_1163 : vector<16xf32>
        %add3A_1165 = arith.constant 5 : i32
        %add3A_1166 = vector.broadcast %add3A_1165 : i32 to vector<16xi32>
        %add3A_1167 = arith.addi %mul3A_5, %add3A_1166 : vector<16xi32>
        %gather3A_1168 = tpu.vector_load_idx %arg15[%add3A_1167] : memref<272xf32, #tpu.memory_space<vmem>>[vector<16xi32>], vector<16xf32>,
        %add3A_1169 = arith.addf %add3A_1159, %gather3A_1168 : vector<16xf32>
        %add3A_1170 = arith.constant 6 : i32
        %add3A_1171 = vector.broadcast %add3A_1170 : i32 to vector<16xi32>
        %add3A_1172 = arith.addi %mul3A_5, %add3A_1171 : vector<16xi32>
        %gather3A_1173 = tpu.vector_load_idx %arg14[%add3A_1172] : memref<272xf32, #tpu.memory_space<vmem>>[vector<16xi32>], vector<16xf32>,
        %add3A_1174 = arith.addf %add3A_1164, %gather3A_1173 : vector<16xf32>
        %add3A_1175 = arith.constant 6 : i32
        %add3A_1176 = vector.broadcast %add3A_1175 : i32 to vector<16xi32>
        %add3A_1177 = arith.addi %mul3A_5, %add3A_1176 : vector<16xi32>
        %gather3A_1178 = tpu.vector_load_idx %arg15[%add3A_1177] : memref<272xf32, #tpu.memory_space<vmem>>[vector<16xi32>], vector<16xf32>,
        %add3A_1179 = arith.addf %add3A_1169, %gather3A_1178 : vector<16xf32>
        %add3A_1180 = arith.constant 7 : i32
        %add3A_1181 = vector.broadcast %add3A_1180 : i32 to vector<16xi32>
        %add3A_1182 = arith.addi %mul3A_5, %add3A_1181 : vector<16xi32>
        %gather3A_1183 = tpu.vector_load_idx %arg14[%add3A_1182] : memref<272xf32, #tpu.memory_space<vmem>>[vector<16xi32>], vector<16xf32>,
        %add3A_1184 = arith.addf %add3A_1174, %gather3A_1183 : vector<16xf32>
        %add3A_1185 = arith.constant 7 : i32
        %add3A_1186 = vector.broadcast %add3A_1185 : i32 to vector<16xi32>
        %add3A_1187 = arith.addi %mul3A_5, %add3A_1186 : vector<16xi32>
        %gather3A_1188 = tpu.vector_load_idx %arg15[%add3A_1187] : memref<272xf32, #tpu.memory_space<vmem>>[vector<16xi32>], vector<16xf32>,
        %add3A_1189 = arith.addf %add3A_1179, %gather3A_1188 : vector<16xf32>
        %add3A_1190 = arith.constant 8 : i32
        %add3A_1191 = vector.broadcast %add3A_1190 : i32 to vector<16xi32>
        %add3A_1192 = arith.addi %mul3A_5, %add3A_1191 : vector<16xi32>
        %gather3A_1193 = tpu.vector_load_idx %arg14[%add3A_1192] : memref<272xf32, #tpu.memory_space<vmem>>[vector<16xi32>], vector<16xf32>,
        %add3A_1194 = arith.addf %add3A_1184, %gather3A_1193 : vector<16xf32>
        %add3A_1195 = arith.constant 8 : i32
        %add3A_1196 = vector.broadcast %add3A_1195 : i32 to vector<16xi32>
        %add3A_1197 = arith.addi %mul3A_5, %add3A_1196 : vector<16xi32>
        %gather3A_1198 = tpu.vector_load_idx %arg15[%add3A_1197] : memref<272xf32, #tpu.memory_space<vmem>>[vector<16xi32>], vector<16xf32>,
        %add3A_1199 = arith.addf %add3A_1189, %gather3A_1198 : vector<16xf32>
        %add3A_1200 = arith.constant 9 : i32
        %add3A_1201 = vector.broadcast %add3A_1200 : i32 to vector<16xi32>
        %add3A_1202 = arith.addi %mul3A_5, %add3A_1201 : vector<16xi32>
        %gather3A_1203 = tpu.vector_load_idx %arg14[%add3A_1202] : memref<272xf32, #tpu.memory_space<vmem>>[vector<16xi32>], vector<16xf32>,
        %add3A_1204 = arith.addf %add3A_1194, %gather3A_1203 : vector<16xf32>
        %add3A_1205 = arith.constant 9 : i32
        %add3A_1206 = vector.broadcast %add3A_1205 : i32 to vector<16xi32>
        %add3A_1207 = arith.addi %mul3A_5, %add3A_1206 : vector<16xi32>
        %gather3A_1208 = tpu.vector_load_idx %arg15[%add3A_1207] : memref<272xf32, #tpu.memory_space<vmem>>[vector<16xi32>], vector<16xf32>,
        %add3A_1209 = arith.addf %add3A_1199, %gather3A_1208 : vector<16xf32>
        %add3A_1210 = arith.constant 10 : i32
        %add3A_1211 = vector.broadcast %add3A_1210 : i32 to vector<16xi32>
        %add3A_1212 = arith.addi %mul3A_5, %add3A_1211 : vector<16xi32>
        %gather3A_1213 = tpu.vector_load_idx %arg14[%add3A_1212] : memref<272xf32, #tpu.memory_space<vmem>>[vector<16xi32>], vector<16xf32>,
        %add3A_1214 = arith.addf %add3A_1204, %gather3A_1213 : vector<16xf32>
        %add3A_1215 = arith.constant 10 : i32
        %add3A_1216 = vector.broadcast %add3A_1215 : i32 to vector<16xi32>
        %add3A_1217 = arith.addi %mul3A_5, %add3A_1216 : vector<16xi32>
        %gather3A_1218 = tpu.vector_load_idx %arg15[%add3A_1217] : memref<272xf32, #tpu.memory_space<vmem>>[vector<16xi32>], vector<16xf32>,
        %add3A_1219 = arith.addf %add3A_1209, %gather3A_1218 : vector<16xf32>
        %add3A_1220 = arith.constant 11 : i32
        %add3A_1221 = vector.broadcast %add3A_1220 : i32 to vector<16xi32>
        %add3A_1222 = arith.addi %mul3A_5, %add3A_1221 : vector<16xi32>
        %gather3A_1223 = tpu.vector_load_idx %arg14[%add3A_1222] : memref<272xf32, #tpu.memory_space<vmem>>[vector<16xi32>], vector<16xf32>,
        %add3A_1224 = arith.addf %add3A_1214, %gather3A_1223 : vector<16xf32>
        %add3A_1225 = arith.constant 11 : i32
        %add3A_1226 = vector.broadcast %add3A_1225 : i32 to vector<16xi32>
        %add3A_1227 = arith.addi %mul3A_5, %add3A_1226 : vector<16xi32>
        %gather3A_1228 = tpu.vector_load_idx %arg15[%add3A_1227] : memref<272xf32, #tpu.memory_space<vmem>>[vector<16xi32>], vector<16xf32>,
        %add3A_1229 = arith.addf %add3A_1219, %gather3A_1228 : vector<16xf32>
        %add3A_1230 = arith.constant 12 : i32
        %add3A_1231 = vector.broadcast %add3A_1230 : i32 to vector<16xi32>
        %add3A_1232 = arith.addi %mul3A_5, %add3A_1231 : vector<16xi32>
        %gather3A_1233 = tpu.vector_load_idx %arg14[%add3A_1232] : memref<272xf32, #tpu.memory_space<vmem>>[vector<16xi32>], vector<16xf32>,
        %add3A_1234 = arith.addf %add3A_1224, %gather3A_1233 : vector<16xf32>
        %add3A_1235 = arith.constant 12 : i32
        %add3A_1236 = vector.broadcast %add3A_1235 : i32 to vector<16xi32>
        %add3A_1237 = arith.addi %mul3A_5, %add3A_1236 : vector<16xi32>
        %gather3A_1238 = tpu.vector_load_idx %arg15[%add3A_1237] : memref<272xf32, #tpu.memory_space<vmem>>[vector<16xi32>], vector<16xf32>,
        %add3A_1239 = arith.addf %add3A_1229, %gather3A_1238 : vector<16xf32>
        %add3A_1240 = arith.constant 13 : i32
        %add3A_1241 = vector.broadcast %add3A_1240 : i32 to vector<16xi32>
        %add3A_1242 = arith.addi %mul3A_5, %add3A_1241 : vector<16xi32>
        %gather3A_1243 = tpu.vector_load_idx %arg14[%add3A_1242] : memref<272xf32, #tpu.memory_space<vmem>>[vector<16xi32>], vector<16xf32>,
        %add3A_1244 = arith.addf %add3A_1234, %gather3A_1243 : vector<16xf32>
        %add3A_1245 = arith.constant 13 : i32
        %add3A_1246 = vector.broadcast %add3A_1245 : i32 to vector<16xi32>
        %add3A_1247 = arith.addi %mul3A_5, %add3A_1246 : vector<16xi32>
        %gather3A_1248 = tpu.vector_load_idx %arg15[%add3A_1247] : memref<272xf32, #tpu.memory_space<vmem>>[vector<16xi32>], vector<16xf32>,
        %add3A_1249 = arith.addf %add3A_1239, %gather3A_1248 : vector<16xf32>
        %add3A_1250 = arith.constant 14 : i32
        %add3A_1251 = vector.broadcast %add3A_1250 : i32 to vector<16xi32>
        %add3A_1252 = arith.addi %mul3A_5, %add3A_1251 : vector<16xi32>
        %gather3A_1253 = tpu.vector_load_idx %arg14[%add3A_1252] : memref<272xf32, #tpu.memory_space<vmem>>[vector<16xi32>], vector<16xf32>,
        %add3A_1254 = arith.addf %add3A_1244, %gather3A_1253 : vector<16xf32>
        %add3A_1255 = arith.constant 14 : i32
        %add3A_1256 = vector.broadcast %add3A_1255 : i32 to vector<16xi32>
        %add3A_1257 = arith.addi %mul3A_5, %add3A_1256 : vector<16xi32>
        %gather3A_1258 = tpu.vector_load_idx %arg15[%add3A_1257] : memref<272xf32, #tpu.memory_space<vmem>>[vector<16xi32>], vector<16xf32>,
        %add3A_1259 = arith.addf %add3A_1249, %gather3A_1258 : vector<16xf32>
        %add3A_1260 = arith.constant 15 : i32
        %add3A_1261 = vector.broadcast %add3A_1260 : i32 to vector<16xi32>
        %add3A_1262 = arith.addi %mul3A_5, %add3A_1261 : vector<16xi32>
        %gather3A_1263 = tpu.vector_load_idx %arg14[%add3A_1262] : memref<272xf32, #tpu.memory_space<vmem>>[vector<16xi32>], vector<16xf32>,
        %add3A_1264 = arith.addf %add3A_1254, %gather3A_1263 : vector<16xf32>
        %add3A_1265 = arith.constant 15 : i32
        %add3A_1266 = vector.broadcast %add3A_1265 : i32 to vector<16xi32>
        %add3A_1267 = arith.addi %mul3A_5, %add3A_1266 : vector<16xi32>
        %gather3A_1268 = tpu.vector_load_idx %arg15[%add3A_1267] : memref<272xf32, #tpu.memory_space<vmem>>[vector<16xi32>], vector<16xf32>,
        %add3A_1269 = arith.addf %add3A_1259, %gather3A_1268 : vector<16xf32>
        %mul3A_1270 = arith.constant 1.562500e-02 : f32
        %mul3A_1271 = vector.broadcast %mul3A_1270 : f32 to vector<16xf32>
        %mul3A_1272 = arith.mulf %add3A_1264, %mul3A_1271 : vector<16xf32>
        %mul3A_1273 = arith.constant 1.562500e-02 : f32
        %mul3A_1274 = vector.broadcast %mul3A_1273 : f32 to vector<16xf32>
        %mul3A_1275 = arith.mulf %add3A_1269, %mul3A_1274 : vector<16xf32>
        %mul3A_1276 = arith.mulf %mul3A_1272, %mul3A_1272 : vector<16xf32>
        %sub3A_1277 = arith.subf %mul3A_1275, %mul3A_1276 : vector<16xf32>
        %add3A_1278 = arith.constant 9.99999974E-6 : f32
        %add3A_1279 = vector.broadcast %add3A_1278 : f32 to vector<16xf32>
        %add3A_1280 = arith.addf %sub3A_1277, %add3A_1279 : vector<16xf32>
        %bitcast_convert_type3A = tpu.bitcast %add3A_1280 : vector<16xf32> -> vector<16xi32>
        %shift_right_arithmetic3A = arith.constant 1 : i32
        %shift_right_arithmetic3A_1281 = vector.broadcast %shift_right_arithmetic3A : i32 to vector<16xi32>
        %shift_right_arithmetic3A_1282 = arith.shrsi %bitcast_convert_type3A, %shift_right_arithmetic3A_1281 : vector<16xi32>
        %sub3A_1283 = arith.constant 1597463007 : i32
        %sub3A_1284 = vector.broadcast %sub3A_1283 : i32 to vector<16xi32>
        %sub3A_1285 = arith.subi %sub3A_1284, %shift_right_arithmetic3A_1282 : vector<16xi32>
        %bitcast_convert_type3A_1286 = tpu.bitcast %sub3A_1285 : vector<16xi32> -> vector<16xf32>
        %mul3A_1287 = arith.constant 5.000000e-01 : f32
        %mul3A_1288 = vector.broadcast %mul3A_1287 : f32 to vector<16xf32>
        %mul3A_1289 = arith.mulf %mul3A_1288, %add3A_1280 : vector<16xf32>
        %mul3A_1290 = arith.mulf %mul3A_1289, %bitcast_convert_type3A_1286 : vector<16xf32>
        %mul3A_1291 = arith.mulf %mul3A_1290, %bitcast_convert_type3A_1286 : vector<16xf32>
        %sub3A_1292 = arith.constant 1.500000e+00 : f32
        %sub3A_1293 = vector.broadcast %sub3A_1292 : f32 to vector<16xf32>
        %sub3A_1294 = arith.subf %sub3A_1293, %mul3A_1291 : vector<16xf32>
        %mul3A_1295 = arith.mulf %bitcast_convert_type3A_1286, %sub3A_1294 : vector<16xf32>
        %mul3A_1296 = arith.constant 5.000000e-01 : f32
        %mul3A_1297 = vector.broadcast %mul3A_1296 : f32 to vector<16xf32>
        %mul3A_1298 = arith.mulf %mul3A_1297, %add3A_1280 : vector<16xf32>
        %mul3A_1299 = arith.mulf %mul3A_1298, %mul3A_1295 : vector<16xf32>
        %mul3A_1300 = arith.mulf %mul3A_1299, %mul3A_1295 : vector<16xf32>
        %sub3A_1301 = arith.constant 1.500000e+00 : f32
        %sub3A_1302 = vector.broadcast %sub3A_1301 : f32 to vector<16xf32>
        %sub3A_1303 = arith.subf %sub3A_1302, %mul3A_1300 : vector<16xf32>
        %mul3A_1304 = arith.mulf %mul3A_1295, %sub3A_1303 : vector<16xf32>
        %mul3A_1305 = arith.constant 5.000000e-01 : f32
        %mul3A_1306 = vector.broadcast %mul3A_1305 : f32 to vector<16xf32>
        %mul3A_1307 = arith.mulf %mul3A_1306, %add3A_1280 : vector<16xf32>
        %mul3A_1308 = arith.mulf %mul3A_1307, %mul3A_1304 : vector<16xf32>
        %mul3A_1309 = arith.mulf %mul3A_1308, %mul3A_1304 : vector<16xf32>
        %sub3A_1310 = arith.constant 1.500000e+00 : f32
        %sub3A_1311 = vector.broadcast %sub3A_1310 : f32 to vector<16xf32>
        %sub3A_1312 = arith.subf %sub3A_1311, %mul3A_1309 : vector<16xf32>
        %mul3A_1313 = arith.mulf %mul3A_1304, %sub3A_1312 : vector<16xf32>
        %add3A_1314 = arith.constant 0 : i32
        %add3A_1315 = arith.addi %mul3A_79, %add3A_1314 : i32
        %broadcast_in_dim3A = arith.constant 0 : i32
        %broadcast_in_dim3A_1316 = vector.broadcast %broadcast_in_dim3A : i32 to vector<16xi32>
        %broadcast_in_dim3A_1317 = vector.shape_cast %broadcast_in_dim3A_1316 : vector<16xi32> to vector<16x1xi32>
        %gather3A_1318 = vector.shape_cast %broadcast_in_dim3A_1317 : vector<16x1xi32> to vector<16xi32>
        %gather3A_1319 = tpu.dynamic_gather %mul3A_1272[%gather3A_1318] in [0] : vector<16xf32>, vector<16xi32> -> vector<16xf32>
        %broadcast_in_dim3A_1320 = vector.shape_cast %broadcast_in_dim3A_1316 : vector<16xi32> to vector<16x1xi32>
        %gather3A_1321 = vector.shape_cast %broadcast_in_dim3A_1320 : vector<16x1xi32> to vector<16xi32>
        %gather3A_1322 = tpu.dynamic_gather %mul3A_1313[%gather3A_1321] in [0] : vector<16xf32>, vector<16xi32> -> vector<16xf32>
        %get3A_1323 = arith.index_cast %add3A_1315 : i32 to index
        %get3A_1324 = arith.constant 0 : index
        %get3A_1325 = tpu.vector_load %arg10[%get3A_1323, %get3A_1324] {strides = array<i32>} : memref<640x64xf32, #tpu.memory_space<vmem>>, vector<16xf32>,
        %sub3A_1326 = arith.subf %get3A_1325, %gather3A_1319 : vector<16xf32>
        %mul3A_1327 = arith.mulf %sub3A_1326, %gather3A_1322 : vector<16xf32>
        %mul3A_1328 = arith.mulf %mul3A_1327, %get3A_6 : vector<16xf32>
        %add3A_1329 = arith.addf %mul3A_1328, %get3A_14 : vector<16xf32>
        %swap3A_1330 = arith.index_cast %add3A_1315 : i32 to index
        %swap3A_1331 = arith.constant 0 : index
        %swap3A_1332 = tpu.vector_load %arg10[%swap3A_1330, %swap3A_1331] {strides = array<i32>} : memref<640x64xf32, #tpu.memory_space<vmem>>, vector<16xf32>,
        tpu.vector_store %arg10[%swap3A_1330, %swap3A_1331], %add3A_1329 {strides = array<i32>} : memref<640x64xf32, #tpu.memory_space<vmem>>, vector<16xf32>,
        %get3A_1333 = arith.index_cast %add3A_1315 : i32 to index
        %get3A_1334 = arith.constant 16 : index
        %get3A_1335 = tpu.vector_load %arg10[%get3A_1333, %get3A_1334] {strides = array<i32>} : memref<640x64xf32, #tpu.memory_space<vmem>>, vector<16xf32>,
        %sub3A_1336 = arith.subf %get3A_1335, %gather3A_1319 : vector<16xf32>
        %mul3A_1337 = arith.mulf %sub3A_1336, %gather3A_1322 : vector<16xf32>
        %mul3A_1338 = arith.mulf %mul3A_1337, %get3A_8 : vector<16xf32>
        %add3A_1339 = arith.addf %mul3A_1338, %get3A_16 : vector<16xf32>
        %swap3A_1340 = arith.index_cast %add3A_1315 : i32 to index
        %swap3A_1341 = arith.constant 16 : index
        %swap3A_1342 = tpu.vector_load %arg10[%swap3A_1340, %swap3A_1341] {strides = array<i32>} : memref<640x64xf32, #tpu.memory_space<vmem>>, vector<16xf32>,
        tpu.vector_store %arg10[%swap3A_1340, %swap3A_1341], %add3A_1339 {strides = array<i32>} : memref<640x64xf32, #tpu.memory_space<vmem>>, vector<16xf32>,
        %get3A_1343 = arith.index_cast %add3A_1315 : i32 to index
        %get3A_1344 = arith.constant 32 : index
        %get3A_1345 = tpu.vector_load %arg10[%get3A_1343, %get3A_1344] {strides = array<i32>} : memref<640x64xf32, #tpu.memory_space<vmem>>, vector<16xf32>,
        %sub3A_1346 = arith.subf %get3A_1345, %gather3A_1319 : vector<16xf32>
        %mul3A_1347 = arith.mulf %sub3A_1346, %gather3A_1322 : vector<16xf32>
        %mul3A_1348 = arith.mulf %mul3A_1347, %get3A_10 : vector<16xf32>
        %add3A_1349 = arith.addf %mul3A_1348, %get3A_18 : vector<16xf32>
        %swap3A_1350 = arith.index_cast %add3A_1315 : i32 to index
        %swap3A_1351 = arith.constant 32 : index
        %swap3A_1352 = tpu.vector_load %arg10[%swap3A_1350, %swap3A_1351] {strides = array<i32>} : memref<640x64xf32, #tpu.memory_space<vmem>>, vector<16xf32>,
        tpu.vector_store %arg10[%swap3A_1350, %swap3A_1351], %add3A_1349 {strides = array<i32>} : memref<640x64xf32, #tpu.memory_space<vmem>>, vector<16xf32>,
        %get3A_1353 = arith.index_cast %add3A_1315 : i32 to index
        %get3A_1354 = arith.constant 48 : index
        %get3A_1355 = tpu.vector_load %arg10[%get3A_1353, %get3A_1354] {strides = array<i32>} : memref<640x64xf32, #tpu.memory_space<vmem>>, vector<16xf32>,
        %sub3A_1356 = arith.subf %get3A_1355, %gather3A_1319 : vector<16xf32>
        %mul3A_1357 = arith.mulf %sub3A_1356, %gather3A_1322 : vector<16xf32>
        %mul3A_1358 = arith.mulf %mul3A_1357, %get3A_12 : vector<16xf32>
        %add3A_1359 = arith.addf %mul3A_1358, %get3A_20 : vector<16xf32>
        %swap3A_1360 = arith.index_cast %add3A_1315 : i32 to index
        %swap3A_1361 = arith.constant 48 : index
        %swap3A_1362 = tpu.vector_load %arg10[%swap3A_1360, %swap3A_1361] {strides = array<i32>} : memref<640x64xf32, #tpu.memory_space<vmem>>, vector<16xf32>,
        tpu.vector_store %arg10[%swap3A_1360, %swap3A_1361], %add3A_1359 {strides = array<i32>} : memref<640x64xf32, #tpu.memory_space<vmem>>, vector<16xf32>,
        %add3A_1363 = arith.constant 1 : i32
        %add3A_1364 = arith.addi %mul3A_79, %add3A_1363 : i32
        %broadcast_in_dim3A_1365 = arith.constant 1 : i32
        %broadcast_in_dim3A_1366 = vector.broadcast %broadcast_in_dim3A_1365 : i32 to vector<16xi32>
        %broadcast_in_dim3A_1367 = vector.shape_cast %broadcast_in_dim3A_1366 : vector<16xi32> to vector<16x1xi32>
        %gather3A_1368 = vector.shape_cast %broadcast_in_dim3A_1367 : vector<16x1xi32> to vector<16xi32>
        %gather3A_1369 = tpu.dynamic_gather %mul3A_1272[%gather3A_1368] in [0] : vector<16xf32>, vector<16xi32> -> vector<16xf32>
        %broadcast_in_dim3A_1370 = vector.shape_cast %broadcast_in_dim3A_1366 : vector<16xi32> to vector<16x1xi32>
        %gather3A_1371 = vector.shape_cast %broadcast_in_dim3A_1370 : vector<16x1xi32> to vector<16xi32>
        %gather3A_1372 = tpu.dynamic_gather %mul3A_1313[%gather3A_1371] in [0] : vector<16xf32>, vector<16xi32> -> vector<16xf32>
        %get3A_1373 = arith.index_cast %add3A_1364 : i32 to index
        %get3A_1374 = arith.constant 0 : index
        %get3A_1375 = tpu.vector_load %arg10[%get3A_1373, %get3A_1374] {strides = array<i32>} : memref<640x64xf32, #tpu.memory_space<vmem>>, vector<16xf32>,
        %sub3A_1376 = arith.subf %get3A_1375, %gather3A_1369 : vector<16xf32>
        %mul3A_1377 = arith.mulf %sub3A_1376, %gather3A_1372 : vector<16xf32>
        %mul3A_1378 = arith.mulf %mul3A_1377, %get3A_6 : vector<16xf32>
        %add3A_1379 = arith.addf %mul3A_1378, %get3A_14 : vector<16xf32>
        %swap3A_1380 = arith.index_cast %add3A_1364 : i32 to index
        %swap3A_1381 = arith.constant 0 : index
        %swap3A_1382 = tpu.vector_load %arg10[%swap3A_1380, %swap3A_1381] {strides = array<i32>} : memref<640x64xf32, #tpu.memory_space<vmem>>, vector<16xf32>,
        tpu.vector_store %arg10[%swap3A_1380, %swap3A_1381], %add3A_1379 {strides = array<i32>} : memref<640x64xf32, #tpu.memory_space<vmem>>, vector<16xf32>,
        %get3A_1383 = arith.index_cast %add3A_1364 : i32 to index
        %get3A_1384 = arith.constant 16 : index
        %get3A_1385 = tpu.vector_load %arg10[%get3A_1383, %get3A_1384] {strides = array<i32>} : memref<640x64xf32, #tpu.memory_space<vmem>>, vector<16xf32>,
        %sub3A_1386 = arith.subf %get3A_1385, %gather3A_1369 : vector<16xf32>
        %mul3A_1387 = arith.mulf %sub3A_1386, %gather3A_1372 : vector<16xf32>
        %mul3A_1388 = arith.mulf %mul3A_1387, %get3A_8 : vector<16xf32>
        %add3A_1389 = arith.addf %mul3A_1388, %get3A_16 : vector<16xf32>
        %swap3A_1390 = arith.index_cast %add3A_1364 : i32 to index
        %swap3A_1391 = arith.constant 16 : index
        %swap3A_1392 = tpu.vector_load %arg10[%swap3A_1390, %swap3A_1391] {strides = array<i32>} : memref<640x64xf32, #tpu.memory_space<vmem>>, vector<16xf32>,
        tpu.vector_store %arg10[%swap3A_1390, %swap3A_1391], %add3A_1389 {strides = array<i32>} : memref<640x64xf32, #tpu.memory_space<vmem>>, vector<16xf32>,
        %get3A_1393 = arith.index_cast %add3A_1364 : i32 to index
        %get3A_1394 = arith.constant 32 : index
        %get3A_1395 = tpu.vector_load %arg10[%get3A_1393, %get3A_1394] {strides = array<i32>} : memref<640x64xf32, #tpu.memory_space<vmem>>, vector<16xf32>,
        %sub3A_1396 = arith.subf %get3A_1395, %gather3A_1369 : vector<16xf32>
        %mul3A_1397 = arith.mulf %sub3A_1396, %gather3A_1372 : vector<16xf32>
        %mul3A_1398 = arith.mulf %mul3A_1397, %get3A_10 : vector<16xf32>
        %add3A_1399 = arith.addf %mul3A_1398, %get3A_18 : vector<16xf32>
        %swap3A_1400 = arith.index_cast %add3A_1364 : i32 to index
        %swap3A_1401 = arith.constant 32 : index
        %swap3A_1402 = tpu.vector_load %arg10[%swap3A_1400, %swap3A_1401] {strides = array<i32>} : memref<640x64xf32, #tpu.memory_space<vmem>>, vector<16xf32>,
        tpu.vector_store %arg10[%swap3A_1400, %swap3A_1401], %add3A_1399 {strides = array<i32>} : memref<640x64xf32, #tpu.memory_space<vmem>>, vector<16xf32>,
        %get3A_1403 = arith.index_cast %add3A_1364 : i32 to index
        %get3A_1404 = arith.constant 48 : index
        %get3A_1405 = tpu.vector_load %arg10[%get3A_1403, %get3A_1404] {strides = array<i32>} : memref<640x64xf32, #tpu.memory_space<vmem>>, vector<16xf32>,
        %sub3A_1406 = arith.subf %get3A_1405, %gather3A_1369 : vector<16xf32>
        %mul3A_1407 = arith.mulf %sub3A_1406, %gather3A_1372 : vector<16xf32>
        %mul3A_1408 = arith.mulf %mul3A_1407, %get3A_12 : vector<16xf32>
        %add3A_1409 = arith.addf %mul3A_1408, %get3A_20 : vector<16xf32>
        %swap3A_1410 = arith.index_cast %add3A_1364 : i32 to index
        %swap3A_1411 = arith.constant 48 : index
        %swap3A_1412 = tpu.vector_load %arg10[%swap3A_1410, %swap3A_1411] {strides = array<i32>} : memref<640x64xf32, #tpu.memory_space<vmem>>, vector<16xf32>,
        tpu.vector_store %arg10[%swap3A_1410, %swap3A_1411], %add3A_1409 {strides = array<i32>} : memref<640x64xf32, #tpu.memory_space<vmem>>, vector<16xf32>,
        %add3A_1413 = arith.constant 2 : i32
        %add3A_1414 = arith.addi %mul3A_79, %add3A_1413 : i32
        %broadcast_in_dim3A_1415 = arith.constant 2 : i32
        %broadcast_in_dim3A_1416 = vector.broadcast %broadcast_in_dim3A_1415 : i32 to vector<16xi32>
        %broadcast_in_dim3A_1417 = vector.shape_cast %broadcast_in_dim3A_1416 : vector<16xi32> to vector<16x1xi32>
        %gather3A_1418 = vector.shape_cast %broadcast_in_dim3A_1417 : vector<16x1xi32> to vector<16xi32>
        %gather3A_1419 = tpu.dynamic_gather %mul3A_1272[%gather3A_1418] in [0] : vector<16xf32>, vector<16xi32> -> vector<16xf32>
        %broadcast_in_dim3A_1420 = vector.shape_cast %broadcast_in_dim3A_1416 : vector<16xi32> to vector<16x1xi32>
        %gather3A_1421 = vector.shape_cast %broadcast_in_dim3A_1420 : vector<16x1xi32> to vector<16xi32>
        %gather3A_1422 = tpu.dynamic_gather %mul3A_1313[%gather3A_1421] in [0] : vector<16xf32>, vector<16xi32> -> vector<16xf32>
        %get3A_1423 = arith.index_cast %add3A_1414 : i32 to index
        %get3A_1424 = arith.constant 0 : index
        %get3A_1425 = tpu.vector_load %arg10[%get3A_1423, %get3A_1424] {strides = array<i32>} : memref<640x64xf32, #tpu.memory_space<vmem>>, vector<16xf32>,
        %sub3A_1426 = arith.subf %get3A_1425, %gather3A_1419 : vector<16xf32>
        %mul3A_1427 = arith.mulf %sub3A_1426, %gather3A_1422 : vector<16xf32>
        %mul3A_1428 = arith.mulf %mul3A_1427, %get3A_6 : vector<16xf32>
        %add3A_1429 = arith.addf %mul3A_1428, %get3A_14 : vector<16xf32>
        %swap3A_1430 = arith.index_cast %add3A_1414 : i32 to index
        %swap3A_1431 = arith.constant 0 : index
        %swap3A_1432 = tpu.vector_load %arg10[%swap3A_1430, %swap3A_1431] {strides = array<i32>} : memref<640x64xf32, #tpu.memory_space<vmem>>, vector<16xf32>,
        tpu.vector_store %arg10[%swap3A_1430, %swap3A_1431], %add3A_1429 {strides = array<i32>} : memref<640x64xf32, #tpu.memory_space<vmem>>, vector<16xf32>,
        %get3A_1433 = arith.index_cast %add3A_1414 : i32 to index
        %get3A_1434 = arith.constant 16 : index
        %get3A_1435 = tpu.vector_load %arg10[%get3A_1433, %get3A_1434] {strides = array<i32>} : memref<640x64xf32, #tpu.memory_space<vmem>>, vector<16xf32>,
        %sub3A_1436 = arith.subf %get3A_1435, %gather3A_1419 : vector<16xf32>
        %mul3A_1437 = arith.mulf %sub3A_1436, %gather3A_1422 : vector<16xf32>
        %mul3A_1438 = arith.mulf %mul3A_1437, %get3A_8 : vector<16xf32>
        %add3A_1439 = arith.addf %mul3A_1438, %get3A_16 : vector<16xf32>
        %swap3A_1440 = arith.index_cast %add3A_1414 : i32 to index
        %swap3A_1441 = arith.constant 16 : index
        %swap3A_1442 = tpu.vector_load %arg10[%swap3A_1440, %swap3A_1441] {strides = array<i32>} : memref<640x64xf32, #tpu.memory_space<vmem>>, vector<16xf32>,
        tpu.vector_store %arg10[%swap3A_1440, %swap3A_1441], %add3A_1439 {strides = array<i32>} : memref<640x64xf32, #tpu.memory_space<vmem>>, vector<16xf32>,
        %get3A_1443 = arith.index_cast %add3A_1414 : i32 to index
        %get3A_1444 = arith.constant 32 : index
        %get3A_1445 = tpu.vector_load %arg10[%get3A_1443, %get3A_1444] {strides = array<i32>} : memref<640x64xf32, #tpu.memory_space<vmem>>, vector<16xf32>,
        %sub3A_1446 = arith.subf %get3A_1445, %gather3A_1419 : vector<16xf32>
        %mul3A_1447 = arith.mulf %sub3A_1446, %gather3A_1422 : vector<16xf32>
        %mul3A_1448 = arith.mulf %mul3A_1447, %get3A_10 : vector<16xf32>
        %add3A_1449 = arith.addf %mul3A_1448, %get3A_18 : vector<16xf32>
        %swap3A_1450 = arith.index_cast %add3A_1414 : i32 to index
        %swap3A_1451 = arith.constant 32 : index
        %swap3A_1452 = tpu.vector_load %arg10[%swap3A_1450, %swap3A_1451] {strides = array<i32>} : memref<640x64xf32, #tpu.memory_space<vmem>>, vector<16xf32>,
        tpu.vector_store %arg10[%swap3A_1450, %swap3A_1451], %add3A_1449 {strides = array<i32>} : memref<640x64xf32, #tpu.memory_space<vmem>>, vector<16xf32>,
        %get3A_1453 = arith.index_cast %add3A_1414 : i32 to index
        %get3A_1454 = arith.constant 48 : index
        %get3A_1455 = tpu.vector_load %arg10[%get3A_1453, %get3A_1454] {strides = array<i32>} : memref<640x64xf32, #tpu.memory_space<vmem>>, vector<16xf32>,
        %sub3A_1456 = arith.subf %get3A_1455, %gather3A_1419 : vector<16xf32>
        %mul3A_1457 = arith.mulf %sub3A_1456, %gather3A_1422 : vector<16xf32>
        %mul3A_1458 = arith.mulf %mul3A_1457, %get3A_12 : vector<16xf32>
        %add3A_1459 = arith.addf %mul3A_1458, %get3A_20 : vector<16xf32>
        %swap3A_1460 = arith.index_cast %add3A_1414 : i32 to index
        %swap3A_1461 = arith.constant 48 : index
        %swap3A_1462 = tpu.vector_load %arg10[%swap3A_1460, %swap3A_1461] {strides = array<i32>} : memref<640x64xf32, #tpu.memory_space<vmem>>, vector<16xf32>,
        tpu.vector_store %arg10[%swap3A_1460, %swap3A_1461], %add3A_1459 {strides = array<i32>} : memref<640x64xf32, #tpu.memory_space<vmem>>, vector<16xf32>,
        %add3A_1463 = arith.constant 3 : i32
        %add3A_1464 = arith.addi %mul3A_79, %add3A_1463 : i32
        %broadcast_in_dim3A_1465 = arith.constant 3 : i32
        %broadcast_in_dim3A_1466 = vector.broadcast %broadcast_in_dim3A_1465 : i32 to vector<16xi32>
        %broadcast_in_dim3A_1467 = vector.shape_cast %broadcast_in_dim3A_1466 : vector<16xi32> to vector<16x1xi32>
        %gather3A_1468 = vector.shape_cast %broadcast_in_dim3A_1467 : vector<16x1xi32> to vector<16xi32>
        %gather3A_1469 = tpu.dynamic_gather %mul3A_1272[%gather3A_1468] in [0] : vector<16xf32>, vector<16xi32> -> vector<16xf32>
        %broadcast_in_dim3A_1470 = vector.shape_cast %broadcast_in_dim3A_1466 : vector<16xi32> to vector<16x1xi32>
        %gather3A_1471 = vector.shape_cast %broadcast_in_dim3A_1470 : vector<16x1xi32> to vector<16xi32>
        %gather3A_1472 = tpu.dynamic_gather %mul3A_1313[%gather3A_1471] in [0] : vector<16xf32>, vector<16xi32> -> vector<16xf32>
        %get3A_1473 = arith.index_cast %add3A_1464 : i32 to index
        %get3A_1474 = arith.constant 0 : index
        %get3A_1475 = tpu.vector_load %arg10[%get3A_1473, %get3A_1474] {strides = array<i32>} : memref<640x64xf32, #tpu.memory_space<vmem>>, vector<16xf32>,
        %sub3A_1476 = arith.subf %get3A_1475, %gather3A_1469 : vector<16xf32>
        %mul3A_1477 = arith.mulf %sub3A_1476, %gather3A_1472 : vector<16xf32>
        %mul3A_1478 = arith.mulf %mul3A_1477, %get3A_6 : vector<16xf32>
        %add3A_1479 = arith.addf %mul3A_1478, %get3A_14 : vector<16xf32>
        %swap3A_1480 = arith.index_cast %add3A_1464 : i32 to index
        %swap3A_1481 = arith.constant 0 : index
        %swap3A_1482 = tpu.vector_load %arg10[%swap3A_1480, %swap3A_1481] {strides = array<i32>} : memref<640x64xf32, #tpu.memory_space<vmem>>, vector<16xf32>,
        tpu.vector_store %arg10[%swap3A_1480, %swap3A_1481], %add3A_1479 {strides = array<i32>} : memref<640x64xf32, #tpu.memory_space<vmem>>, vector<16xf32>,
        %get3A_1483 = arith.index_cast %add3A_1464 : i32 to index
        %get3A_1484 = arith.constant 16 : index
        %get3A_1485 = tpu.vector_load %arg10[%get3A_1483, %get3A_1484] {strides = array<i32>} : memref<640x64xf32, #tpu.memory_space<vmem>>, vector<16xf32>,
        %sub3A_1486 = arith.subf %get3A_1485, %gather3A_1469 : vector<16xf32>
        %mul3A_1487 = arith.mulf %sub3A_1486, %gather3A_1472 : vector<16xf32>
        %mul3A_1488 = arith.mulf %mul3A_1487, %get3A_8 : vector<16xf32>
        %add3A_1489 = arith.addf %mul3A_1488, %get3A_16 : vector<16xf32>
        %swap3A_1490 = arith.index_cast %add3A_1464 : i32 to index
        %swap3A_1491 = arith.constant 16 : index
        %swap3A_1492 = tpu.vector_load %arg10[%swap3A_1490, %swap3A_1491] {strides = array<i32>} : memref<640x64xf32, #tpu.memory_space<vmem>>, vector<16xf32>,
        tpu.vector_store %arg10[%swap3A_1490, %swap3A_1491], %add3A_1489 {strides = array<i32>} : memref<640x64xf32, #tpu.memory_space<vmem>>, vector<16xf32>,
        %get3A_1493 = arith.index_cast %add3A_1464 : i32 to index
        %get3A_1494 = arith.constant 32 : index
        %get3A_1495 = tpu.vector_load %arg10[%get3A_1493, %get3A_1494] {strides = array<i32>} : memref<640x64xf32, #tpu.memory_space<vmem>>, vector<16xf32>,
        %sub3A_1496 = arith.subf %get3A_1495, %gather3A_1469 : vector<16xf32>
        %mul3A_1497 = arith.mulf %sub3A_1496, %gather3A_1472 : vector<16xf32>
        %mul3A_1498 = arith.mulf %mul3A_1497, %get3A_10 : vector<16xf32>
        %add3A_1499 = arith.addf %mul3A_1498, %get3A_18 : vector<16xf32>
        %swap3A_1500 = arith.index_cast %add3A_1464 : i32 to index
        %swap3A_1501 = arith.constant 32 : index
        %swap3A_1502 = tpu.vector_load %arg10[%swap3A_1500, %swap3A_1501] {strides = array<i32>} : memref<640x64xf32, #tpu.memory_space<vmem>>, vector<16xf32>,
        tpu.vector_store %arg10[%swap3A_1500, %swap3A_1501], %add3A_1499 {strides = array<i32>} : memref<640x64xf32, #tpu.memory_space<vmem>>, vector<16xf32>,
        %get3A_1503 = arith.index_cast %add3A_1464 : i32 to index
        %get3A_1504 = arith.constant 48 : index
        %get3A_1505 = tpu.vector_load %arg10[%get3A_1503, %get3A_1504] {strides = array<i32>} : memref<640x64xf32, #tpu.memory_space<vmem>>, vector<16xf32>,
        %sub3A_1506 = arith.subf %get3A_1505, %gather3A_1469 : vector<16xf32>
        %mul3A_1507 = arith.mulf %sub3A_1506, %gather3A_1472 : vector<16xf32>
        %mul3A_1508 = arith.mulf %mul3A_1507, %get3A_12 : vector<16xf32>
        %add3A_1509 = arith.addf %mul3A_1508, %get3A_20 : vector<16xf32>
        %swap3A_1510 = arith.index_cast %add3A_1464 : i32 to index
        %swap3A_1511 = arith.constant 48 : index
        %swap3A_1512 = tpu.vector_load %arg10[%swap3A_1510, %swap3A_1511] {strides = array<i32>} : memref<640x64xf32, #tpu.memory_space<vmem>>, vector<16xf32>,
        tpu.vector_store %arg10[%swap3A_1510, %swap3A_1511], %add3A_1509 {strides = array<i32>} : memref<640x64xf32, #tpu.memory_space<vmem>>, vector<16xf32>,
        %add3A_1513 = arith.constant 4 : i32
        %add3A_1514 = arith.addi %mul3A_79, %add3A_1513 : i32
        %broadcast_in_dim3A_1515 = arith.constant 4 : i32
        %broadcast_in_dim3A_1516 = vector.broadcast %broadcast_in_dim3A_1515 : i32 to vector<16xi32>
        %broadcast_in_dim3A_1517 = vector.shape_cast %broadcast_in_dim3A_1516 : vector<16xi32> to vector<16x1xi32>
        %gather3A_1518 = vector.shape_cast %broadcast_in_dim3A_1517 : vector<16x1xi32> to vector<16xi32>
        %gather3A_1519 = tpu.dynamic_gather %mul3A_1272[%gather3A_1518] in [0] : vector<16xf32>, vector<16xi32> -> vector<16xf32>
        %broadcast_in_dim3A_1520 = vector.shape_cast %broadcast_in_dim3A_1516 : vector<16xi32> to vector<16x1xi32>
        %gather3A_1521 = vector.shape_cast %broadcast_in_dim3A_1520 : vector<16x1xi32> to vector<16xi32>
        %gather3A_1522 = tpu.dynamic_gather %mul3A_1313[%gather3A_1521] in [0] : vector<16xf32>, vector<16xi32> -> vector<16xf32>
        %get3A_1523 = arith.index_cast %add3A_1514 : i32 to index
        %get3A_1524 = arith.constant 0 : index
        %get3A_1525 = tpu.vector_load %arg10[%get3A_1523, %get3A_1524] {strides = array<i32>} : memref<640x64xf32, #tpu.memory_space<vmem>>, vector<16xf32>,
        %sub3A_1526 = arith.subf %get3A_1525, %gather3A_1519 : vector<16xf32>
        %mul3A_1527 = arith.mulf %sub3A_1526, %gather3A_1522 : vector<16xf32>
        %mul3A_1528 = arith.mulf %mul3A_1527, %get3A_6 : vector<16xf32>
        %add3A_1529 = arith.addf %mul3A_1528, %get3A_14 : vector<16xf32>
        %swap3A_1530 = arith.index_cast %add3A_1514 : i32 to index
        %swap3A_1531 = arith.constant 0 : index
        %swap3A_1532 = tpu.vector_load %arg10[%swap3A_1530, %swap3A_1531] {strides = array<i32>} : memref<640x64xf32, #tpu.memory_space<vmem>>, vector<16xf32>,
        tpu.vector_store %arg10[%swap3A_1530, %swap3A_1531], %add3A_1529 {strides = array<i32>} : memref<640x64xf32, #tpu.memory_space<vmem>>, vector<16xf32>,
        %get3A_1533 = arith.index_cast %add3A_1514 : i32 to index
        %get3A_1534 = arith.constant 16 : index
        %get3A_1535 = tpu.vector_load %arg10[%get3A_1533, %get3A_1534] {strides = array<i32>} : memref<640x64xf32, #tpu.memory_space<vmem>>, vector<16xf32>,
        %sub3A_1536 = arith.subf %get3A_1535, %gather3A_1519 : vector<16xf32>
        %mul3A_1537 = arith.mulf %sub3A_1536, %gather3A_1522 : vector<16xf32>
        %mul3A_1538 = arith.mulf %mul3A_1537, %get3A_8 : vector<16xf32>
        %add3A_1539 = arith.addf %mul3A_1538, %get3A_16 : vector<16xf32>
        %swap3A_1540 = arith.index_cast %add3A_1514 : i32 to index
        %swap3A_1541 = arith.constant 16 : index
        %swap3A_1542 = tpu.vector_load %arg10[%swap3A_1540, %swap3A_1541] {strides = array<i32>} : memref<640x64xf32, #tpu.memory_space<vmem>>, vector<16xf32>,
        tpu.vector_store %arg10[%swap3A_1540, %swap3A_1541], %add3A_1539 {strides = array<i32>} : memref<640x64xf32, #tpu.memory_space<vmem>>, vector<16xf32>,
        %get3A_1543 = arith.index_cast %add3A_1514 : i32 to index
        %get3A_1544 = arith.constant 32 : index
        %get3A_1545 = tpu.vector_load %arg10[%get3A_1543, %get3A_1544] {strides = array<i32>} : memref<640x64xf32, #tpu.memory_space<vmem>>, vector<16xf32>,
        %sub3A_1546 = arith.subf %get3A_1545, %gather3A_1519 : vector<16xf32>
        %mul3A_1547 = arith.mulf %sub3A_1546, %gather3A_1522 : vector<16xf32>
        %mul3A_1548 = arith.mulf %mul3A_1547, %get3A_10 : vector<16xf32>
        %add3A_1549 = arith.addf %mul3A_1548, %get3A_18 : vector<16xf32>
        %swap3A_1550 = arith.index_cast %add3A_1514 : i32 to index
        %swap3A_1551 = arith.constant 32 : index
        %swap3A_1552 = tpu.vector_load %arg10[%swap3A_1550, %swap3A_1551] {strides = array<i32>} : memref<640x64xf32, #tpu.memory_space<vmem>>, vector<16xf32>,
        tpu.vector_store %arg10[%swap3A_1550, %swap3A_1551], %add3A_1549 {strides = array<i32>} : memref<640x64xf32, #tpu.memory_space<vmem>>, vector<16xf32>,
        %get3A_1553 = arith.index_cast %add3A_1514 : i32 to index
        %get3A_1554 = arith.constant 48 : index
        %get3A_1555 = tpu.vector_load %arg10[%get3A_1553, %get3A_1554] {strides = array<i32>} : memref<640x64xf32, #tpu.memory_space<vmem>>, vector<16xf32>,
        %sub3A_1556 = arith.subf %get3A_1555, %gather3A_1519 : vector<16xf32>
        %mul3A_1557 = arith.mulf %sub3A_1556, %gather3A_1522 : vector<16xf32>
        %mul3A_1558 = arith.mulf %mul3A_1557, %get3A_12 : vector<16xf32>
        %add3A_1559 = arith.addf %mul3A_1558, %get3A_20 : vector<16xf32>
        %swap3A_1560 = arith.index_cast %add3A_1514 : i32 to index
        %swap3A_1561 = arith.constant 48 : index
        %swap3A_1562 = tpu.vector_load %arg10[%swap3A_1560, %swap3A_1561] {strides = array<i32>} : memref<640x64xf32, #tpu.memory_space<vmem>>, vector<16xf32>,
        tpu.vector_store %arg10[%swap3A_1560, %swap3A_1561], %add3A_1559 {strides = array<i32>} : memref<640x64xf32, #tpu.memory_space<vmem>>, vector<16xf32>,
        %add3A_1563 = arith.constant 5 : i32
        %add3A_1564 = arith.addi %mul3A_79, %add3A_1563 : i32
        %broadcast_in_dim3A_1565 = arith.constant 5 : i32
        %broadcast_in_dim3A_1566 = vector.broadcast %broadcast_in_dim3A_1565 : i32 to vector<16xi32>
        %broadcast_in_dim3A_1567 = vector.shape_cast %broadcast_in_dim3A_1566 : vector<16xi32> to vector<16x1xi32>
        %gather3A_1568 = vector.shape_cast %broadcast_in_dim3A_1567 : vector<16x1xi32> to vector<16xi32>
        %gather3A_1569 = tpu.dynamic_gather %mul3A_1272[%gather3A_1568] in [0] : vector<16xf32>, vector<16xi32> -> vector<16xf32>
        %broadcast_in_dim3A_1570 = vector.shape_cast %broadcast_in_dim3A_1566 : vector<16xi32> to vector<16x1xi32>
        %gather3A_1571 = vector.shape_cast %broadcast_in_dim3A_1570 : vector<16x1xi32> to vector<16xi32>
        %gather3A_1572 = tpu.dynamic_gather %mul3A_1313[%gather3A_1571] in [0] : vector<16xf32>, vector<16xi32> -> vector<16xf32>
        %get3A_1573 = arith.index_cast %add3A_1564 : i32 to index
        %get3A_1574 = arith.constant 0 : index
        %get3A_1575 = tpu.vector_load %arg10[%get3A_1573, %get3A_1574] {strides = array<i32>} : memref<640x64xf32, #tpu.memory_space<vmem>>, vector<16xf32>,
        %sub3A_1576 = arith.subf %get3A_1575, %gather3A_1569 : vector<16xf32>
        %mul3A_1577 = arith.mulf %sub3A_1576, %gather3A_1572 : vector<16xf32>
        %mul3A_1578 = arith.mulf %mul3A_1577, %get3A_6 : vector<16xf32>
        %add3A_1579 = arith.addf %mul3A_1578, %get3A_14 : vector<16xf32>
        %swap3A_1580 = arith.index_cast %add3A_1564 : i32 to index
        %swap3A_1581 = arith.constant 0 : index
        %swap3A_1582 = tpu.vector_load %arg10[%swap3A_1580, %swap3A_1581] {strides = array<i32>} : memref<640x64xf32, #tpu.memory_space<vmem>>, vector<16xf32>,
        tpu.vector_store %arg10[%swap3A_1580, %swap3A_1581], %add3A_1579 {strides = array<i32>} : memref<640x64xf32, #tpu.memory_space<vmem>>, vector<16xf32>,
        %get3A_1583 = arith.index_cast %add3A_1564 : i32 to index
        %get3A_1584 = arith.constant 16 : index
        %get3A_1585 = tpu.vector_load %arg10[%get3A_1583, %get3A_1584] {strides = array<i32>} : memref<640x64xf32, #tpu.memory_space<vmem>>, vector<16xf32>,
        %sub3A_1586 = arith.subf %get3A_1585, %gather3A_1569 : vector<16xf32>
        %mul3A_1587 = arith.mulf %sub3A_1586, %gather3A_1572 : vector<16xf32>
        %mul3A_1588 = arith.mulf %mul3A_1587, %get3A_8 : vector<16xf32>
        %add3A_1589 = arith.addf %mul3A_1588, %get3A_16 : vector<16xf32>
        %swap3A_1590 = arith.index_cast %add3A_1564 : i32 to index
        %swap3A_1591 = arith.constant 16 : index
        %swap3A_1592 = tpu.vector_load %arg10[%swap3A_1590, %swap3A_1591] {strides = array<i32>} : memref<640x64xf32, #tpu.memory_space<vmem>>, vector<16xf32>,
        tpu.vector_store %arg10[%swap3A_1590, %swap3A_1591], %add3A_1589 {strides = array<i32>} : memref<640x64xf32, #tpu.memory_space<vmem>>, vector<16xf32>,
        %get3A_1593 = arith.index_cast %add3A_1564 : i32 to index
        %get3A_1594 = arith.constant 32 : index
        %get3A_1595 = tpu.vector_load %arg10[%get3A_1593, %get3A_1594] {strides = array<i32>} : memref<640x64xf32, #tpu.memory_space<vmem>>, vector<16xf32>,
        %sub3A_1596 = arith.subf %get3A_1595, %gather3A_1569 : vector<16xf32>
        %mul3A_1597 = arith.mulf %sub3A_1596, %gather3A_1572 : vector<16xf32>
        %mul3A_1598 = arith.mulf %mul3A_1597, %get3A_10 : vector<16xf32>
        %add3A_1599 = arith.addf %mul3A_1598, %get3A_18 : vector<16xf32>
        %swap3A_1600 = arith.index_cast %add3A_1564 : i32 to index
        %swap3A_1601 = arith.constant 32 : index
        %swap3A_1602 = tpu.vector_load %arg10[%swap3A_1600, %swap3A_1601] {strides = array<i32>} : memref<640x64xf32, #tpu.memory_space<vmem>>, vector<16xf32>,
        tpu.vector_store %arg10[%swap3A_1600, %swap3A_1601], %add3A_1599 {strides = array<i32>} : memref<640x64xf32, #tpu.memory_space<vmem>>, vector<16xf32>,
        %get3A_1603 = arith.index_cast %add3A_1564 : i32 to index
        %get3A_1604 = arith.constant 48 : index
        %get3A_1605 = tpu.vector_load %arg10[%get3A_1603, %get3A_1604] {strides = array<i32>} : memref<640x64xf32, #tpu.memory_space<vmem>>, vector<16xf32>,
        %sub3A_1606 = arith.subf %get3A_1605, %gather3A_1569 : vector<16xf32>
        %mul3A_1607 = arith.mulf %sub3A_1606, %gather3A_1572 : vector<16xf32>
        %mul3A_1608 = arith.mulf %mul3A_1607, %get3A_12 : vector<16xf32>
        %add3A_1609 = arith.addf %mul3A_1608, %get3A_20 : vector<16xf32>
        %swap3A_1610 = arith.index_cast %add3A_1564 : i32 to index
        %swap3A_1611 = arith.constant 48 : index
        %swap3A_1612 = tpu.vector_load %arg10[%swap3A_1610, %swap3A_1611] {strides = array<i32>} : memref<640x64xf32, #tpu.memory_space<vmem>>, vector<16xf32>,
        tpu.vector_store %arg10[%swap3A_1610, %swap3A_1611], %add3A_1609 {strides = array<i32>} : memref<640x64xf32, #tpu.memory_space<vmem>>, vector<16xf32>,
        %add3A_1613 = arith.constant 6 : i32
        %add3A_1614 = arith.addi %mul3A_79, %add3A_1613 : i32
        %broadcast_in_dim3A_1615 = arith.constant 6 : i32
        %broadcast_in_dim3A_1616 = vector.broadcast %broadcast_in_dim3A_1615 : i32 to vector<16xi32>
        %broadcast_in_dim3A_1617 = vector.shape_cast %broadcast_in_dim3A_1616 : vector<16xi32> to vector<16x1xi32>
        %gather3A_1618 = vector.shape_cast %broadcast_in_dim3A_1617 : vector<16x1xi32> to vector<16xi32>
        %gather3A_1619 = tpu.dynamic_gather %mul3A_1272[%gather3A_1618] in [0] : vector<16xf32>, vector<16xi32> -> vector<16xf32>
        %broadcast_in_dim3A_1620 = vector.shape_cast %broadcast_in_dim3A_1616 : vector<16xi32> to vector<16x1xi32>
        %gather3A_1621 = vector.shape_cast %broadcast_in_dim3A_1620 : vector<16x1xi32> to vector<16xi32>
        %gather3A_1622 = tpu.dynamic_gather %mul3A_1313[%gather3A_1621] in [0] : vector<16xf32>, vector<16xi32> -> vector<16xf32>
        %get3A_1623 = arith.index_cast %add3A_1614 : i32 to index
        %get3A_1624 = arith.constant 0 : index
        %get3A_1625 = tpu.vector_load %arg10[%get3A_1623, %get3A_1624] {strides = array<i32>} : memref<640x64xf32, #tpu.memory_space<vmem>>, vector<16xf32>,
        %sub3A_1626 = arith.subf %get3A_1625, %gather3A_1619 : vector<16xf32>
        %mul3A_1627 = arith.mulf %sub3A_1626, %gather3A_1622 : vector<16xf32>
        %mul3A_1628 = arith.mulf %mul3A_1627, %get3A_6 : vector<16xf32>
        %add3A_1629 = arith.addf %mul3A_1628, %get3A_14 : vector<16xf32>
        %swap3A_1630 = arith.index_cast %add3A_1614 : i32 to index
        %swap3A_1631 = arith.constant 0 : index
        %swap3A_1632 = tpu.vector_load %arg10[%swap3A_1630, %swap3A_1631] {strides = array<i32>} : memref<640x64xf32, #tpu.memory_space<vmem>>, vector<16xf32>,
        tpu.vector_store %arg10[%swap3A_1630, %swap3A_1631], %add3A_1629 {strides = array<i32>} : memref<640x64xf32, #tpu.memory_space<vmem>>, vector<16xf32>,
        %get3A_1633 = arith.index_cast %add3A_1614 : i32 to index
        %get3A_1634 = arith.constant 16 : index
        %get3A_1635 = tpu.vector_load %arg10[%get3A_1633, %get3A_1634] {strides = array<i32>} : memref<640x64xf32, #tpu.memory_space<vmem>>, vector<16xf32>,
        %sub3A_1636 = arith.subf %get3A_1635, %gather3A_1619 : vector<16xf32>
        %mul3A_1637 = arith.mulf %sub3A_1636, %gather3A_1622 : vector<16xf32>
        %mul3A_1638 = arith.mulf %mul3A_1637, %get3A_8 : vector<16xf32>
        %add3A_1639 = arith.addf %mul3A_1638, %get3A_16 : vector<16xf32>
        %swap3A_1640 = arith.index_cast %add3A_1614 : i32 to index
        %swap3A_1641 = arith.constant 16 : index
        %swap3A_1642 = tpu.vector_load %arg10[%swap3A_1640, %swap3A_1641] {strides = array<i32>} : memref<640x64xf32, #tpu.memory_space<vmem>>, vector<16xf32>,
        tpu.vector_store %arg10[%swap3A_1640, %swap3A_1641], %add3A_1639 {strides = array<i32>} : memref<640x64xf32, #tpu.memory_space<vmem>>, vector<16xf32>,
        %get3A_1643 = arith.index_cast %add3A_1614 : i32 to index
        %get3A_1644 = arith.constant 32 : index
        %get3A_1645 = tpu.vector_load %arg10[%get3A_1643, %get3A_1644] {strides = array<i32>} : memref<640x64xf32, #tpu.memory_space<vmem>>, vector<16xf32>,
        %sub3A_1646 = arith.subf %get3A_1645, %gather3A_1619 : vector<16xf32>
        %mul3A_1647 = arith.mulf %sub3A_1646, %gather3A_1622 : vector<16xf32>
        %mul3A_1648 = arith.mulf %mul3A_1647, %get3A_10 : vector<16xf32>
        %add3A_1649 = arith.addf %mul3A_1648, %get3A_18 : vector<16xf32>
        %swap3A_1650 = arith.index_cast %add3A_1614 : i32 to index
        %swap3A_1651 = arith.constant 32 : index
        %swap3A_1652 = tpu.vector_load %arg10[%swap3A_1650, %swap3A_1651] {strides = array<i32>} : memref<640x64xf32, #tpu.memory_space<vmem>>, vector<16xf32>,
        tpu.vector_store %arg10[%swap3A_1650, %swap3A_1651], %add3A_1649 {strides = array<i32>} : memref<640x64xf32, #tpu.memory_space<vmem>>, vector<16xf32>,
        %get3A_1653 = arith.index_cast %add3A_1614 : i32 to index
        %get3A_1654 = arith.constant 48 : index
        %get3A_1655 = tpu.vector_load %arg10[%get3A_1653, %get3A_1654] {strides = array<i32>} : memref<640x64xf32, #tpu.memory_space<vmem>>, vector<16xf32>,
        %sub3A_1656 = arith.subf %get3A_1655, %gather3A_1619 : vector<16xf32>
        %mul3A_1657 = arith.mulf %sub3A_1656, %gather3A_1622 : vector<16xf32>
        %mul3A_1658 = arith.mulf %mul3A_1657, %get3A_12 : vector<16xf32>
        %add3A_1659 = arith.addf %mul3A_1658, %get3A_20 : vector<16xf32>
        %swap3A_1660 = arith.index_cast %add3A_1614 : i32 to index
        %swap3A_1661 = arith.constant 48 : index
        %swap3A_1662 = tpu.vector_load %arg10[%swap3A_1660, %swap3A_1661] {strides = array<i32>} : memref<640x64xf32, #tpu.memory_space<vmem>>, vector<16xf32>,
        tpu.vector_store %arg10[%swap3A_1660, %swap3A_1661], %add3A_1659 {strides = array<i32>} : memref<640x64xf32, #tpu.memory_space<vmem>>, vector<16xf32>,
        %add3A_1663 = arith.constant 7 : i32
        %add3A_1664 = arith.addi %mul3A_79, %add3A_1663 : i32
        %broadcast_in_dim3A_1665 = arith.constant 7 : i32
        %broadcast_in_dim3A_1666 = vector.broadcast %broadcast_in_dim3A_1665 : i32 to vector<16xi32>
        %broadcast_in_dim3A_1667 = vector.shape_cast %broadcast_in_dim3A_1666 : vector<16xi32> to vector<16x1xi32>
        %gather3A_1668 = vector.shape_cast %broadcast_in_dim3A_1667 : vector<16x1xi32> to vector<16xi32>
        %gather3A_1669 = tpu.dynamic_gather %mul3A_1272[%gather3A_1668] in [0] : vector<16xf32>, vector<16xi32> -> vector<16xf32>
        %broadcast_in_dim3A_1670 = vector.shape_cast %broadcast_in_dim3A_1666 : vector<16xi32> to vector<16x1xi32>
        %gather3A_1671 = vector.shape_cast %broadcast_in_dim3A_1670 : vector<16x1xi32> to vector<16xi32>
        %gather3A_1672 = tpu.dynamic_gather %mul3A_1313[%gather3A_1671] in [0] : vector<16xf32>, vector<16xi32> -> vector<16xf32>
        %get3A_1673 = arith.index_cast %add3A_1664 : i32 to index
        %get3A_1674 = arith.constant 0 : index
        %get3A_1675 = tpu.vector_load %arg10[%get3A_1673, %get3A_1674] {strides = array<i32>} : memref<640x64xf32, #tpu.memory_space<vmem>>, vector<16xf32>,
        %sub3A_1676 = arith.subf %get3A_1675, %gather3A_1669 : vector<16xf32>
        %mul3A_1677 = arith.mulf %sub3A_1676, %gather3A_1672 : vector<16xf32>
        %mul3A_1678 = arith.mulf %mul3A_1677, %get3A_6 : vector<16xf32>
        %add3A_1679 = arith.addf %mul3A_1678, %get3A_14 : vector<16xf32>
        %swap3A_1680 = arith.index_cast %add3A_1664 : i32 to index
        %swap3A_1681 = arith.constant 0 : index
        %swap3A_1682 = tpu.vector_load %arg10[%swap3A_1680, %swap3A_1681] {strides = array<i32>} : memref<640x64xf32, #tpu.memory_space<vmem>>, vector<16xf32>,
        tpu.vector_store %arg10[%swap3A_1680, %swap3A_1681], %add3A_1679 {strides = array<i32>} : memref<640x64xf32, #tpu.memory_space<vmem>>, vector<16xf32>,
        %get3A_1683 = arith.index_cast %add3A_1664 : i32 to index
        %get3A_1684 = arith.constant 16 : index
        %get3A_1685 = tpu.vector_load %arg10[%get3A_1683, %get3A_1684] {strides = array<i32>} : memref<640x64xf32, #tpu.memory_space<vmem>>, vector<16xf32>,
        %sub3A_1686 = arith.subf %get3A_1685, %gather3A_1669 : vector<16xf32>
        %mul3A_1687 = arith.mulf %sub3A_1686, %gather3A_1672 : vector<16xf32>
        %mul3A_1688 = arith.mulf %mul3A_1687, %get3A_8 : vector<16xf32>
        %add3A_1689 = arith.addf %mul3A_1688, %get3A_16 : vector<16xf32>
        %swap3A_1690 = arith.index_cast %add3A_1664 : i32 to index
        %swap3A_1691 = arith.constant 16 : index
        %swap3A_1692 = tpu.vector_load %arg10[%swap3A_1690, %swap3A_1691] {strides = array<i32>} : memref<640x64xf32, #tpu.memory_space<vmem>>, vector<16xf32>,
        tpu.vector_store %arg10[%swap3A_1690, %swap3A_1691], %add3A_1689 {strides = array<i32>} : memref<640x64xf32, #tpu.memory_space<vmem>>, vector<16xf32>,
        %get3A_1693 = arith.index_cast %add3A_1664 : i32 to index
        %get3A_1694 = arith.constant 32 : index
        %get3A_1695 = tpu.vector_load %arg10[%get3A_1693, %get3A_1694] {strides = array<i32>} : memref<640x64xf32, #tpu.memory_space<vmem>>, vector<16xf32>,
        %sub3A_1696 = arith.subf %get3A_1695, %gather3A_1669 : vector<16xf32>
        %mul3A_1697 = arith.mulf %sub3A_1696, %gather3A_1672 : vector<16xf32>
        %mul3A_1698 = arith.mulf %mul3A_1697, %get3A_10 : vector<16xf32>
        %add3A_1699 = arith.addf %mul3A_1698, %get3A_18 : vector<16xf32>
        %swap3A_1700 = arith.index_cast %add3A_1664 : i32 to index
        %swap3A_1701 = arith.constant 32 : index
        %swap3A_1702 = tpu.vector_load %arg10[%swap3A_1700, %swap3A_1701] {strides = array<i32>} : memref<640x64xf32, #tpu.memory_space<vmem>>, vector<16xf32>,
        tpu.vector_store %arg10[%swap3A_1700, %swap3A_1701], %add3A_1699 {strides = array<i32>} : memref<640x64xf32, #tpu.memory_space<vmem>>, vector<16xf32>,
        %get3A_1703 = arith.index_cast %add3A_1664 : i32 to index
        %get3A_1704 = arith.constant 48 : index
        %get3A_1705 = tpu.vector_load %arg10[%get3A_1703, %get3A_1704] {strides = array<i32>} : memref<640x64xf32, #tpu.memory_space<vmem>>, vector<16xf32>,
        %sub3A_1706 = arith.subf %get3A_1705, %gather3A_1669 : vector<16xf32>
        %mul3A_1707 = arith.mulf %sub3A_1706, %gather3A_1672 : vector<16xf32>
        %mul3A_1708 = arith.mulf %mul3A_1707, %get3A_12 : vector<16xf32>
        %add3A_1709 = arith.addf %mul3A_1708, %get3A_20 : vector<16xf32>
        %swap3A_1710 = arith.index_cast %add3A_1664 : i32 to index
        %swap3A_1711 = arith.constant 48 : index
        %swap3A_1712 = tpu.vector_load %arg10[%swap3A_1710, %swap3A_1711] {strides = array<i32>} : memref<640x64xf32, #tpu.memory_space<vmem>>, vector<16xf32>,
        tpu.vector_store %arg10[%swap3A_1710, %swap3A_1711], %add3A_1709 {strides = array<i32>} : memref<640x64xf32, #tpu.memory_space<vmem>>, vector<16xf32>,
        %add3A_1713 = arith.constant 8 : i32
        %add3A_1714 = arith.addi %mul3A_79, %add3A_1713 : i32
        %broadcast_in_dim3A_1715 = arith.constant 8 : i32
        %broadcast_in_dim3A_1716 = vector.broadcast %broadcast_in_dim3A_1715 : i32 to vector<16xi32>
        %broadcast_in_dim3A_1717 = vector.shape_cast %broadcast_in_dim3A_1716 : vector<16xi32> to vector<16x1xi32>
        %gather3A_1718 = vector.shape_cast %broadcast_in_dim3A_1717 : vector<16x1xi32> to vector<16xi32>
        %gather3A_1719 = tpu.dynamic_gather %mul3A_1272[%gather3A_1718] in [0] : vector<16xf32>, vector<16xi32> -> vector<16xf32>
        %broadcast_in_dim3A_1720 = vector.shape_cast %broadcast_in_dim3A_1716 : vector<16xi32> to vector<16x1xi32>
        %gather3A_1721 = vector.shape_cast %broadcast_in_dim3A_1720 : vector<16x1xi32> to vector<16xi32>
        %gather3A_1722 = tpu.dynamic_gather %mul3A_1313[%gather3A_1721] in [0] : vector<16xf32>, vector<16xi32> -> vector<16xf32>
        %get3A_1723 = arith.index_cast %add3A_1714 : i32 to index
        %get3A_1724 = arith.constant 0 : index
        %get3A_1725 = tpu.vector_load %arg10[%get3A_1723, %get3A_1724] {strides = array<i32>} : memref<640x64xf32, #tpu.memory_space<vmem>>, vector<16xf32>,
        %sub3A_1726 = arith.subf %get3A_1725, %gather3A_1719 : vector<16xf32>
        %mul3A_1727 = arith.mulf %sub3A_1726, %gather3A_1722 : vector<16xf32>
        %mul3A_1728 = arith.mulf %mul3A_1727, %get3A_6 : vector<16xf32>
        %add3A_1729 = arith.addf %mul3A_1728, %get3A_14 : vector<16xf32>
        %swap3A_1730 = arith.index_cast %add3A_1714 : i32 to index
        %swap3A_1731 = arith.constant 0 : index
        %swap3A_1732 = tpu.vector_load %arg10[%swap3A_1730, %swap3A_1731] {strides = array<i32>} : memref<640x64xf32, #tpu.memory_space<vmem>>, vector<16xf32>,
        tpu.vector_store %arg10[%swap3A_1730, %swap3A_1731], %add3A_1729 {strides = array<i32>} : memref<640x64xf32, #tpu.memory_space<vmem>>, vector<16xf32>,
        %get3A_1733 = arith.index_cast %add3A_1714 : i32 to index
        %get3A_1734 = arith.constant 16 : index
        %get3A_1735 = tpu.vector_load %arg10[%get3A_1733, %get3A_1734] {strides = array<i32>} : memref<640x64xf32, #tpu.memory_space<vmem>>, vector<16xf32>,
        %sub3A_1736 = arith.subf %get3A_1735, %gather3A_1719 : vector<16xf32>
        %mul3A_1737 = arith.mulf %sub3A_1736, %gather3A_1722 : vector<16xf32>
        %mul3A_1738 = arith.mulf %mul3A_1737, %get3A_8 : vector<16xf32>
        %add3A_1739 = arith.addf %mul3A_1738, %get3A_16 : vector<16xf32>
        %swap3A_1740 = arith.index_cast %add3A_1714 : i32 to index
        %swap3A_1741 = arith.constant 16 : index
        %swap3A_1742 = tpu.vector_load %arg10[%swap3A_1740, %swap3A_1741] {strides = array<i32>} : memref<640x64xf32, #tpu.memory_space<vmem>>, vector<16xf32>,
        tpu.vector_store %arg10[%swap3A_1740, %swap3A_1741], %add3A_1739 {strides = array<i32>} : memref<640x64xf32, #tpu.memory_space<vmem>>, vector<16xf32>,
        %get3A_1743 = arith.index_cast %add3A_1714 : i32 to index
        %get3A_1744 = arith.constant 32 : index
        %get3A_1745 = tpu.vector_load %arg10[%get3A_1743, %get3A_1744] {strides = array<i32>} : memref<640x64xf32, #tpu.memory_space<vmem>>, vector<16xf32>,
        %sub3A_1746 = arith.subf %get3A_1745, %gather3A_1719 : vector<16xf32>
        %mul3A_1747 = arith.mulf %sub3A_1746, %gather3A_1722 : vector<16xf32>
        %mul3A_1748 = arith.mulf %mul3A_1747, %get3A_10 : vector<16xf32>
        %add3A_1749 = arith.addf %mul3A_1748, %get3A_18 : vector<16xf32>
        %swap3A_1750 = arith.index_cast %add3A_1714 : i32 to index
        %swap3A_1751 = arith.constant 32 : index
        %swap3A_1752 = tpu.vector_load %arg10[%swap3A_1750, %swap3A_1751] {strides = array<i32>} : memref<640x64xf32, #tpu.memory_space<vmem>>, vector<16xf32>,
        tpu.vector_store %arg10[%swap3A_1750, %swap3A_1751], %add3A_1749 {strides = array<i32>} : memref<640x64xf32, #tpu.memory_space<vmem>>, vector<16xf32>,
        %get3A_1753 = arith.index_cast %add3A_1714 : i32 to index
        %get3A_1754 = arith.constant 48 : index
        %get3A_1755 = tpu.vector_load %arg10[%get3A_1753, %get3A_1754] {strides = array<i32>} : memref<640x64xf32, #tpu.memory_space<vmem>>, vector<16xf32>,
        %sub3A_1756 = arith.subf %get3A_1755, %gather3A_1719 : vector<16xf32>
        %mul3A_1757 = arith.mulf %sub3A_1756, %gather3A_1722 : vector<16xf32>
        %mul3A_1758 = arith.mulf %mul3A_1757, %get3A_12 : vector<16xf32>
        %add3A_1759 = arith.addf %mul3A_1758, %get3A_20 : vector<16xf32>
        %swap3A_1760 = arith.index_cast %add3A_1714 : i32 to index
        %swap3A_1761 = arith.constant 48 : index
        %swap3A_1762 = tpu.vector_load %arg10[%swap3A_1760, %swap3A_1761] {strides = array<i32>} : memref<640x64xf32, #tpu.memory_space<vmem>>, vector<16xf32>,
        tpu.vector_store %arg10[%swap3A_1760, %swap3A_1761], %add3A_1759 {strides = array<i32>} : memref<640x64xf32, #tpu.memory_space<vmem>>, vector<16xf32>,
        %add3A_1763 = arith.constant 9 : i32
        %add3A_1764 = arith.addi %mul3A_79, %add3A_1763 : i32
        %broadcast_in_dim3A_1765 = arith.constant 9 : i32
        %broadcast_in_dim3A_1766 = vector.broadcast %broadcast_in_dim3A_1765 : i32 to vector<16xi32>
        %broadcast_in_dim3A_1767 = vector.shape_cast %broadcast_in_dim3A_1766 : vector<16xi32> to vector<16x1xi32>
        %gather3A_1768 = vector.shape_cast %broadcast_in_dim3A_1767 : vector<16x1xi32> to vector<16xi32>
        %gather3A_1769 = tpu.dynamic_gather %mul3A_1272[%gather3A_1768] in [0] : vector<16xf32>, vector<16xi32> -> vector<16xf32>
        %broadcast_in_dim3A_1770 = vector.shape_cast %broadcast_in_dim3A_1766 : vector<16xi32> to vector<16x1xi32>
        %gather3A_1771 = vector.shape_cast %broadcast_in_dim3A_1770 : vector<16x1xi32> to vector<16xi32>
        %gather3A_1772 = tpu.dynamic_gather %mul3A_1313[%gather3A_1771] in [0] : vector<16xf32>, vector<16xi32> -> vector<16xf32>
        %get3A_1773 = arith.index_cast %add3A_1764 : i32 to index
        %get3A_1774 = arith.constant 0 : index
        %get3A_1775 = tpu.vector_load %arg10[%get3A_1773, %get3A_1774] {strides = array<i32>} : memref<640x64xf32, #tpu.memory_space<vmem>>, vector<16xf32>,
        %sub3A_1776 = arith.subf %get3A_1775, %gather3A_1769 : vector<16xf32>
        %mul3A_1777 = arith.mulf %sub3A_1776, %gather3A_1772 : vector<16xf32>
        %mul3A_1778 = arith.mulf %mul3A_1777, %get3A_6 : vector<16xf32>
        %add3A_1779 = arith.addf %mul3A_1778, %get3A_14 : vector<16xf32>
        %swap3A_1780 = arith.index_cast %add3A_1764 : i32 to index
        %swap3A_1781 = arith.constant 0 : index
        %swap3A_1782 = tpu.vector_load %arg10[%swap3A_1780, %swap3A_1781] {strides = array<i32>} : memref<640x64xf32, #tpu.memory_space<vmem>>, vector<16xf32>,
        tpu.vector_store %arg10[%swap3A_1780, %swap3A_1781], %add3A_1779 {strides = array<i32>} : memref<640x64xf32, #tpu.memory_space<vmem>>, vector<16xf32>,
        %get3A_1783 = arith.index_cast %add3A_1764 : i32 to index
        %get3A_1784 = arith.constant 16 : index
        %get3A_1785 = tpu.vector_load %arg10[%get3A_1783, %get3A_1784] {strides = array<i32>} : memref<640x64xf32, #tpu.memory_space<vmem>>, vector<16xf32>,
        %sub3A_1786 = arith.subf %get3A_1785, %gather3A_1769 : vector<16xf32>
        %mul3A_1787 = arith.mulf %sub3A_1786, %gather3A_1772 : vector<16xf32>
        %mul3A_1788 = arith.mulf %mul3A_1787, %get3A_8 : vector<16xf32>
        %add3A_1789 = arith.addf %mul3A_1788, %get3A_16 : vector<16xf32>
        %swap3A_1790 = arith.index_cast %add3A_1764 : i32 to index
        %swap3A_1791 = arith.constant 16 : index
        %swap3A_1792 = tpu.vector_load %arg10[%swap3A_1790, %swap3A_1791] {strides = array<i32>} : memref<640x64xf32, #tpu.memory_space<vmem>>, vector<16xf32>,
        tpu.vector_store %arg10[%swap3A_1790, %swap3A_1791], %add3A_1789 {strides = array<i32>} : memref<640x64xf32, #tpu.memory_space<vmem>>, vector<16xf32>,
        %get3A_1793 = arith.index_cast %add3A_1764 : i32 to index
        %get3A_1794 = arith.constant 32 : index
        %get3A_1795 = tpu.vector_load %arg10[%get3A_1793, %get3A_1794] {strides = array<i32>} : memref<640x64xf32, #tpu.memory_space<vmem>>, vector<16xf32>,
        %sub3A_1796 = arith.subf %get3A_1795, %gather3A_1769 : vector<16xf32>
        %mul3A_1797 = arith.mulf %sub3A_1796, %gather3A_1772 : vector<16xf32>
        %mul3A_1798 = arith.mulf %mul3A_1797, %get3A_10 : vector<16xf32>
        %add3A_1799 = arith.addf %mul3A_1798, %get3A_18 : vector<16xf32>
        %swap3A_1800 = arith.index_cast %add3A_1764 : i32 to index
        %swap3A_1801 = arith.constant 32 : index
        %swap3A_1802 = tpu.vector_load %arg10[%swap3A_1800, %swap3A_1801] {strides = array<i32>} : memref<640x64xf32, #tpu.memory_space<vmem>>, vector<16xf32>,
        tpu.vector_store %arg10[%swap3A_1800, %swap3A_1801], %add3A_1799 {strides = array<i32>} : memref<640x64xf32, #tpu.memory_space<vmem>>, vector<16xf32>,
        %get3A_1803 = arith.index_cast %add3A_1764 : i32 to index
        %get3A_1804 = arith.constant 48 : index
        %get3A_1805 = tpu.vector_load %arg10[%get3A_1803, %get3A_1804] {strides = array<i32>} : memref<640x64xf32, #tpu.memory_space<vmem>>, vector<16xf32>,
        %sub3A_1806 = arith.subf %get3A_1805, %gather3A_1769 : vector<16xf32>
        %mul3A_1807 = arith.mulf %sub3A_1806, %gather3A_1772 : vector<16xf32>
        %mul3A_1808 = arith.mulf %mul3A_1807, %get3A_12 : vector<16xf32>
        %add3A_1809 = arith.addf %mul3A_1808, %get3A_20 : vector<16xf32>
        %swap3A_1810 = arith.index_cast %add3A_1764 : i32 to index
        %swap3A_1811 = arith.constant 48 : index
        %swap3A_1812 = tpu.vector_load %arg10[%swap3A_1810, %swap3A_1811] {strides = array<i32>} : memref<640x64xf32, #tpu.memory_space<vmem>>, vector<16xf32>,
        tpu.vector_store %arg10[%swap3A_1810, %swap3A_1811], %add3A_1809 {strides = array<i32>} : memref<640x64xf32, #tpu.memory_space<vmem>>, vector<16xf32>,
        %add3A_1813 = arith.constant 10 : i32
        %add3A_1814 = arith.addi %mul3A_79, %add3A_1813 : i32
        %broadcast_in_dim3A_1815 = arith.constant 10 : i32
        %broadcast_in_dim3A_1816 = vector.broadcast %broadcast_in_dim3A_1815 : i32 to vector<16xi32>
        %broadcast_in_dim3A_1817 = vector.shape_cast %broadcast_in_dim3A_1816 : vector<16xi32> to vector<16x1xi32>
        %gather3A_1818 = vector.shape_cast %broadcast_in_dim3A_1817 : vector<16x1xi32> to vector<16xi32>
        %gather3A_1819 = tpu.dynamic_gather %mul3A_1272[%gather3A_1818] in [0] : vector<16xf32>, vector<16xi32> -> vector<16xf32>
        %broadcast_in_dim3A_1820 = vector.shape_cast %broadcast_in_dim3A_1816 : vector<16xi32> to vector<16x1xi32>
        %gather3A_1821 = vector.shape_cast %broadcast_in_dim3A_1820 : vector<16x1xi32> to vector<16xi32>
        %gather3A_1822 = tpu.dynamic_gather %mul3A_1313[%gather3A_1821] in [0] : vector<16xf32>, vector<16xi32> -> vector<16xf32>
        %get3A_1823 = arith.index_cast %add3A_1814 : i32 to index
        %get3A_1824 = arith.constant 0 : index
        %get3A_1825 = tpu.vector_load %arg10[%get3A_1823, %get3A_1824] {strides = array<i32>} : memref<640x64xf32, #tpu.memory_space<vmem>>, vector<16xf32>,
        %sub3A_1826 = arith.subf %get3A_1825, %gather3A_1819 : vector<16xf32>
        %mul3A_1827 = arith.mulf %sub3A_1826, %gather3A_1822 : vector<16xf32>
        %mul3A_1828 = arith.mulf %mul3A_1827, %get3A_6 : vector<16xf32>
        %add3A_1829 = arith.addf %mul3A_1828, %get3A_14 : vector<16xf32>
        %swap3A_1830 = arith.index_cast %add3A_1814 : i32 to index
        %swap3A_1831 = arith.constant 0 : index
        %swap3A_1832 = tpu.vector_load %arg10[%swap3A_1830, %swap3A_1831] {strides = array<i32>} : memref<640x64xf32, #tpu.memory_space<vmem>>, vector<16xf32>,
        tpu.vector_store %arg10[%swap3A_1830, %swap3A_1831], %add3A_1829 {strides = array<i32>} : memref<640x64xf32, #tpu.memory_space<vmem>>, vector<16xf32>,
        %get3A_1833 = arith.index_cast %add3A_1814 : i32 to index
        %get3A_1834 = arith.constant 16 : index
        %get3A_1835 = tpu.vector_load %arg10[%get3A_1833, %get3A_1834] {strides = array<i32>} : memref<640x64xf32, #tpu.memory_space<vmem>>, vector<16xf32>,
        %sub3A_1836 = arith.subf %get3A_1835, %gather3A_1819 : vector<16xf32>
        %mul3A_1837 = arith.mulf %sub3A_1836, %gather3A_1822 : vector<16xf32>
        %mul3A_1838 = arith.mulf %mul3A_1837, %get3A_8 : vector<16xf32>
        %add3A_1839 = arith.addf %mul3A_1838, %get3A_16 : vector<16xf32>
        %swap3A_1840 = arith.index_cast %add3A_1814 : i32 to index
        %swap3A_1841 = arith.constant 16 : index
        %swap3A_1842 = tpu.vector_load %arg10[%swap3A_1840, %swap3A_1841] {strides = array<i32>} : memref<640x64xf32, #tpu.memory_space<vmem>>, vector<16xf32>,
        tpu.vector_store %arg10[%swap3A_1840, %swap3A_1841], %add3A_1839 {strides = array<i32>} : memref<640x64xf32, #tpu.memory_space<vmem>>, vector<16xf32>,
        %get3A_1843 = arith.index_cast %add3A_1814 : i32 to index
        %get3A_1844 = arith.constant 32 : index
        %get3A_1845 = tpu.vector_load %arg10[%get3A_1843, %get3A_1844] {strides = array<i32>} : memref<640x64xf32, #tpu.memory_space<vmem>>, vector<16xf32>,
        %sub3A_1846 = arith.subf %get3A_1845, %gather3A_1819 : vector<16xf32>
        %mul3A_1847 = arith.mulf %sub3A_1846, %gather3A_1822 : vector<16xf32>
        %mul3A_1848 = arith.mulf %mul3A_1847, %get3A_10 : vector<16xf32>
        %add3A_1849 = arith.addf %mul3A_1848, %get3A_18 : vector<16xf32>
        %swap3A_1850 = arith.index_cast %add3A_1814 : i32 to index
        %swap3A_1851 = arith.constant 32 : index
        %swap3A_1852 = tpu.vector_load %arg10[%swap3A_1850, %swap3A_1851] {strides = array<i32>} : memref<640x64xf32, #tpu.memory_space<vmem>>, vector<16xf32>,
        tpu.vector_store %arg10[%swap3A_1850, %swap3A_1851], %add3A_1849 {strides = array<i32>} : memref<640x64xf32, #tpu.memory_space<vmem>>, vector<16xf32>,
        %get3A_1853 = arith.index_cast %add3A_1814 : i32 to index
        %get3A_1854 = arith.constant 48 : index
        %get3A_1855 = tpu.vector_load %arg10[%get3A_1853, %get3A_1854] {strides = array<i32>} : memref<640x64xf32, #tpu.memory_space<vmem>>, vector<16xf32>,
        %sub3A_1856 = arith.subf %get3A_1855, %gather3A_1819 : vector<16xf32>
        %mul3A_1857 = arith.mulf %sub3A_1856, %gather3A_1822 : vector<16xf32>
        %mul3A_1858 = arith.mulf %mul3A_1857, %get3A_12 : vector<16xf32>
        %add3A_1859 = arith.addf %mul3A_1858, %get3A_20 : vector<16xf32>
        %swap3A_1860 = arith.index_cast %add3A_1814 : i32 to index
        %swap3A_1861 = arith.constant 48 : index
        %swap3A_1862 = tpu.vector_load %arg10[%swap3A_1860, %swap3A_1861] {strides = array<i32>} : memref<640x64xf32, #tpu.memory_space<vmem>>, vector<16xf32>,
        tpu.vector_store %arg10[%swap3A_1860, %swap3A_1861], %add3A_1859 {strides = array<i32>} : memref<640x64xf32, #tpu.memory_space<vmem>>, vector<16xf32>,
        %add3A_1863 = arith.constant 11 : i32
        %add3A_1864 = arith.addi %mul3A_79, %add3A_1863 : i32
        %broadcast_in_dim3A_1865 = arith.constant 11 : i32
        %broadcast_in_dim3A_1866 = vector.broadcast %broadcast_in_dim3A_1865 : i32 to vector<16xi32>
        %broadcast_in_dim3A_1867 = vector.shape_cast %broadcast_in_dim3A_1866 : vector<16xi32> to vector<16x1xi32>
        %gather3A_1868 = vector.shape_cast %broadcast_in_dim3A_1867 : vector<16x1xi32> to vector<16xi32>
        %gather3A_1869 = tpu.dynamic_gather %mul3A_1272[%gather3A_1868] in [0] : vector<16xf32>, vector<16xi32> -> vector<16xf32>
        %broadcast_in_dim3A_1870 = vector.shape_cast %broadcast_in_dim3A_1866 : vector<16xi32> to vector<16x1xi32>
        %gather3A_1871 = vector.shape_cast %broadcast_in_dim3A_1870 : vector<16x1xi32> to vector<16xi32>
        %gather3A_1872 = tpu.dynamic_gather %mul3A_1313[%gather3A_1871] in [0] : vector<16xf32>, vector<16xi32> -> vector<16xf32>
        %get3A_1873 = arith.index_cast %add3A_1864 : i32 to index
        %get3A_1874 = arith.constant 0 : index
        %get3A_1875 = tpu.vector_load %arg10[%get3A_1873, %get3A_1874] {strides = array<i32>} : memref<640x64xf32, #tpu.memory_space<vmem>>, vector<16xf32>,
        %sub3A_1876 = arith.subf %get3A_1875, %gather3A_1869 : vector<16xf32>
        %mul3A_1877 = arith.mulf %sub3A_1876, %gather3A_1872 : vector<16xf32>
        %mul3A_1878 = arith.mulf %mul3A_1877, %get3A_6 : vector<16xf32>
        %add3A_1879 = arith.addf %mul3A_1878, %get3A_14 : vector<16xf32>
        %swap3A_1880 = arith.index_cast %add3A_1864 : i32 to index
        %swap3A_1881 = arith.constant 0 : index
        %swap3A_1882 = tpu.vector_load %arg10[%swap3A_1880, %swap3A_1881] {strides = array<i32>} : memref<640x64xf32, #tpu.memory_space<vmem>>, vector<16xf32>,
        tpu.vector_store %arg10[%swap3A_1880, %swap3A_1881], %add3A_1879 {strides = array<i32>} : memref<640x64xf32, #tpu.memory_space<vmem>>, vector<16xf32>,
        %get3A_1883 = arith.index_cast %add3A_1864 : i32 to index
        %get3A_1884 = arith.constant 16 : index
        %get3A_1885 = tpu.vector_load %arg10[%get3A_1883, %get3A_1884] {strides = array<i32>} : memref<640x64xf32, #tpu.memory_space<vmem>>, vector<16xf32>,
        %sub3A_1886 = arith.subf %get3A_1885, %gather3A_1869 : vector<16xf32>
        %mul3A_1887 = arith.mulf %sub3A_1886, %gather3A_1872 : vector<16xf32>
        %mul3A_1888 = arith.mulf %mul3A_1887, %get3A_8 : vector<16xf32>
        %add3A_1889 = arith.addf %mul3A_1888, %get3A_16 : vector<16xf32>
        %swap3A_1890 = arith.index_cast %add3A_1864 : i32 to index
        %swap3A_1891 = arith.constant 16 : index
        %swap3A_1892 = tpu.vector_load %arg10[%swap3A_1890, %swap3A_1891] {strides = array<i32>} : memref<640x64xf32, #tpu.memory_space<vmem>>, vector<16xf32>,
        tpu.vector_store %arg10[%swap3A_1890, %swap3A_1891], %add3A_1889 {strides = array<i32>} : memref<640x64xf32, #tpu.memory_space<vmem>>, vector<16xf32>,
        %get3A_1893 = arith.index_cast %add3A_1864 : i32 to index
        %get3A_1894 = arith.constant 32 : index
        %get3A_1895 = tpu.vector_load %arg10[%get3A_1893, %get3A_1894] {strides = array<i32>} : memref<640x64xf32, #tpu.memory_space<vmem>>, vector<16xf32>,
        %sub3A_1896 = arith.subf %get3A_1895, %gather3A_1869 : vector<16xf32>
        %mul3A_1897 = arith.mulf %sub3A_1896, %gather3A_1872 : vector<16xf32>
        %mul3A_1898 = arith.mulf %mul3A_1897, %get3A_10 : vector<16xf32>
        %add3A_1899 = arith.addf %mul3A_1898, %get3A_18 : vector<16xf32>
        %swap3A_1900 = arith.index_cast %add3A_1864 : i32 to index
        %swap3A_1901 = arith.constant 32 : index
        %swap3A_1902 = tpu.vector_load %arg10[%swap3A_1900, %swap3A_1901] {strides = array<i32>} : memref<640x64xf32, #tpu.memory_space<vmem>>, vector<16xf32>,
        tpu.vector_store %arg10[%swap3A_1900, %swap3A_1901], %add3A_1899 {strides = array<i32>} : memref<640x64xf32, #tpu.memory_space<vmem>>, vector<16xf32>,
        %get3A_1903 = arith.index_cast %add3A_1864 : i32 to index
        %get3A_1904 = arith.constant 48 : index
        %get3A_1905 = tpu.vector_load %arg10[%get3A_1903, %get3A_1904] {strides = array<i32>} : memref<640x64xf32, #tpu.memory_space<vmem>>, vector<16xf32>,
        %sub3A_1906 = arith.subf %get3A_1905, %gather3A_1869 : vector<16xf32>
        %mul3A_1907 = arith.mulf %sub3A_1906, %gather3A_1872 : vector<16xf32>
        %mul3A_1908 = arith.mulf %mul3A_1907, %get3A_12 : vector<16xf32>
        %add3A_1909 = arith.addf %mul3A_1908, %get3A_20 : vector<16xf32>
        %swap3A_1910 = arith.index_cast %add3A_1864 : i32 to index
        %swap3A_1911 = arith.constant 48 : index
        %swap3A_1912 = tpu.vector_load %arg10[%swap3A_1910, %swap3A_1911] {strides = array<i32>} : memref<640x64xf32, #tpu.memory_space<vmem>>, vector<16xf32>,
        tpu.vector_store %arg10[%swap3A_1910, %swap3A_1911], %add3A_1909 {strides = array<i32>} : memref<640x64xf32, #tpu.memory_space<vmem>>, vector<16xf32>,
        %add3A_1913 = arith.constant 12 : i32
        %add3A_1914 = arith.addi %mul3A_79, %add3A_1913 : i32
        %broadcast_in_dim3A_1915 = arith.constant 12 : i32
        %broadcast_in_dim3A_1916 = vector.broadcast %broadcast_in_dim3A_1915 : i32 to vector<16xi32>
        %broadcast_in_dim3A_1917 = vector.shape_cast %broadcast_in_dim3A_1916 : vector<16xi32> to vector<16x1xi32>
        %gather3A_1918 = vector.shape_cast %broadcast_in_dim3A_1917 : vector<16x1xi32> to vector<16xi32>
        %gather3A_1919 = tpu.dynamic_gather %mul3A_1272[%gather3A_1918] in [0] : vector<16xf32>, vector<16xi32> -> vector<16xf32>
        %broadcast_in_dim3A_1920 = vector.shape_cast %broadcast_in_dim3A_1916 : vector<16xi32> to vector<16x1xi32>
        %gather3A_1921 = vector.shape_cast %broadcast_in_dim3A_1920 : vector<16x1xi32> to vector<16xi32>
        %gather3A_1922 = tpu.dynamic_gather %mul3A_1313[%gather3A_1921] in [0] : vector<16xf32>, vector<16xi32> -> vector<16xf32>
        %get3A_1923 = arith.index_cast %add3A_1914 : i32 to index
        %get3A_1924 = arith.constant 0 : index
        %get3A_1925 = tpu.vector_load %arg10[%get3A_1923, %get3A_1924] {strides = array<i32>} : memref<640x64xf32, #tpu.memory_space<vmem>>, vector<16xf32>,
        %sub3A_1926 = arith.subf %get3A_1925, %gather3A_1919 : vector<16xf32>
        %mul3A_1927 = arith.mulf %sub3A_1926, %gather3A_1922 : vector<16xf32>
        %mul3A_1928 = arith.mulf %mul3A_1927, %get3A_6 : vector<16xf32>
        %add3A_1929 = arith.addf %mul3A_1928, %get3A_14 : vector<16xf32>
        %swap3A_1930 = arith.index_cast %add3A_1914 : i32 to index
        %swap3A_1931 = arith.constant 0 : index
        %swap3A_1932 = tpu.vector_load %arg10[%swap3A_1930, %swap3A_1931] {strides = array<i32>} : memref<640x64xf32, #tpu.memory_space<vmem>>, vector<16xf32>,
        tpu.vector_store %arg10[%swap3A_1930, %swap3A_1931], %add3A_1929 {strides = array<i32>} : memref<640x64xf32, #tpu.memory_space<vmem>>, vector<16xf32>,
        %get3A_1933 = arith.index_cast %add3A_1914 : i32 to index
        %get3A_1934 = arith.constant 16 : index
        %get3A_1935 = tpu.vector_load %arg10[%get3A_1933, %get3A_1934] {strides = array<i32>} : memref<640x64xf32, #tpu.memory_space<vmem>>, vector<16xf32>,
        %sub3A_1936 = arith.subf %get3A_1935, %gather3A_1919 : vector<16xf32>
        %mul3A_1937 = arith.mulf %sub3A_1936, %gather3A_1922 : vector<16xf32>
        %mul3A_1938 = arith.mulf %mul3A_1937, %get3A_8 : vector<16xf32>
        %add3A_1939 = arith.addf %mul3A_1938, %get3A_16 : vector<16xf32>
        %swap3A_1940 = arith.index_cast %add3A_1914 : i32 to index
        %swap3A_1941 = arith.constant 16 : index
        %swap3A_1942 = tpu.vector_load %arg10[%swap3A_1940, %swap3A_1941] {strides = array<i32>} : memref<640x64xf32, #tpu.memory_space<vmem>>, vector<16xf32>,
        tpu.vector_store %arg10[%swap3A_1940, %swap3A_1941], %add3A_1939 {strides = array<i32>} : memref<640x64xf32, #tpu.memory_space<vmem>>, vector<16xf32>,
        %get3A_1943 = arith.index_cast %add3A_1914 : i32 to index
        %get3A_1944 = arith.constant 32 : index
        %get3A_1945 = tpu.vector_load %arg10[%get3A_1943, %get3A_1944] {strides = array<i32>} : memref<640x64xf32, #tpu.memory_space<vmem>>, vector<16xf32>,
        %sub3A_1946 = arith.subf %get3A_1945, %gather3A_1919 : vector<16xf32>
        %mul3A_1947 = arith.mulf %sub3A_1946, %gather3A_1922 : vector<16xf32>
        %mul3A_1948 = arith.mulf %mul3A_1947, %get3A_10 : vector<16xf32>
        %add3A_1949 = arith.addf %mul3A_1948, %get3A_18 : vector<16xf32>
        %swap3A_1950 = arith.index_cast %add3A_1914 : i32 to index
        %swap3A_1951 = arith.constant 32 : index
        %swap3A_1952 = tpu.vector_load %arg10[%swap3A_1950, %swap3A_1951] {strides = array<i32>} : memref<640x64xf32, #tpu.memory_space<vmem>>, vector<16xf32>,
        tpu.vector_store %arg10[%swap3A_1950, %swap3A_1951], %add3A_1949 {strides = array<i32>} : memref<640x64xf32, #tpu.memory_space<vmem>>, vector<16xf32>,
        %get3A_1953 = arith.index_cast %add3A_1914 : i32 to index
        %get3A_1954 = arith.constant 48 : index
        %get3A_1955 = tpu.vector_load %arg10[%get3A_1953, %get3A_1954] {strides = array<i32>} : memref<640x64xf32, #tpu.memory_space<vmem>>, vector<16xf32>,
        %sub3A_1956 = arith.subf %get3A_1955, %gather3A_1919 : vector<16xf32>
        %mul3A_1957 = arith.mulf %sub3A_1956, %gather3A_1922 : vector<16xf32>
        %mul3A_1958 = arith.mulf %mul3A_1957, %get3A_12 : vector<16xf32>
        %add3A_1959 = arith.addf %mul3A_1958, %get3A_20 : vector<16xf32>
        %swap3A_1960 = arith.index_cast %add3A_1914 : i32 to index
        %swap3A_1961 = arith.constant 48 : index
        %swap3A_1962 = tpu.vector_load %arg10[%swap3A_1960, %swap3A_1961] {strides = array<i32>} : memref<640x64xf32, #tpu.memory_space<vmem>>, vector<16xf32>,
        tpu.vector_store %arg10[%swap3A_1960, %swap3A_1961], %add3A_1959 {strides = array<i32>} : memref<640x64xf32, #tpu.memory_space<vmem>>, vector<16xf32>,
        %add3A_1963 = arith.constant 13 : i32
        %add3A_1964 = arith.addi %mul3A_79, %add3A_1963 : i32
        %broadcast_in_dim3A_1965 = arith.constant 13 : i32
        %broadcast_in_dim3A_1966 = vector.broadcast %broadcast_in_dim3A_1965 : i32 to vector<16xi32>
        %broadcast_in_dim3A_1967 = vector.shape_cast %broadcast_in_dim3A_1966 : vector<16xi32> to vector<16x1xi32>
        %gather3A_1968 = vector.shape_cast %broadcast_in_dim3A_1967 : vector<16x1xi32> to vector<16xi32>
        %gather3A_1969 = tpu.dynamic_gather %mul3A_1272[%gather3A_1968] in [0] : vector<16xf32>, vector<16xi32> -> vector<16xf32>
        %broadcast_in_dim3A_1970 = vector.shape_cast %broadcast_in_dim3A_1966 : vector<16xi32> to vector<16x1xi32>
        %gather3A_1971 = vector.shape_cast %broadcast_in_dim3A_1970 : vector<16x1xi32> to vector<16xi32>
        %gather3A_1972 = tpu.dynamic_gather %mul3A_1313[%gather3A_1971] in [0] : vector<16xf32>, vector<16xi32> -> vector<16xf32>
        %get3A_1973 = arith.index_cast %add3A_1964 : i32 to index
        %get3A_1974 = arith.constant 0 : index
        %get3A_1975 = tpu.vector_load %arg10[%get3A_1973, %get3A_1974] {strides = array<i32>} : memref<640x64xf32, #tpu.memory_space<vmem>>, vector<16xf32>,
        %sub3A_1976 = arith.subf %get3A_1975, %gather3A_1969 : vector<16xf32>
        %mul3A_1977 = arith.mulf %sub3A_1976, %gather3A_1972 : vector<16xf32>
        %mul3A_1978 = arith.mulf %mul3A_1977, %get3A_6 : vector<16xf32>
        %add3A_1979 = arith.addf %mul3A_1978, %get3A_14 : vector<16xf32>
        %swap3A_1980 = arith.index_cast %add3A_1964 : i32 to index
        %swap3A_1981 = arith.constant 0 : index
        %swap3A_1982 = tpu.vector_load %arg10[%swap3A_1980, %swap3A_1981] {strides = array<i32>} : memref<640x64xf32, #tpu.memory_space<vmem>>, vector<16xf32>,
        tpu.vector_store %arg10[%swap3A_1980, %swap3A_1981], %add3A_1979 {strides = array<i32>} : memref<640x64xf32, #tpu.memory_space<vmem>>, vector<16xf32>,
        %get3A_1983 = arith.index_cast %add3A_1964 : i32 to index
        %get3A_1984 = arith.constant 16 : index
        %get3A_1985 = tpu.vector_load %arg10[%get3A_1983, %get3A_1984] {strides = array<i32>} : memref<640x64xf32, #tpu.memory_space<vmem>>, vector<16xf32>,
        %sub3A_1986 = arith.subf %get3A_1985, %gather3A_1969 : vector<16xf32>
        %mul3A_1987 = arith.mulf %sub3A_1986, %gather3A_1972 : vector<16xf32>
        %mul3A_1988 = arith.mulf %mul3A_1987, %get3A_8 : vector<16xf32>
        %add3A_1989 = arith.addf %mul3A_1988, %get3A_16 : vector<16xf32>
        %swap3A_1990 = arith.index_cast %add3A_1964 : i32 to index
        %swap3A_1991 = arith.constant 16 : index
        %swap3A_1992 = tpu.vector_load %arg10[%swap3A_1990, %swap3A_1991] {strides = array<i32>} : memref<640x64xf32, #tpu.memory_space<vmem>>, vector<16xf32>,
        tpu.vector_store %arg10[%swap3A_1990, %swap3A_1991], %add3A_1989 {strides = array<i32>} : memref<640x64xf32, #tpu.memory_space<vmem>>, vector<16xf32>,
        %get3A_1993 = arith.index_cast %add3A_1964 : i32 to index
        %get3A_1994 = arith.constant 32 : index
        %get3A_1995 = tpu.vector_load %arg10[%get3A_1993, %get3A_1994] {strides = array<i32>} : memref<640x64xf32, #tpu.memory_space<vmem>>, vector<16xf32>,
        %sub3A_1996 = arith.subf %get3A_1995, %gather3A_1969 : vector<16xf32>
        %mul3A_1997 = arith.mulf %sub3A_1996, %gather3A_1972 : vector<16xf32>
        %mul3A_1998 = arith.mulf %mul3A_1997, %get3A_10 : vector<16xf32>
        %add3A_1999 = arith.addf %mul3A_1998, %get3A_18 : vector<16xf32>
        %swap3A_2000 = arith.index_cast %add3A_1964 : i32 to index
        %swap3A_2001 = arith.constant 32 : index
        %swap3A_2002 = tpu.vector_load %arg10[%swap3A_2000, %swap3A_2001] {strides = array<i32>} : memref<640x64xf32, #tpu.memory_space<vmem>>, vector<16xf32>,
        tpu.vector_store %arg10[%swap3A_2000, %swap3A_2001], %add3A_1999 {strides = array<i32>} : memref<640x64xf32, #tpu.memory_space<vmem>>, vector<16xf32>,
        %get3A_2003 = arith.index_cast %add3A_1964 : i32 to index
        %get3A_2004 = arith.constant 48 : index
        %get3A_2005 = tpu.vector_load %arg10[%get3A_2003, %get3A_2004] {strides = array<i32>} : memref<640x64xf32, #tpu.memory_space<vmem>>, vector<16xf32>,
        %sub3A_2006 = arith.subf %get3A_2005, %gather3A_1969 : vector<16xf32>
        %mul3A_2007 = arith.mulf %sub3A_2006, %gather3A_1972 : vector<16xf32>
        %mul3A_2008 = arith.mulf %mul3A_2007, %get3A_12 : vector<16xf32>
        %add3A_2009 = arith.addf %mul3A_2008, %get3A_20 : vector<16xf32>
        %swap3A_2010 = arith.index_cast %add3A_1964 : i32 to index
        %swap3A_2011 = arith.constant 48 : index
        %swap3A_2012 = tpu.vector_load %arg10[%swap3A_2010, %swap3A_2011] {strides = array<i32>} : memref<640x64xf32, #tpu.memory_space<vmem>>, vector<16xf32>,
        tpu.vector_store %arg10[%swap3A_2010, %swap3A_2011], %add3A_2009 {strides = array<i32>} : memref<640x64xf32, #tpu.memory_space<vmem>>, vector<16xf32>,
        %add3A_2013 = arith.constant 14 : i32
        %add3A_2014 = arith.addi %mul3A_79, %add3A_2013 : i32
        %broadcast_in_dim3A_2015 = arith.constant 14 : i32
        %broadcast_in_dim3A_2016 = vector.broadcast %broadcast_in_dim3A_2015 : i32 to vector<16xi32>
        %broadcast_in_dim3A_2017 = vector.shape_cast %broadcast_in_dim3A_2016 : vector<16xi32> to vector<16x1xi32>
        %gather3A_2018 = vector.shape_cast %broadcast_in_dim3A_2017 : vector<16x1xi32> to vector<16xi32>
        %gather3A_2019 = tpu.dynamic_gather %mul3A_1272[%gather3A_2018] in [0] : vector<16xf32>, vector<16xi32> -> vector<16xf32>
        %broadcast_in_dim3A_2020 = vector.shape_cast %broadcast_in_dim3A_2016 : vector<16xi32> to vector<16x1xi32>
        %gather3A_2021 = vector.shape_cast %broadcast_in_dim3A_2020 : vector<16x1xi32> to vector<16xi32>
        %gather3A_2022 = tpu.dynamic_gather %mul3A_1313[%gather3A_2021] in [0] : vector<16xf32>, vector<16xi32> -> vector<16xf32>
        %get3A_2023 = arith.index_cast %add3A_2014 : i32 to index
        %get3A_2024 = arith.constant 0 : index
        %get3A_2025 = tpu.vector_load %arg10[%get3A_2023, %get3A_2024] {strides = array<i32>} : memref<640x64xf32, #tpu.memory_space<vmem>>, vector<16xf32>,
        %sub3A_2026 = arith.subf %get3A_2025, %gather3A_2019 : vector<16xf32>
        %mul3A_2027 = arith.mulf %sub3A_2026, %gather3A_2022 : vector<16xf32>
        %mul3A_2028 = arith.mulf %mul3A_2027, %get3A_6 : vector<16xf32>
        %add3A_2029 = arith.addf %mul3A_2028, %get3A_14 : vector<16xf32>
        %swap3A_2030 = arith.index_cast %add3A_2014 : i32 to index
        %swap3A_2031 = arith.constant 0 : index
        %swap3A_2032 = tpu.vector_load %arg10[%swap3A_2030, %swap3A_2031] {strides = array<i32>} : memref<640x64xf32, #tpu.memory_space<vmem>>, vector<16xf32>,
        tpu.vector_store %arg10[%swap3A_2030, %swap3A_2031], %add3A_2029 {strides = array<i32>} : memref<640x64xf32, #tpu.memory_space<vmem>>, vector<16xf32>,
        %get3A_2033 = arith.index_cast %add3A_2014 : i32 to index
        %get3A_2034 = arith.constant 16 : index
        %get3A_2035 = tpu.vector_load %arg10[%get3A_2033, %get3A_2034] {strides = array<i32>} : memref<640x64xf32, #tpu.memory_space<vmem>>, vector<16xf32>,
        %sub3A_2036 = arith.subf %get3A_2035, %gather3A_2019 : vector<16xf32>
        %mul3A_2037 = arith.mulf %sub3A_2036, %gather3A_2022 : vector<16xf32>
        %mul3A_2038 = arith.mulf %mul3A_2037, %get3A_8 : vector<16xf32>
        %add3A_2039 = arith.addf %mul3A_2038, %get3A_16 : vector<16xf32>
        %swap3A_2040 = arith.index_cast %add3A_2014 : i32 to index
        %swap3A_2041 = arith.constant 16 : index
        %swap3A_2042 = tpu.vector_load %arg10[%swap3A_2040, %swap3A_2041] {strides = array<i32>} : memref<640x64xf32, #tpu.memory_space<vmem>>, vector<16xf32>,
        tpu.vector_store %arg10[%swap3A_2040, %swap3A_2041], %add3A_2039 {strides = array<i32>} : memref<640x64xf32, #tpu.memory_space<vmem>>, vector<16xf32>,
        %get3A_2043 = arith.index_cast %add3A_2014 : i32 to index
        %get3A_2044 = arith.constant 32 : index
        %get3A_2045 = tpu.vector_load %arg10[%get3A_2043, %get3A_2044] {strides = array<i32>} : memref<640x64xf32, #tpu.memory_space<vmem>>, vector<16xf32>,
        %sub3A_2046 = arith.subf %get3A_2045, %gather3A_2019 : vector<16xf32>
        %mul3A_2047 = arith.mulf %sub3A_2046, %gather3A_2022 : vector<16xf32>
        %mul3A_2048 = arith.mulf %mul3A_2047, %get3A_10 : vector<16xf32>
        %add3A_2049 = arith.addf %mul3A_2048, %get3A_18 : vector<16xf32>
        %swap3A_2050 = arith.index_cast %add3A_2014 : i32 to index
        %swap3A_2051 = arith.constant 32 : index
        %swap3A_2052 = tpu.vector_load %arg10[%swap3A_2050, %swap3A_2051] {strides = array<i32>} : memref<640x64xf32, #tpu.memory_space<vmem>>, vector<16xf32>,
        tpu.vector_store %arg10[%swap3A_2050, %swap3A_2051], %add3A_2049 {strides = array<i32>} : memref<640x64xf32, #tpu.memory_space<vmem>>, vector<16xf32>,
        %get3A_2053 = arith.index_cast %add3A_2014 : i32 to index
        %get3A_2054 = arith.constant 48 : index
        %get3A_2055 = tpu.vector_load %arg10[%get3A_2053, %get3A_2054] {strides = array<i32>} : memref<640x64xf32, #tpu.memory_space<vmem>>, vector<16xf32>,
        %sub3A_2056 = arith.subf %get3A_2055, %gather3A_2019 : vector<16xf32>
        %mul3A_2057 = arith.mulf %sub3A_2056, %gather3A_2022 : vector<16xf32>
        %mul3A_2058 = arith.mulf %mul3A_2057, %get3A_12 : vector<16xf32>
        %add3A_2059 = arith.addf %mul3A_2058, %get3A_20 : vector<16xf32>
        %swap3A_2060 = arith.index_cast %add3A_2014 : i32 to index
        %swap3A_2061 = arith.constant 48 : index
        %swap3A_2062 = tpu.vector_load %arg10[%swap3A_2060, %swap3A_2061] {strides = array<i32>} : memref<640x64xf32, #tpu.memory_space<vmem>>, vector<16xf32>,
        tpu.vector_store %arg10[%swap3A_2060, %swap3A_2061], %add3A_2059 {strides = array<i32>} : memref<640x64xf32, #tpu.memory_space<vmem>>, vector<16xf32>,
        %add3A_2063 = arith.constant 15 : i32
        %add3A_2064 = arith.addi %mul3A_79, %add3A_2063 : i32
        %broadcast_in_dim3A_2065 = arith.constant 15 : i32
        %broadcast_in_dim3A_2066 = vector.broadcast %broadcast_in_dim3A_2065 : i32 to vector<16xi32>
        %broadcast_in_dim3A_2067 = vector.shape_cast %broadcast_in_dim3A_2066 : vector<16xi32> to vector<16x1xi32>
        %gather3A_2068 = vector.shape_cast %broadcast_in_dim3A_2067 : vector<16x1xi32> to vector<16xi32>
        %gather3A_2069 = tpu.dynamic_gather %mul3A_1272[%gather3A_2068] in [0] : vector<16xf32>, vector<16xi32> -> vector<16xf32>
        %broadcast_in_dim3A_2070 = vector.shape_cast %broadcast_in_dim3A_2066 : vector<16xi32> to vector<16x1xi32>
        %gather3A_2071 = vector.shape_cast %broadcast_in_dim3A_2070 : vector<16x1xi32> to vector<16xi32>
        %gather3A_2072 = tpu.dynamic_gather %mul3A_1313[%gather3A_2071] in [0] : vector<16xf32>, vector<16xi32> -> vector<16xf32>
        %get3A_2073 = arith.index_cast %add3A_2064 : i32 to index
        %get3A_2074 = arith.constant 0 : index
        %get3A_2075 = tpu.vector_load %arg10[%get3A_2073, %get3A_2074] {strides = array<i32>} : memref<640x64xf32, #tpu.memory_space<vmem>>, vector<16xf32>,
        %sub3A_2076 = arith.subf %get3A_2075, %gather3A_2069 : vector<16xf32>
        %mul3A_2077 = arith.mulf %sub3A_2076, %gather3A_2072 : vector<16xf32>
        %mul3A_2078 = arith.mulf %mul3A_2077, %get3A_6 : vector<16xf32>
        %add3A_2079 = arith.addf %mul3A_2078, %get3A_14 : vector<16xf32>
        %swap3A_2080 = arith.index_cast %add3A_2064 : i32 to index
        %swap3A_2081 = arith.constant 0 : index
        %swap3A_2082 = tpu.vector_load %arg10[%swap3A_2080, %swap3A_2081] {strides = array<i32>} : memref<640x64xf32, #tpu.memory_space<vmem>>, vector<16xf32>,
        tpu.vector_store %arg10[%swap3A_2080, %swap3A_2081], %add3A_2079 {strides = array<i32>} : memref<640x64xf32, #tpu.memory_space<vmem>>, vector<16xf32>,
        %get3A_2083 = arith.index_cast %add3A_2064 : i32 to index
        %get3A_2084 = arith.constant 16 : index
        %get3A_2085 = tpu.vector_load %arg10[%get3A_2083, %get3A_2084] {strides = array<i32>} : memref<640x64xf32, #tpu.memory_space<vmem>>, vector<16xf32>,
        %sub3A_2086 = arith.subf %get3A_2085, %gather3A_2069 : vector<16xf32>
        %mul3A_2087 = arith.mulf %sub3A_2086, %gather3A_2072 : vector<16xf32>
        %mul3A_2088 = arith.mulf %mul3A_2087, %get3A_8 : vector<16xf32>
        %add3A_2089 = arith.addf %mul3A_2088, %get3A_16 : vector<16xf32>
        %swap3A_2090 = arith.index_cast %add3A_2064 : i32 to index
        %swap3A_2091 = arith.constant 16 : index
        %swap3A_2092 = tpu.vector_load %arg10[%swap3A_2090, %swap3A_2091] {strides = array<i32>} : memref<640x64xf32, #tpu.memory_space<vmem>>, vector<16xf32>,
        tpu.vector_store %arg10[%swap3A_2090, %swap3A_2091], %add3A_2089 {strides = array<i32>} : memref<640x64xf32, #tpu.memory_space<vmem>>, vector<16xf32>,
        %get3A_2093 = arith.index_cast %add3A_2064 : i32 to index
        %get3A_2094 = arith.constant 32 : index
        %get3A_2095 = tpu.vector_load %arg10[%get3A_2093, %get3A_2094] {strides = array<i32>} : memref<640x64xf32, #tpu.memory_space<vmem>>, vector<16xf32>,
        %sub3A_2096 = arith.subf %get3A_2095, %gather3A_2069 : vector<16xf32>
        %mul3A_2097 = arith.mulf %sub3A_2096, %gather3A_2072 : vector<16xf32>
        %mul3A_2098 = arith.mulf %mul3A_2097, %get3A_10 : vector<16xf32>
        %add3A_2099 = arith.addf %mul3A_2098, %get3A_18 : vector<16xf32>
        %swap3A_2100 = arith.index_cast %add3A_2064 : i32 to index
        %swap3A_2101 = arith.constant 32 : index
        %swap3A_2102 = tpu.vector_load %arg10[%swap3A_2100, %swap3A_2101] {strides = array<i32>} : memref<640x64xf32, #tpu.memory_space<vmem>>, vector<16xf32>,
        tpu.vector_store %arg10[%swap3A_2100, %swap3A_2101], %add3A_2099 {strides = array<i32>} : memref<640x64xf32, #tpu.memory_space<vmem>>, vector<16xf32>,
        %get3A_2103 = arith.index_cast %add3A_2064 : i32 to index
        %get3A_2104 = arith.constant 48 : index
        %get3A_2105 = tpu.vector_load %arg10[%get3A_2103, %get3A_2104] {strides = array<i32>} : memref<640x64xf32, #tpu.memory_space<vmem>>, vector<16xf32>,
        %sub3A_2106 = arith.subf %get3A_2105, %gather3A_2069 : vector<16xf32>
        %mul3A_2107 = arith.mulf %sub3A_2106, %gather3A_2072 : vector<16xf32>
        %mul3A_2108 = arith.mulf %mul3A_2107, %get3A_12 : vector<16xf32>
        %add3A_2109 = arith.addf %mul3A_2108, %get3A_20 : vector<16xf32>
        %swap3A_2110 = arith.index_cast %add3A_2064 : i32 to index
        %swap3A_2111 = arith.constant 48 : index
        %swap3A_2112 = tpu.vector_load %arg10[%swap3A_2110, %swap3A_2111] {strides = array<i32>} : memref<640x64xf32, #tpu.memory_space<vmem>>, vector<16xf32>,
        tpu.vector_store %arg10[%swap3A_2110, %swap3A_2111], %add3A_2109 {strides = array<i32>} : memref<640x64xf32, #tpu.memory_space<vmem>>, vector<16xf32>,
      }
      %scan3A_76 = arith.constant 40 : i32
      "tpu.region"() ({
        %run_scoped3A = tpu.sem_alloc : memref<!tpu.dma_semaphore, #tpu.memory_space<semaphore_mem>>
        %dma_start3A_77 = arith.constant 0 : i32
        %dma_start3A_78 = tpu.memref_slice %arg7[%add3A_68, %dma_start3A_77] : memref<819200x64xf32, #tpu.memory_space<hbm>> -> memref<640x64xf32, #tpu.memory_space<hbm>>
        %dma_start3A_79 = arith.constant 0 : i32
        %dma_start3A_80 = tpu.memref_slice %arg7[%add3A_68, %dma_start3A_79] : memref<819200x64xf32, #tpu.memory_space<hbm>> -> memref<640x64xf32, #tpu.memory_space<hbm>>
        tpu.enqueue_dma source(%arg10 : memref<640x64xf32, #tpu.memory_space<vmem>>) target(%dma_start3A_80 : memref<640x64xf32, #tpu.memory_space<hbm>>) target_semaphore(%run_scoped3A : memref<!tpu.dma_semaphore, #tpu.memory_space<semaphore_mem>>)
        %dma_wait3A_81 = arith.constant 0 : i32
        %dma_wait3A_82 = tpu.memref_slice %arg7[%add3A_68, %dma_wait3A_81] : memref<819200x64xf32, #tpu.memory_space<hbm>> -> memref<640x64xf32, #tpu.memory_space<hbm>>
        %dma_wait3A_83 = arith.constant 0 : i32
        %dma_wait3A_84 = tpu.memref_slice %arg7[%add3A_68, %dma_wait3A_83] : memref<819200x64xf32, #tpu.memory_space<hbm>> -> memref<640x64xf32, #tpu.memory_space<hbm>>
        tpu.wait_dma2 semaphore(%run_scoped3A : memref<!tpu.dma_semaphore, #tpu.memory_space<semaphore_mem>>) src(%arg10 : memref<640x64xf32, #tpu.memory_space<vmem>>) dst(%dma_wait3A_84 : memref<640x64xf32, #tpu.memory_space<hbm>>)
        tpu.yield
      }) : () -> ()
    }
    %scan3A_29 = arith.constant 20 : i32
    return
  }
}

</mosaic_0001>

<sc_bundles>
// kernel: kernel.3.cloned.1.call-start
scs
__scs_entry_jumppad:
0x0: {  	(pc) =	sbr.rel $0x88, $3  }
0x1: {  	(tag) =	ssettag $0x0;
	lr =	simm.s32 $0x1  }
0x2: {  	[smem:$0x3F9C] =	sst lr;
	_ =	strace $0xD0000000  }
0x3: {  	_ = 	snop  }
0x4: {  	_ = 	snop  }
0x5: {  	_ = 	snop  }
0x6: {  	_ = 	snop  }
0x7: {  	_ = 	snop  }
__scs_overlays_trampoline_lowered:
0x8: {  	[smem:$0x3FAB] =	sst s0  }
0x9: {  	[smem:$0x3FAC] =	sst s1  }
0xa: {  	[smem:$0x3FAD] =	sst s2  }
0xb: {  	[smem:$0x3FAE] =	sst s3  }
0xc: {  	[smem:$0x3FAF] =	sst s4  }
0xd: {  	[smem:$0x3FB0] =	sst s5  }
0xe: {  	[smem:$0x3FB1] =	sst s6  }
0xf: {  	[smem:$0x3FB2] =	sst s7  }
0x10: {  	[smem:$0x3FB3] =	sst s8  }
0x11: {  	[smem:$0x3FB4] =	sst s9;
	s0 =	simm.s32 @!p0 $0x0  }
0x12: {  	s1 =	sld [smem:$0x3F9A];
	s0 =	simm.s32 @p0 $0x1  }
0x13: {  	[smem:$0x3FB5] =	sst s0;
	s0 =	simm.s32 @!p1 $0x0  }
0x14: {  	s2 =	sld [smem:$0x3F99];
	s0 =	simm.s32 @p1 $0x1  }
0x15: {  	[smem:$0x3FB6] =	sst s0;
	s0 =	simm.s32 @!p2 $0x0  }
0x16: {  	s3 =	sld [smem:$0x3FDB];
	s0 =	simm.s32 @p2 $0x1  }
0x17: {  	s4 =	simm.s32 $0x1BF5;
	[smem:$0x3FB8] =	sst s0  }
0x18: {  	s0 =	sld [smem:$0x3F9B];
	_ =	swait.ge [sflag:s4], $0x0  }
0x19: {  	s7 =	sld [smem:$0x3F9C]  }
0x1a: {  	s8 =	sadd.s32 $0xFFFFE003, lr  }
0x1b: {  	s9 =	sadd.s32 $0xFFFFFEF7, lr;
	s5 =	simm.s32 $0xFFFFFFFF;
	p2 =	slt.u32 s8, $0xFFFFF086  }
0x1c: {  	p1 =	slt.u32 s9, $0xF7A;
	s5 =	simm.s32 @!p2 $0x0  }
0x1d: {  	s5 =	simm.s32 @p1 $0x1;
	p0 =	seq.s32 s7, s2  }
0x1e: {  	s7 =	smul.u32 @!p0 $0xF7A, s2;
	p2 =	seq.s32 @!p0 s5, $0x0  }
0x1f: {  	s9 =	smul.u32 $0xF7A, s1;
	s8 =	simm.s32 @!p0 $0x1BF5;
	p2 =	por !p2, p0  }
0x20: {  	[sflag:s8] =	ssyncset.s32 @!p0 $0xFFFFF086;
	s6 =	sadd.s32 @!p0 s3, s7;
	s7 =	simm.s32 @!p0 $0x108  }
0x21: {  	s3 =	sadd.s32 s3, s9;
	s6 =	sadd.s32 @!p0 $0x88, s6;
	s7 =	simm.s32 @p2 $0x1082  }
0x22: {  	[simem:s7], [sflag:s8] =	dma.local @!p0 [hbm:s6], $0xF7A  }
0x23: {  	s9 =	sor.u32 $0xD0000000, s2;
	s6 =	simm.s32 $0x108;
	_ =	swait.ge @!p0 [sflag:s8], $0x0  }
0x24: {  	s3 =	sadd.s32 $0x88, s3;
	s6 =	simm.s32 @!p1 $0x1082;
	[sflag:s4] =	ssyncset.s32 $0xFFFFF086  }
0x25: {  	[simem:s6], [sflag:s4] =	dma.local [hbm:s3], $0xF7A  }
0x26: {  	[smem:$0x3F9C] =	sst s1;
	(tag) =	ssettag s2;
	_ =	strace s9  }
0x27: {  	s1 =	sld [smem:$0x3FAC]  }
0x28: {  	s2 =	sld [smem:$0x3FAD]  }
0x29: {  	s4 =	sld [smem:$0x3FAF]  }
0x2a: {  	p0 =	seq.s32 s5, $0x0;
	s5 =	sld [smem:$0x3FB0]  }
0x2b: {  	s6 =	sld [smem:$0x3FB1]  }
0x2c: {  	s7 =	sld [smem:$0x3FB2]  }
0x2d: {  	s3 =	simm.s32 $0x108;
	s8 =	sld [smem:$0x3FB3]  }
0x2e: {  	s3 =	simm.s32 @!p0 $0x1082;
	s9 =	sld [smem:$0x3FB4]  }
0x2f: {  	lr =	sadd.s32 s0, s3;
	s0 =	sld [smem:$0x3FAB]  }
0x30: {  	s3 =	sld [smem:$0x3FAE]  }
0x31: {  	[smem:$0x3FB7] =	sst s10  }
0x32: {  	s10 =	sld [smem:$0x3FB5];
	_ =	sdelay $0x3  }
0x33: {  	p0 =	seq.s32 s10, $0x1;
	s10 =	sld [smem:$0x3FB7];
	_ =	sdelay $0x3  }
0x34: {  	[smem:$0x3FB7] =	sst s10  }
0x35: {  	s10 =	sld [smem:$0x3FB6];
	_ =	sdelay $0x3  }
0x36: {  	p1 =	seq.s32 s10, $0x1;
	s10 =	sld [smem:$0x3FB7];
	_ =	sdelay $0x3  }
0x37: {  	[smem:$0x3FB7] =	sst s10  }
0x38: {  	s10 =	sld [smem:$0x3FB8]  }
0x39: {  	_ = 	snop;
	(pc) =	sbr.ind lr, $3  }
0x3a: {  	_ = 	snop  }
0x3b: {  	_ = 	snop  }
0x3c: {  	p2 =	seq.s32 s10, $0x1;
	s10 =	sld [smem:$0x3FB7]  }
0x3d: {  	_ =	shalt  }
0x3e: {  	_ =	shalt  }
0x3f: {  	_ =	shalt  }
0x40: {  	_ =	shalt  }
0x41: {  	_ =	shalt  }
0x42: {  	_ =	shalt  }
0x43: {  	_ =	shalt  }
0x44: {  	_ =	shalt  }
0x45: {  	_ =	shalt  }
0x46: {  	_ =	shalt  }
0x47: {  	_ =	shalt  }
0x48: {  	_ =	shalt  }
0x49: {  	_ =	shalt  }
0x4a: {  	_ =	shalt  }
0x4b: {  	_ =	shalt  }
0x4c: {  	_ =	shalt  }
0x4d: {  	_ =	shalt  }
0x4e: {  	_ =	shalt  }
0x4f: {  	_ =	shalt  }
0x50: {  	_ =	shalt  }
0x51: {  	_ =	shalt  }
0x52: {  	_ =	shalt  }
0x53: {  	_ =	shalt  }
0x54: {  	_ =	shalt  }
0x55: {  	_ =	shalt  }
0x56: {  	_ =	shalt  }
0x57: {  	_ =	shalt  }
0x58: {  	_ =	shalt  }
0x59: {  	_ =	shalt  }
0x5a: {  	_ =	shalt  }
0x5b: {  	_ =	shalt  }
0x5c: {  	_ =	shalt  }
0x5d: {  	_ =	shalt  }
0x5e: {  	_ =	shalt  }
0x5f: {  	_ =	shalt  }
0x60: {  	_ =	shalt  }
0x61: {  	_ =	shalt  }
0x62: {  	_ =	shalt  }
0x63: {  	_ =	shalt  }
0x64: {  	_ =	shalt  }
0x65: {  	_ =	shalt  }
0x66: {  	_ =	shalt  }
0x67: {  	_ =	shalt  }
0x68: {  	_ =	shalt  }
0x69: {  	_ =	shalt  }
0x6a: {  	_ =	shalt  }
0x6b: {  	_ =	shalt  }
0x6c: {  	_ =	shalt  }
0x6d: {  	_ =	shalt  }
0x6e: {  	_ =	shalt  }
0x6f: {  	_ =	shalt  }
0x70: {  	_ =	shalt  }
0x71: {  	_ =	shalt  }
0x72: {  	_ =	shalt  }
0x73: {  	_ =	shalt  }
0x74: {  	_ =	shalt  }
0x75: {  	_ =	shalt  }
0x76: {  	_ =	shalt  }
0x77: {  	_ =	shalt  }
0x78: {  	_ =	shalt  }
0x79: {  	_ =	shalt  }
0x7a: {  	_ =	shalt  }
0x7b: {  	_ =	shalt  }
0x7c: {  	_ =	shalt  }
0x7d: {  	_ =	shalt  }
0x7e: {  	_ =	shalt  }
0x7f: {  	_ =	shalt  }
0x80: {  	_ =	shalt  }
0x81: {  	_ =	shalt  }
0x82: {  	_ =	shalt  }
0x83: {  	_ =	shalt  }
0x84: {  	_ =	shalt  }
0x85: {  	_ =	shalt  }
0x86: {  	_ =	shalt  }
0x87: {  	_ =	shalt  }
.Lfunc_end0:
.L_simem_size_0:
called_computation.1_lowered:
.L_overlay_start_0:
0x88: {  	s2 =	sld [smem:$0x3FD9]  }
0x89: {  	s3 =	sld [smem:$0x3FFE];
	_ =	sdelay $0x1  }
0x8a: {  	s1 =	srdreg.scid  }
0x8b: {  	s0 =	sand.u32 $0x1, s1  }
0x8c: {  	s17 =	sshll.u32 s0, $0xA;
	s2 =	sadd.s32 s3, s2  }
0x8d: {  	s2 =	sadd.s32 s2, s17  }
0x8e: {  	[smem:$0x3FC3] =	sst s2  }
0x8f: {  	_ = 	snop  }
0x90: {  	s2 =	sld [smem:$0x3FC6]  }
0x91: {  	s18 =	sld [smem:$0x3FC5]  }
0x92: {  	s4 =	sld [smem:$0x3FD0];
	(tm) =	ssettm $0x1  }
0x93: {  	s5 =	sld [smem:$0x3FFB];
	_ =	sdelay $0x3  }
0x94: {  	_ =	strace s5  }
0x95: {  	s5 =	sld [smem:$0x3FFC];
	_ =	sdelay $0x3  }
0x96: {  	_ =	strace s5  }
0x97: {  	s5 =	sld [smem:$0x3FFD];
	_ =	sdelay $0x3  }
0x98: {  	_ =	strace s5  }
0x99: {  	_ =	strace $0x8FFFFFFF  }
0x9a: {  	s19 =	sld [smem:$0x3FDB];
	_ =	sdelay $0x1  }
0x9b: {  	s6 =	simm.s32 $_scs_section_size  }
0x9c: {  	s7 =	simm.s32 $_size__tile_overlayer_lowered;
	s8 =	simm.s32 $_tile_overlayer_lowered  }
0x9d: {  	s22 =	simm.s32 $0x1BFF;
	s21 =	sshll.u32 s8, $0x1;
	s5 =	sadd.s32 s6, s19  }
0x9e: {  	s9 =	simm.s32 $0x0;
	s20 =	sshll.u32 s7, $0x1;
	s7 =	sadd.s32 s21, s5  }
0x9f: {  	[timem:s9], [sflag:s22] =	dma.local [hbm:s7], s20  }
0xa0: {  	_ =	swait.ge [sflag:s22], s20  }
0xa1: {  	s6 =	ssub.s32 $0x0, s20;
	[sflag:s22] =	ssyncset.done $0x0  }
0xa2: {  	[sflag:s22] =	ssyncadd.s32 s6;
	_ =	sdelay $0x1  }
0xa3: {  	s23 =	simm.s32 $0x1B8B  }
0xa4: {  	_ =	swait.ge [sflag:s23], $0x1  }
0xa5: {  	[sflag:s23] =	ssyncset.done $0x0  }
0xa6: {  	s25 =	simm.s32 $0x1B8E;
	s24 =	sld [smem:$0x3FFE];
	[sflag:s23] =	ssyncadd.s32 $0xFFFFFFFF  }
0xa7: {  	s26 =	simm.s32 $execute0_lowered;
	[smem:$0x3FD2] =	sst s25  }
0xa8: {  	s7 =	sshll.u32 s26, $0x1;
	_ =	strace $0x80000046;
	[dreg:$0x1] =	wrdreg $0xFFFFFFFF  }
0xa9: {  	s28 =	simm.s32 $_size_execute0_lowered;
	s5 =	sadd.s32 s5, s7;
	[dreg:$0x0] =	wrdreg $0x0  }
0xaa: {  	s7 =	sshll.u32 s28, $0x1;
	[dreg:$0x2] =	wrdreg s5  }
0xab: {  	[dreg:$0x3] =	wrdreg s7  }
0xac: {  	[dreg:$0x4] =	wrdreg $0xC0  }
0xad: {  	_ =	task [dreg:s9], $0x5FFFF  }
0xae: {  	[dreg:$0x1] =	wrdreg $0xFFFFFFFF  }
0xaf: {  	[dreg:$0x0] =	wrdreg $0x60  }
0xb0: {  	[dreg:$0x2] =	wrdreg s24  }
0xb1: {  	[dreg:$0x3] =	wrdreg s2  }
0xb2: {  	[dreg:$0x4] =	wrdreg s18  }
0xb3: {  	[dreg:$0x5] =	wrdreg s4  }
0xb4: {  	[dreg:$0x6] =	wrdreg $0x9  }
0xb5: {  	_ =	task.clear_ibuf [dreg:s9], $0x7FFFF;
	_ =	strace $0x90000046  }
0xb6: {  	s29 =	simm.s32 $0x9;
	_ =	strace $0x80000048  }
0xb7: {  	_ =	swait.ge [sflag:s29], $0x1  }
0xb8: {  	[sflag:s29] =	ssyncadd.s32 $0xFFFFFFFF  }
0xb9: {  	_ =	strace $0x90000048  }
0xba: {  	_ =	sfence  }
0xbb: {  	s30 =	sld [smem:$0x0];
	_ =	sdelay $0x2  }
0xbc: {  	s31 =	sshll.u32 s1, $0xD;
	s1 =	sshrl.u32 s1, $0x2  }
0xbd: {  	s3 =	sand.u32 $0x4000, s31;
	s1 =	sadd.s32 s1, s30  }
0xbe: {  	s0 =	sor.u32 s3, s0;
	s1 =	sshll.u32 s1, $0x11  }
0xbf: {  	s0 =	sor.u32 s1, s0  }
0xc0: {  	s0 =	sadd.s32 $0x8F2B, s0  }
0xc1: {  	[sflag:s0] =	ssyncadd.remote.s32 $0x1  }
0xc2: {  	_ =	sfence.sel $0xFFFF  }
0xc3: {  	[dreg:$0x0] =	wrdreg $0xFFFFFFFF;
	(pc) =	sbr.abs _section_cstart, $3  }
0xc4: {  	[dreg:$0x1] =	wrdreg $0xFFFFFFFF  }
0xc5: {  	_ =	task.clear_ibuf [dreg:s9], $0x2FFFF;
	_ =	strace $0x9FFFFFFF  }
0xc6: {  	(tm) =	ssettm $0x7FFFFFFF  }
0xc7: {  	_ =	shalt  }
tec
execute0_lowered:
.L_overlay_start_1:
0x0: {  	(tag) =	ssettag $0x1  }
0x1: {  	v9 =	vlaneseq.u32  }
0x2: {  	v42 =	vmul.u32 $0x11, v9;
	_ =	sdelay $0x1  }
0x3: {  	v0 =	vadd.s32 $0x1, v42  }
0x4: {  	v50 =	vadd.s32 $0x2, v42;
	[tilespmem:$0x1FF10] =	vst v0  }
0x5: {  	v51 =	vadd.s32 $0x3, v42;
	[tilespmem:$0x1FF20] =	vst v50  }
0x6: {  	s8 =	rddreg [dreg:$0x0];
	v52 =	vadd.s32 $0x4, v42;
	[tilespmem:$0x1FF30] =	vst v51  }
0x7: {  	s0 =	rddreg [dreg:$0x1];
	v53 =	vadd.s32 $0x5, v42;
	[tilespmem:$0x1FF40] =	vst v52  }
0x8: {  	s3 =	srdreg.scid;
	s2 =	rddreg [dreg:$0x2];
	v54 =	vadd.s32 $0x6, v42;
	[tilespmem:$0x1FF50] =	vst v53  }
0x9: {  	s1 =	stileid.u32;
	s4 =	rddreg [dreg:$0x3];
	s5 =	simm.s32 $0x0;
	v55 =	vadd.s32 $0x7, v42;
	[tilespmem:$0x1FF60] =	vst v54  }
0xa: {  	s12 =	simm.s32 $0x1A400;
	s13 =	simm.s32 $0x1D600;
	s14 =	simm.s32 $0x1D640;
	v56 =	vadd.s32 $0x8, v42;
	[tilespmem:$0x1FF70] =	vst v55  }
0xb: {  	s15 =	simm.s32 $0x280;
	s16 =	simm.s32 $0x6400;
	s17 =	simm.s32 $0x1;
	v32 =	vadd.s32 $0x11, v9;
	v57 =	vadd.s32 $0x9, v42;
	[tilespmem:$0x1FF80] =	vst v56  }
0xc: {  	s18 =	simm.s32 $0x10400;
	v33 =	vadd.s32 $0x22, v9;
	v34 =	vadd.s32 $0x33, v9;
	s7 =	sand.u32 $0x1, s3;
	s30 =	sshll.u32 s1, $0x1;
	v58 =	vadd.s32 $0xA, v42;
	[tilespmem:$0x1FF90] =	vst v57  }
0xd: {  	s19 =	simm.s32 $0x1D680;
	v35 =	vadd.s32 $0x44, v9;
	v36 =	vadd.s32 $0x55, v9;
	[smem:$0x7FF] =	sst s5;
	s6 =	sor.u32 s7, s30;
	v59 =	vadd.s32 $0xB, v42;
	[tilespmem:$0x1FFA0] =	vst v58  }
0xe: {  	v37 =	vadd.s32 $0x66, v9;
	s9 =	ssub.s32 $0x2, s7;
	s6 =	smul.u32 $0x6400, s6;
	v60 =	vadd.s32 $0xC, v42;
	_ =	strace $0x80000047;
	[tilespmem:$0x1FFB0] =	vst v59  }
0xf: {  	s20 =	simm.s32 $0x1D790;
	s21 =	simm.s32 $0x2;
	v38 =	vadd.s32 $0x77, v9;
	v39 =	vadd.s32 $0x88, v9;
	s10 =	sshrl.u32 s9, $0x1;
	v61 =	vadd.s32 $0xD, v42;
	[tilespmem:$0x1FFC0] =	vst v60  }
0x10: {  	s22 =	simm.s32 $0x0;
	v40 =	vadd.s32 $0x99, v9;
	v41 =	vadd.s32 $0xAA, v9;
	v62 =	vadd.s32 $0xE, v42;
	s10 =	ssub.s32 s9, s10;
	s31 =	sshrl.u32 s6, $0x3;
	[tilespmem:$0x1FFD0] =	vst v61  }
0x11: {  	v43 =	vadd.s32 $0xBB, v9;
	v44 =	vadd.s32 $0xCC, v9;
	s7 =	sadd.s32 $0xF43000, s8;
	v63 =	vadd.s32 $0xF, v42;
	[tilespmem:$0x1FFE0] =	vst v62;
	s10 =	smax.u32 s10, $0x1;
	s11 =	sadd.s32 s31, s8  }
0x12: {  	v45 =	vadd.s32 $0xDD, v9;
	v46 =	vadd.s32 $0xEE, v9;
	v47 =	vadd.s32 $0xFF, v9;
	[tilespmem:$0x1FFF0] =	vst v63;
	s8 =	sadd.s32 $0x19C00, s8;
	s9 =	sadd.s32 $0xC00, s11;
	s11 =	simm.s32 $0x3  }
.LBB2_1:
0x13: {  	[tilespmem:s5], [sflag:$0x3] =	stream.linear.gather [hbm4b:s9+s5], $0x6400, $0x38;
	[tilespmem:$0x1D8A0] =	vst v63  }
0x14: {  	_ =	swait.ge [sflag:s11], $0x6400  }
0x15: {  	[sflag:s11] =	ssyncset.done $0x0  }
0x16: {  	[sflag:s11] =	ssyncadd.s32 $0xFFFF9C00  }
0x17: {  	[tilespmem:s12], [sflag:$0x3] =	stream.linear.gather [hbm4b:s8+s5], $0x3200, $0x38;
	[tilespmem:$0x1D8A0] =	vst v63  }
0x18: {  	_ =	swait.ge [sflag:s11], $0x3200  }
0x19: {  	[sflag:s11] =	ssyncset.done $0x0  }
0x1a: {  	[sflag:s11] =	ssyncadd.s32 $0xFFFFCE00  }
0x1b: {  	[tilespmem:s13], [sflag:$0x3] =	stream.linear.gather [hbm4b:s0+s5], $0x40, $0x38;
	[tilespmem:$0x1D8A0] =	vst v63  }
0x1c: {  	_ =	swait.ge [sflag:s11], $0x40  }
0x1d: {  	[sflag:s11] =	ssyncset.done $0x0  }
0x1e: {  	[sflag:s11] =	ssyncadd.s32 $0xFFFFFFC0  }
0x1f: {  	[tilespmem:s14], [sflag:$0x3] =	stream.linear.gather [hbm4b:s2+s5], $0x40, $0x38;
	[tilespmem:$0x1D8A0] =	vst v63  }
0x20: {  	_ =	swait.ge [sflag:s11], $0x40  }
0x21: {  	[sflag:s11] =	ssyncset.done $0x0  }
0x22: {  	[sflag:s11] =	ssyncadd.s32 $0xFFFFFFC0  }
0x23: {  	v48 =	vld [tilespmem:$0x1D600]  }
0x24: {  	v49 =	vld [tilespmem:$0x1D610]  }
0x25: {  	v50 =	vld [tilespmem:$0x1D620]  }
0x26: {  	v51 =	vld [tilespmem:$0x1D630]  }
0x27: {  	v52 =	vld [tilespmem:$0x1D640]  }
0x28: {  	v53 =	vld [tilespmem:$0x1D650]  }
0x29: {  	s23 =	simm.s32 $0x0;
	v54 =	vld [tilespmem:$0x1D660]  }
0x2a: {  	v55 =	vld [tilespmem:$0x1D670];
	[tilespmem:s16], [sflag:$0x1] =	stream.indirect.gather [hbm4b:s7+s15], $0x40, s5, s15, $0xb8  }
.LBB2_2:
0x2b: {  	s24 =	smul.u32 $0x500, s23;
	_ =	sdelay $0x1  }
0x2c: {  	s25 =	sadd.s32 s6, s24  }
0x2d: {  	s26 =	smulhi.u32 $0x51EB851F, s25  }
0x2e: {  	_ =	swait.ge [sflag:s17], $0xA000  }
0x2f: {  	[sflag:s17] =	ssyncset.done $0x0;
	v29 =	vld [tilespmem:$0x1FF10];
	s26 =	sshrl.u32 s26, $0x6  }
0x30: {  	v31 =	vld [tilespmem:$0x1FFC0];
	[sflag:s17] =	ssyncadd.s32 $0xFFFF6000;
	s24 =	sadd.s32 $0x280, s24;
	s26 =	smul.u32 $0xC8, s26  }
0x31: {  	v26 =	vld [tilespmem:$0x1FFD0];
	[tilespmem:s18], [sflag:$0x2] =	stream.indirect.gather [hbm4b:s7+s15], $0x40, s24, s15, $0xb8  }
0x32: {  	v27 =	vld [tilespmem:$0x1FFE0];
	s26 =	ssub.s32 s25, s26  }
0x33: {  	v28 =	vld [tilespmem:$0x1FFF0];
	[dreg:$0x5] =	wrdreg s26;
	s26 =	simm.s32 $0x0  }
.LBB2_3:
0x34: {  	s28 =	rddreg [dreg:$0x5];
	s29 =	sshll.u32 s26, $0x4  }
0x35: {  	s28 =	sadd.s32 s28, s29  }
0x36: {  	s29 =	smulhi.u32 $0x51EB851F, s28;
	_ =	sdelay $0x1  }
0x37: {  	s29 =	sshrl.u32 s29, $0x6  }
0x38: {  	s29 =	smul.u32 $0xC8, s29  }
0x39: {  	s30 =	sshll.u32 s26, $0xA  }
0x3a: {  	s29 =	ssub.s32 s28, s29;
	s28 =	sand.u32 $0x3FFFFC00, s30  }
0x3b: {  	v56 =	vld [tilespmem:s28+$0x6400]  }
0x3c: {  	v58 =	vld [tilespmem:s28+$0x6410]  }
0x3d: {  	v60 =	vld [tilespmem:s28+$0x6420]  }
0x3e: {  	s30 =	sshll.u32 s29, $0x6;
	v62 =	vld [tilespmem:s28+$0x6430]  }
0x3f: {  	v57 =	vld [tilespmem:s30+$0x1A400]  }
0x40: {  	v59 =	vld [tilespmem:s30+$0x1A410]  }
0x41: {  	v61 =	vld [tilespmem:s30+$0x1A420]  }
0x42: {  	v63 =	vld [tilespmem:s30+$0x1A430];
	_ =	sdelay $0x3  }
0x43: {  	v56 =	vadd.f32 v57, v56;
	v6 =	vadd.f32 v59, v58  }
0x44: {  	v58 =	vadd.f32 v61, v60;
	v59 =	vadd.f32 v63, v62  }
0x45: {  	v7 =	vmul.f32 v56, v56;
	v4 =	vmul.f32 v6, v6  }
0x46: {  	v5 =	vmul.f32 v58, v58;
	v63 =	vmul.f32 v59, v59  }
0x47: {  	[tilespmem:s28+$0x6400] =	vst v56;
	v56 =	vadd.f32 v6, v56;
	v0 =	vadd.f32 v59, v58  }
0x48: {  	[tilespmem:s28+$0x6410] =	vst v6;
	v6 =	vadd.f32 v4, v7;
	v7 =	vadd.f32 v63, v5  }
0x49: {  	[tilespmem:s28+$0x6420] =	vst v58;
	v0 =	vadd.f32 v0, v56  }
0x4a: {  	s31 =	sor.u32 $0x1, s29;
	p0 =	sgt.u32 s29, $0xC6;
	s3 =	sadd.s32 $0xFFFF39, s29;
	[tilespmem:s28+$0x6430] =	vst v59;
	v3 =	vadd.f32 v7, v6  }
0x4b: {  	s31 =	smov.u32 @p0 s3;
	[tilespmem:v9+s19+$0x0] =	vst.idx.msk $0xffff, v0  }
0x4c: {  	s3 =	sshll.u32 s31, $0x8;
	[tilespmem:v9+s20+$0x0] =	vst.idx.msk $0xffff, v3  }
0x4d: {  	s3 =	sshra.s32 s3, $0x2;
	v0 =	vld [tilespmem:s28+$0x6440]  }
0x4e: {  	v56 =	vld [tilespmem:s3+$0x1A400]  }
0x4f: {  	v57 =	vld [tilespmem:s28+$0x6450]  }
0x50: {  	v58 =	vld [tilespmem:s3+$0x1A410]  }
0x51: {  	v4 =	vld [tilespmem:s28+$0x6460]  }
0x52: {  	v5 =	vld [tilespmem:s3+$0x1A420]  }
0x53: {  	v6 =	vld [tilespmem:s28+$0x6470]  }
0x54: {  	v7 =	vld [tilespmem:s3+$0x1A430];
	_ =	sdelay $0x3  }
0x55: {  	v0 =	vadd.f32 v56, v0;
	v56 =	vadd.f32 v58, v57  }
0x56: {  	v57 =	vadd.f32 v5, v4;
	v58 =	vadd.f32 v7, v6  }
0x57: {  	v4 =	vmul.f32 v0, v0;
	v5 =	vmul.f32 v56, v56  }
0x58: {  	v6 =	vmul.f32 v57, v57;
	v62 =	vmul.f32 v58, v58  }
0x59: {  	[tilespmem:s28+$0x6440] =	vst v0;
	v0 =	vadd.f32 v56, v0;
	v7 =	vadd.f32 v58, v57  }
0x5a: {  	[tilespmem:s28+$0x6450] =	vst v56;
	v60 =	vadd.f32 v5, v4;
	v62 =	vadd.f32 v62, v6  }
0x5b: {  	[tilespmem:s28+$0x6460] =	vst v57;
	v0 =	vadd.f32 v7, v0  }
0x5c: {  	[tilespmem:s28+$0x6470] =	vst v58;
	v56 =	vadd.f32 v62, v60  }
0x5d: {  	[tilespmem:v32+s19+$0x0] =	vst.idx.msk $0xffff, v0  }
0x5e: {  	[tilespmem:v32+s20+$0x0] =	vst.idx.msk $0xffff, v56  }
0x5f: {  	s31 =	sor.u32 $0x80, s30;
	v0 =	vld [tilespmem:s28+$0x6480]  }
0x60: {  	v56 =	vld [tilespmem:s31+$0x1A400]  }
0x61: {  	v57 =	vld [tilespmem:s28+$0x6490]  }
0x62: {  	v58 =	vld [tilespmem:s31+$0x1A410]  }
0x63: {  	v4 =	vld [tilespmem:s28+$0x64A0]  }
0x64: {  	v5 =	vld [tilespmem:s31+$0x1A420]  }
0x65: {  	v6 =	vld [tilespmem:s28+$0x64B0]  }
0x66: {  	v7 =	vld [tilespmem:s31+$0x1A430];
	_ =	sdelay $0x3  }
0x67: {  	v0 =	vadd.f32 v56, v0;
	v56 =	vadd.f32 v58, v57  }
0x68: {  	v57 =	vadd.f32 v5, v4;
	v58 =	vadd.f32 v7, v6  }
0x69: {  	v4 =	vmul.f32 v0, v0;
	v5 =	vmul.f32 v56, v56  }
0x6a: {  	v6 =	vmul.f32 v57, v57;
	v62 =	vmul.f32 v58, v58  }
0x6b: {  	[tilespmem:s28+$0x6480] =	vst v0;
	v0 =	vadd.f32 v56, v0;
	v7 =	vadd.f32 v58, v57  }
0x6c: {  	[tilespmem:s28+$0x6490] =	vst v56;
	v60 =	vadd.f32 v5, v4;
	v62 =	vadd.f32 v62, v6  }
0x6d: {  	[tilespmem:s28+$0x64A0] =	vst v57;
	v0 =	vadd.f32 v7, v0  }
0x6e: {  	[tilespmem:s28+$0x64B0] =	vst v58;
	v56 =	vadd.f32 v62, v60  }
0x6f: {  	[tilespmem:v33+s19+$0x0] =	vst.idx.msk $0xffff, v0  }
0x70: {  	[tilespmem:v33+s20+$0x0] =	vst.idx.msk $0xffff, v56  }
0x71: {  	s31 =	sor.u32 $0xC0, s30;
	v0 =	vld [tilespmem:s28+$0x64C0]  }
0x72: {  	v56 =	vld [tilespmem:s31+$0x1A400]  }
0x73: {  	v57 =	vld [tilespmem:s28+$0x64D0]  }
0x74: {  	v58 =	vld [tilespmem:s31+$0x1A410]  }
0x75: {  	v4 =	vld [tilespmem:s28+$0x64E0]  }
0x76: {  	v5 =	vld [tilespmem:s31+$0x1A420]  }
0x77: {  	v6 =	vld [tilespmem:s28+$0x64F0]  }
0x78: {  	v7 =	vld [tilespmem:s31+$0x1A430];
	_ =	sdelay $0x3  }
0x79: {  	v0 =	vadd.f32 v56, v0;
	v56 =	vadd.f32 v58, v57  }
0x7a: {  	v57 =	vadd.f32 v5, v4;
	v58 =	vadd.f32 v7, v6  }
0x7b: {  	v4 =	vmul.f32 v0, v0;
	v5 =	vmul.f32 v56, v56  }
0x7c: {  	v6 =	vmul.f32 v57, v57;
	v62 =	vmul.f32 v58, v58  }
0x7d: {  	[tilespmem:s28+$0x64C0] =	vst v0;
	v0 =	vadd.f32 v56, v0;
	v7 =	vadd.f32 v58, v57  }
0x7e: {  	[tilespmem:s28+$0x64D0] =	vst v56;
	v60 =	vadd.f32 v5, v4;
	v62 =	vadd.f32 v62, v6  }
0x7f: {  	[tilespmem:s28+$0x64E0] =	vst v57;
	v0 =	vadd.f32 v7, v0  }
0x80: {  	[tilespmem:s28+$0x64F0] =	vst v58;
	v56 =	vadd.f32 v62, v60  }
0x81: {  	[tilespmem:v34+s19+$0x0] =	vst.idx.msk $0xffff, v0  }
0x82: {  	[tilespmem:v34+s20+$0x0] =	vst.idx.msk $0xffff, v56  }
0x83: {  	s31 =	sor.u32 $0x100, s30;
	v0 =	vld [tilespmem:s28+$0x6500]  }
0x84: {  	v56 =	vld [tilespmem:s31+$0x1A400]  }
0x85: {  	v57 =	vld [tilespmem:s28+$0x6510]  }
0x86: {  	v58 =	vld [tilespmem:s31+$0x1A410]  }
0x87: {  	v4 =	vld [tilespmem:s28+$0x6520]  }
0x88: {  	v5 =	vld [tilespmem:s31+$0x1A420]  }
0x89: {  	v6 =	vld [tilespmem:s28+$0x6530]  }
0x8a: {  	v7 =	vld [tilespmem:s31+$0x1A430];
	_ =	sdelay $0x3  }
0x8b: {  	v0 =	vadd.f32 v56, v0;
	v56 =	vadd.f32 v58, v57  }
0x8c: {  	v57 =	vadd.f32 v5, v4;
	v58 =	vadd.f32 v7, v6  }
0x8d: {  	v4 =	vmul.f32 v0, v0;
	v5 =	vmul.f32 v56, v56  }
0x8e: {  	v6 =	vmul.f32 v57, v57;
	v62 =	vmul.f32 v58, v58  }
0x8f: {  	[tilespmem:s28+$0x6500] =	vst v0;
	v0 =	vadd.f32 v56, v0;
	v7 =	vadd.f32 v58, v57  }
0x90: {  	[tilespmem:s28+$0x6510] =	vst v56;
	v60 =	vadd.f32 v5, v4;
	v62 =	vadd.f32 v62, v6  }
0x91: {  	[tilespmem:s28+$0x6520] =	vst v57;
	v0 =	vadd.f32 v7, v0  }
0x92: {  	[tilespmem:s28+$0x6530] =	vst v58;
	v56 =	vadd.f32 v62, v60  }
0x93: {  	[tilespmem:v35+s19+$0x0] =	vst.idx.msk $0xffff, v0  }
0x94: {  	[tilespmem:v35+s20+$0x0] =	vst.idx.msk $0xffff, v56  }
0x95: {  	s31 =	sor.u32 $0x140, s30;
	v0 =	vld [tilespmem:s28+$0x6540]  }
0x96: {  	v56 =	vld [tilespmem:s31+$0x1A400]  }
0x97: {  	v57 =	vld [tilespmem:s28+$0x6550]  }
0x98: {  	v58 =	vld [tilespmem:s31+$0x1A410]  }
0x99: {  	v4 =	vld [tilespmem:s28+$0x6560]  }
0x9a: {  	v5 =	vld [tilespmem:s31+$0x1A420]  }
0x9b: {  	v6 =	vld [tilespmem:s28+$0x6570]  }
0x9c: {  	v7 =	vld [tilespmem:s31+$0x1A430];
	_ =	sdelay $0x3  }
0x9d: {  	v0 =	vadd.f32 v56, v0;
	v56 =	vadd.f32 v58, v57  }
0x9e: {  	v57 =	vadd.f32 v5, v4;
	v58 =	vadd.f32 v7, v6  }
0x9f: {  	v4 =	vmul.f32 v0, v0;
	v5 =	vmul.f32 v56, v56  }
0xa0: {  	v6 =	vmul.f32 v57, v57;
	v62 =	vmul.f32 v58, v58  }
0xa1: {  	[tilespmem:s28+$0x6540] =	vst v0;
	v0 =	vadd.f32 v56, v0;
	v7 =	vadd.f32 v58, v57  }
0xa2: {  	[tilespmem:s28+$0x6550] =	vst v56;
	v60 =	vadd.f32 v5, v4;
	v62 =	vadd.f32 v62, v6  }
0xa3: {  	[tilespmem:s28+$0x6560] =	vst v57;
	v0 =	vadd.f32 v7, v0  }
0xa4: {  	[tilespmem:s28+$0x6570] =	vst v58;
	v56 =	vadd.f32 v62, v60  }
0xa5: {  	[tilespmem:v36+s19+$0x0] =	vst.idx.msk $0xffff, v0  }
0xa6: {  	[tilespmem:v36+s20+$0x0] =	vst.idx.msk $0xffff, v56  }
0xa7: {  	s31 =	sor.u32 $0x180, s30;
	v0 =	vld [tilespmem:s28+$0x6580]  }
0xa8: {  	v56 =	vld [tilespmem:s31+$0x1A400]  }
0xa9: {  	v57 =	vld [tilespmem:s28+$0x6590]  }
0xaa: {  	v58 =	vld [tilespmem:s31+$0x1A410]  }
0xab: {  	v4 =	vld [tilespmem:s28+$0x65A0]  }
0xac: {  	v5 =	vld [tilespmem:s31+$0x1A420]  }
0xad: {  	v6 =	vld [tilespmem:s28+$0x65B0]  }
0xae: {  	v7 =	vld [tilespmem:s31+$0x1A430];
	_ =	sdelay $0x3  }
0xaf: {  	v0 =	vadd.f32 v56, v0;
	v56 =	vadd.f32 v58, v57  }
0xb0: {  	v57 =	vadd.f32 v5, v4;
	v58 =	vadd.f32 v7, v6  }
0xb1: {  	v4 =	vmul.f32 v0, v0;
	v5 =	vmul.f32 v56, v56  }
0xb2: {  	v6 =	vmul.f32 v57, v57;
	v62 =	vmul.f32 v58, v58  }
0xb3: {  	[tilespmem:s28+$0x6580] =	vst v0;
	v0 =	vadd.f32 v56, v0;
	v7 =	vadd.f32 v58, v57  }
0xb4: {  	[tilespmem:s28+$0x6590] =	vst v56;
	v60 =	vadd.f32 v5, v4;
	v62 =	vadd.f32 v62, v6  }
0xb5: {  	[tilespmem:s28+$0x65A0] =	vst v57;
	v0 =	vadd.f32 v7, v0  }
0xb6: {  	[tilespmem:s28+$0x65B0] =	vst v58;
	v56 =	vadd.f32 v62, v60  }
0xb7: {  	[tilespmem:v37+s19+$0x0] =	vst.idx.msk $0xffff, v0  }
0xb8: {  	[tilespmem:v37+s20+$0x0] =	vst.idx.msk $0xffff, v56  }
0xb9: {  	s31 =	sor.u32 $0x1C0, s30;
	v0 =	vld [tilespmem:s28+$0x65C0]  }
0xba: {  	v56 =	vld [tilespmem:s31+$0x1A400]  }
0xbb: {  	v57 =	vld [tilespmem:s28+$0x65D0]  }
0xbc: {  	v58 =	vld [tilespmem:s31+$0x1A410]  }
0xbd: {  	v4 =	vld [tilespmem:s28+$0x65E0]  }
0xbe: {  	v5 =	vld [tilespmem:s31+$0x1A420]  }
0xbf: {  	v6 =	vld [tilespmem:s28+$0x65F0]  }
0xc0: {  	v7 =	vld [tilespmem:s31+$0x1A430];
	_ =	sdelay $0x3  }
0xc1: {  	v0 =	vadd.f32 v56, v0;
	v56 =	vadd.f32 v58, v57  }
0xc2: {  	v57 =	vadd.f32 v5, v4;
	v58 =	vadd.f32 v7, v6  }
0xc3: {  	v4 =	vmul.f32 v0, v0;
	v5 =	vmul.f32 v56, v56  }
0xc4: {  	v6 =	vmul.f32 v57, v57;
	v62 =	vmul.f32 v58, v58  }
0xc5: {  	[tilespmem:s28+$0x65C0] =	vst v0;
	v0 =	vadd.f32 v56, v0;
	v7 =	vadd.f32 v58, v57  }
0xc6: {  	[tilespmem:s28+$0x65D0] =	vst v56;
	v60 =	vadd.f32 v5, v4;
	v62 =	vadd.f32 v62, v6  }
0xc7: {  	p0 =	sgt.u32 s29, $0xBF;
	s3 =	simm.s32 $0xFFFF40;
	[tilespmem:s28+$0x65E0] =	vst v57;
	v0 =	vadd.f32 v7, v0  }
0xc8: {  	s3 =	simm.s32 @!p0 $0x8;
	[tilespmem:s28+$0x65F0] =	vst v58;
	v56 =	vadd.f32 v62, v60  }
0xc9: {  	s3 =	sadd.s32 s29, s3;
	[tilespmem:v38+s19+$0x0] =	vst.idx.msk $0xffff, v0  }
0xca: {  	s3 =	sshll.u32 s3, $0x8;
	[tilespmem:v38+s20+$0x0] =	vst.idx.msk $0xffff, v56  }
0xcb: {  	s3 =	sshra.s32 s3, $0x2;
	v0 =	vld [tilespmem:s28+$0x6600]  }
0xcc: {  	v56 =	vld [tilespmem:s3+$0x1A400]  }
0xcd: {  	v57 =	vld [tilespmem:s28+$0x6610]  }
0xce: {  	v58 =	vld [tilespmem:s3+$0x1A410]  }
0xcf: {  	v4 =	vld [tilespmem:s28+$0x6620]  }
0xd0: {  	v5 =	vld [tilespmem:s3+$0x1A420]  }
0xd1: {  	v6 =	vld [tilespmem:s28+$0x6630]  }
0xd2: {  	v7 =	vld [tilespmem:s3+$0x1A430];
	_ =	sdelay $0x3  }
0xd3: {  	v0 =	vadd.f32 v56, v0;
	v56 =	vadd.f32 v58, v57  }
0xd4: {  	v57 =	vadd.f32 v5, v4;
	v58 =	vadd.f32 v7, v6  }
0xd5: {  	v4 =	vmul.f32 v0, v0;
	v5 =	vmul.f32 v56, v56  }
0xd6: {  	v6 =	vmul.f32 v57, v57;
	v62 =	vmul.f32 v58, v58  }
0xd7: {  	[tilespmem:s28+$0x6600] =	vst v0;
	v0 =	vadd.f32 v56, v0;
	v7 =	vadd.f32 v58, v57  }
0xd8: {  	[tilespmem:s28+$0x6610] =	vst v56;
	v60 =	vadd.f32 v5, v4;
	v62 =	vadd.f32 v62, v6  }
0xd9: {  	p0 =	sgt.u32 s29, $0xBE;
	s3 =	simm.s32 $0xFFFF41;
	[tilespmem:s28+$0x6620] =	vst v57;
	v0 =	vadd.f32 v7, v0  }
0xda: {  	s3 =	simm.s32 @!p0 $0x9;
	[tilespmem:s28+$0x6630] =	vst v58;
	v56 =	vadd.f32 v62, v60  }
0xdb: {  	s3 =	sadd.s32 s29, s3;
	[tilespmem:v39+s19+$0x0] =	vst.idx.msk $0xffff, v0  }
0xdc: {  	s3 =	sshll.u32 s3, $0x8;
	[tilespmem:v39+s20+$0x0] =	vst.idx.msk $0xffff, v56  }
0xdd: {  	s3 =	sshra.s32 s3, $0x2;
	v0 =	vld [tilespmem:s28+$0x6640]  }
0xde: {  	v56 =	vld [tilespmem:s3+$0x1A400]  }
0xdf: {  	v57 =	vld [tilespmem:s28+$0x6650]  }
0xe0: {  	v58 =	vld [tilespmem:s3+$0x1A410]  }
0xe1: {  	v4 =	vld [tilespmem:s28+$0x6660]  }
0xe2: {  	v5 =	vld [tilespmem:s3+$0x1A420]  }
0xe3: {  	v6 =	vld [tilespmem:s28+$0x6670]  }
0xe4: {  	v7 =	vld [tilespmem:s3+$0x1A430];
	_ =	sdelay $0x3  }
0xe5: {  	v0 =	vadd.f32 v56, v0;
	v56 =	vadd.f32 v58, v57  }
0xe6: {  	v57 =	vadd.f32 v5, v4;
	v58 =	vadd.f32 v7, v6  }
0xe7: {  	v4 =	vmul.f32 v0, v0;
	v5 =	vmul.f32 v56, v56  }
0xe8: {  	v6 =	vmul.f32 v57, v57;
	v62 =	vmul.f32 v58, v58  }
0xe9: {  	[tilespmem:s28+$0x6640] =	vst v0;
	v0 =	vadd.f32 v56, v0;
	v7 =	vadd.f32 v58, v57  }
0xea: {  	[tilespmem:s28+$0x6650] =	vst v56;
	v60 =	vadd.f32 v5, v4;
	v62 =	vadd.f32 v62, v6  }
0xeb: {  	p0 =	sgt.u32 s29, $0xBD;
	s3 =	simm.s32 $0xFFFF42;
	[tilespmem:s28+$0x6660] =	vst v57;
	v0 =	vadd.f32 v7, v0  }
0xec: {  	s3 =	simm.s32 @!p0 $0xA;
	[tilespmem:s28+$0x6670] =	vst v58;
	v56 =	vadd.f32 v62, v60  }
0xed: {  	s3 =	sadd.s32 s29, s3;
	[tilespmem:v40+s19+$0x0] =	vst.idx.msk $0xffff, v0  }
0xee: {  	s3 =	sshll.u32 s3, $0x8;
	[tilespmem:v40+s20+$0x0] =	vst.idx.msk $0xffff, v56  }
0xef: {  	s3 =	sshra.s32 s3, $0x2;
	v0 =	vld [tilespmem:s28+$0x6680]  }
0xf0: {  	v56 =	vld [tilespmem:s3+$0x1A400]  }
0xf1: {  	v57 =	vld [tilespmem:s28+$0x6690]  }
0xf2: {  	v58 =	vld [tilespmem:s3+$0x1A410]  }
0xf3: {  	v4 =	vld [tilespmem:s28+$0x66A0]  }
0xf4: {  	v5 =	vld [tilespmem:s3+$0x1A420]  }
0xf5: {  	v6 =	vld [tilespmem:s28+$0x66B0]  }
0xf6: {  	v7 =	vld [tilespmem:s3+$0x1A430];
	_ =	sdelay $0x3  }
0xf7: {  	v0 =	vadd.f32 v56, v0;
	v56 =	vadd.f32 v58, v57  }
0xf8: {  	v57 =	vadd.f32 v5, v4;
	v58 =	vadd.f32 v7, v6  }
0xf9: {  	v4 =	vmul.f32 v0, v0;
	v5 =	vmul.f32 v56, v56  }
0xfa: {  	v6 =	vmul.f32 v57, v57;
	v62 =	vmul.f32 v58, v58  }
0xfb: {  	[tilespmem:s28+$0x6680] =	vst v0;
	v0 =	vadd.f32 v56, v0;
	v7 =	vadd.f32 v58, v57  }
0xfc: {  	[tilespmem:s28+$0x6690] =	vst v56;
	v60 =	vadd.f32 v5, v4;
	v62 =	vadd.f32 v62, v6  }
0xfd: {  	p0 =	sgt.u32 s29, $0xBC;
	s3 =	simm.s32 $0xFFFF43;
	[tilespmem:s28+$0x66A0] =	vst v57;
	v0 =	vadd.f32 v7, v0  }
0xfe: {  	s3 =	simm.s32 @!p0 $0xB;
	[tilespmem:s28+$0x66B0] =	vst v58;
	v56 =	vadd.f32 v62, v60  }
0xff: {  	s3 =	sadd.s32 s29, s3;
	[tilespmem:v41+s19+$0x0] =	vst.idx.msk $0xffff, v0  }
0x100: {  	s3 =	sshll.u32 s3, $0x8;
	[tilespmem:v41+s20+$0x0] =	vst.idx.msk $0xffff, v56  }
0x101: {  	s3 =	sshra.s32 s3, $0x2;
	v0 =	vld [tilespmem:s28+$0x66C0]  }
0x102: {  	v56 =	vld [tilespmem:s3+$0x1A400]  }
0x103: {  	v57 =	vld [tilespmem:s28+$0x66D0]  }
0x104: {  	v58 =	vld [tilespmem:s3+$0x1A410]  }
0x105: {  	v4 =	vld [tilespmem:s28+$0x66E0]  }
0x106: {  	v5 =	vld [tilespmem:s3+$0x1A420]  }
0x107: {  	v6 =	vld [tilespmem:s28+$0x66F0]  }
0x108: {  	v7 =	vld [tilespmem:s3+$0x1A430];
	_ =	sdelay $0x3  }
0x109: {  	v0 =	vadd.f32 v56, v0;
	v56 =	vadd.f32 v58, v57  }
0x10a: {  	v57 =	vadd.f32 v5, v4;
	v58 =	vadd.f32 v7, v6  }
0x10b: {  	v4 =	vmul.f32 v0, v0;
	v5 =	vmul.f32 v56, v56  }
0x10c: {  	v6 =	vmul.f32 v57, v57;
	v62 =	vmul.f32 v58, v58  }
0x10d: {  	[tilespmem:s28+$0x66C0] =	vst v0;
	v0 =	vadd.f32 v56, v0;
	v7 =	vadd.f32 v58, v57  }
0x10e: {  	[tilespmem:s28+$0x66D0] =	vst v56;
	v60 =	vadd.f32 v5, v4;
	v62 =	vadd.f32 v62, v6  }
0x10f: {  	p0 =	sgt.u32 s29, $0xBB;
	s3 =	simm.s32 $0xFFFF44;
	[tilespmem:s28+$0x66E0] =	vst v57;
	v0 =	vadd.f32 v7, v0  }
0x110: {  	s3 =	simm.s32 @!p0 $0xC;
	[tilespmem:s28+$0x66F0] =	vst v58;
	v56 =	vadd.f32 v62, v60  }
0x111: {  	s3 =	sadd.s32 s29, s3;
	[tilespmem:v43+s19+$0x0] =	vst.idx.msk $0xffff, v0  }
0x112: {  	s3 =	sshll.u32 s3, $0x8;
	[tilespmem:v43+s20+$0x0] =	vst.idx.msk $0xffff, v56  }
0x113: {  	s3 =	sshra.s32 s3, $0x2;
	v0 =	vld [tilespmem:s28+$0x6700]  }
0x114: {  	v56 =	vld [tilespmem:s3+$0x1A400]  }
0x115: {  	v57 =	vld [tilespmem:s28+$0x6710]  }
0x116: {  	v58 =	vld [tilespmem:s3+$0x1A410]  }
0x117: {  	v4 =	vld [tilespmem:s28+$0x6720]  }
0x118: {  	v5 =	vld [tilespmem:s3+$0x1A420]  }
0x119: {  	v6 =	vld [tilespmem:s28+$0x6730]  }
0x11a: {  	v7 =	vld [tilespmem:s3+$0x1A430];
	_ =	sdelay $0x3  }
0x11b: {  	v0 =	vadd.f32 v56, v0;
	v56 =	vadd.f32 v58, v57  }
0x11c: {  	v57 =	vadd.f32 v5, v4;
	v58 =	vadd.f32 v7, v6  }
0x11d: {  	v4 =	vmul.f32 v0, v0;
	v5 =	vmul.f32 v56, v56  }
0x11e: {  	v6 =	vmul.f32 v57, v57;
	v62 =	vmul.f32 v58, v58  }
0x11f: {  	[tilespmem:s28+$0x6700] =	vst v0;
	v0 =	vadd.f32 v56, v0;
	v7 =	vadd.f32 v58, v57  }
0x120: {  	[tilespmem:s28+$0x6710] =	vst v56;
	v60 =	vadd.f32 v5, v4;
	v62 =	vadd.f32 v62, v6  }
0x121: {  	p0 =	sgt.u32 s29, $0xBA;
	s3 =	simm.s32 $0xFFFF45;
	[tilespmem:s28+$0x6720] =	vst v57;
	v0 =	vadd.f32 v7, v0  }
0x122: {  	s3 =	simm.s32 @!p0 $0xD;
	[tilespmem:s28+$0x6730] =	vst v58;
	v56 =	vadd.f32 v62, v60  }
0x123: {  	s3 =	sadd.s32 s29, s3;
	[tilespmem:v44+s19+$0x0] =	vst.idx.msk $0xffff, v0  }
0x124: {  	s3 =	sshll.u32 s3, $0x8;
	[tilespmem:v44+s20+$0x0] =	vst.idx.msk $0xffff, v56  }
0x125: {  	s3 =	sshra.s32 s3, $0x2;
	v0 =	vld [tilespmem:s28+$0x6740]  }
0x126: {  	v56 =	vld [tilespmem:s3+$0x1A400]  }
0x127: {  	v57 =	vld [tilespmem:s28+$0x6750]  }
0x128: {  	v58 =	vld [tilespmem:s3+$0x1A410]  }
0x129: {  	v4 =	vld [tilespmem:s28+$0x6760]  }
0x12a: {  	v5 =	vld [tilespmem:s3+$0x1A420]  }
0x12b: {  	v6 =	vld [tilespmem:s28+$0x6770]  }
0x12c: {  	v7 =	vld [tilespmem:s3+$0x1A430];
	_ =	sdelay $0x3  }
0x12d: {  	v0 =	vadd.f32 v56, v0;
	v56 =	vadd.f32 v58, v57  }
0x12e: {  	v57 =	vadd.f32 v5, v4;
	v58 =	vadd.f32 v7, v6  }
0x12f: {  	v4 =	vmul.f32 v0, v0;
	v5 =	vmul.f32 v56, v56  }
0x130: {  	v6 =	vmul.f32 v57, v57;
	v62 =	vmul.f32 v58, v58  }
0x131: {  	[tilespmem:s28+$0x6740] =	vst v0;
	v0 =	vadd.f32 v56, v0;
	v7 =	vadd.f32 v58, v57  }
0x132: {  	[tilespmem:s28+$0x6750] =	vst v56;
	v60 =	vadd.f32 v5, v4;
	v62 =	vadd.f32 v62, v6  }
0x133: {  	p0 =	sgt.u32 s29, $0xB9;
	s3 =	simm.s32 $0xFFFF46;
	[tilespmem:s28+$0x6760] =	vst v57;
	v0 =	vadd.f32 v7, v0  }
0x134: {  	s3 =	simm.s32 @!p0 $0xE;
	[tilespmem:s28+$0x6770] =	vst v58;
	v56 =	vadd.f32 v62, v60  }
0x135: {  	s3 =	sadd.s32 s29, s3;
	[tilespmem:v45+s19+$0x0] =	vst.idx.msk $0xffff, v0  }
0x136: {  	s3 =	sshll.u32 s3, $0x8;
	[tilespmem:v45+s20+$0x0] =	vst.idx.msk $0xffff, v56  }
0x137: {  	s3 =	sshra.s32 s3, $0x2;
	v0 =	vld [tilespmem:s28+$0x6780]  }
0x138: {  	v56 =	vld [tilespmem:s3+$0x1A400]  }
0x139: {  	v57 =	vld [tilespmem:s28+$0x6790]  }
0x13a: {  	v58 =	vld [tilespmem:s3+$0x1A410]  }
0x13b: {  	v4 =	vld [tilespmem:s28+$0x67A0]  }
0x13c: {  	v5 =	vld [tilespmem:s3+$0x1A420]  }
0x13d: {  	v6 =	vld [tilespmem:s28+$0x67B0]  }
0x13e: {  	v7 =	vld [tilespmem:s3+$0x1A430];
	_ =	sdelay $0x3  }
0x13f: {  	v0 =	vadd.f32 v56, v0;
	v56 =	vadd.f32 v58, v57  }
0x140: {  	v57 =	vadd.f32 v5, v4;
	v58 =	vadd.f32 v7, v6  }
0x141: {  	v4 =	vmul.f32 v0, v0;
	v5 =	vmul.f32 v56, v56  }
0x142: {  	v6 =	vmul.f32 v57, v57;
	v62 =	vmul.f32 v58, v58  }
0x143: {  	[tilespmem:s28+$0x6780] =	vst v0;
	v0 =	vadd.f32 v56, v0;
	v7 =	vadd.f32 v58, v57  }
0x144: {  	[tilespmem:s28+$0x6790] =	vst v56;
	v60 =	vadd.f32 v5, v4;
	v62 =	vadd.f32 v62, v6  }
0x145: {  	p0 =	sgt.u32 s29, $0xB8;
	s3 =	simm.s32 $0xFFFF47;
	[tilespmem:s28+$0x67A0] =	vst v57;
	v0 =	vadd.f32 v7, v0  }
0x146: {  	s3 =	simm.s32 @!p0 $0xF;
	[tilespmem:s28+$0x67B0] =	vst v58;
	v56 =	vadd.f32 v62, v60  }
0x147: {  	s3 =	sadd.s32 s29, s3;
	[tilespmem:v46+s19+$0x0] =	vst.idx.msk $0xffff, v0  }
0x148: {  	s3 =	sshll.u32 s3, $0x8;
	[tilespmem:v46+s20+$0x0] =	vst.idx.msk $0xffff, v56  }
0x149: {  	s3 =	sshra.s32 s3, $0x2;
	v0 =	vld [tilespmem:s28+$0x67C0]  }
0x14a: {  	v56 =	vld [tilespmem:s3+$0x1A400]  }
0x14b: {  	v57 =	vld [tilespmem:s28+$0x67D0]  }
0x14c: {  	v58 =	vld [tilespmem:s3+$0x1A410]  }
0x14d: {  	v4 =	vld [tilespmem:s28+$0x67E0]  }
0x14e: {  	v5 =	vld [tilespmem:s3+$0x1A420]  }
0x14f: {  	v6 =	vld [tilespmem:s28+$0x67F0]  }
0x150: {  	v7 =	vld [tilespmem:s3+$0x1A430];
	_ =	sdelay $0x3  }
0x151: {  	v0 =	vadd.f32 v56, v0;
	v56 =	vadd.f32 v58, v57  }
0x152: {  	v57 =	vadd.f32 v5, v4;
	v58 =	vadd.f32 v7, v6  }
0x153: {  	v4 =	vmul.f32 v0, v0;
	v5 =	vmul.f32 v56, v56  }
0x154: {  	v6 =	vmul.f32 v57, v57;
	v62 =	vmul.f32 v58, v58  }
0x155: {  	[tilespmem:s28+$0x67C0] =	vst v0;
	v0 =	vadd.f32 v56, v0;
	v7 =	vadd.f32 v58, v57  }
0x156: {  	[tilespmem:s28+$0x67D0] =	vst v56;
	v60 =	vadd.f32 v5, v4;
	v62 =	vadd.f32 v62, v6  }
0x157: {  	v1 =	vld [tilespmem:$0x1FF20];
	[tilespmem:s28+$0x67E0] =	vst v57;
	v0 =	vadd.f32 v7, v0  }
0x158: {  	v63 =	vld [tilespmem:$0x1FF50];
	[tilespmem:s28+$0x67F0] =	vst v58;
	v56 =	vadd.f32 v62, v60  }
0x159: {  	v4 =	vld [tilespmem:$0x1FF30];
	[tilespmem:v47+s19+$0x0] =	vst.idx.msk $0xffff, v0  }
0x15a: {  	v6 =	vld [tilespmem:$0x1FF40];
	[tilespmem:v47+s20+$0x0] =	vst.idx.msk $0xffff, v56  }
0x15b: {  	v0 =	vld.idx.msk [tilespmem:v42+s19+$0x0], $0xffff  }
0x15c: {  	v56 =	vld.idx.msk [tilespmem:v42+s20+$0x0], $0xffff  }
0x15d: {  	v57 =	vld.idx.msk [tilespmem:v29+s19+$0x0], $0xffff  }
0x15e: {  	v58 =	vld.idx.msk [tilespmem:v29+s20+$0x0], $0xffff  }
0x15f: {  	v59 =	vld.idx.msk [tilespmem:v1+s19+$0x0], $0xffff  }
0x160: {  	v60 =	vld.idx.msk [tilespmem:v1+s20+$0x0], $0xffff  }
0x161: {  	v5 =	vld.idx.msk [tilespmem:v4+s19+$0x0], $0xffff  }
0x162: {  	v7 =	vld.idx.msk [tilespmem:v6+s19+$0x0], $0xffff  }
0x163: {  	v0 =	vadd.f32 v57, v0;
	v57 =	vld.idx.msk [tilespmem:v4+s20+$0x0], $0xffff  }
0x164: {  	v4 =	vld [tilespmem:$0x1FF60]  }
0x165: {  	v56 =	vadd.f32 v58, v56;
	v58 =	vld.idx.msk [tilespmem:v6+s20+$0x0], $0xffff  }
0x166: {  	v6 =	vld [tilespmem:$0x1FF70];
	_ =	sdelay $0x1  }
0x167: {  	v0 =	vadd.f32 v59, v0;
	v59 =	vld.idx.msk [tilespmem:v63+s19+$0x0], $0xffff  }
0x168: {  	v56 =	vadd.f32 v60, v56;
	v60 =	vld.idx.msk [tilespmem:v63+s20+$0x0], $0xffff  }
0x169: {  	v63 =	vld [tilespmem:$0x1FF80];
	_ =	sdelay $0x1  }
0x16a: {  	v0 =	vadd.f32 v5, v0;
	v5 =	vld.idx.msk [tilespmem:v4+s19+$0x0], $0xffff  }
0x16b: {  	v56 =	vadd.f32 v57, v56;
	v57 =	vld.idx.msk [tilespmem:v4+s20+$0x0], $0xffff  }
0x16c: {  	v0 =	vadd.f32 v7, v0;
	v7 =	vld.idx.msk [tilespmem:v6+s19+$0x0], $0xffff  }
0x16d: {  	v56 =	vadd.f32 v58, v56;
	v58 =	vld.idx.msk [tilespmem:v6+s20+$0x0], $0xffff  }
0x16e: {  	v4 =	vld [tilespmem:$0x1FF90]  }
0x16f: {  	v6 =	vld [tilespmem:$0x1FFA0]  }
0x170: {  	v0 =	vadd.f32 v59, v0;
	v59 =	vld.idx.msk [tilespmem:v63+s19+$0x0], $0xffff  }
0x171: {  	v56 =	vadd.f32 v60, v56;
	v60 =	vld.idx.msk [tilespmem:v63+s20+$0x0], $0xffff  }
0x172: {  	v63 =	vld [tilespmem:$0x1FFB0];
	_ =	sdelay $0x2  }
0x173: {  	v0 =	vadd.f32 v5, v0  }
0x174: {  	v5 =	vld.idx.msk [tilespmem:v4+s19+$0x0], $0xffff  }
0x175: {  	v56 =	vadd.f32 v57, v56;
	v0 =	vadd.f32 v7, v0;
	v57 =	vld.idx.msk [tilespmem:v4+s20+$0x0], $0xffff  }
0x176: {  	v7 =	vld.idx.msk [tilespmem:v6+s19+$0x0], $0xffff  }
0x177: {  	v56 =	vadd.f32 v58, v56;
	v58 =	vld.idx.msk [tilespmem:v6+s20+$0x0], $0xffff;
	v0 =	vadd.f32 v59, v0  }
0x178: {  	v4 =	vld.idx.msk [tilespmem:v63+s19+$0x0], $0xffff  }
0x179: {  	v6 =	vld.idx.msk [tilespmem:v31+s19+$0x0], $0xffff;
	v56 =	vadd.f32 v60, v56;
	v0 =	vadd.f32 v5, v0  }
0x17a: {  	v5 =	vld.idx.msk [tilespmem:v63+s20+$0x0], $0xffff  }
0x17b: {  	v56 =	vadd.f32 v57, v56;
	v57 =	vld.idx.msk [tilespmem:v31+s20+$0x0], $0xffff;
	v0 =	vadd.f32 v7, v0  }
0x17c: {  	v7 =	vld.idx.msk [tilespmem:v26+s19+$0x0], $0xffff  }
0x17d: {  	v56 =	vadd.f32 v58, v56;
	v58 =	vld.idx.msk [tilespmem:v26+s20+$0x0], $0xffff;
	v0 =	vadd.f32 v4, v0  }
0x17e: {  	v4 =	vld.idx.msk [tilespmem:v27+s19+$0x0], $0xffff  }
0x17f: {  	v56 =	vadd.f32 v5, v56;
	v5 =	vld.idx.msk [tilespmem:v27+s20+$0x0], $0xffff;
	v0 =	vadd.f32 v6, v0  }
0x180: {  	v6 =	vld.idx.msk [tilespmem:v28+s19+$0x0], $0xffff  }
0x181: {  	v56 =	vadd.f32 v57, v56;
	v0 =	vadd.f32 v7, v0  }
0x182: {  	v7 =	vld.idx.msk [tilespmem:v28+s20+$0x0], $0xffff  }
0x183: {  	v56 =	vadd.f32 v58, v56;
	v0 =	vadd.f32 v4, v0;
	_ =	sdelay $0x1  }
0x184: {  	v56 =	vadd.f32 v5, v56;
	v0 =	vadd.f32 v6, v0;
	_ =	sdelay $0x1  }
0x185: {  	v57 =	vadd.f32 v7, v56;
	v56 =	vmul.f32 $1.562500000e-02, v0;
	_ =	sdelay $0x1  }
0x186: {  	v61 =	vmul.f32 $1.562500000e-02, v57;
	v62 =	vmul.f32 v56, v56;
	_ =	sdelay $0x1  }
0x187: {  	v0 =	vsub.f32 v61, v62;
	_ =	sdelay $0x1  }
0x188: {  	v0 =	vadd.f32 $9.999999740e-06, v0;
	_ =	sdelay $0x1  }
0x189: {  	v63 =	vshra.s32 v0, $0x1;
	v0 =	vmul.f32 $5.000000000e-01, v0  }
0x18a: {  	v57 =	vsub.s32 $0x5F3759DF, v63  }
0x18b: {  	v3 =	vmul.f32 v57, v0;
	_ =	sdelay $0x1  }
0x18c: {  	v58 =	vmul.f32 v57, v3;
	_ =	sdelay $0x1  }
0x18d: {  	v58 =	vsub.f32 $1.500000000e+00, v58;
	_ =	sdelay $0x1  }
0x18e: {  	v57 =	vmul.f32 v57, v58;
	_ =	sdelay $0x1  }
0x18f: {  	v58 =	vmul.f32 v57, v0;
	_ =	sdelay $0x1  }
0x190: {  	v58 =	vmul.f32 v58, v57;
	_ =	sdelay $0x1  }
0x191: {  	v58 =	vsub.f32 $1.500000000e+00, v58;
	_ =	sdelay $0x1  }
0x192: {  	v57 =	vmul.f32 v58, v57;
	_ =	sdelay $0x1  }
0x193: {  	v0 =	vmul.f32 v57, v0;
	_ =	sdelay $0x1  }
0x194: {  	v4 =	vld [tilespmem:s28+$0x6410];
	v0 =	vmul.f32 v0, v57  }
0x195: {  	v58 =	vld [tilespmem:s28+$0x6400]  }
0x196: {  	v5 =	vld [tilespmem:s28+$0x6420];
	v0 =	vsub.f32 $1.500000000e+00, v0  }
0x197: {  	v6 =	vimm.s32 $0x0;
	v7 =	vld [tilespmem:s28+$0x6430]  }
0x198: {  	v57 =	vmul.f32 v0, v57;
	v0 =	vperm.xlane v56, v6;
	_ =	sdelay $0x1  }
0x199: {  	v10 =	vmovc v32;
	v8 =	vimm.s32 $0x6;
	v32 =	vld [tilespmem:s28+$0x6450];
	v62 =	vperm.xlane v57, v6;
	v58 =	vsub.f32 v58, v0  }
0x19a: {  	v11 =	vmovc v33;
	v59 =	vsub.f32 v4, v0;
	v4 =	vld [tilespmem:s28+$0x6440];
	v60 =	vsub.f32 v5, v0;
	v5 =	vimm.s32 $0x1  }
0x19b: {  	v13 =	vmovc v35;
	v6 =	vld [tilespmem:s28+$0x6460];
	v0 =	vsub.f32 v7, v0;
	v33 =	vperm.xlane v56, v5;
	v35 =	vperm.xlane v57, v5  }
0x19c: {  	v30 =	vimm.s32 $0x7;
	v7 =	vld [tilespmem:s28+$0x6470];
	v58 =	vmul.f32 v58, v62;
	v59 =	vmul.f32 v59, v62  }
0x19d: {  	v5 =	vimm.s32 $0x2;
	v60 =	vmul.f32 v60, v62;
	v0 =	vmul.f32 v0, v62  }
0x19e: {  	v16 =	vmovc v38;
	v38 =	vperm.xlane v57, v5;
	v32 =	vsub.f32 v32, v33;
	v58 =	vmul.f32 v58, v48  }
0x19f: {  	v12 =	vmovc v34;
	v59 =	vmul.f32 v59, v49;
	v60 =	vmul.f32 v60, v50;
	v63 =	vsub.f32 v4, v33  }
0x1a0: {  	v14 =	vmovc v36;
	v36 =	vld [tilespmem:s28+$0x6480];
	v0 =	vmul.f32 v0, v51;
	v34 =	vsub.f32 v6, v33;
	v32 =	vmul.f32 v32, v35  }
0x1a1: {  	v6 =	vld [tilespmem:s28+$0x6490];
	v33 =	vsub.f32 v7, v33;
	v58 =	vadd.f32 v58, v52;
	v4 =	vmul.f32 v63, v35  }
0x1a2: {  	v17 =	vmovc v39;
	v7 =	vld [tilespmem:s28+$0x64A0];
	v60 =	vadd.f32 v60, v54;
	v63 =	vperm.xlane v56, v5;
	v34 =	vmul.f32 v34, v35  }
0x1a3: {  	v9 =	vld [tilespmem:s28+$0x65D0];
	v59 =	vadd.f32 v59, v53;
	v32 =	vmul.f32 v32, v49;
	v33 =	vmul.f32 v33, v35;
	[tilespmem:s28+$0x6400] =	vst v58  }
0x1a4: {  	v39 =	vld [tilespmem:s28+$0x64C0];
	v0 =	vadd.f32 v0, v55;
	[tilespmem:s28+$0x6420] =	vst v60;
	v58 =	vperm.xlane v56, v30;
	v60 =	vperm.xlane v57, v30  }
0x1a5: {  	v2 =	vld [tilespmem:s28+$0x64F0];
	v30 =	vmovc v29;
	v29 =	vimm.s32 $0xF;
	v62 =	vmul.f32 v4, v48;
	v36 =	vsub.f32 v36, v63  }
0x1a6: {  	v35 =	vld [tilespmem:s28+$0x64B0];
	v34 =	vmul.f32 v34, v50;
	v32 =	vadd.f32 v32, v53;
	v33 =	vmul.f32 v33, v51  }
0x1a7: {  	v15 =	vmovc v37;
	v5 =	vld [tilespmem:s28+$0x64E0];
	v37 =	vsub.f32 v6, v63;
	v61 =	vsub.f32 v7, v63;
	v6 =	vimm.s32 $0x3  }
0x1a8: {  	[tilespmem:s28+$0x6410] =	vst v59;
	v59 =	vld [tilespmem:s28+$0x65E0];
	v9 =	vsub.f32 v9, v58;
	v62 =	vadd.f32 v62, v52;
	v36 =	vmul.f32 v36, v38  }
0x1a9: {  	v21 =	vmovc v43;
	v4 =	vld [tilespmem:s28+$0x64D0];
	v34 =	vadd.f32 v34, v54;
	v7 =	vperm.xlane v56, v6;
	v43 =	vperm.xlane v57, v6  }
0x1aa: {  	v19 =	vmovc v41;
	v33 =	vadd.f32 v33, v55;
	v37 =	vmul.f32 v37, v38;
	v61 =	vmul.f32 v61, v38  }
0x1ab: {  	v20 =	vmovc v42;
	v35 =	vsub.f32 v35, v63;
	v9 =	vmul.f32 v9, v60;
	v39 =	vsub.f32 v39, v7  }
0x1ac: {  	v36 =	vmul.f32 v36, v48;
	v41 =	vsub.f32 v5, v7;
	v42 =	vsub.f32 v2, v7;
	[tilespmem:s28+$0x6440] =	vst v62  }
0x1ad: {  	v62 =	vimm.s32 $0x8;
	[tilespmem:s28+$0x6470] =	vst v33;
	v33 =	vsub.f32 v59, v58;
	v37 =	vmul.f32 v37, v49  }
0x1ae: {  	v61 =	vmul.f32 v61, v50;
	v35 =	vmul.f32 v35, v38;
	v3 =	vsub.f32 v4, v7  }
0x1af: {  	v7 =	vimm.s32 $0x4;
	v9 =	vmul.f32 v9, v49;
	v39 =	vmul.f32 v39, v43  }
0x1b0: {  	v6 =	vld [tilespmem:s28+$0x6520];
	v59 =	vimm.s32 $0x9;
	v41 =	vmul.f32 v41, v43;
	v63 =	vperm.xlane v56, v7  }
0x1b1: {  	v24 =	vmovc v46;
	v5 =	vld [tilespmem:s28+$0x6510];
	v36 =	vadd.f32 v36, v52;
	v42 =	vmul.f32 v42, v43;
	v46 =	vperm.xlane v57, v7  }
0x1b2: {  	v22 =	vmovc v44;
	v4 =	vld [tilespmem:s28+$0x6500];
	v33 =	vmul.f32 v33, v60;
	v37 =	vadd.f32 v37, v53;
	v35 =	vmul.f32 v35, v51  }
0x1b3: {  	v23 =	vmovc v45;
	v61 =	vadd.f32 v61, v54;
	v38 =	vmul.f32 v3, v43;
	v39 =	vmul.f32 v39, v48  }
0x1b4: {  	v25 =	vmovc v47;
	v47 =	vld [tilespmem:s28+$0x6540];
	v9 =	vadd.f32 v9, v53;
	v41 =	vmul.f32 v41, v50;
	v42 =	vmul.f32 v42, v51  }
0x1b5: {  	[tilespmem:s28+$0x6460] =	vst v34;
	v34 =	vld [tilespmem:s28+$0x6610];
	v45 =	vsub.f32 v6, v63;
	v33 =	vmul.f32 v33, v50;
	v35 =	vadd.f32 v35, v55  }
0x1b6: {  	v43 =	vld [tilespmem:s28+$0x6530];
	v38 =	vmul.f32 v38, v49;
	v44 =	vsub.f32 v5, v63;
	[tilespmem:s28+$0x6490] =	vst v37;
	v37 =	vperm.xlane v56, v62  }
0x1b7: {  	v18 =	vmovc v40;
	v1 =	vld [tilespmem:s28+$0x6550];
	v62 =	vperm.xlane v57, v62;
	v39 =	vadd.f32 v39, v52;
	v40 =	vsub.f32 v4, v63  }
0x1b8: {  	v3 =	vld [tilespmem:s28+$0x6560];
	v41 =	vadd.f32 v41, v54;
	v42 =	vadd.f32 v42, v55;
	v45 =	vmul.f32 v45, v46  }
0x1b9: {  	[tilespmem:s28+$0x6480] =	vst v36;
	v36 =	vld [tilespmem:s28+$0x6630];
	v4 =	vimm.s32 $0x5;
	v33 =	vadd.f32 v33, v54;
	v44 =	vmul.f32 v44, v46  }
0x1ba: {  	v38 =	vadd.f32 v38, v53;
	v2 =	vperm.xlane v56, v4;
	v4 =	vperm.xlane v57, v4  }
0x1bb: {  	v34 =	vsub.f32 v34, v37;
	v40 =	vmul.f32 v40, v46;
	v43 =	vsub.f32 v43, v63  }
0x1bc: {  	v63 =	vld [tilespmem:s28+$0x6570];
	v45 =	vmul.f32 v45, v50;
	v44 =	vmul.f32 v44, v49;
	v47 =	vsub.f32 v47, v2  }
0x1bd: {  	v1 =	vsub.f32 v1, v2;
	v3 =	vsub.f32 v3, v2;
	v34 =	vmul.f32 v34, v62  }
0x1be: {  	v5 =	vld [tilespmem:s28+$0x6590];
	v36 =	vsub.f32 v36, v37;
	v40 =	vmul.f32 v40, v48;
	v43 =	vmul.f32 v43, v46  }
0x1bf: {  	v46 =	vld [tilespmem:s28+$0x6580];
	v45 =	vadd.f32 v45, v54;
	v47 =	vmul.f32 v47, v4;
	v1 =	vmul.f32 v1, v4  }
0x1c0: {  	v6 =	vld [tilespmem:s28+$0x65A0];
	[tilespmem:s28+$0x64B0] =	vst v35;
	v44 =	vadd.f32 v44, v53;
	v3 =	vmul.f32 v3, v4;
	v35 =	vmul.f32 v36, v62  }
0x1c1: {  	v34 =	vmul.f32 v34, v49;
	v2 =	vsub.f32 v63, v2;
	v63 =	vperm.xlane v56, v8  }
0x1c2: {  	v7 =	vld [tilespmem:s28+$0x65B0];
	v40 =	vadd.f32 v40, v52;
	v43 =	vmul.f32 v43, v51;
	v47 =	vmul.f32 v47, v48  }
0x1c3: {  	v2 =	vmul.f32 v2, v4;
	v4 =	vperm.xlane v57, v8;
	v5 =	vsub.f32 v5, v63  }
0x1c4: {  	v1 =	vmul.f32 v1, v49;
	v3 =	vmul.f32 v3, v50;
	v46 =	vsub.f32 v46, v63  }
0x1c5: {  	v34 =	vadd.f32 v34, v53;
	v8 =	vld [tilespmem:s28+$0x65C0];
	v6 =	vsub.f32 v6, v63;
	v5 =	vmul.f32 v5, v4  }
0x1c6: {  	v35 =	vmul.f32 v35, v51;
	v43 =	vadd.f32 v43, v55;
	v46 =	vmul.f32 v46, v4  }
0x1c7: {  	[tilespmem:s28+$0x6430] =	vst v0;
	v0 =	vmul.f32 v5, v49;
	v5 =	vmul.f32 v6, v4;
	v6 =	vsub.f32 v7, v63;
	v7 =	vld [tilespmem:s28+$0x65F0]  }
0x1c8: {  	v47 =	vadd.f32 v47, v52;
	v1 =	vadd.f32 v1, v53;
	v2 =	vmul.f32 v2, v51;
	v63 =	vld [tilespmem:s28+$0x6620]  }
0x1c9: {  	[tilespmem:s28+$0x6450] =	vst v32;
	v3 =	vadd.f32 v3, v54;
	v46 =	vmul.f32 v46, v48;
	v4 =	vmul.f32 v6, v4;
	v6 =	vld [tilespmem:s28+$0x6600]  }
0x1ca: {  	[tilespmem:s28+$0x6550] =	vst v1;
	v1 =	vadd.f32 v35, v55;
	v8 =	vsub.f32 v8, v58;
	v5 =	vmul.f32 v5, v50  }
0x1cb: {  	[tilespmem:s28+$0x64A0] =	vst v61;
	v61 =	vld [tilespmem:s28+$0x6640];
	v36 =	vperm.xlane v57, v59;
	v2 =	vadd.f32 v2, v55;
	v32 =	vadd.f32 v46, v52  }
0x1cc: {  	v0 =	vadd.f32 v0, v53;
	v8 =	vmul.f32 v8, v60;
	v5 =	vadd.f32 v5, v54  }
0x1cd: {  	v46 =	vld [tilespmem:s28+$0x6650];
	v4 =	vmul.f32 v4, v51;
	v7 =	vsub.f32 v7, v58;
	v63 =	vsub.f32 v63, v37  }
0x1ce: {  	[tilespmem:s28+$0x64C0] =	vst v39;
	v39 =	vld [tilespmem:s28+$0x6660];
	v8 =	vmul.f32 v8, v48;
	v6 =	vsub.f32 v6, v37;
	v37 =	vperm.xlane v56, v59  }
0x1cf: {  	v58 =	vimm.s32 $0xA;
	v7 =	vmul.f32 v7, v60;
	v60 =	vmul.f32 v63, v62  }
0x1d0: {  	[tilespmem:s28+$0x64F0] =	vst v42;
	v42 =	vperm.xlane v56, v58;
	v6 =	vmul.f32 v6, v62;
	v61 =	vsub.f32 v61, v37;
	v62 =	vld [tilespmem:s28+$0x6670]  }
0x1d1: {  	[tilespmem:s28+$0x64D0] =	vst v38;
	v4 =	vadd.f32 v4, v55;
	v7 =	vmul.f32 v7, v51;
	v38 =	vmul.f32 v60, v50;
	v60 =	vld [tilespmem:s28+$0x6680]  }
0x1d2: {  	[tilespmem:s28+$0x64E0] =	vst v41;
	v8 =	vadd.f32 v8, v52;
	v59 =	vsub.f32 v46, v37;
	v63 =	vmul.f32 v61, v36  }
0x1d3: {  	[tilespmem:s28+$0x6500] =	vst v40;
	v39 =	vsub.f32 v39, v37;
	v7 =	vadd.f32 v7, v55;
	v6 =	vmul.f32 v6, v48;
	v61 =	vld [tilespmem:s28+$0x6690]  }
0x1d4: {  	[tilespmem:s28+$0x6530] =	vst v43;
	v43 =	vld [tilespmem:s28+$0x66A0];
	v38 =	vadd.f32 v38, v54;
	v41 =	vmul.f32 v59, v36;
	v40 =	vmul.f32 v63, v48  }
0x1d5: {  	[tilespmem:s28+$0x65D0] =	vst v9;
	v46 =	vld [tilespmem:s28+$0x66B0];
	v63 =	vmul.f32 v39, v36;
	v39 =	vperm.xlane v57, v58;
	v37 =	vsub.f32 v62, v37  }
0x1d6: {  	[tilespmem:s28+$0x65E0] =	vst v33;
	v58 =	vimm.s32 $0xB;
	v62 =	vmul.f32 v41, v49;
	v59 =	vsub.f32 v60, v42  }
0x1d7: {  	[tilespmem:s28+$0x6520] =	vst v45;
	v9 =	vperm.xlane v57, v58;
	v35 =	vadd.f32 v40, v52;
	v36 =	vmul.f32 v37, v36  }
0x1d8: {  	[tilespmem:s28+$0x6560] =	vst v3;
	v40 =	vld [tilespmem:s28+$0x66C0];
	v3 =	vmul.f32 v63, v50;
	v60 =	vsub.f32 v61, v42;
	v61 =	vmul.f32 v59, v39  }
0x1d9: {  	[tilespmem:s28+$0x6570] =	vst v2;
	v2 =	vadd.f32 v62, v53;
	v62 =	vsub.f32 v43, v42;
	v43 =	vld [tilespmem:s28+$0x66D0];
	v63 =	vmul.f32 v36, v51  }
0x1da: {  	[tilespmem:s28+$0x6580] =	vst v32;
	v59 =	vmul.f32 v60, v39;
	v60 =	vsub.f32 v46, v42;
	v42 =	vld [tilespmem:s28+$0x66E0];
	v61 =	vmul.f32 v61, v48  }
0x1db: {  	[tilespmem:s28+$0x6590] =	vst v0;
	v62 =	vmul.f32 v62, v39;
	v36 =	vperm.xlane v56, v58;
	v58 =	vimm.s32 $0xC  }
0x1dc: {  	[tilespmem:s28+$0x65A0] =	vst v5;
	v33 =	vperm.xlane v56, v58;
	v0 =	vadd.f32 v63, v55;
	v63 =	vmul.f32 v59, v49  }
0x1dd: {  	[tilespmem:s28+$0x65C0] =	vst v8;
	v37 =	vld [tilespmem:s28+$0x66F0];
	v5 =	vadd.f32 v61, v52;
	v8 =	vmul.f32 v62, v50;
	v61 =	vsub.f32 v40, v36  }
0x1de: {  	[tilespmem:s28+$0x65B0] =	vst v4;
	v41 =	vld [tilespmem:s28+$0x6700];
	v60 =	vmul.f32 v60, v39;
	v62 =	vsub.f32 v43, v36;
	v4 =	vadd.f32 v63, v53  }
0x1df: {  	[tilespmem:s28+$0x65F0] =	vst v7;
	v7 =	vadd.f32 v8, v54;
	v8 =	vmul.f32 v61, v9;
	v63 =	vsub.f32 v42, v36;
	v42 =	vld [tilespmem:s28+$0x6710]  }
0x1e0: {  	v6 =	vadd.f32 v6, v52;
	[tilespmem:s28+$0x6620] =	vst v38;
	v38 =	vperm.xlane v57, v58;
	v32 =	vmul.f32 v60, v51  }
0x1e1: {  	[tilespmem:s28+$0x6510] =	vst v44;
	v3 =	vadd.f32 v3, v54;
	v40 =	vld [tilespmem:s28+$0x6720];
	v59 =	vmul.f32 v62, v9;
	v8 =	vmul.f32 v8, v48  }
0x1e2: {  	[tilespmem:s28+$0x6600] =	vst v6;
	v36 =	vsub.f32 v37, v36;
	v62 =	vld [tilespmem:s28+$0x6730];
	v6 =	vadd.f32 v32, v55;
	v60 =	vmul.f32 v63, v9  }
0x1e3: {  	[tilespmem:s28+$0x6630] =	vst v1;
	v61 =	vmul.f32 v59, v49;
	v63 =	vsub.f32 v41, v33;
	v1 =	vadd.f32 v8, v52  }
0x1e4: {  	[tilespmem:s28+$0x6610] =	vst v34;
	v8 =	vmul.f32 v36, v9;
	v36 =	vld [tilespmem:s28+$0x6740];
	v32 =	vmul.f32 v60, v50;
	v9 =	vsub.f32 v42, v33  }
0x1e5: {  	[tilespmem:s28+$0x6540] =	vst v47;
	v58 =	vimm.s32 $0xD;
	v34 =	vadd.f32 v61, v53;
	v59 =	vmul.f32 v63, v38  }
0x1e6: {  	[tilespmem:s28+$0x6640] =	vst v35;
	v39 =	vld [tilespmem:s28+$0x6750];
	v60 =	vmul.f32 v8, v51;
	v32 =	vadd.f32 v32, v54;
	v8 =	vmul.f32 v9, v38  }
0x1e7: {  	[tilespmem:s28+$0x6650] =	vst v2;
	v35 =	vperm.xlane v56, v58;
	v9 =	vsub.f32 v40, v33;
	v33 =	vsub.f32 v62, v33  }
0x1e8: {  	[tilespmem:s28+$0x6670] =	vst v0;
	v37 =	vld [tilespmem:s28+$0x6760];
	v61 =	vmul.f32 v59, v48;
	v0 =	vadd.f32 v60, v55;
	v62 =	vmul.f32 v8, v49  }
0x1e9: {  	[tilespmem:s28+$0x6660] =	vst v3;
	v36 =	vsub.f32 v36, v35;
	v8 =	vmul.f32 v9, v38;
	v63 =	vmul.f32 v33, v38;
	v38 =	vld [tilespmem:s28+$0x6780]  }
0x1ea: {  	[tilespmem:s28+$0x6680] =	vst v5;
	v3 =	vadd.f32 v61, v52;
	v9 =	vld [tilespmem:s28+$0x6770];
	v33 =	vperm.xlane v57, v58;
	v58 =	vimm.s32 $0xE  }
0x1eb: {  	[tilespmem:s28+$0x6690] =	vst v4;
	v61 =	vld [tilespmem:s28+$0x6790];
	v59 =	vperm.xlane v56, v58;
	v60 =	vmul.f32 v8, v50;
	v8 =	vsub.f32 v39, v35  }
0x1ec: {  	[tilespmem:s28+$0x66C0] =	vst v1;
	v2 =	vadd.f32 v62, v53;
	v5 =	vmul.f32 v63, v51;
	v62 =	vmul.f32 v36, v33;
	v36 =	vld [tilespmem:s28+$0x67A0]  }
0x1ed: {  	[tilespmem:s28+$0x66D0] =	vst v34;
	v4 =	vadd.f32 v60, v54;
	v63 =	vmul.f32 v8, v33;
	v8 =	vsub.f32 v37, v35  }
0x1ee: {  	v34 =	vld [tilespmem:s28+$0x67C0];
	[tilespmem:s28+$0x66E0] =	vst v32;
	v32 =	vperm.xlane v57, v58;
	v1 =	vadd.f32 v5, v55;
	v60 =	vsub.f32 v38, v59  }
0x1ef: {  	[tilespmem:s28+$0x66A0] =	vst v7;
	v37 =	vld [tilespmem:s28+$0x67B0];
	v5 =	vmul.f32 v62, v48;
	v9 =	vsub.f32 v9, v35;
	v8 =	vmul.f32 v8, v33  }
0x1f0: {  	[tilespmem:s28+$0x66B0] =	vst v6;
	v58 =	vld [tilespmem:s28+$0x67F0];
	v61 =	vsub.f32 v61, v59;
	v6 =	vmul.f32 v63, v49;
	v63 =	vmul.f32 v60, v32  }
0x1f1: {  	[tilespmem:s28+$0x66F0] =	vst v0;
	v39 =	vld [tilespmem:s28+$0x67D0];
	v62 =	vmul.f32 v8, v50;
	v8 =	vmul.f32 v9, v33;
	v9 =	vsub.f32 v36, v59  }
0x1f2: {  	[tilespmem:s28+$0x6710] =	vst v2;
	v2 =	vperm.xlane v57, v29;
	v35 =	vmul.f32 v61, v32;
	v33 =	vld [tilespmem:s28+$0x67E0];
	v6 =	vadd.f32 v6, v53  }
0x1f3: {  	[tilespmem:s28+$0x6700] =	vst v3;
	v3 =	vmul.f32 v63, v48;
	v60 =	vmul.f32 v9, v32;
	v9 =	vimm.s32 $0xF  }
0x1f4: {  	[tilespmem:s28+$0x6720] =	vst v4;
	v7 =	vsub.f32 v37, v59;
	v59 =	vadd.f32 v5, v52;
	v9 =	vperm.xlane v56, v9  }
0x1f5: {  	[tilespmem:s28+$0x6730] =	vst v1;
	v0 =	vadd.f32 v62, v54;
	v62 =	vmul.f32 v8, v51;
	v57 =	vadd.f32 v3, v52  }
0x1f6: {  	[tilespmem:s28+$0x6750] =	vst v6;
	v61 =	vmul.f32 v7, v32;
	v63 =	vsub.f32 v34, v9;
	v8 =	vsub.f32 v39, v9  }
0x1f7: {  	[tilespmem:s28+$0x6740] =	vst v59;
	v56 =	vsub.f32 v33, v9;
	v6 =	vsub.f32 v58, v9;
	v9 =	vmul.f32 v35, v49  }
0x1f8: {  	v1 =	vadd.f32 v62, v55;
	[tilespmem:s28+$0x6760] =	vst v0;
	v58 =	vmul.f32 v60, v50;
	v59 =	vmul.f32 v63, v2  }
0x1f9: {  	v4 =	vmul.f32 v61, v51;
	[tilespmem:s28+$0x6780] =	vst v57;
	v60 =	vadd.f32 v9, v53;
	v61 =	vmul.f32 v8, v2  }
0x1fa: {  	[tilespmem:s28+$0x6770] =	vst v1;
	v62 =	vadd.f32 v58, v54;
	v56 =	vmul.f32 v56, v2;
	v63 =	vmul.f32 v59, v48  }
0x1fb: {  	v57 =	vmul.f32 v6, v2;
	v58 =	vadd.f32 v4, v55;
	[tilespmem:s28+$0x6790] =	vst v60;
	v59 =	vmul.f32 v61, v49  }
0x1fc: {  	p0 =	sne.s32 s26, $0x27;
	[tilespmem:s28+$0x67A0] =	vst v62;
	v61 =	vmul.f32 v56, v50;
	v60 =	vadd.f32 v63, v52  }
.Ltmp0:
0x1fd: {  	[tilespmem:s28+$0x67B0] =	vst v58;
	v1 =	vmul.f32 v57, v51;
	v62 =	vadd.f32 v59, v53;
	(pc) =	sbr.rel @p0 .LBB2_3-.Ltmp0, $4  }
0x1fe: {  	v45 =	vmovc v23;
	v44 =	vmovc v22;
	v47 =	vmov v25;
	v46 =	vmov v24;
	v63 =	vadd.f32 v61, v54;
	[tilespmem:s28+$0x67C0] =	vst v60  }
0x1ff: {  	v43 =	vmovc v21;
	v41 =	vmovc v19;
	v42 =	vmov v20;
	v40 =	vmov v18;
	v1 =	vadd.f32 v1, v55;
	[tilespmem:s28+$0x67D0] =	vst v62  }
0x200: {  	v29 =	vmovc v30;
	v38 =	vmovc v16;
	v36 =	vmov v14;
	v37 =	vmov v15;
	v32 =	vmov v10;
	[tilespmem:s28+$0x67E0] =	vst v63  }
0x201: {  	s26 =	sadd.s32 $0x1, s26;
	v34 =	vmovc v12;
	v39 =	vmovc v17;
	v33 =	vmov v11;
	v35 =	vmov v13;
	v9 =	vlaneseq.u32;
	[tilespmem:s28+$0x67F0] =	vst v1  }
0x202: {  	s3 =	sshll.u32 s25, $0x3;
	s24 =	sadd.s32 s6, s24  }
0x203: {  	s3 =	sadd.s32 s4, s3;
	s30 =	smulhi.u32 $0x51EB851F, s24  }
0x204: {  	[hbm4b:s3+s5] =	stream.linear.scatter [tilespmem:s16], [sflag:$0x3], $0xA000, $0x38;
	[tilespmem:$0x1D8A0] =	vst v63  }
0x205: {  	p0 =	seq.s32 s23, $0x13;
	_ =	swait.ge [sflag:s11], $0xA000  }
0x206: {  	s3 =	smul.u32 @!p0 $0x1400, s23;
	s25 =	sshrl.u32 s30, $0x6;
	[sflag:s11] =	ssyncset.done $0x0  }
0x207: {  	s26 =	simm.s32 @!p0 $0x280;
	s25 =	smul.u32 $0xC8, s25;
	[sflag:s11] =	ssyncadd.s32 $0xFFFF6000  }
0x208: {  	s28 =	simm.s32 @!p0 $0x6400;
	s3 =	sshra.s32 @!p0 s3, $0x2;
	_ =	swait.ge [sflag:s21], $0xA000  }
0x209: {  	s3 =	sadd.s32 @!p0 $0x500, s3;
	s31 =	ssub.s32 s24, s25;
	[sflag:s21] =	ssyncset.done $0x0  }
0x20a: {  	s25 =	simm.s32 $0x0;
	[dreg:$0x6] =	wrdreg s31;
	[sflag:s21] =	ssyncadd.s32 $0xFFFF6000  }
0x20b: {  	[tilespmem:s28], [sflag:$0x1] =	stream.indirect.gather @!p0 [hbm4b:s7+s26], $0x40, s3, s26, $0xb8;
	[tilespmem:$0x1D8A0] =	vst v63  }
.LBB2_5:
0x20c: {  	s3 =	rddreg [dreg:$0x6];
	s26 =	sshll.u32 s25, $0x4  }
0x20d: {  	s3 =	sadd.s32 s3, s26  }
0x20e: {  	s26 =	smulhi.u32 $0x51EB851F, s3;
	_ =	sdelay $0x1  }
0x20f: {  	s26 =	sshrl.u32 s26, $0x6  }
0x210: {  	s26 =	smul.u32 $0xC8, s26  }
0x211: {  	s29 =	sshll.u32 s25, $0xA  }
0x212: {  	s28 =	ssub.s32 s3, s26;
	s26 =	sand.u32 $0x3FFFFC00, s29  }
0x213: {  	v0 =	vld [tilespmem:s26+$0x10400]  }
0x214: {  	v2 =	vld [tilespmem:s26+$0x10410]  }
0x215: {  	v4 =	vld [tilespmem:s26+$0x10420]  }
0x216: {  	s29 =	sshll.u32 s28, $0x6;
	v6 =	vld [tilespmem:s26+$0x10430]  }
0x217: {  	v1 =	vld [tilespmem:s29+$0x1A400]  }
0x218: {  	v3 =	vld [tilespmem:s29+$0x1A410]  }
0x219: {  	v5 =	vld [tilespmem:s29+$0x1A420]  }
0x21a: {  	v7 =	vld [tilespmem:s29+$0x1A430];
	_ =	sdelay $0x3  }
0x21b: {  	v0 =	vadd.f32 v1, v0;
	v59 =	vadd.f32 v3, v2  }
0x21c: {  	v60 =	vadd.f32 v5, v4;
	v61 =	vadd.f32 v7, v6  }
0x21d: {  	v62 =	vmul.f32 v0, v0;
	v63 =	vmul.f32 v59, v59  }
0x21e: {  	v56 =	vmul.f32 v60, v60;
	v7 =	vmul.f32 v61, v61  }
0x21f: {  	[tilespmem:s26+$0x10400] =	vst v0;
	v0 =	vadd.f32 v59, v0;
	v8 =	vadd.f32 v61, v60  }
0x220: {  	[tilespmem:s26+$0x10410] =	vst v59;
	v57 =	vadd.f32 v63, v62;
	v58 =	vadd.f32 v7, v56  }
0x221: {  	[tilespmem:s26+$0x10420] =	vst v60;
	v0 =	vadd.f32 v8, v0  }
0x222: {  	s3 =	sor.u32 $0x1, s28;
	p0 =	sgt.u32 s28, $0xC6;
	s30 =	sadd.s32 $0xFFFF39, s28;
	[tilespmem:s26+$0x10430] =	vst v61;
	v1 =	vadd.f32 v58, v57  }
0x223: {  	s3 =	smov.u32 @p0 s30;
	[tilespmem:v9+s19+$0x0] =	vst.idx.msk $0xffff, v0  }
0x224: {  	s3 =	sshll.u32 s3, $0x8;
	[tilespmem:v9+s20+$0x0] =	vst.idx.msk $0xffff, v1  }
0x225: {  	s3 =	sshra.s32 s3, $0x2;
	v0 =	vld [tilespmem:s26+$0x10440]  }
0x226: {  	v1 =	vld [tilespmem:s3+$0x1A400]  }
0x227: {  	v59 =	vld [tilespmem:s26+$0x10450]  }
0x228: {  	v3 =	vld [tilespmem:s3+$0x1A410]  }
0x229: {  	v60 =	vld [tilespmem:s26+$0x10460]  }
0x22a: {  	v61 =	vld [tilespmem:s3+$0x1A420]  }
0x22b: {  	v62 =	vld [tilespmem:s26+$0x10470]  }
0x22c: {  	v63 =	vld [tilespmem:s3+$0x1A430];
	_ =	sdelay $0x3  }
0x22d: {  	v0 =	vadd.f32 v1, v0;
	v56 =	vadd.f32 v3, v59  }
0x22e: {  	v57 =	vadd.f32 v61, v60;
	v58 =	vadd.f32 v63, v62  }
0x22f: {  	v59 =	vmul.f32 v0, v0;
	v60 =	vmul.f32 v56, v56  }
0x230: {  	v61 =	vmul.f32 v57, v57;
	v7 =	vmul.f32 v58, v58  }
0x231: {  	[tilespmem:s26+$0x10440] =	vst v0;
	v0 =	vadd.f32 v56, v0;
	v8 =	vadd.f32 v58, v57  }
0x232: {  	[tilespmem:s26+$0x10450] =	vst v56;
	v62 =	vadd.f32 v60, v59;
	v63 =	vadd.f32 v7, v61  }
0x233: {  	[tilespmem:s26+$0x10460] =	vst v57;
	v0 =	vadd.f32 v8, v0  }
0x234: {  	[tilespmem:s26+$0x10470] =	vst v58;
	v1 =	vadd.f32 v63, v62  }
0x235: {  	[tilespmem:v32+s19+$0x0] =	vst.idx.msk $0xffff, v0  }
0x236: {  	[tilespmem:v32+s20+$0x0] =	vst.idx.msk $0xffff, v1  }
0x237: {  	s30 =	sor.u32 $0x80, s29;
	v0 =	vld [tilespmem:s26+$0x10480]  }
0x238: {  	v1 =	vld [tilespmem:s30+$0x1A400]  }
0x239: {  	v56 =	vld [tilespmem:s26+$0x10490]  }
0x23a: {  	v3 =	vld [tilespmem:s30+$0x1A410]  }
0x23b: {  	v57 =	vld [tilespmem:s26+$0x104A0]  }
0x23c: {  	v58 =	vld [tilespmem:s30+$0x1A420]  }
0x23d: {  	v59 =	vld [tilespmem:s26+$0x104B0]  }
0x23e: {  	v60 =	vld [tilespmem:s30+$0x1A430];
	_ =	sdelay $0x3  }
0x23f: {  	v0 =	vadd.f32 v1, v0;
	v61 =	vadd.f32 v3, v56  }
0x240: {  	v62 =	vadd.f32 v58, v57;
	v63 =	vadd.f32 v60, v59  }
0x241: {  	v32 =	vmul.f32 v0, v0;
	v56 =	vmul.f32 v61, v61  }
0x242: {  	v57 =	vmul.f32 v62, v62;
	v7 =	vmul.f32 v63, v63  }
0x243: {  	[tilespmem:s26+$0x10480] =	vst v0;
	v0 =	vadd.f32 v61, v0;
	v8 =	vadd.f32 v63, v62  }
0x244: {  	[tilespmem:s26+$0x10490] =	vst v61;
	v58 =	vadd.f32 v56, v32;
	v59 =	vadd.f32 v7, v57  }
0x245: {  	[tilespmem:s26+$0x104A0] =	vst v62;
	v0 =	vadd.f32 v8, v0  }
0x246: {  	[tilespmem:s26+$0x104B0] =	vst v63;
	v1 =	vadd.f32 v59, v58  }
0x247: {  	[tilespmem:v33+s19+$0x0] =	vst.idx.msk $0xffff, v0  }
0x248: {  	[tilespmem:v33+s20+$0x0] =	vst.idx.msk $0xffff, v1  }
0x249: {  	s31 =	sor.u32 $0xC0, s29;
	v0 =	vld [tilespmem:s26+$0x104C0]  }
0x24a: {  	v1 =	vld [tilespmem:s31+$0x1A400]  }
0x24b: {  	v60 =	vld [tilespmem:s26+$0x104D0]  }
0x24c: {  	v3 =	vld [tilespmem:s31+$0x1A410]  }
0x24d: {  	v61 =	vld [tilespmem:s26+$0x104E0]  }
0x24e: {  	v62 =	vld [tilespmem:s31+$0x1A420]  }
0x24f: {  	v63 =	vld [tilespmem:s26+$0x104F0]  }
0x250: {  	v32 =	vld [tilespmem:s31+$0x1A430];
	_ =	sdelay $0x3  }
0x251: {  	v0 =	vadd.f32 v1, v0;
	v33 =	vadd.f32 v3, v60  }
0x252: {  	v56 =	vadd.f32 v62, v61;
	v57 =	vadd.f32 v32, v63  }
0x253: {  	v58 =	vmul.f32 v0, v0;
	v59 =	vmul.f32 v33, v33  }
0x254: {  	v60 =	vmul.f32 v56, v56;
	v7 =	vmul.f32 v57, v57  }
0x255: {  	[tilespmem:s26+$0x104C0] =	vst v0;
	v0 =	vadd.f32 v33, v0;
	v8 =	vadd.f32 v57, v56  }
0x256: {  	[tilespmem:s26+$0x104D0] =	vst v33;
	v61 =	vadd.f32 v59, v58;
	v62 =	vadd.f32 v7, v60  }
0x257: {  	[tilespmem:s26+$0x104E0] =	vst v56;
	v0 =	vadd.f32 v8, v0  }
0x258: {  	[tilespmem:s26+$0x104F0] =	vst v57;
	v1 =	vadd.f32 v62, v61  }
0x259: {  	[tilespmem:v34+s19+$0x0] =	vst.idx.msk $0xffff, v0  }
0x25a: {  	[tilespmem:v34+s20+$0x0] =	vst.idx.msk $0xffff, v1  }
0x25b: {  	s30 =	sor.u32 $0x100, s29;
	v0 =	vld [tilespmem:s26+$0x10500]  }
0x25c: {  	v1 =	vld [tilespmem:s30+$0x1A400]  }
0x25d: {  	v63 =	vld [tilespmem:s26+$0x10510]  }
0x25e: {  	v3 =	vld [tilespmem:s30+$0x1A410]  }
0x25f: {  	v32 =	vld [tilespmem:s26+$0x10520]  }
0x260: {  	v33 =	vld [tilespmem:s30+$0x1A420]  }
0x261: {  	v34 =	vld [tilespmem:s26+$0x10530]  }
0x262: {  	v56 =	vld [tilespmem:s30+$0x1A430];
	_ =	sdelay $0x3  }
0x263: {  	v0 =	vadd.f32 v1, v0;
	v57 =	vadd.f32 v3, v63  }
0x264: {  	v58 =	vadd.f32 v33, v32;
	v59 =	vadd.f32 v56, v34  }
0x265: {  	v60 =	vmul.f32 v0, v0;
	v61 =	vmul.f32 v57, v57  }
0x266: {  	v62 =	vmul.f32 v58, v58;
	v7 =	vmul.f32 v59, v59  }
0x267: {  	[tilespmem:s26+$0x10500] =	vst v0;
	v0 =	vadd.f32 v57, v0;
	v8 =	vadd.f32 v59, v58  }
0x268: {  	[tilespmem:s26+$0x10510] =	vst v57;
	v63 =	vadd.f32 v61, v60;
	v32 =	vadd.f32 v7, v62  }
0x269: {  	[tilespmem:s26+$0x10520] =	vst v58;
	v0 =	vadd.f32 v8, v0  }
0x26a: {  	[tilespmem:s26+$0x10530] =	vst v59;
	v1 =	vadd.f32 v32, v63  }
0x26b: {  	[tilespmem:v35+s19+$0x0] =	vst.idx.msk $0xffff, v0  }
0x26c: {  	[tilespmem:v35+s20+$0x0] =	vst.idx.msk $0xffff, v1  }
0x26d: {  	s31 =	sor.u32 $0x140, s29;
	v0 =	vld [tilespmem:s26+$0x10540]  }
0x26e: {  	v1 =	vld [tilespmem:s31+$0x1A400]  }
0x26f: {  	v33 =	vld [tilespmem:s26+$0x10550]  }
0x270: {  	v3 =	vld [tilespmem:s31+$0x1A410]  }
0x271: {  	v34 =	vld [tilespmem:s26+$0x10560]  }
0x272: {  	v35 =	vld [tilespmem:s31+$0x1A420]  }
0x273: {  	v56 =	vld [tilespmem:s26+$0x10570]  }
0x274: {  	v57 =	vld [tilespmem:s31+$0x1A430];
	_ =	sdelay $0x3  }
0x275: {  	v0 =	vadd.f32 v1, v0;
	v58 =	vadd.f32 v3, v33  }
0x276: {  	v59 =	vadd.f32 v35, v34;
	v60 =	vadd.f32 v57, v56  }
0x277: {  	v61 =	vmul.f32 v0, v0;
	v62 =	vmul.f32 v58, v58  }
0x278: {  	v63 =	vmul.f32 v59, v59;
	v7 =	vmul.f32 v60, v60  }
0x279: {  	[tilespmem:s26+$0x10540] =	vst v0;
	v0 =	vadd.f32 v58, v0;
	v8 =	vadd.f32 v60, v59  }
0x27a: {  	[tilespmem:s26+$0x10550] =	vst v58;
	v32 =	vadd.f32 v62, v61;
	v33 =	vadd.f32 v7, v63  }
0x27b: {  	[tilespmem:s26+$0x10560] =	vst v59;
	v0 =	vadd.f32 v8, v0  }
0x27c: {  	[tilespmem:s26+$0x10570] =	vst v60;
	v1 =	vadd.f32 v33, v32  }
0x27d: {  	[tilespmem:v36+s19+$0x0] =	vst.idx.msk $0xffff, v0  }
0x27e: {  	[tilespmem:v36+s20+$0x0] =	vst.idx.msk $0xffff, v1  }
0x27f: {  	s30 =	sor.u32 $0x180, s29;
	v0 =	vld [tilespmem:s26+$0x10580]  }
0x280: {  	v1 =	vld [tilespmem:s30+$0x1A400]  }
0x281: {  	v34 =	vld [tilespmem:s26+$0x10590]  }
0x282: {  	v3 =	vld [tilespmem:s30+$0x1A410]  }
0x283: {  	v35 =	vld [tilespmem:s26+$0x105A0]  }
0x284: {  	v36 =	vld [tilespmem:s30+$0x1A420]  }
0x285: {  	v56 =	vld [tilespmem:s26+$0x105B0]  }
0x286: {  	v57 =	vld [tilespmem:s30+$0x1A430];
	_ =	sdelay $0x3  }
0x287: {  	v0 =	vadd.f32 v1, v0;
	v58 =	vadd.f32 v3, v34  }
0x288: {  	v59 =	vadd.f32 v36, v35;
	v60 =	vadd.f32 v57, v56  }
0x289: {  	v61 =	vmul.f32 v0, v0;
	v62 =	vmul.f32 v58, v58  }
0x28a: {  	v63 =	vmul.f32 v59, v59;
	v7 =	vmul.f32 v60, v60  }
0x28b: {  	[tilespmem:s26+$0x10580] =	vst v0;
	v0 =	vadd.f32 v58, v0;
	v8 =	vadd.f32 v60, v59  }
0x28c: {  	[tilespmem:s26+$0x10590] =	vst v58;
	v32 =	vadd.f32 v62, v61;
	v33 =	vadd.f32 v7, v63  }
0x28d: {  	[tilespmem:s26+$0x105A0] =	vst v59;
	v0 =	vadd.f32 v8, v0  }
0x28e: {  	[tilespmem:s26+$0x105B0] =	vst v60;
	v1 =	vadd.f32 v33, v32  }
0x28f: {  	[tilespmem:v37+s19+$0x0] =	vst.idx.msk $0xffff, v0  }
0x290: {  	[tilespmem:v37+s20+$0x0] =	vst.idx.msk $0xffff, v1  }
0x291: {  	s31 =	sor.u32 $0x1C0, s29;
	v0 =	vld [tilespmem:s26+$0x105C0]  }
0x292: {  	v1 =	vld [tilespmem:s31+$0x1A400]  }
0x293: {  	v34 =	vld [tilespmem:s26+$0x105D0]  }
0x294: {  	v3 =	vld [tilespmem:s31+$0x1A410]  }
0x295: {  	v35 =	vld [tilespmem:s26+$0x105E0]  }
0x296: {  	v36 =	vld [tilespmem:s31+$0x1A420]  }
0x297: {  	v37 =	vld [tilespmem:s26+$0x105F0]  }
0x298: {  	v56 =	vld [tilespmem:s31+$0x1A430];
	_ =	sdelay $0x3  }
0x299: {  	v0 =	vadd.f32 v1, v0;
	v57 =	vadd.f32 v3, v34  }
0x29a: {  	v58 =	vadd.f32 v36, v35;
	v59 =	vadd.f32 v56, v37  }
0x29b: {  	v60 =	vmul.f32 v0, v0;
	v61 =	vmul.f32 v57, v57  }
0x29c: {  	v62 =	vmul.f32 v58, v58;
	v7 =	vmul.f32 v59, v59  }
0x29d: {  	[tilespmem:s26+$0x105C0] =	vst v0;
	v0 =	vadd.f32 v57, v0;
	v8 =	vadd.f32 v59, v58  }
0x29e: {  	[tilespmem:s26+$0x105D0] =	vst v57;
	v63 =	vadd.f32 v61, v60;
	v32 =	vadd.f32 v7, v62  }
0x29f: {  	p0 =	sgt.u32 s28, $0xBF;
	s3 =	simm.s32 $0xFFFF40;
	[tilespmem:s26+$0x105E0] =	vst v58;
	v0 =	vadd.f32 v8, v0  }
0x2a0: {  	s3 =	simm.s32 @!p0 $0x8;
	[tilespmem:s26+$0x105F0] =	vst v59;
	v1 =	vadd.f32 v32, v63  }
0x2a1: {  	s3 =	sadd.s32 s28, s3;
	[tilespmem:v38+s19+$0x0] =	vst.idx.msk $0xffff, v0  }
0x2a2: {  	s3 =	sshll.u32 s3, $0x8;
	[tilespmem:v38+s20+$0x0] =	vst.idx.msk $0xffff, v1  }
0x2a3: {  	s3 =	sshra.s32 s3, $0x2;
	v0 =	vld [tilespmem:s26+$0x10600]  }
0x2a4: {  	v1 =	vld [tilespmem:s3+$0x1A400]  }
0x2a5: {  	v33 =	vld [tilespmem:s26+$0x10610]  }
0x2a6: {  	v3 =	vld [tilespmem:s3+$0x1A410]  }
0x2a7: {  	v34 =	vld [tilespmem:s26+$0x10620]  }
0x2a8: {  	v35 =	vld [tilespmem:s3+$0x1A420]  }
0x2a9: {  	v36 =	vld [tilespmem:s26+$0x10630]  }
0x2aa: {  	v37 =	vld [tilespmem:s3+$0x1A430];
	_ =	sdelay $0x3  }
0x2ab: {  	v0 =	vadd.f32 v1, v0;
	v38 =	vadd.f32 v3, v33  }
0x2ac: {  	v56 =	vadd.f32 v35, v34;
	v57 =	vadd.f32 v37, v36  }
0x2ad: {  	v58 =	vmul.f32 v0, v0;
	v59 =	vmul.f32 v38, v38  }
0x2ae: {  	v60 =	vmul.f32 v56, v56;
	v7 =	vmul.f32 v57, v57  }
0x2af: {  	[tilespmem:s26+$0x10600] =	vst v0;
	v0 =	vadd.f32 v38, v0;
	v8 =	vadd.f32 v57, v56  }
0x2b0: {  	[tilespmem:s26+$0x10610] =	vst v38;
	v61 =	vadd.f32 v59, v58;
	v62 =	vadd.f32 v7, v60  }
0x2b1: {  	p0 =	sgt.u32 s28, $0xBE;
	s3 =	simm.s32 $0xFFFF41;
	[tilespmem:s26+$0x10620] =	vst v56;
	v0 =	vadd.f32 v8, v0  }
0x2b2: {  	s3 =	simm.s32 @!p0 $0x9;
	[tilespmem:s26+$0x10630] =	vst v57;
	v1 =	vadd.f32 v62, v61  }
0x2b3: {  	s3 =	sadd.s32 s28, s3;
	[tilespmem:v39+s19+$0x0] =	vst.idx.msk $0xffff, v0  }
0x2b4: {  	s3 =	sshll.u32 s3, $0x8;
	[tilespmem:v39+s20+$0x0] =	vst.idx.msk $0xffff, v1  }
0x2b5: {  	s3 =	sshra.s32 s3, $0x2;
	v0 =	vld [tilespmem:s26+$0x10640]  }
0x2b6: {  	v1 =	vld [tilespmem:s3+$0x1A400]  }
0x2b7: {  	v63 =	vld [tilespmem:s26+$0x10650]  }
0x2b8: {  	v3 =	vld [tilespmem:s3+$0x1A410]  }
0x2b9: {  	v32 =	vld [tilespmem:s26+$0x10660]  }
0x2ba: {  	v33 =	vld [tilespmem:s3+$0x1A420]  }
0x2bb: {  	v34 =	vld [tilespmem:s26+$0x10670]  }
0x2bc: {  	v35 =	vld [tilespmem:s3+$0x1A430];
	_ =	sdelay $0x3  }
0x2bd: {  	v0 =	vadd.f32 v1, v0;
	v36 =	vadd.f32 v3, v63  }
0x2be: {  	v37 =	vadd.f32 v33, v32;
	v38 =	vadd.f32 v35, v34  }
0x2bf: {  	v39 =	vmul.f32 v0, v0;
	v56 =	vmul.f32 v36, v36  }
0x2c0: {  	v57 =	vmul.f32 v37, v37;
	v7 =	vmul.f32 v38, v38  }
0x2c1: {  	[tilespmem:s26+$0x10640] =	vst v0;
	v0 =	vadd.f32 v36, v0;
	v8 =	vadd.f32 v38, v37  }
0x2c2: {  	[tilespmem:s26+$0x10650] =	vst v36;
	v58 =	vadd.f32 v56, v39;
	v59 =	vadd.f32 v7, v57  }
0x2c3: {  	p0 =	sgt.u32 s28, $0xBD;
	s3 =	simm.s32 $0xFFFF42;
	[tilespmem:s26+$0x10660] =	vst v37;
	v0 =	vadd.f32 v8, v0  }
0x2c4: {  	s3 =	simm.s32 @!p0 $0xA;
	[tilespmem:s26+$0x10670] =	vst v38;
	v1 =	vadd.f32 v59, v58  }
0x2c5: {  	s3 =	sadd.s32 s28, s3;
	[tilespmem:v40+s19+$0x0] =	vst.idx.msk $0xffff, v0  }
0x2c6: {  	s3 =	sshll.u32 s3, $0x8;
	[tilespmem:v40+s20+$0x0] =	vst.idx.msk $0xffff, v1  }
0x2c7: {  	s3 =	sshra.s32 s3, $0x2;
	v0 =	vld [tilespmem:s26+$0x10680]  }
0x2c8: {  	v1 =	vld [tilespmem:s3+$0x1A400]  }
0x2c9: {  	v60 =	vld [tilespmem:s26+$0x10690]  }
0x2ca: {  	v3 =	vld [tilespmem:s3+$0x1A410]  }
0x2cb: {  	v61 =	vld [tilespmem:s26+$0x106A0]  }
0x2cc: {  	v62 =	vld [tilespmem:s3+$0x1A420]  }
0x2cd: {  	v63 =	vld [tilespmem:s26+$0x106B0]  }
0x2ce: {  	v32 =	vld [tilespmem:s3+$0x1A430];
	_ =	sdelay $0x3  }
0x2cf: {  	v0 =	vadd.f32 v1, v0;
	v33 =	vadd.f32 v3, v60  }
0x2d0: {  	v34 =	vadd.f32 v62, v61;
	v35 =	vadd.f32 v32, v63  }
0x2d1: {  	v36 =	vmul.f32 v0, v0;
	v37 =	vmul.f32 v33, v33  }
0x2d2: {  	v38 =	vmul.f32 v34, v34;
	v7 =	vmul.f32 v35, v35  }
0x2d3: {  	[tilespmem:s26+$0x10680] =	vst v0;
	v0 =	vadd.f32 v33, v0;
	v8 =	vadd.f32 v35, v34  }
0x2d4: {  	[tilespmem:s26+$0x10690] =	vst v33;
	v39 =	vadd.f32 v37, v36;
	v40 =	vadd.f32 v7, v38  }
0x2d5: {  	p0 =	sgt.u32 s28, $0xBC;
	s3 =	simm.s32 $0xFFFF43;
	[tilespmem:s26+$0x106A0] =	vst v34;
	v0 =	vadd.f32 v8, v0  }
0x2d6: {  	s3 =	simm.s32 @!p0 $0xB;
	[tilespmem:s26+$0x106B0] =	vst v35;
	v1 =	vadd.f32 v40, v39  }
0x2d7: {  	s3 =	sadd.s32 s28, s3;
	[tilespmem:v41+s19+$0x0] =	vst.idx.msk $0xffff, v0  }
0x2d8: {  	s3 =	sshll.u32 s3, $0x8;
	[tilespmem:v41+s20+$0x0] =	vst.idx.msk $0xffff, v1  }
0x2d9: {  	s3 =	sshra.s32 s3, $0x2;
	v0 =	vld [tilespmem:s26+$0x106C0]  }
0x2da: {  	v1 =	vld [tilespmem:s3+$0x1A400]  }
0x2db: {  	v56 =	vld [tilespmem:s26+$0x106D0]  }
0x2dc: {  	v3 =	vld [tilespmem:s3+$0x1A410]  }
0x2dd: {  	v57 =	vld [tilespmem:s26+$0x106E0]  }
0x2de: {  	v58 =	vld [tilespmem:s3+$0x1A420]  }
0x2df: {  	v59 =	vld [tilespmem:s26+$0x106F0]  }
0x2e0: {  	v60 =	vld [tilespmem:s3+$0x1A430];
	_ =	sdelay $0x3  }
0x2e1: {  	v0 =	vadd.f32 v1, v0;
	v61 =	vadd.f32 v3, v56  }
0x2e2: {  	v62 =	vadd.f32 v58, v57;
	v63 =	vadd.f32 v60, v59  }
0x2e3: {  	v32 =	vmul.f32 v0, v0;
	v33 =	vmul.f32 v61, v61  }
0x2e4: {  	v34 =	vmul.f32 v62, v62;
	v7 =	vmul.f32 v63, v63  }
0x2e5: {  	[tilespmem:s26+$0x106C0] =	vst v0;
	v0 =	vadd.f32 v61, v0;
	v8 =	vadd.f32 v63, v62  }
0x2e6: {  	[tilespmem:s26+$0x106D0] =	vst v61;
	v35 =	vadd.f32 v33, v32;
	v36 =	vadd.f32 v7, v34  }
0x2e7: {  	p0 =	sgt.u32 s28, $0xBB;
	s3 =	simm.s32 $0xFFFF44;
	[tilespmem:s26+$0x106E0] =	vst v62;
	v0 =	vadd.f32 v8, v0  }
0x2e8: {  	s3 =	simm.s32 @!p0 $0xC;
	[tilespmem:s26+$0x106F0] =	vst v63;
	v1 =	vadd.f32 v36, v35  }
0x2e9: {  	s3 =	sadd.s32 s28, s3;
	[tilespmem:v43+s19+$0x0] =	vst.idx.msk $0xffff, v0  }
0x2ea: {  	s3 =	sshll.u32 s3, $0x8;
	[tilespmem:v43+s20+$0x0] =	vst.idx.msk $0xffff, v1  }
0x2eb: {  	s3 =	sshra.s32 s3, $0x2;
	v0 =	vld [tilespmem:s26+$0x10700]  }
0x2ec: {  	v1 =	vld [tilespmem:s3+$0x1A400]  }
0x2ed: {  	v37 =	vld [tilespmem:s26+$0x10710]  }
0x2ee: {  	v3 =	vld [tilespmem:s3+$0x1A410]  }
0x2ef: {  	v38 =	vld [tilespmem:s26+$0x10720]  }
0x2f0: {  	v39 =	vld [tilespmem:s3+$0x1A420]  }
0x2f1: {  	v40 =	vld [tilespmem:s26+$0x10730]  }
0x2f2: {  	v41 =	vld [tilespmem:s3+$0x1A430];
	_ =	sdelay $0x3  }
0x2f3: {  	v0 =	vadd.f32 v1, v0;
	v43 =	vadd.f32 v3, v37  }
0x2f4: {  	v56 =	vadd.f32 v39, v38;
	v57 =	vadd.f32 v41, v40  }
0x2f5: {  	v58 =	vmul.f32 v0, v0;
	v59 =	vmul.f32 v43, v43  }
0x2f6: {  	v60 =	vmul.f32 v56, v56;
	v7 =	vmul.f32 v57, v57  }
0x2f7: {  	[tilespmem:s26+$0x10700] =	vst v0;
	v0 =	vadd.f32 v43, v0;
	v8 =	vadd.f32 v57, v56  }
0x2f8: {  	[tilespmem:s26+$0x10710] =	vst v43;
	v61 =	vadd.f32 v59, v58;
	v62 =	vadd.f32 v7, v60  }
0x2f9: {  	p0 =	sgt.u32 s28, $0xBA;
	s3 =	simm.s32 $0xFFFF45;
	[tilespmem:s26+$0x10720] =	vst v56;
	v0 =	vadd.f32 v8, v0  }
0x2fa: {  	s3 =	simm.s32 @!p0 $0xD;
	[tilespmem:s26+$0x10730] =	vst v57;
	v1 =	vadd.f32 v62, v61  }
0x2fb: {  	s3 =	sadd.s32 s28, s3;
	[tilespmem:v44+s19+$0x0] =	vst.idx.msk $0xffff, v0  }
0x2fc: {  	s3 =	sshll.u32 s3, $0x8;
	[tilespmem:v44+s20+$0x0] =	vst.idx.msk $0xffff, v1  }
0x2fd: {  	s3 =	sshra.s32 s3, $0x2;
	v0 =	vld [tilespmem:s26+$0x10740]  }
0x2fe: {  	v1 =	vld [tilespmem:s3+$0x1A400]  }
0x2ff: {  	v63 =	vld [tilespmem:s26+$0x10750]  }
0x300: {  	v3 =	vld [tilespmem:s3+$0x1A410]  }
0x301: {  	v32 =	vld [tilespmem:s26+$0x10760]  }
0x302: {  	v33 =	vld [tilespmem:s3+$0x1A420]  }
0x303: {  	v34 =	vld [tilespmem:s26+$0x10770]  }
0x304: {  	v35 =	vld [tilespmem:s3+$0x1A430];
	_ =	sdelay $0x3  }
0x305: {  	v0 =	vadd.f32 v1, v0;
	v36 =	vadd.f32 v3, v63  }
0x306: {  	v37 =	vadd.f32 v33, v32;
	v38 =	vadd.f32 v35, v34  }
0x307: {  	v39 =	vmul.f32 v0, v0;
	v40 =	vmul.f32 v36, v36  }
0x308: {  	v41 =	vmul.f32 v37, v37;
	v7 =	vmul.f32 v38, v38  }
0x309: {  	[tilespmem:s26+$0x10740] =	vst v0;
	v0 =	vadd.f32 v36, v0;
	v8 =	vadd.f32 v38, v37  }
0x30a: {  	[tilespmem:s26+$0x10750] =	vst v36;
	v43 =	vadd.f32 v40, v39;
	v44 =	vadd.f32 v7, v41  }
0x30b: {  	p0 =	sgt.u32 s28, $0xB9;
	s3 =	simm.s32 $0xFFFF46;
	[tilespmem:s26+$0x10760] =	vst v37;
	v0 =	vadd.f32 v8, v0  }
0x30c: {  	s3 =	simm.s32 @!p0 $0xE;
	[tilespmem:s26+$0x10770] =	vst v38;
	v1 =	vadd.f32 v44, v43  }
0x30d: {  	s3 =	sadd.s32 s28, s3;
	[tilespmem:v45+s19+$0x0] =	vst.idx.msk $0xffff, v0  }
0x30e: {  	s3 =	sshll.u32 s3, $0x8;
	[tilespmem:v45+s20+$0x0] =	vst.idx.msk $0xffff, v1  }
0x30f: {  	s3 =	sshra.s32 s3, $0x2;
	v0 =	vld [tilespmem:s26+$0x10780]  }
0x310: {  	v1 =	vld [tilespmem:s3+$0x1A400]  }
0x311: {  	v56 =	vld [tilespmem:s26+$0x10790]  }
0x312: {  	v3 =	vld [tilespmem:s3+$0x1A410]  }
0x313: {  	v57 =	vld [tilespmem:s26+$0x107A0]  }
0x314: {  	v58 =	vld [tilespmem:s3+$0x1A420]  }
0x315: {  	v59 =	vld [tilespmem:s26+$0x107B0]  }
0x316: {  	v60 =	vld [tilespmem:s3+$0x1A430];
	_ =	sdelay $0x3  }
0x317: {  	v0 =	vadd.f32 v1, v0;
	v61 =	vadd.f32 v3, v56  }
0x318: {  	v62 =	vadd.f32 v58, v57;
	v63 =	vadd.f32 v60, v59  }
0x319: {  	v32 =	vmul.f32 v0, v0;
	v33 =	vmul.f32 v61, v61  }
0x31a: {  	v34 =	vmul.f32 v62, v62;
	v7 =	vmul.f32 v63, v63  }
0x31b: {  	[tilespmem:s26+$0x10780] =	vst v0;
	v0 =	vadd.f32 v61, v0;
	v8 =	vadd.f32 v63, v62  }
0x31c: {  	[tilespmem:s26+$0x10790] =	vst v61;
	v35 =	vadd.f32 v33, v32;
	v36 =	vadd.f32 v7, v34  }
0x31d: {  	p0 =	sgt.u32 s28, $0xB8;
	s3 =	simm.s32 $0xFFFF47;
	[tilespmem:s26+$0x107A0] =	vst v62;
	v0 =	vadd.f32 v8, v0  }
0x31e: {  	s3 =	simm.s32 @!p0 $0xF;
	[tilespmem:s26+$0x107B0] =	vst v63;
	v1 =	vadd.f32 v36, v35  }
0x31f: {  	s3 =	sadd.s32 s28, s3;
	[tilespmem:v46+s19+$0x0] =	vst.idx.msk $0xffff, v0  }
0x320: {  	s3 =	sshll.u32 s3, $0x8;
	[tilespmem:v46+s20+$0x0] =	vst.idx.msk $0xffff, v1  }
0x321: {  	s3 =	sshra.s32 s3, $0x2;
	v0 =	vld [tilespmem:s26+$0x107C0]  }
0x322: {  	v1 =	vld [tilespmem:s3+$0x1A400]  }
0x323: {  	v37 =	vld [tilespmem:s26+$0x107D0]  }
0x324: {  	v3 =	vld [tilespmem:s3+$0x1A410]  }
0x325: {  	v38 =	vld [tilespmem:s26+$0x107E0]  }
0x326: {  	v39 =	vld [tilespmem:s3+$0x1A420]  }
0x327: {  	v40 =	vld [tilespmem:s26+$0x107F0]  }
0x328: {  	v41 =	vld [tilespmem:s3+$0x1A430];
	_ =	sdelay $0x3  }
0x329: {  	v0 =	vadd.f32 v1, v0;
	v43 =	vadd.f32 v3, v37  }
0x32a: {  	v44 =	vadd.f32 v39, v38;
	v45 =	vadd.f32 v41, v40;
	_ =	sdelay $0x1  }
0x32b: {  	v46 =	vmul.f32 v0, v0;
	[tilespmem:s26+$0x107C0] =	vst v0;
	v0 =	vadd.f32 v43, v0;
	v8 =	vadd.f32 v45, v44;
	_ =	sdelay $0x1  }
0x32c: {  	v56 =	vmul.f32 v43, v43;
	v0 =	vadd.f32 v8, v0;
	v8 =	vld [tilespmem:$0x1FF40]  }
0x32d: {  	v57 =	vmul.f32 v44, v44;
	v7 =	vmul.f32 v45, v45;
	_ =	sdelay $0x1  }
0x32e: {  	[tilespmem:s26+$0x107D0] =	vst v43;
	v58 =	vadd.f32 v56, v46;
	v59 =	vadd.f32 v7, v57  }
0x32f: {  	[tilespmem:s26+$0x107E0] =	vst v44  }
0x330: {  	[tilespmem:s26+$0x107F0] =	vst v45;
	v1 =	vadd.f32 v59, v58  }
0x331: {  	[tilespmem:v47+s19+$0x0] =	vst.idx.msk $0xffff, v0  }
0x332: {  	[tilespmem:v47+s20+$0x0] =	vst.idx.msk $0xffff, v1  }
0x333: {  	v33 =	vld.idx.msk [tilespmem:v8+s19+$0x0], $0xffff  }
0x334: {  	v34 =	vld.idx.msk [tilespmem:v8+s20+$0x0], $0xffff  }
0x335: {  	v8 =	vld [tilespmem:$0x1FF50];
	_ =	sdelay $0x7  }
0x336: {  	v35 =	vld.idx.msk [tilespmem:v8+s19+$0x0], $0xffff  }
0x337: {  	v36 =	vld.idx.msk [tilespmem:v8+s20+$0x0], $0xffff  }
0x338: {  	v8 =	vld [tilespmem:$0x1FF60];
	_ =	sdelay $0x7  }
0x339: {  	v37 =	vld.idx.msk [tilespmem:v8+s19+$0x0], $0xffff  }
0x33a: {  	v38 =	vld.idx.msk [tilespmem:v8+s20+$0x0], $0xffff  }
0x33b: {  	v8 =	vld [tilespmem:$0x1FF70];
	_ =	sdelay $0x7  }
0x33c: {  	v39 =	vld.idx.msk [tilespmem:v8+s19+$0x0], $0xffff  }
0x33d: {  	v40 =	vld.idx.msk [tilespmem:v8+s20+$0x0], $0xffff  }
0x33e: {  	v8 =	vld [tilespmem:$0x1FF80];
	_ =	sdelay $0x4  }
0x33f: {  	v60 =	vld [tilespmem:$0x1FF20]  }
0x340: {  	v0 =	vld.idx.msk [tilespmem:v42+s19+$0x0], $0xffff  }
0x341: {  	v1 =	vld.idx.msk [tilespmem:v42+s20+$0x0], $0xffff  }
0x342: {  	v41 =	vld.idx.msk [tilespmem:v8+s19+$0x0], $0xffff  }
0x343: {  	v42 =	vld.idx.msk [tilespmem:v8+s20+$0x0], $0xffff  }
0x344: {  	v8 =	vld [tilespmem:$0x1FF90];
	_ =	sdelay $0x3  }
0x345: {  	v62 =	vld [tilespmem:$0x1FF30]  }
0x346: {  	v2 =	vld.idx.msk [tilespmem:v29+s19+$0x0], $0xffff  }
0x347: {  	v3 =	vld.idx.msk [tilespmem:v29+s20+$0x0], $0xffff  }
0x348: {  	v61 =	vld.idx.msk [tilespmem:v60+s19+$0x0], $0xffff  }
0x349: {  	v43 =	vld.idx.msk [tilespmem:v8+s19+$0x0], $0xffff  }
0x34a: {  	v44 =	vld.idx.msk [tilespmem:v8+s20+$0x0], $0xffff  }
0x34b: {  	v8 =	vld [tilespmem:$0x1FFA0]  }
0x34c: {  	v5 =	vld.idx.msk [tilespmem:v60+s20+$0x0], $0xffff  }
0x34d: {  	v63 =	vld.idx.msk [tilespmem:v62+s19+$0x0], $0xffff  }
0x34e: {  	v0 =	vadd.f32 v2, v0  }
0x34f: {  	v32 =	vld.idx.msk [tilespmem:v62+s20+$0x0], $0xffff  }
0x350: {  	v1 =	vadd.f32 v3, v1;
	v0 =	vadd.f32 v61, v0;
	_ =	sdelay $0x1  }
0x351: {  	v1 =	vadd.f32 v5, v1;
	v0 =	vadd.f32 v63, v0  }
0x352: {  	v45 =	vld.idx.msk [tilespmem:v8+s19+$0x0], $0xffff  }
0x353: {  	v1 =	vadd.f32 v32, v1;
	v0 =	vadd.f32 v33, v0;
	v46 =	vld.idx.msk [tilespmem:v8+s20+$0x0], $0xffff  }
0x354: {  	v8 =	vld [tilespmem:$0x1FFB0]  }
0x355: {  	v1 =	vadd.f32 v34, v1;
	v0 =	vadd.f32 v35, v0;
	_ =	sdelay $0x1  }
0x356: {  	v1 =	vadd.f32 v36, v1;
	v0 =	vadd.f32 v37, v0;
	_ =	sdelay $0x1  }
0x357: {  	v1 =	vadd.f32 v38, v1;
	v0 =	vadd.f32 v39, v0;
	_ =	sdelay $0x1  }
0x358: {  	v1 =	vadd.f32 v40, v1;
	v0 =	vadd.f32 v41, v0  }
0x359: {  	v47 =	vld.idx.msk [tilespmem:v8+s19+$0x0], $0xffff  }
0x35a: {  	v57 =	vld.idx.msk [tilespmem:v31+s19+$0x0], $0xffff;
	v1 =	vadd.f32 v42, v1;
	v0 =	vadd.f32 v43, v0  }
0x35b: {  	v56 =	vld.idx.msk [tilespmem:v8+s20+$0x0], $0xffff  }
0x35c: {  	v58 =	vld.idx.msk [tilespmem:v31+s20+$0x0], $0xffff;
	v1 =	vadd.f32 v44, v1;
	v0 =	vadd.f32 v45, v0  }
0x35d: {  	v59 =	vld.idx.msk [tilespmem:v26+s19+$0x0], $0xffff  }
0x35e: {  	v60 =	vld.idx.msk [tilespmem:v26+s20+$0x0], $0xffff;
	v1 =	vadd.f32 v46, v1;
	v0 =	vadd.f32 v47, v0  }
0x35f: {  	v61 =	vld.idx.msk [tilespmem:v27+s19+$0x0], $0xffff  }
0x360: {  	v62 =	vld.idx.msk [tilespmem:v27+s20+$0x0], $0xffff;
	v1 =	vadd.f32 v56, v1;
	v0 =	vadd.f32 v57, v0  }
0x361: {  	v63 =	vld.idx.msk [tilespmem:v28+s19+$0x0], $0xffff  }
0x362: {  	v1 =	vadd.f32 v58, v1;
	v0 =	vadd.f32 v59, v0  }
0x363: {  	v32 =	vld.idx.msk [tilespmem:v28+s20+$0x0], $0xffff  }
0x364: {  	v1 =	vadd.f32 v60, v1;
	v0 =	vadd.f32 v61, v0;
	_ =	sdelay $0x1  }
0x365: {  	v1 =	vadd.f32 v62, v1;
	v0 =	vadd.f32 v63, v0;
	_ =	sdelay $0x1  }
0x366: {  	v1 =	vadd.f32 v32, v1;
	v56 =	vmul.f32 $1.562500000e-02, v0;
	_ =	sdelay $0x1  }
0x367: {  	v33 =	vmul.f32 $1.562500000e-02, v1;
	v34 =	vmul.f32 v56, v56;
	_ =	sdelay $0x1  }
0x368: {  	v0 =	vsub.f32 v33, v34;
	_ =	sdelay $0x1  }
0x369: {  	v0 =	vadd.f32 $9.999999740e-06, v0;
	_ =	sdelay $0x1  }
0x36a: {  	v35 =	vshra.s32 v0, $0x1;
	v0 =	vmul.f32 $5.000000000e-01, v0  }
0x36b: {  	v1 =	vsub.s32 $0x5F3759DF, v35  }
0x36c: {  	v36 =	vmul.f32 v1, v0;
	_ =	sdelay $0x1  }
0x36d: {  	v2 =	vmul.f32 v1, v36;
	_ =	sdelay $0x1  }
0x36e: {  	v2 =	vsub.f32 $1.500000000e+00, v2;
	_ =	sdelay $0x1  }
0x36f: {  	v1 =	vmul.f32 v1, v2;
	_ =	sdelay $0x1  }
0x370: {  	v2 =	vmul.f32 v1, v0;
	_ =	sdelay $0x1  }
0x371: {  	v2 =	vmul.f32 v2, v1;
	_ =	sdelay $0x1  }
0x372: {  	v2 =	vsub.f32 $1.500000000e+00, v2  }
0x373: {  	v9 =	vld [tilespmem:s26+$0x10460]  }
0x374: {  	v38 =	vld [tilespmem:s26+$0x10410];
	v1 =	vmul.f32 v2, v1  }
0x375: {  	v39 =	vld [tilespmem:s26+$0x10420]  }
0x376: {  	v43 =	vld [tilespmem:s26+$0x10440];
	v0 =	vmul.f32 v1, v0  }
0x377: {  	v44 =	vld [tilespmem:s26+$0x10450]  }
0x378: {  	v40 =	vimm.s32 $0x0;
	v45 =	vimm.s32 $0x1;
	v33 =	vld [tilespmem:s26+$0x10480];
	v0 =	vmul.f32 v0, v1  }
0x379: {  	v37 =	vld [tilespmem:s26+$0x10400];
	v41 =	vperm.xlane v56, v40;
	v8 =	vperm.xlane v56, v45  }
0x37a: {  	v42 =	vld [tilespmem:s26+$0x10430];
	v60 =	vimm.s32 $0x2;
	v62 =	vimm.s32 $0x3;
	v0 =	vsub.f32 $1.500000000e+00, v0  }
0x37b: {  	v3 =	vsub.f32 v38, v41;
	v59 =	vsub.f32 v9, v8;
	v9 =	vperm.xlane v56, v60;
	v34 =	vld [tilespmem:s26+$0x10490]  }
0x37c: {  	v46 =	vld [tilespmem:s26+$0x10470];
	v4 =	vsub.f32 v39, v41;
	v6 =	vsub.f32 v43, v8;
	v57 =	vmul.f32 v0, v1  }
0x37d: {  	v63 =	vperm.xlane v56, v62;
	v58 =	vsub.f32 v44, v8;
	v38 =	vld [tilespmem:s26+$0x104E0];
	v33 =	vsub.f32 v33, v9  }
0x37e: {  	v36 =	vld [tilespmem:s26+$0x104C0];
	v2 =	vsub.f32 v37, v41;
	v5 =	vperm.xlane v57, v40;
	v32 =	vperm.xlane v57, v45  }
0x37f: {  	v0 =	vsub.f32 v42, v41;
	v35 =	vperm.xlane v57, v60;
	v40 =	vperm.xlane v57, v62  }
0x380: {  	v34 =	vsub.f32 v34, v9;
	v2 =	vmul.f32 v2, v5;
	v3 =	vmul.f32 v3, v5  }
0x381: {  	v1 =	vsub.f32 v46, v8;
	v4 =	vmul.f32 v4, v5;
	v0 =	vmul.f32 v0, v5  }
0x382: {  	v38 =	vsub.f32 v38, v63;
	v47 =	vmul.f32 v6, v32;
	v6 =	vmul.f32 v58, v32  }
0x383: {  	v61 =	vld [tilespmem:s26+$0x104B0];
	v36 =	vsub.f32 v36, v63;
	v7 =	vmul.f32 v59, v32;
	v1 =	vmul.f32 v1, v32  }
0x384: {  	v37 =	vld [tilespmem:s26+$0x104D0];
	v33 =	vmul.f32 v33, v35;
	v34 =	vmul.f32 v34, v35  }
0x385: {  	v8 =	vld [tilespmem:s26+$0x104A0];
	v36 =	vmul.f32 v36, v40;
	v38 =	vmul.f32 v38, v40;
	v59 =	vimm.s32 $0x4  }
0x386: {  	v41 =	vld [tilespmem:s26+$0x10510];
	v60 =	vperm.xlane v56, v59;
	v43 =	vperm.xlane v57, v59  }
0x387: {  	v45 =	vld [tilespmem:s26+$0x104F0];
	v2 =	vmul.f32 v2, v48;
	v3 =	vmul.f32 v3, v49  }
0x388: {  	v29 =	vimm.s32 $0xF;
	v4 =	vmul.f32 v4, v50;
	v0 =	vmul.f32 v0, v51  }
0x389: {  	v46 =	vsub.f32 v37, v63;
	v5 =	vmul.f32 v47, v48;
	v6 =	vmul.f32 v6, v49  }
0x38a: {  	v8 =	vsub.f32 v8, v9;
	v7 =	vmul.f32 v7, v50;
	v1 =	vmul.f32 v1, v51  }
0x38b: {  	v9 =	vsub.f32 v61, v9;
	v33 =	vmul.f32 v33, v48;
	v34 =	vmul.f32 v34, v49  }
0x38c: {  	v36 =	vmul.f32 v36, v48;
	v32 =	vsub.f32 v45, v63;
	v41 =	vsub.f32 v41, v60  }
0x38d: {  	v38 =	vmul.f32 v38, v50;
	v2 =	vadd.f32 v2, v52;
	v3 =	vadd.f32 v3, v53  }
0x38e: {  	v58 =	vld [tilespmem:s26+$0x10520];
	v8 =	vmul.f32 v8, v35;
	v4 =	vadd.f32 v4, v54;
	v0 =	vadd.f32 v0, v55  }
0x38f: {  	v9 =	vmul.f32 v9, v35;
	v5 =	vadd.f32 v5, v52;
	v6 =	vadd.f32 v6, v53  }
0x390: {  	v61 =	vld [tilespmem:s26+$0x10530];
	v35 =	vmul.f32 v46, v40;
	v7 =	vadd.f32 v7, v54;
	v1 =	vadd.f32 v1, v55  }
0x391: {  	v47 =	vld [tilespmem:s26+$0x10500];
	v33 =	vadd.f32 v33, v52;
	v34 =	vadd.f32 v34, v53;
	v8 =	vmul.f32 v8, v50  }
0x392: {  	v44 =	vld [tilespmem:s26+$0x10540];
	v36 =	vadd.f32 v36, v52;
	v9 =	vmul.f32 v9, v51;
	v35 =	vmul.f32 v35, v49  }
0x393: {  	v45 =	vld [tilespmem:s26+$0x10550];
	v32 =	vmul.f32 v32, v40;
	v42 =	vsub.f32 v58, v60;
	v58 =	vimm.s32 $0x5  }
0x394: {  	v63 =	vld [tilespmem:s26+$0x10570];
	v38 =	vadd.f32 v38, v54;
	v41 =	vmul.f32 v41, v43;
	v62 =	vperm.xlane v56, v58  }
0x395: {  	v39 =	vsub.f32 v61, v60;
	v58 =	vperm.xlane v57, v58;
	v8 =	vadd.f32 v8, v54  }
0x396: {  	v9 =	vadd.f32 v9, v55;
	v37 =	vsub.f32 v47, v60;
	v32 =	vmul.f32 v32, v51  }
0x397: {  	v35 =	vadd.f32 v35, v53;
	v42 =	vmul.f32 v42, v43;
	v47 =	vld [tilespmem:s26+$0x10560];
	v41 =	vmul.f32 v41, v49  }
0x398: {  	v44 =	vsub.f32 v44, v62;
	v39 =	vmul.f32 v39, v43;
	v60 =	vsub.f32 v45, v62  }
0x399: {  	v59 =	vld [tilespmem:s26+$0x10590];
	v40 =	vsub.f32 v63, v62;
	v37 =	vmul.f32 v37, v43;
	v42 =	vmul.f32 v42, v50  }
0x39a: {  	v45 =	vld [tilespmem:s26+$0x10580];
	v32 =	vadd.f32 v32, v55;
	v44 =	vmul.f32 v44, v58;
	v39 =	vmul.f32 v39, v51  }
0x39b: {  	v41 =	vadd.f32 v41, v53;
	v43 =	vmul.f32 v60, v58;
	v40 =	vmul.f32 v40, v58  }
0x39c: {  	v37 =	vmul.f32 v37, v48;
	v47 =	vsub.f32 v47, v62;
	v62 =	vimm.s32 $0x6  }
0x39d: {  	v60 =	vld [tilespmem:s26+$0x105A0];
	v42 =	vadd.f32 v42, v54;
	v44 =	vmul.f32 v44, v48;
	v46 =	vperm.xlane v56, v62  }
0x39e: {  	v39 =	vadd.f32 v39, v55;
	v43 =	vmul.f32 v43, v49;
	v47 =	vmul.f32 v47, v58  }
0x39f: {  	v61 =	vld [tilespmem:s26+$0x105B0];
	v58 =	vperm.xlane v57, v62;
	v45 =	vsub.f32 v45, v46;
	v59 =	vsub.f32 v59, v46  }
0x3a0: {  	v40 =	vmul.f32 v40, v51;
	v37 =	vadd.f32 v37, v52;
	v62 =	vld [tilespmem:s26+$0x105C0];
	v47 =	vmul.f32 v47, v50  }
0x3a1: {  	[tilespmem:s26+$0x10400] =	vst v2;
	v63 =	vld [tilespmem:s26+$0x105D0];
	v2 =	vadd.f32 v43, v53;
	v43 =	vmul.f32 v45, v58;
	v45 =	vmul.f32 v59, v58  }
0x3a2: {  	[tilespmem:s26+$0x10410] =	vst v3;
	v3 =	vadd.f32 v47, v54;
	v47 =	vsub.f32 v60, v46;
	v60 =	vimm.s32 $0x7  }
0x3a3: {  	[tilespmem:s26+$0x10420] =	vst v4;
	v4 =	vadd.f32 v40, v55;
	v59 =	vld [tilespmem:s26+$0x105E0];
	v40 =	vmul.f32 v43, v48;
	v43 =	vperm.xlane v56, v60  }
0x3a4: {  	[tilespmem:s26+$0x10430] =	vst v0;
	v44 =	vadd.f32 v44, v52;
	v46 =	vsub.f32 v61, v46;
	v0 =	vmul.f32 v45, v49  }
0x3a5: {  	[tilespmem:s26+$0x10440] =	vst v5;
	v5 =	vperm.xlane v57, v60;
	v45 =	vmul.f32 v47, v58;
	v47 =	vld [tilespmem:s26+$0x105F0];
	v60 =	vsub.f32 v62, v43  }
0x3a6: {  	[tilespmem:s26+$0x10450] =	vst v6;
	v62 =	vimm.s32 $0x8;
	v61 =	vsub.f32 v63, v43;
	v6 =	vadd.f32 v40, v52  }
0x3a7: {  	v0 =	vadd.f32 v0, v53;
	v40 =	vmul.f32 v45, v50;
	v45 =	vmul.f32 v46, v58;
	v46 =	vld [tilespmem:s26+$0x10600]  }
0x3a8: {  	[tilespmem:s26+$0x10460] =	vst v7;
	v63 =	vsub.f32 v59, v43;
	v7 =	vmul.f32 v60, v5;
	v58 =	vmul.f32 v61, v5;
	v60 =	vld [tilespmem:s26+$0x10610]  }
0x3a9: {  	[tilespmem:s26+$0x10470] =	vst v1;
	v59 =	vld [tilespmem:s26+$0x10620];
	v1 =	vadd.f32 v40, v54;
	v61 =	vmul.f32 v45, v51;
	v45 =	vperm.xlane v56, v62  }
0x3aa: {  	[tilespmem:s26+$0x10480] =	vst v33;
	v7 =	vmul.f32 v7, v48;
	v58 =	vmul.f32 v58, v49;
	v43 =	vsub.f32 v47, v43;
	v47 =	vld [tilespmem:s26+$0x10630]  }
0x3ab: {  	[tilespmem:s26+$0x10490] =	vst v34;
	v40 =	vperm.xlane v57, v62;
	v34 =	vadd.f32 v61, v55;
	v61 =	vmul.f32 v63, v5  }
0x3ac: {  	[tilespmem:s26+$0x104A0] =	vst v8;
	v7 =	vadd.f32 v7, v52;
	v8 =	vadd.f32 v58, v53;
	v5 =	vmul.f32 v43, v5  }
0x3ad: {  	v33 =	vld [tilespmem:s26+$0x10640];
	[tilespmem:s26+$0x104B0] =	vst v9;
	v63 =	vsub.f32 v46, v45;
	v9 =	vmul.f32 v61, v50;
	v60 =	vsub.f32 v60, v45  }
0x3ae: {  	v58 =	vld [tilespmem:s26+$0x10650];
	v61 =	vsub.f32 v59, v45;
	v59 =	vimm.s32 $0x9;
	v5 =	vmul.f32 v5, v51  }
0x3af: {  	[tilespmem:s26+$0x104C0] =	vst v36;
	v43 =	vld [tilespmem:s26+$0x10670];
	v62 =	vmul.f32 v63, v40;
	v63 =	vsub.f32 v47, v45;
	v45 =	vperm.xlane v56, v59  }
0x3b0: {  	[tilespmem:s26+$0x104E0] =	vst v38;
	v9 =	vadd.f32 v9, v54;
	v36 =	vmul.f32 v60, v40;
	v60 =	vmul.f32 v61, v40  }
0x3b1: {  	[tilespmem:s26+$0x104D0] =	vst v35;
	v46 =	vld [tilespmem:s26+$0x10660];
	v5 =	vadd.f32 v5, v55;
	v35 =	vmul.f32 v62, v48;
	v61 =	vmul.f32 v63, v40  }
0x3b2: {  	[tilespmem:s26+$0x104F0] =	vst v32;
	v40 =	vperm.xlane v57, v59;
	v33 =	vsub.f32 v33, v45;
	v36 =	vmul.f32 v36, v49  }
0x3b3: {  	[tilespmem:s26+$0x10520] =	vst v42;
	v42 =	vld [tilespmem:s26+$0x10690];
	v62 =	vmul.f32 v60, v50;
	v63 =	vsub.f32 v58, v45;
	v58 =	vimm.s32 $0xA  }
0x3b4: {  	[tilespmem:s26+$0x10510] =	vst v41;
	v60 =	vld [tilespmem:s26+$0x10680];
	v43 =	vsub.f32 v43, v45;
	v35 =	vadd.f32 v35, v52;
	v33 =	vmul.f32 v33, v40  }
0x3b5: {  	[tilespmem:s26+$0x10530] =	vst v39;
	v39 =	vld [tilespmem:s26+$0x106A0];
	v36 =	vadd.f32 v36, v53;
	v32 =	vmul.f32 v61, v51;
	v38 =	vmul.f32 v63, v40  }
0x3b6: {  	[tilespmem:s26+$0x10500] =	vst v37;
	v37 =	vadd.f32 v62, v54;
	v61 =	vsub.f32 v46, v45;
	v45 =	vperm.xlane v56, v58  }
0x3b7: {  	[tilespmem:s26+$0x10550] =	vst v2;
	v33 =	vmul.f32 v33, v48;
	v2 =	vadd.f32 v32, v55;
	v62 =	vmul.f32 v38, v49  }
0x3b8: {  	[tilespmem:s26+$0x10570] =	vst v4;
	v46 =	vld [tilespmem:s26+$0x106B0];
	v63 =	vmul.f32 v61, v40;
	v38 =	vperm.xlane v57, v58;
	v58 =	vimm.s32 $0xB  }
0x3b9: {  	[tilespmem:s26+$0x105B0] =	vst v34;
	v61 =	vsub.f32 v42, v45;
	v41 =	vsub.f32 v60, v45;
	v60 =	vmul.f32 v43, v40  }
0x3ba: {  	[tilespmem:s26+$0x105D0] =	vst v8;
	v39 =	vsub.f32 v39, v45;
	v34 =	vperm.xlane v56, v58;
	v8 =	vperm.xlane v57, v58  }
0x3bb: {  	[tilespmem:s26+$0x10560] =	vst v3;
	v42 =	vld [tilespmem:s26+$0x106C0];
	v58 =	vimm.s32 $0xC;
	v32 =	vadd.f32 v33, v52;
	v3 =	vmul.f32 v63, v50  }
0x3bc: {  	[tilespmem:s26+$0x10580] =	vst v6;
	v4 =	vadd.f32 v62, v53;
	v59 =	vmul.f32 v61, v38;
	v62 =	vmul.f32 v41, v38;
	v41 =	vld [tilespmem:s26+$0x106D0]  }
0x3bd: {  	[tilespmem:s26+$0x10600] =	vst v35;
	v43 =	vld [tilespmem:s26+$0x106E0];
	v35 =	vperm.xlane v56, v58;
	v63 =	vmul.f32 v60, v51;
	v60 =	vsub.f32 v46, v45  }
0x3be: {  	[tilespmem:s26+$0x10620] =	vst v37;
	v37 =	vperm.xlane v57, v58;
	v58 =	vimm.s32 $0xD;
	v61 =	vmul.f32 v62, v48  }
0x3bf: {  	[tilespmem:s26+$0x10590] =	vst v0;
	v62 =	vmul.f32 v39, v38;
	v0 =	vadd.f32 v63, v55;
	v63 =	vmul.f32 v60, v38;
	v38 =	vld [tilespmem:s26+$0x106F0]  }
0x3c0: {  	[tilespmem:s26+$0x105A0] =	vst v1;
	v1 =	vadd.f32 v3, v54;
	v33 =	vmul.f32 v59, v49;
	v59 =	vsub.f32 v42, v34;
	v42 =	vld [tilespmem:s26+$0x10710]  }
0x3c1: {  	[tilespmem:s26+$0x10610] =	vst v36;
	v36 =	vperm.xlane v56, v58;
	v3 =	vadd.f32 v61, v52;
	v61 =	vld [tilespmem:s26+$0x10700];
	v60 =	vsub.f32 v41, v34  }
0x3c2: {  	[tilespmem:s26+$0x105C0] =	vst v7;
	v39 =	vld [tilespmem:s26+$0x10750];
	v6 =	vmul.f32 v62, v50;
	v7 =	vmul.f32 v63, v51;
	v62 =	vsub.f32 v43, v34  }
0x3c3: {  	[tilespmem:s26+$0x105E0] =	vst v9;
	v40 =	vld [tilespmem:s26+$0x10720];
	v9 =	vadd.f32 v33, v53;
	v63 =	vmul.f32 v59, v8;
	v59 =	vmul.f32 v60, v8  }
0x3c4: {  	[tilespmem:s26+$0x105F0] =	vst v5;
	v5 =	vadd.f32 v6, v54;
	v33 =	vmul.f32 v62, v8;
	v34 =	vsub.f32 v38, v34;
	v38 =	vld [tilespmem:s26+$0x10730]  }
0x3c5: {  	v7 =	vadd.f32 v7, v55;
	v6 =	vmul.f32 v63, v48;
	v60 =	vmul.f32 v59, v49  }
0x3c6: {  	[tilespmem:s26+$0x10630] =	vst v2;
	v61 =	vsub.f32 v61, v35;
	v62 =	vmul.f32 v34, v8;
	v8 =	vsub.f32 v42, v35  }
0x3c7: {  	[tilespmem:s26+$0x10690] =	vst v9;
	v9 =	vsub.f32 v39, v36;
	v33 =	vmul.f32 v33, v50;
	v2 =	vadd.f32 v6, v52;
	v34 =	vld [tilespmem:s26+$0x10740]  }
0x3c8: {  	[tilespmem:s26+$0x10640] =	vst v32;
	v32 =	vadd.f32 v60, v53;
	v63 =	vmul.f32 v61, v37;
	v60 =	vmul.f32 v8, v37  }
0x3c9: {  	[tilespmem:s26+$0x10540] =	vst v44;
	v59 =	vmul.f32 v62, v51;
	v8 =	vsub.f32 v40, v35;
	v35 =	vsub.f32 v38, v35  }
0x3ca: {  	[tilespmem:s26+$0x10650] =	vst v4;
	v33 =	vadd.f32 v33, v54;
	v38 =	vld [tilespmem:s26+$0x10760];
	v61 =	vmul.f32 v63, v48;
	v4 =	vmul.f32 v60, v49  }
0x3cb: {  	[tilespmem:s26+$0x10670] =	vst v0;
	v0 =	vadd.f32 v59, v55;
	v62 =	vmul.f32 v8, v37;
	v8 =	vld [tilespmem:s26+$0x10770];
	v63 =	vmul.f32 v35, v37  }
0x3cc: {  	[tilespmem:s26+$0x10660] =	vst v1;
	v60 =	vld [tilespmem:s26+$0x10780];
	v35 =	vperm.xlane v57, v58;
	v58 =	vimm.s32 $0xE;
	v34 =	vsub.f32 v34, v36  }
0x3cd: {  	[tilespmem:s26+$0x10680] =	vst v3;
	v1 =	vadd.f32 v61, v52;
	v6 =	vmul.f32 v62, v50;
	v61 =	vld [tilespmem:s26+$0x10790];
	v59 =	vperm.xlane v56, v58  }
0x3ce: {  	[tilespmem:s26+$0x106A0] =	vst v5;
	v4 =	vadd.f32 v4, v53;
	v3 =	vmul.f32 v63, v51;
	v62 =	vmul.f32 v34, v35  }
0x3cf: {  	[tilespmem:s26+$0x106C0] =	vst v2;
	v34 =	vld [tilespmem:s26+$0x107A0];
	v63 =	vmul.f32 v9, v35;
	v6 =	vadd.f32 v6, v54;
	v9 =	vsub.f32 v38, v36  }
0x3d0: {  	[tilespmem:s26+$0x106E0] =	vst v33;
	v33 =	vperm.xlane v57, v58;
	v38 =	vld [tilespmem:s26+$0x107B0];
	v2 =	vadd.f32 v3, v55;
	v8 =	vsub.f32 v8, v36  }
0x3d1: {  	[tilespmem:s26+$0x106B0] =	vst v7;
	v3 =	vmul.f32 v62, v48;
	v7 =	vmul.f32 v63, v49;
	v60 =	vsub.f32 v60, v59  }
0x3d2: {  	v39 =	vld [tilespmem:s26+$0x107D0];
	[tilespmem:s26+$0x106D0] =	vst v32;
	v9 =	vmul.f32 v9, v35;
	v61 =	vsub.f32 v61, v59;
	v8 =	vmul.f32 v8, v35  }
0x3d3: {  	v32 =	vld [tilespmem:s26+$0x107C0];
	[tilespmem:s26+$0x106F0] =	vst v0;
	v63 =	vmul.f32 v60, v33;
	v3 =	vadd.f32 v3, v52;
	v60 =	vadd.f32 v7, v53  }
0x3d4: {  	v58 =	vld [tilespmem:s26+$0x107F0];
	[tilespmem:s26+$0x10700] =	vst v1;
	v62 =	vmul.f32 v9, v50;
	v9 =	vsub.f32 v34, v59;
	v35 =	vmul.f32 v61, v33  }
0x3d5: {  	[tilespmem:s26+$0x10710] =	vst v4;
	v34 =	vld [tilespmem:s26+$0x107E0];
	v5 =	vsub.f32 v38, v59;
	v61 =	vmul.f32 v8, v51;
	v1 =	vmul.f32 v63, v48  }
0x3d6: {  	[tilespmem:s26+$0x10720] =	vst v6;
	v59 =	vmul.f32 v9, v33;
	v9 =	vperm.xlane v56, v29;
	v29 =	vimm.s32 $0xF  }
0x3d7: {  	[tilespmem:s26+$0x10730] =	vst v2;
	v0 =	vadd.f32 v62, v54;
	v5 =	vmul.f32 v5, v33;
	v2 =	vadd.f32 v61, v55  }
0x3d8: {  	[tilespmem:s26+$0x10740] =	vst v3;
	v3 =	vperm.xlane v57, v29;
	v56 =	vadd.f32 v1, v52;
	v62 =	vsub.f32 v32, v9  }
0x3d9: {  	[tilespmem:s26+$0x10750] =	vst v60;
	v8 =	vsub.f32 v39, v9;
	v6 =	vsub.f32 v58, v9;
	v57 =	vmul.f32 v59, v50  }
0x3da: {  	[tilespmem:s26+$0x10760] =	vst v0;
	v63 =	vsub.f32 v34, v9;
	v9 =	vmul.f32 v35, v49;
	v58 =	vmul.f32 v62, v3  }
0x3db: {  	[tilespmem:s26+$0x10770] =	vst v2;
	v5 =	vmul.f32 v5, v51;
	v60 =	vmul.f32 v8, v3;
	v61 =	vadd.f32 v57, v54  }
0x3dc: {  	[tilespmem:s26+$0x10780] =	vst v56;
	v56 =	vmul.f32 v6, v3;
	v59 =	vadd.f32 v9, v53;
	v62 =	vmul.f32 v58, v48  }
0x3dd: {  	v63 =	vmul.f32 v63, v3;
	v57 =	vadd.f32 v5, v55;
	v58 =	vmul.f32 v60, v49;
	[tilespmem:s26+$0x107A0] =	vst v61  }
0x3de: {  	p0 =	sne.s32 s25, $0x27;
	v2 =	vmul.f32 v56, v51;
	[tilespmem:s26+$0x10790] =	vst v59;
	v59 =	vadd.f32 v62, v52  }
.Ltmp1:
0x3df: {  	v60 =	vmul.f32 v63, v50;
	[tilespmem:s26+$0x107B0] =	vst v57;
	v61 =	vadd.f32 v58, v53;
	(pc) =	sbr.rel @p0 .LBB2_5-.Ltmp1, $4  }
0x3e0: {  	v44 =	vmovc v22;
	v47 =	vmovc v25;
	v46 =	vmov v24;
	v45 =	vmov v23;
	v63 =	vadd.f32 v2, v55;
	[tilespmem:s26+$0x107C0] =	vst v59  }
0x3e1: {  	v43 =	vmovc v21;
	v41 =	vmovc v19;
	v42 =	vmov v20;
	v40 =	vmov v18;
	v62 =	vadd.f32 v60, v54;
	[tilespmem:s26+$0x107D0] =	vst v61  }
0x3e2: {  	v37 =	vmovc v15;
	v36 =	vmovc v14;
	v38 =	vmov v16;
	v33 =	vmov v11;
	v39 =	vmov v17;
	[tilespmem:s26+$0x107F0] =	vst v63  }
0x3e3: {  	s25 =	sadd.s32 $0x1, s25;
	v32 =	vmovc v10;
	v29 =	vmovc v30;
	v34 =	vmov v12;
	v35 =	vmov v13;
	v9 =	vlaneseq.u32;
	[tilespmem:s26+$0x107E0] =	vst v62  }
0x3e4: {  	s3 =	sshll.u32 s24, $0x3;
	s23 =	sadd.s32 $0x1, s23  }
0x3e5: {  	s3 =	sand.u32 $0x1FFFFC00, s3;
	p0 =	sne.s32 s23, $0x14  }
.Ltmp2:
0x3e6: {  	s3 =	sadd.s32 s4, s3;
	(pc) =	sbr.rel @p0 .LBB2_2-.Ltmp2, $4  }
0x3e7: {  	[hbm4b:s3+s5] =	stream.linear.scatter [tilespmem:s18], [sflag:$0x3], $0xA000, $0x38;
	[tilespmem:$0x1D8A0] =	vst v63  }
0x3e8: {  	_ =	swait.ge [sflag:s11], $0xA000  }
0x3e9: {  	[sflag:s11] =	ssyncset.done $0x0  }
0x3ea: {  	[sflag:s11] =	ssyncadd.s32 $0xFFFF6000  }
0x3eb: {  	s22 =	sadd.s32 $0x1, s22  }
0x3ec: {  	p0 =	sne.s32 s22, s10  }
.Ltmp3:
0x3ed: {  	_ = 	snop;
	(pc) =	sbr.rel @p0 .LBB2_1-.Ltmp3, $1  }
0x3ee: {  	_ =	sdelay $0x3  }
0x3ef: {  	_ =	sfence.sel $0x180000  }
0x3f0: {  	[bflag:$0x0] =	sbarrier.arrive $0xFFFF  }
0x3f1: {  	_ =	strace $0x90000047  }
0x3f2: {  	[bflag:$0x2] =	sbarrier.arrive $0xFFFF  }
0x3f3: {  	p0 =	sne.s32 s1, $0x0;
	s0 =	rddreg [dreg:$0x4]  }
0x3f4: {  	s0 =	sadd.s32 @!p0 $0x100000, s0  }
0x3f5: {  	[sflag:s0] =	ssyncadd.tile.s32 @!p0 $0x1;
	_ =	shalt  }
.Lfunc_end2:
_tile_overlayer_lowered:
.L_overlay_start_2:
0x3f6: {  	(tag) =	ssettag $0x2  }
0x3f7: {  	s0 =	rddreg [dreg:$0x0];
	s2 =	stileid.u32  }
0x3f8: {  	s1 =	rddreg [dreg:$0x1];
	p0 =	sne.s32 s2, $0x0  }
0x3f9: {  	s3 =	rddreg [dreg:$0x2];
	[bflag:$0x3] =	sbarrier.arrive $0xFFFF;
	s2 =	simm.s32 @!p0 $0x1C03  }
0x3fa: {  	[timem:s3], [sflag:s2] =	dma.local @!p0 [hbm:s0], s1  }
0x3fb: {  	s0 =	simm.s32 @!p0 $0x3  }
0x3fc: {  	_ =	swait.ge @!p0 [sflag:s0], s1  }
0x3fd: {  	s1 =	ssub.s32 @!p0 $0x0, s1;
	[sflag:s0] =	ssyncset.done @!p0 $0x0  }
0x3fe: {  	[sflag:s0] =	ssyncadd.s32 @!p0 s1  }
0x3ff: {  	[bflag:$0x3] =	sbarrier.arrive $0xFFFF  }
0x400: {  	_ =	shalt  }

// kernel: sparse-core-data-format-call.cloned.1.call-start
scs
called_computation_lowered:
.L_overlay_start_0:
0x0: {  	s2 =	sld [smem:$0x3FD9]  }
0x1: {  	s3 =	sld [smem:$0x3FFE];
	_ =	sdelay $0x1  }
0x2: {  	s1 =	srdreg.scid  }
0x3: {  	s0 =	sand.u32 $0x1, s1  }
0x4: {  	s18 =	sshll.u32 s0, $0xA;
	s2 =	sadd.s32 s3, s2  }
0x5: {  	s2 =	sadd.s32 s2, s18  }
0x6: {  	[smem:$0x3FC3] =	sst s2  }
0x7: {  	_ = 	snop  }
0x8: {  	s2 =	sld [smem:$0x3FD0];
	(tm) =	ssettm $0x1  }
0x9: {  	s19 =	sld [smem:$0x3FFB];
	_ =	sdelay $0x3  }
0xa: {  	_ =	strace s19  }
0xb: {  	s3 =	sld [smem:$0x3FFC];
	_ =	sdelay $0x3  }
0xc: {  	_ =	strace s3  }
0xd: {  	s3 =	sld [smem:$0x3FFD];
	_ =	sdelay $0x3  }
0xe: {  	_ =	strace s3  }
0xf: {  	_ =	strace $0x8FFFFFFF  }
0x10: {  	s20 =	sld [smem:$0x3FDB];
	_ =	sdelay $0x1  }
0x11: {  	s4 =	simm.s32 $_scs_section_size  }
0x12: {  	s5 =	simm.s32 $_size__tile_overlayer_lowered;
	s6 =	simm.s32 $_tile_overlayer_lowered  }
0x13: {  	s23 =	simm.s32 $0x1BFF;
	s22 =	sshll.u32 s6, $0x1;
	s3 =	sadd.s32 s4, s20  }
0x14: {  	s7 =	simm.s32 $0x0;
	s21 =	sshll.u32 s5, $0x1;
	s5 =	sadd.s32 s22, s3  }
0x15: {  	[timem:s7], [sflag:s23] =	dma.local [hbm:s5], s21  }
0x16: {  	_ =	swait.ge [sflag:s23], s21  }
0x17: {  	s4 =	ssub.s32 $0x0, s21;
	[sflag:s23] =	ssyncset.done $0x0  }
0x18: {  	[sflag:s23] =	ssyncadd.s32 s4;
	_ =	sdelay $0x1  }
0x19: {  	s24 =	simm.s32 $0x1B8B  }
0x1a: {  	_ =	swait.ge [sflag:s24], $0x1  }
0x1b: {  	[sflag:s24] =	ssyncset.done $0x0  }
0x1c: {  	s26 =	simm.s32 $0x1B8E;
	s25 =	sld [smem:$0x3FFE];
	[sflag:s24] =	ssyncadd.s32 $0xFFFFFFFF  }
0x1d: {  	s27 =	simm.s32 $execute0_lowered;
	[smem:$0x3FD2] =	sst s26  }
0x1e: {  	s5 =	sshll.u32 s27, $0x1;
	_ =	strace $0x80000049;
	[dreg:$0x1] =	wrdreg $0xFFFFFFFF  }
0x1f: {  	s28 =	simm.s32 $_size_execute0_lowered;
	s3 =	sadd.s32 s3, s5;
	[dreg:$0x0] =	wrdreg $0x0  }
0x20: {  	s5 =	sshll.u32 s28, $0x1;
	[dreg:$0x2] =	wrdreg s3  }
0x21: {  	[dreg:$0x3] =	wrdreg s5  }
0x22: {  	[dreg:$0x4] =	wrdreg $0xC0  }
0x23: {  	_ =	task [dreg:s7], $0x5FFFF  }
0x24: {  	[dreg:$0x1] =	wrdreg $0xFFFFFFFF  }
0x25: {  	[dreg:$0x0] =	wrdreg $0x60  }
0x26: {  	[dreg:$0x2] =	wrdreg s25  }
0x27: {  	[dreg:$0x3] =	wrdreg s2  }
0x28: {  	[dreg:$0x4] =	wrdreg $0x9  }
0x29: {  	_ =	task.clear_ibuf [dreg:s7], $0x5FFFF;
	_ =	strace $0x90000049  }
0x2a: {  	s29 =	simm.s32 $0x9;
	_ =	strace $0x8000004B  }
0x2b: {  	_ =	swait.ge [sflag:s29], $0x1  }
0x2c: {  	[sflag:s29] =	ssyncadd.s32 $0xFFFFFFFF  }
0x2d: {  	_ =	strace $0x9000004B  }
0x2e: {  	_ =	sfence  }
0x2f: {  	s30 =	sld [smem:$0x0];
	_ =	sdelay $0x2  }
0x30: {  	s31 =	sshll.u32 s1, $0xD;
	s1 =	sshrl.u32 s1, $0x2  }
0x31: {  	s3 =	sand.u32 $0x4000, s31;
	s1 =	sadd.s32 s1, s30  }
0x32: {  	s0 =	sor.u32 s3, s0;
	s1 =	sshll.u32 s1, $0x11  }
0x33: {  	s0 =	sor.u32 s1, s0  }
0x34: {  	s0 =	sadd.s32 $0x8F2B, s0  }
0x35: {  	[sflag:s0] =	ssyncadd.remote.s32 $0x1  }
0x36: {  	_ =	sfence.sel $0xFFFF  }
0x37: {  	[dreg:$0x0] =	wrdreg $0xFFFFFFFF;
	(pc) =	sbr.abs _section_cstart, $3  }
0x38: {  	[dreg:$0x1] =	wrdreg $0xFFFFFFFF  }
0x39: {  	_ =	task.clear_ibuf [dreg:s7], $0x2FFFF;
	_ =	strace $0x9FFFFFFF  }
0x3a: {  	(tm) =	ssettm $0x7FFFFFFF  }
0x3b: {  	_ =	shalt  }
tec
execute0_lowered:
.L_overlay_start_1:
0x0: {  	(tag) =	ssettag $0x1  }
0x1: {  	s0 =	srdreg.scid  }
0x2: {  	s1 =	sshll.u32 s0, $0x4  }
0x3: {  	s0 =	stileid.u32;
	s1 =	sand.u32 $0x10, s1  }
0x4: {  	s1 =	sor.u32 s0, s1  }
0x5: {  	s6 =	rddreg [dreg:$0x0];
	s4 =	simm.s32 $0x1;
	s2 =	sshll.u32 s1, $0x7  }
0x6: {  	s7 =	simm.s32 $0x2;
	s12 =	simm.s32 $0x0;
	s1 =	ssub.s32 $0x1000, s2  }
0x7: {  	s8 =	simm.s32 $0x8000;
	s13 =	simm.s32 $0x0;
	s3 =	sand.u32 $0xF80, s1  }
0x8: {  	s9 =	simm.s32 $0x0;
	s5 =	sshrl.u32 s1, $0xC;
	p0 =	sne.s32 s3, $0x0  }
.Ltmp0:
0x9: {  	s1 =	rddreg [dreg:$0x2];
	s4 =	simm.s32 @!p0 $0x0;
	(pc) =	sbr.rel .LBB1_1-.Ltmp0, $4  }
0xa: {  	s11 =	simm.s32 $0x0;
	s3 =	rddreg [dreg:$0x1];
	s5 =	sadd.s32 s4, s5  }
0xb: {  	_ =	strace $0x8000004A;
	s4 =	simm.s32 $0x1;
	s5 =	smul.u32 $0xC8, s5  }
0xc: {  	s6 =	sadd.s32 $0xC00, s6;
	s10 =	smov.u32 s2;
	[sflag:s4] =	ssyncpa.u1 $0x0  }
0xd: {  	p0 =	por $0x0, $0x0;
	[sflag:s7] =	ssyncpa.u1 $0x0;
	s7 =	sor.u32 $0x1, s5  }
.LBB1_4:
0xe: {  	s16 =	sshll.u32 s13, $0x3;
	s17 =	sand.u32 $0x78, s13  }
0xf: {  	s30 =	sand.u32 $0x7E00, s13;
	s12 =	sshll.u32 s12, $0xF;
	s16 =	sand.u32 $0xC00, s16  }
0x10: {  	[tilespmem:s15+$0x810 ss:$0x81] =	vst.msk $0xffff, v2;
	s31 =	sand.u32 $0x7, s13;
	s16 =	sor.u32 s17, s16;
	s17 =	sadd.s32 s3, s30  }
0x11: {  	[tilespmem:s15+$0x1020 ss:$0x81] =	vst.msk $0xffff, v0;
	s13 =	sshll.u32 s31, $0x12;
	s12 =	sadd.s32 s12, s17;
	s16 =	sshrl.u32 s16, $0x3  }
0x12: {  	[tilespmem:s15+$0x0 ss:$0x81] =	vst.msk $0xffff, v1;
	s13 =	sor.u32 $0x400, s13;
	s12 =	sadd.s32 s16, s12  }
0x13: {  	[hbm4b:s12+s13] =	stream.strided.scatter [tilespmem:s14], [sflag:$0x2], $0x2000, s8, s13, $0x20;
	[tilespmem:$0x8080] =	vst v63  }
.LBB1_5:
0x14: {  	s14 =	sadd.s32 $0x1, s9  }
0x15: {  	s12 =	sadd.s32 $0x1000, s10;
	s16 =	smov.u32 s10;
	p2 =	sgt.s32 s14, $0xC7  }
0x16: {  	s16 =	smov.u32 @p2 s12  }
0x17: {  	s14 =	simm.s32 @p2 $0x0;
	p2 =	sgt.s32 s16, $0xFFF  }
0x18: {  	s16 =	smov.u32 @p2 s2;
	p2 =	sne.s32 s11, s7  }
.Ltmp1:
0x19: {  	p1 =	slt.u32 s11, $0x2;
	(pc) =	sbr.rel @!p2 .LBB1_6-.Ltmp1, $4  }
0x1a: {  	s15 =	simm.s32 @!p1 $0x2  }
0x1b: {  	s13 =	smov.u32 s10;
	p0 =	por !p0, !p0;
	_ =	swait.ge @!p1 [sflag:s15], $0x2000  }
0x1c: {  	s12 =	smov.u32 s9;
	[sflag:s15] =	ssyncset.done @!p1 $0x0;
	s9 =	smov.u32 s14  }
0x1d: {  	s11 =	sadd.s32 $0x1, s11;
	[sflag:s15] =	ssyncadd.s32 @!p1 $0xFFFFE000;
	s10 =	smov.u32 s16  }
.LBB1_1:
0x1e: {  	p1 =	sge.u32 s11, s5  }
0x1f: {  	s14 =	sand.u32 @!p1 $0x1FFFFFF, s9  }
0x20: {  	s15 =	smulhi.u32 @!p1 $0x147AE15, s14;
	_ =	sdelay $0x1  }
0x21: {  	s15 =	smul.u32 @!p1 $0xC8, s15  }
0x22: {  	s16 =	sxor.u32 @!p1 $0xFFFFFFFF, s11;
	s17 =	smul.u32 @!p1 $0xC80, s10  }
0x23: {  	s31 =	sadd.s32 $0xFFFFFFFF, s11;
	s16 =	sshll.u32 @!p1 s16, $0xD;
	s14 =	ssub.s32 @!p1 s14, s15  }
0x24: {  	s15 =	sand.u32 @!p1 $0x2000, s16;
	s16 =	sadd.s32 @!p1 s6, s17;
	s14 =	sshll.u32 @!p1 s14, $0x4  }
0x25: {  	s17 =	simm.s32 @!p1 $0x6400;
	s14 =	sadd.s32 @!p1 s14, s16;
	s16 =	simm.s32 @!p1 $0x40  }
0x26: {  	[tilespmem:s15], [sflag:$0x1] =	stream.strided.gather @!p1 [hbm4b:s14+s16], $0x2000, s17, s16, $0x38;
	[tilespmem:$0x8080] =	vst v63  }
0x27: {  	p1 =	sge.u32 s31, s5  }
.Ltmp2:
0x28: {  	_ = 	snop;
	(pc) =	sbr.rel @p1 .LBB1_5-.Ltmp2, $1  }
0x29: {  	_ =	sdelay $0x3  }
0x2a: {  	s14 =	simm.s32 $0x1  }
0x2b: {  	_ =	swait.ge [sflag:s4], $0x2000;
	s14 =	simm.s32 @!p0 $0x0  }
0x2c: {  	[sflag:s4] =	ssyncset.done $0x0;
	s15 =	sshll.u32 s14, $0xD  }
0x2d: {  	[sflag:s4] =	ssyncadd.s32 $0xFFFFE000;
	s18 =	sor.u32 $0x20, s15  }
0x2e: {  	s14 =	smul.u32 $0x8100, s14;
	v3 =	vld [tilespmem:s18+$0x10]  }
0x2f: {  	s30 =	sand.u32 $0x1, s11;
	v2 =	vld [tilespmem:s18+$0xFFFFFFF0]  }
0x30: {  	s15 =	smul.u32 $0x8100, s30;
	s14 =	sshrl.u32 s14, $0x2;
	v0 =	vld [tilespmem:s18+$0x0]  }
0x31: {  	v1 =	vld [tilespmem:s18+$0xFFFFFFE0];
	s16 =	sor.u32 $0x4000, s14  }
0x32: {  	s31 =	sshrl.u32 s15, $0x2;
	s15 =	sadd.s32 $0x0, s16  }
0x33: {  	s17 =	simm.s32 $0x4;
	s18 =	sadd.s32 $0x40, s18;
	s14 =	sor.u32 $0x4000, s31;
	[tilespmem:s15+$0x1830 ss:$0x81] =	vst.msk $0xffff, v3  }
.LBB1_3:
0x34: {  	v3 =	vld [tilespmem:s18+$0x10];
	p1 =	sne.s32 s17, $0x1FC;
	[tilespmem:s15+$0x810 ss:$0x81] =	vst.msk $0xffff, v2;
	s19 =	smov.u32 s17;
	s17 =	sadd.s32 $0x4, s17  }
.Ltmp3:
0x35: {  	v2 =	vld [tilespmem:s18+$0xFFFFFFF0];
	[tilespmem:s15+$0x1020 ss:$0x81] =	vst.msk $0xffff, v0;
	(pc) =	sbr.rel @p1 .LBB1_3-.Ltmp3, $4  }
0x36: {  	v0 =	vld [tilespmem:s18+$0x0];
	[tilespmem:s15+$0x0 ss:$0x81] =	vst.msk $0xffff, v1  }
0x37: {  	s15 =	sshra.s32 s19, $0x2;
	v1 =	vld [tilespmem:s18+$0xFFFFFFE0]  }
0x38: {  	s15 =	sadd.s32 s15, s16  }
0x39: {  	s18 =	sadd.s32 $0x40, s18;
	[tilespmem:s15+$0x1830 ss:$0x81] =	vst.msk $0xffff, v3  }
.Ltmp4:
0x3a: {  	_ = 	snop;
	(pc) =	sbr.rel .LBB1_4-.Ltmp4, $1  }
0x3b: {  	_ =	sdelay $0x3  }
.LBB1_6:
0x3c: {  	_ =	sfence.sel $0x180000  }
0x3d: {  	s2 =	simm.s32 $0x1;
	[bflag:$0x0] =	sbarrier.arrive $0xFFFF  }
0x3e: {  	s31 =	simm.s32 $0x2;
	[sflag:s2] =	ssyncpa.u1 $0x1  }
0x3f: {  	[sflag:s31] =	ssyncpa.u1 $0x1  }
0x40: {  	p0 =	sne.s32 s0, $0x0;
	_ =	strace $0x9000004A  }
0x41: {  	s0 =	sadd.s32 @!p0 $0x100000, s1;
	[bflag:$0x2] =	sbarrier.arrive $0xFFFF  }
0x42: {  	[sflag:s0] =	ssyncadd.tile.s32 @!p0 $0x1;
	_ =	shalt  }
.Lfunc_end1:
_tile_overlayer_lowered:
.L_overlay_start_2:
0x43: {  	(tag) =	ssettag $0x2  }
0x44: {  	s0 =	rddreg [dreg:$0x0];
	s2 =	stileid.u32  }
0x45: {  	s1 =	rddreg [dreg:$0x1];
	p0 =	sne.s32 s2, $0x0  }
0x46: {  	s3 =	rddreg [dreg:$0x2];
	[bflag:$0x3] =	sbarrier.arrive $0xFFFF;
	s2 =	simm.s32 @!p0 $0x1C01  }
0x47: {  	[timem:s3], [sflag:s2] =	dma.local @!p0 [hbm:s0], s1  }
0x48: {  	s0 =	simm.s32 @!p0 $0x1  }
0x49: {  	_ =	swait.ge @!p0 [sflag:s0], s1  }
0x4a: {  	s1 =	ssub.s32 @!p0 $0x0, s1;
	[sflag:s0] =	ssyncset.done @!p0 $0x0  }
0x4b: {  	[sflag:s0] =	ssyncadd.s32 @!p0 s1  }
0x4c: {  	[bflag:$0x3] =	sbarrier.arrive $0xFFFF  }
0x4d: {  	_ =	shalt  }

</sc_bundles>
